<compile_context>
chip_gen: v7x
topology: tpu7x:2x2x1
jax: 0.10.2.dev20260603
libtpu: 0.0.44.dev20260713+nightly
codegen_flags: <defaults>
</compile_context>

<pallas_src>
import jax
import jax.numpy as jnp
from jax import lax
from jax.experimental import pallas as pl
from jax.experimental.pallas import tpu as pltpu
from jax.experimental.pallas import tpu_sc as plsc

_NC = 2
_NS = 16
_NW = _NC * _NS
_L = 16

_D = 64
_DP = 128
_V = 1000001
_B = 4096 * 200
_PER_W = _B // _NW
_WAVE = 128
_STAGES = _PER_W // (8 * _WAVE)


def _body(ids_hbm, table_hbm, out_hbm,
          idx_all, g0, g1, g2, g3, c0, c1,
          gsem0, gsem1, gsem2, gsem3, wsem0, wsem1):
    wid = lax.axis_index("s") * _NC + lax.axis_index("c")
    base = wid * _PER_W
    grows = [g0, g1, g2, g3]
    crows = [c0, c1]
    gsem = [gsem0, gsem1, gsem2, gsem3]
    wsem = [wsem0, wsem1]

    def fire_gather(s, j, b):
        pltpu.async_copy(table_hbm.at[idx_all.at[s, j]], grows[b], gsem[b])

    def wait_g(b):
        pltpu.make_async_copy(table_hbm.at[pl.ds(0, _WAVE)], grows[b],
                              gsem[b]).wait()

    def compact(b, c):
        @pl.loop(0, _WAVE // 4)
        def _rows(q):
            for rr in range(4):
                r = q * 4 + rr
                for i in range(_D // _L):
                    sl = pl.ds(i * _L, _L)
                    crows[c][r, sl] = grows[b][r, sl]

    def fire_wb(w, b):
        off = pl.multiple_of(base + w * _WAVE, _WAVE)
        pltpu.async_copy(crows[b], out_hbm.at[pl.ds(off, _WAVE)], wsem[b])

    def wait_wb(b):
        pltpu.make_async_copy(crows[b], out_hbm.at[pl.ds(0, _WAVE)],
                              wsem[b]).wait()

    pltpu.sync_copy(ids_hbm.at[wid], idx_all)

    @pl.loop(0, _STAGES)
    def _shift(s):
        for j in range(8):
            for i in range(_WAVE // _L):
                sl = pl.ds(i * _L, _L)
                idx_all[s, j, sl] = idx_all[s, j, sl] + 1

    fire_gather(0, 0, 0)
    fire_gather(0, 1, 1)

    @pl.loop(0, _STAGES)
    def _stage(s):
        for j in range(8):
            b = j % 4
            c = j % 2
            if j < 6:
                fire_gather(s, j + 2, (j + 2) % 4)
            else:
                @pl.when(s + 1 < _STAGES)
                def _():
                    fire_gather(s + 1, j - 6, (j + 2) % 4)
            wait_g(b)
            if j >= 2:
                wait_wb(c)
            else:
                @pl.when(s > 0)
                def _():
                    wait_wb(c)
            compact(b, c)
            fire_wb(8 * s + j, c)

    wait_wb(0)
    wait_wb(1)


def kernel(track_ids, embedding):
    b, s = track_ids.shape
    ids = track_ids.astype(jnp.int32).reshape(_NW, _STAGES, 8, _WAVE)
    table = jnp.pad(embedding, ((0, 0), (0, _DP - _D)))
    mesh = plsc.VectorSubcoreMesh(core_axis_name="c", subcore_axis_name="s")
    out = pl.kernel(
        _body,
        out_type=jax.ShapeDtypeStruct((_B, _D), jnp.float32),
        mesh=mesh,
        compiler_params=pltpu.CompilerParams(use_tc_tiling_on_sc=True),
        scratch_types=[
            pltpu.VMEM((_STAGES, 8, _WAVE), jnp.int32),
            pltpu.VMEM((_WAVE, _DP), jnp.float32),
            pltpu.VMEM((_WAVE, _DP), jnp.float32),
            pltpu.VMEM((_WAVE, _DP), jnp.float32),
            pltpu.VMEM((_WAVE, _DP), jnp.float32),
            pltpu.VMEM((_WAVE, _D), jnp.float32),
            pltpu.VMEM((_WAVE, _D), jnp.float32),
            pltpu.SemaphoreType.DMA,
            pltpu.SemaphoreType.DMA,
            pltpu.SemaphoreType.DMA,
            pltpu.SemaphoreType.DMA,
            pltpu.SemaphoreType.DMA,
            pltpu.SemaphoreType.DMA,
        ],
    )(ids, table)
    return out.reshape(b, s, _D)

# --- scband reference (transcript-rebuilt; emitter-appended) ---
"""Pipeline reference for scband-track-embedding-52690658787839 (READ-ONLY COPY).

The authoritative reference and input builder live on the scoring server;
editing this copy changes nothing except your own understanding.
"""

import jax, jax.numpy as jnp
import numpy as np

MAX_TRACKS = 1000000
D_MODEL = 64
BATCH = 4096
SEQ_LEN = 200

def setup_inputs(seed: int = 0) -> dict:
    key = jax.random.key(seed)
    k1, k2 = jax.random.split(key)
    track_ids = jax.random.randint(k1, (BATCH, SEQ_LEN), 0, MAX_TRACKS, dtype=jnp.int64 if jax.config.jax_enable_x64 else jnp.int32)
    # embedding table of size (max_tracks + 1, d_model), matching nn.Embedding default init N(0,1)
    embedding = jax.random.normal(k2, (MAX_TRACKS + 1, D_MODEL), dtype=jnp.float32)
    return {"track_ids": track_ids, "embedding": embedding}

def reference(track_ids, embedding):
    shifted_ids = track_ids + 1
    return jnp.take(embedding, shifted_ids, axis=0)

if __name__ == "__main__":
    import jax
    _d = setup_inputs()
    print(jax.jit(kernel)(*tuple(_d.values())))

</pallas_src>

<mosaic_0001>
#map = affine_map<(d0, d1) -> (0, 0, 0, 0)>
#map1 = affine_map<(d0, d1) -> (0, 0)>
module attributes {stable_mosaic.version = 14 : i64} {
  func.func @_body(%arg0: i32, %arg1: i32, %arg2: memref<32x25x8x128xi32, #tpu.memory_space<hbm>>, %arg3: memref<1000001x128xf32, #tpu.memory_space<hbm>>, %arg4: memref<819200x64xf32, #tpu.memory_space<hbm>>, %arg5: memref<25x8x128xi32, #tpu.memory_space<vmem>>, %arg6: memref<128x128xf32, #tpu.memory_space<vmem>>, %arg7: memref<128x128xf32, #tpu.memory_space<vmem>>, %arg8: memref<128x128xf32, #tpu.memory_space<vmem>>, %arg9: memref<128x128xf32, #tpu.memory_space<vmem>>, %arg10: memref<128x64xf32, #tpu.memory_space<vmem>>, %arg11: memref<128x64xf32, #tpu.memory_space<vmem>>, %arg12: memref<!tpu.dma_semaphore, #tpu.memory_space<semaphore_mem>>, %arg13: memref<!tpu.dma_semaphore, #tpu.memory_space<semaphore_mem>>, %arg14: memref<!tpu.dma_semaphore, #tpu.memory_space<semaphore_mem>>, %arg15: memref<!tpu.dma_semaphore, #tpu.memory_space<semaphore_mem>>, %arg16: memref<!tpu.dma_semaphore, #tpu.memory_space<semaphore_mem>>, %arg17: memref<!tpu.dma_semaphore, #tpu.memory_space<semaphore_mem>>) attributes {dimension_semantics = [#tpu.dimension_semantics<core_parallel>, #tpu.dimension_semantics<subcore_parallel>], iteration_bounds = array<i64: 2, 16>, scalar_prefetch = 0 : i64, scratch_operands = 13 : i64, tpu.core_type = #tpu.core_type<sc_vector_subcore>, window_params = [{transform_indices = #map}, {transform_indices = #map1}, {transform_indices = #map1}]} {
    %mul3A = arith.constant 2 : i32
    %mul3A_0 = arith.muli %arg1, %mul3A : i32
    %add3A = arith.addi %mul3A_0, %arg0 : i32
    %mul3A_1 = arith.constant 25600 : i32
    %mul3A_2 = arith.muli %add3A, %mul3A_1 : i32
    "tpu.region"() ({
      %run_scoped3A = tpu.sem_alloc : memref<!tpu.dma_semaphore, #tpu.memory_space<semaphore_mem>>
      %dma_start3A_38 = arith.constant 0 : i32
      %dma_start3A_39 = arith.constant 0 : i32
      %dma_start3A_40 = arith.constant 0 : i32
      %dma_start3A_41 = tpu.memref_slice %arg2[%add3A, %dma_start3A_38, %dma_start3A_39, %dma_start3A_40] : memref<32x25x8x128xi32, #tpu.memory_space<hbm>> -> memref<1x25x8x128xi32, #tpu.memory_space<hbm>>
      %dma_start3A_42 = tpu.memref_squeeze %dma_start3A_41 : memref<1x25x8x128xi32, #tpu.memory_space<hbm>> -> memref<25x8x128xi32, #tpu.memory_space<hbm>>
      %dma_start3A_43 = arith.constant 0 : i32
      %dma_start3A_44 = arith.constant 0 : i32
      %dma_start3A_45 = arith.constant 0 : i32
      %dma_start3A_46 = tpu.memref_slice %arg2[%add3A, %dma_start3A_43, %dma_start3A_44, %dma_start3A_45] : memref<32x25x8x128xi32, #tpu.memory_space<hbm>> -> memref<1x25x8x128xi32, #tpu.memory_space<hbm>>
      %dma_start3A_47 = tpu.memref_squeeze %dma_start3A_46 : memref<1x25x8x128xi32, #tpu.memory_space<hbm>> -> memref<25x8x128xi32, #tpu.memory_space<hbm>>
      tpu.enqueue_dma source(%dma_start3A_47 : memref<25x8x128xi32, #tpu.memory_space<hbm>>) target(%arg5 : memref<25x8x128xi32, #tpu.memory_space<vmem>>) target_semaphore(%run_scoped3A : memref<!tpu.dma_semaphore, #tpu.memory_space<semaphore_mem>>)
      %dma_wait3A_48 = arith.constant 0 : i32
      %dma_wait3A_49 = arith.constant 0 : i32
      %dma_wait3A_50 = arith.constant 0 : i32
      %dma_wait3A_51 = tpu.memref_slice %arg2[%add3A, %dma_wait3A_48, %dma_wait3A_49, %dma_wait3A_50] : memref<32x25x8x128xi32, #tpu.memory_space<hbm>> -> memref<1x25x8x128xi32, #tpu.memory_space<hbm>>
      %dma_wait3A_52 = tpu.memref_squeeze %dma_wait3A_51 : memref<1x25x8x128xi32, #tpu.memory_space<hbm>> -> memref<25x8x128xi32, #tpu.memory_space<hbm>>
      %dma_wait3A_53 = arith.constant 0 : i32
      %dma_wait3A_54 = arith.constant 0 : i32
      %dma_wait3A_55 = arith.constant 0 : i32
      %dma_wait3A_56 = tpu.memref_slice %arg2[%add3A, %dma_wait3A_53, %dma_wait3A_54, %dma_wait3A_55] : memref<32x25x8x128xi32, #tpu.memory_space<hbm>> -> memref<1x25x8x128xi32, #tpu.memory_space<hbm>>
      %dma_wait3A_57 = tpu.memref_squeeze %dma_wait3A_56 : memref<1x25x8x128xi32, #tpu.memory_space<hbm>> -> memref<25x8x128xi32, #tpu.memory_space<hbm>>
      tpu.wait_dma2 semaphore(%run_scoped3A : memref<!tpu.dma_semaphore, #tpu.memory_space<semaphore_mem>>) src(%dma_wait3A_57 : memref<25x8x128xi32, #tpu.memory_space<hbm>>) dst(%arg5 : memref<25x8x128xi32, #tpu.memory_space<vmem>>)
      tpu.yield
    }) : () -> ()
    %scan3A = arith.constant 0 : i32
    %scan3A_3 = arith.constant 25 : i32
    %scan3A_4 = arith.addi %scan3A, %scan3A_3 : i32
    %scan3A_5 = arith.constant 1 : i32
    scf.for %scan3A_38 = %scan3A to %scan3A_4 step %scan3A_5  : i32 {
      %mul3A_39 = arith.constant 1 : i32
      %mul3A_40 = arith.muli %scan3A_38, %mul3A_39 : i32
      %add3A_41 = arith.constant 0 : i32
      %add3A_42 = arith.addi %add3A_41, %mul3A_40 : i32
      %get3A = arith.constant 0 : i32
      %get3A_43 = arith.index_cast %add3A_42 : i32 to index
      %get3A_44 = arith.index_cast %get3A : i32 to index
      %get3A_45 = arith.constant 0 : index
      %get3A_46 = tpu.vector_load %arg5[%get3A_43, %get3A_44, %get3A_45] {strides = array<i32>} : memref<25x8x128xi32, #tpu.memory_space<vmem>>, vector<1x1x16xi32>,
      %get3A_47 = vector.shape_cast %get3A_46 : vector<1x1x16xi32> to vector<16xi32>
      %add3A_48 = arith.constant 1 : i32
      %add3A_49 = vector.broadcast %add3A_48 : i32 to vector<16xi32>
      %add3A_50 = arith.addi %get3A_47, %add3A_49 : vector<16xi32>
      %swap3A = arith.constant 0 : i32
      %swap3A_51 = arith.index_cast %add3A_42 : i32 to index
      %swap3A_52 = arith.index_cast %swap3A : i32 to index
      %swap3A_53 = arith.constant 0 : index
      %swap3A_54 = tpu.vector_load %arg5[%swap3A_51, %swap3A_52, %swap3A_53] {strides = array<i32>} : memref<25x8x128xi32, #tpu.memory_space<vmem>>, vector<1x1x16xi32>,
      %swap3A_55 = vector.shape_cast %swap3A_54 : vector<1x1x16xi32> to vector<16xi32>
      %swap3A_56 = vector.shape_cast %add3A_50 : vector<16xi32> to vector<1x1x16xi32>
      tpu.vector_store %arg5[%swap3A_51, %swap3A_52, %swap3A_53], %swap3A_56 {strides = array<i32>} : memref<25x8x128xi32, #tpu.memory_space<vmem>>, vector<1x1x16xi32>,
      %get3A_57 = arith.constant 0 : i32
      %get3A_58 = arith.index_cast %add3A_42 : i32 to index
      %get3A_59 = arith.index_cast %get3A_57 : i32 to index
      %get3A_60 = arith.constant 16 : index
      %get3A_61 = tpu.vector_load %arg5[%get3A_58, %get3A_59, %get3A_60] {strides = array<i32>} : memref<25x8x128xi32, #tpu.memory_space<vmem>>, vector<1x1x16xi32>,
      %get3A_62 = vector.shape_cast %get3A_61 : vector<1x1x16xi32> to vector<16xi32>
      %add3A_63 = arith.constant 1 : i32
      %add3A_64 = vector.broadcast %add3A_63 : i32 to vector<16xi32>
      %add3A_65 = arith.addi %get3A_62, %add3A_64 : vector<16xi32>
      %swap3A_66 = arith.constant 0 : i32
      %swap3A_67 = arith.index_cast %add3A_42 : i32 to index
      %swap3A_68 = arith.index_cast %swap3A_66 : i32 to index
      %swap3A_69 = arith.constant 16 : index
      %swap3A_70 = tpu.vector_load %arg5[%swap3A_67, %swap3A_68, %swap3A_69] {strides = array<i32>} : memref<25x8x128xi32, #tpu.memory_space<vmem>>, vector<1x1x16xi32>,
      %swap3A_71 = vector.shape_cast %swap3A_70 : vector<1x1x16xi32> to vector<16xi32>
      %swap3A_72 = vector.shape_cast %add3A_65 : vector<16xi32> to vector<1x1x16xi32>
      tpu.vector_store %arg5[%swap3A_67, %swap3A_68, %swap3A_69], %swap3A_72 {strides = array<i32>} : memref<25x8x128xi32, #tpu.memory_space<vmem>>, vector<1x1x16xi32>,
      %get3A_73 = arith.constant 0 : i32
      %get3A_74 = arith.index_cast %add3A_42 : i32 to index
      %get3A_75 = arith.index_cast %get3A_73 : i32 to index
      %get3A_76 = arith.constant 32 : index
      %get3A_77 = tpu.vector_load %arg5[%get3A_74, %get3A_75, %get3A_76] {strides = array<i32>} : memref<25x8x128xi32, #tpu.memory_space<vmem>>, vector<1x1x16xi32>,
      %get3A_78 = vector.shape_cast %get3A_77 : vector<1x1x16xi32> to vector<16xi32>
      %add3A_79 = arith.constant 1 : i32
      %add3A_80 = vector.broadcast %add3A_79 : i32 to vector<16xi32>
      %add3A_81 = arith.addi %get3A_78, %add3A_80 : vector<16xi32>
      %swap3A_82 = arith.constant 0 : i32
      %swap3A_83 = arith.index_cast %add3A_42 : i32 to index
      %swap3A_84 = arith.index_cast %swap3A_82 : i32 to index
      %swap3A_85 = arith.constant 32 : index
      %swap3A_86 = tpu.vector_load %arg5[%swap3A_83, %swap3A_84, %swap3A_85] {strides = array<i32>} : memref<25x8x128xi32, #tpu.memory_space<vmem>>, vector<1x1x16xi32>,
      %swap3A_87 = vector.shape_cast %swap3A_86 : vector<1x1x16xi32> to vector<16xi32>
      %swap3A_88 = vector.shape_cast %add3A_81 : vector<16xi32> to vector<1x1x16xi32>
      tpu.vector_store %arg5[%swap3A_83, %swap3A_84, %swap3A_85], %swap3A_88 {strides = array<i32>} : memref<25x8x128xi32, #tpu.memory_space<vmem>>, vector<1x1x16xi32>,
      %get3A_89 = arith.constant 0 : i32
      %get3A_90 = arith.index_cast %add3A_42 : i32 to index
      %get3A_91 = arith.index_cast %get3A_89 : i32 to index
      %get3A_92 = arith.constant 48 : index
      %get3A_93 = tpu.vector_load %arg5[%get3A_90, %get3A_91, %get3A_92] {strides = array<i32>} : memref<25x8x128xi32, #tpu.memory_space<vmem>>, vector<1x1x16xi32>,
      %get3A_94 = vector.shape_cast %get3A_93 : vector<1x1x16xi32> to vector<16xi32>
      %add3A_95 = arith.constant 1 : i32
      %add3A_96 = vector.broadcast %add3A_95 : i32 to vector<16xi32>
      %add3A_97 = arith.addi %get3A_94, %add3A_96 : vector<16xi32>
      %swap3A_98 = arith.constant 0 : i32
      %swap3A_99 = arith.index_cast %add3A_42 : i32 to index
      %swap3A_100 = arith.index_cast %swap3A_98 : i32 to index
      %swap3A_101 = arith.constant 48 : index
      %swap3A_102 = tpu.vector_load %arg5[%swap3A_99, %swap3A_100, %swap3A_101] {strides = array<i32>} : memref<25x8x128xi32, #tpu.memory_space<vmem>>, vector<1x1x16xi32>,
      %swap3A_103 = vector.shape_cast %swap3A_102 : vector<1x1x16xi32> to vector<16xi32>
      %swap3A_104 = vector.shape_cast %add3A_97 : vector<16xi32> to vector<1x1x16xi32>
      tpu.vector_store %arg5[%swap3A_99, %swap3A_100, %swap3A_101], %swap3A_104 {strides = array<i32>} : memref<25x8x128xi32, #tpu.memory_space<vmem>>, vector<1x1x16xi32>,
      %get3A_105 = arith.constant 0 : i32
      %get3A_106 = arith.index_cast %add3A_42 : i32 to index
      %get3A_107 = arith.index_cast %get3A_105 : i32 to index
      %get3A_108 = arith.constant 64 : index
      %get3A_109 = tpu.vector_load %arg5[%get3A_106, %get3A_107, %get3A_108] {strides = array<i32>} : memref<25x8x128xi32, #tpu.memory_space<vmem>>, vector<1x1x16xi32>,
      %get3A_110 = vector.shape_cast %get3A_109 : vector<1x1x16xi32> to vector<16xi32>
      %add3A_111 = arith.constant 1 : i32
      %add3A_112 = vector.broadcast %add3A_111 : i32 to vector<16xi32>
      %add3A_113 = arith.addi %get3A_110, %add3A_112 : vector<16xi32>
      %swap3A_114 = arith.constant 0 : i32
      %swap3A_115 = arith.index_cast %add3A_42 : i32 to index
      %swap3A_116 = arith.index_cast %swap3A_114 : i32 to index
      %swap3A_117 = arith.constant 64 : index
      %swap3A_118 = tpu.vector_load %arg5[%swap3A_115, %swap3A_116, %swap3A_117] {strides = array<i32>} : memref<25x8x128xi32, #tpu.memory_space<vmem>>, vector<1x1x16xi32>,
      %swap3A_119 = vector.shape_cast %swap3A_118 : vector<1x1x16xi32> to vector<16xi32>
      %swap3A_120 = vector.shape_cast %add3A_113 : vector<16xi32> to vector<1x1x16xi32>
      tpu.vector_store %arg5[%swap3A_115, %swap3A_116, %swap3A_117], %swap3A_120 {strides = array<i32>} : memref<25x8x128xi32, #tpu.memory_space<vmem>>, vector<1x1x16xi32>,
      %get3A_121 = arith.constant 0 : i32
      %get3A_122 = arith.index_cast %add3A_42 : i32 to index
      %get3A_123 = arith.index_cast %get3A_121 : i32 to index
      %get3A_124 = arith.constant 80 : index
      %get3A_125 = tpu.vector_load %arg5[%get3A_122, %get3A_123, %get3A_124] {strides = array<i32>} : memref<25x8x128xi32, #tpu.memory_space<vmem>>, vector<1x1x16xi32>,
      %get3A_126 = vector.shape_cast %get3A_125 : vector<1x1x16xi32> to vector<16xi32>
      %add3A_127 = arith.constant 1 : i32
      %add3A_128 = vector.broadcast %add3A_127 : i32 to vector<16xi32>
      %add3A_129 = arith.addi %get3A_126, %add3A_128 : vector<16xi32>
      %swap3A_130 = arith.constant 0 : i32
      %swap3A_131 = arith.index_cast %add3A_42 : i32 to index
      %swap3A_132 = arith.index_cast %swap3A_130 : i32 to index
      %swap3A_133 = arith.constant 80 : index
      %swap3A_134 = tpu.vector_load %arg5[%swap3A_131, %swap3A_132, %swap3A_133] {strides = array<i32>} : memref<25x8x128xi32, #tpu.memory_space<vmem>>, vector<1x1x16xi32>,
      %swap3A_135 = vector.shape_cast %swap3A_134 : vector<1x1x16xi32> to vector<16xi32>
      %swap3A_136 = vector.shape_cast %add3A_129 : vector<16xi32> to vector<1x1x16xi32>
      tpu.vector_store %arg5[%swap3A_131, %swap3A_132, %swap3A_133], %swap3A_136 {strides = array<i32>} : memref<25x8x128xi32, #tpu.memory_space<vmem>>, vector<1x1x16xi32>,
      %get3A_137 = arith.constant 0 : i32
      %get3A_138 = arith.index_cast %add3A_42 : i32 to index
      %get3A_139 = arith.index_cast %get3A_137 : i32 to index
      %get3A_140 = arith.constant 96 : index
      %get3A_141 = tpu.vector_load %arg5[%get3A_138, %get3A_139, %get3A_140] {strides = array<i32>} : memref<25x8x128xi32, #tpu.memory_space<vmem>>, vector<1x1x16xi32>,
      %get3A_142 = vector.shape_cast %get3A_141 : vector<1x1x16xi32> to vector<16xi32>
      %add3A_143 = arith.constant 1 : i32
      %add3A_144 = vector.broadcast %add3A_143 : i32 to vector<16xi32>
      %add3A_145 = arith.addi %get3A_142, %add3A_144 : vector<16xi32>
      %swap3A_146 = arith.constant 0 : i32
      %swap3A_147 = arith.index_cast %add3A_42 : i32 to index
      %swap3A_148 = arith.index_cast %swap3A_146 : i32 to index
      %swap3A_149 = arith.constant 96 : index
      %swap3A_150 = tpu.vector_load %arg5[%swap3A_147, %swap3A_148, %swap3A_149] {strides = array<i32>} : memref<25x8x128xi32, #tpu.memory_space<vmem>>, vector<1x1x16xi32>,
      %swap3A_151 = vector.shape_cast %swap3A_150 : vector<1x1x16xi32> to vector<16xi32>
      %swap3A_152 = vector.shape_cast %add3A_145 : vector<16xi32> to vector<1x1x16xi32>
      tpu.vector_store %arg5[%swap3A_147, %swap3A_148, %swap3A_149], %swap3A_152 {strides = array<i32>} : memref<25x8x128xi32, #tpu.memory_space<vmem>>, vector<1x1x16xi32>,
      %get3A_153 = arith.constant 0 : i32
      %get3A_154 = arith.index_cast %add3A_42 : i32 to index
      %get3A_155 = arith.index_cast %get3A_153 : i32 to index
      %get3A_156 = arith.constant 112 : index
      %get3A_157 = tpu.vector_load %arg5[%get3A_154, %get3A_155, %get3A_156] {strides = array<i32>} : memref<25x8x128xi32, #tpu.memory_space<vmem>>, vector<1x1x16xi32>,
      %get3A_158 = vector.shape_cast %get3A_157 : vector<1x1x16xi32> to vector<16xi32>
      %add3A_159 = arith.constant 1 : i32
      %add3A_160 = vector.broadcast %add3A_159 : i32 to vector<16xi32>
      %add3A_161 = arith.addi %get3A_158, %add3A_160 : vector<16xi32>
      %swap3A_162 = arith.constant 0 : i32
      %swap3A_163 = arith.index_cast %add3A_42 : i32 to index
      %swap3A_164 = arith.index_cast %swap3A_162 : i32 to index
      %swap3A_165 = arith.constant 112 : index
      %swap3A_166 = tpu.vector_load %arg5[%swap3A_163, %swap3A_164, %swap3A_165] {strides = array<i32>} : memref<25x8x128xi32, #tpu.memory_space<vmem>>, vector<1x1x16xi32>,
      %swap3A_167 = vector.shape_cast %swap3A_166 : vector<1x1x16xi32> to vector<16xi32>
      %swap3A_168 = vector.shape_cast %add3A_161 : vector<16xi32> to vector<1x1x16xi32>
      tpu.vector_store %arg5[%swap3A_163, %swap3A_164, %swap3A_165], %swap3A_168 {strides = array<i32>} : memref<25x8x128xi32, #tpu.memory_space<vmem>>, vector<1x1x16xi32>,
      %get3A_169 = arith.constant 1 : i32
      %get3A_170 = arith.index_cast %add3A_42 : i32 to index
      %get3A_171 = arith.index_cast %get3A_169 : i32 to index
      %get3A_172 = arith.constant 0 : index
      %get3A_173 = tpu.vector_load %arg5[%get3A_170, %get3A_171, %get3A_172] {strides = array<i32>} : memref<25x8x128xi32, #tpu.memory_space<vmem>>, vector<1x1x16xi32>,
      %get3A_174 = vector.shape_cast %get3A_173 : vector<1x1x16xi32> to vector<16xi32>
      %add3A_175 = arith.constant 1 : i32
      %add3A_176 = vector.broadcast %add3A_175 : i32 to vector<16xi32>
      %add3A_177 = arith.addi %get3A_174, %add3A_176 : vector<16xi32>
      %swap3A_178 = arith.constant 1 : i32
      %swap3A_179 = arith.index_cast %add3A_42 : i32 to index
      %swap3A_180 = arith.index_cast %swap3A_178 : i32 to index
      %swap3A_181 = arith.constant 0 : index
      %swap3A_182 = tpu.vector_load %arg5[%swap3A_179, %swap3A_180, %swap3A_181] {strides = array<i32>} : memref<25x8x128xi32, #tpu.memory_space<vmem>>, vector<1x1x16xi32>,
      %swap3A_183 = vector.shape_cast %swap3A_182 : vector<1x1x16xi32> to vector<16xi32>
      %swap3A_184 = vector.shape_cast %add3A_177 : vector<16xi32> to vector<1x1x16xi32>
      tpu.vector_store %arg5[%swap3A_179, %swap3A_180, %swap3A_181], %swap3A_184 {strides = array<i32>} : memref<25x8x128xi32, #tpu.memory_space<vmem>>, vector<1x1x16xi32>,
      %get3A_185 = arith.constant 1 : i32
      %get3A_186 = arith.index_cast %add3A_42 : i32 to index
      %get3A_187 = arith.index_cast %get3A_185 : i32 to index
      %get3A_188 = arith.constant 16 : index
      %get3A_189 = tpu.vector_load %arg5[%get3A_186, %get3A_187, %get3A_188] {strides = array<i32>} : memref<25x8x128xi32, #tpu.memory_space<vmem>>, vector<1x1x16xi32>,
      %get3A_190 = vector.shape_cast %get3A_189 : vector<1x1x16xi32> to vector<16xi32>
      %add3A_191 = arith.constant 1 : i32
      %add3A_192 = vector.broadcast %add3A_191 : i32 to vector<16xi32>
      %add3A_193 = arith.addi %get3A_190, %add3A_192 : vector<16xi32>
      %swap3A_194 = arith.constant 1 : i32
      %swap3A_195 = arith.index_cast %add3A_42 : i32 to index
      %swap3A_196 = arith.index_cast %swap3A_194 : i32 to index
      %swap3A_197 = arith.constant 16 : index
      %swap3A_198 = tpu.vector_load %arg5[%swap3A_195, %swap3A_196, %swap3A_197] {strides = array<i32>} : memref<25x8x128xi32, #tpu.memory_space<vmem>>, vector<1x1x16xi32>,
      %swap3A_199 = vector.shape_cast %swap3A_198 : vector<1x1x16xi32> to vector<16xi32>
      %swap3A_200 = vector.shape_cast %add3A_193 : vector<16xi32> to vector<1x1x16xi32>
      tpu.vector_store %arg5[%swap3A_195, %swap3A_196, %swap3A_197], %swap3A_200 {strides = array<i32>} : memref<25x8x128xi32, #tpu.memory_space<vmem>>, vector<1x1x16xi32>,
      %get3A_201 = arith.constant 1 : i32
      %get3A_202 = arith.index_cast %add3A_42 : i32 to index
      %get3A_203 = arith.index_cast %get3A_201 : i32 to index
      %get3A_204 = arith.constant 32 : index
      %get3A_205 = tpu.vector_load %arg5[%get3A_202, %get3A_203, %get3A_204] {strides = array<i32>} : memref<25x8x128xi32, #tpu.memory_space<vmem>>, vector<1x1x16xi32>,
      %get3A_206 = vector.shape_cast %get3A_205 : vector<1x1x16xi32> to vector<16xi32>
      %add3A_207 = arith.constant 1 : i32
      %add3A_208 = vector.broadcast %add3A_207 : i32 to vector<16xi32>
      %add3A_209 = arith.addi %get3A_206, %add3A_208 : vector<16xi32>
      %swap3A_210 = arith.constant 1 : i32
      %swap3A_211 = arith.index_cast %add3A_42 : i32 to index
      %swap3A_212 = arith.index_cast %swap3A_210 : i32 to index
      %swap3A_213 = arith.constant 32 : index
      %swap3A_214 = tpu.vector_load %arg5[%swap3A_211, %swap3A_212, %swap3A_213] {strides = array<i32>} : memref<25x8x128xi32, #tpu.memory_space<vmem>>, vector<1x1x16xi32>,
      %swap3A_215 = vector.shape_cast %swap3A_214 : vector<1x1x16xi32> to vector<16xi32>
      %swap3A_216 = vector.shape_cast %add3A_209 : vector<16xi32> to vector<1x1x16xi32>
      tpu.vector_store %arg5[%swap3A_211, %swap3A_212, %swap3A_213], %swap3A_216 {strides = array<i32>} : memref<25x8x128xi32, #tpu.memory_space<vmem>>, vector<1x1x16xi32>,
      %get3A_217 = arith.constant 1 : i32
      %get3A_218 = arith.index_cast %add3A_42 : i32 to index
      %get3A_219 = arith.index_cast %get3A_217 : i32 to index
      %get3A_220 = arith.constant 48 : index
      %get3A_221 = tpu.vector_load %arg5[%get3A_218, %get3A_219, %get3A_220] {strides = array<i32>} : memref<25x8x128xi32, #tpu.memory_space<vmem>>, vector<1x1x16xi32>,
      %get3A_222 = vector.shape_cast %get3A_221 : vector<1x1x16xi32> to vector<16xi32>
      %add3A_223 = arith.constant 1 : i32
      %add3A_224 = vector.broadcast %add3A_223 : i32 to vector<16xi32>
      %add3A_225 = arith.addi %get3A_222, %add3A_224 : vector<16xi32>
      %swap3A_226 = arith.constant 1 : i32
      %swap3A_227 = arith.index_cast %add3A_42 : i32 to index
      %swap3A_228 = arith.index_cast %swap3A_226 : i32 to index
      %swap3A_229 = arith.constant 48 : index
      %swap3A_230 = tpu.vector_load %arg5[%swap3A_227, %swap3A_228, %swap3A_229] {strides = array<i32>} : memref<25x8x128xi32, #tpu.memory_space<vmem>>, vector<1x1x16xi32>,
      %swap3A_231 = vector.shape_cast %swap3A_230 : vector<1x1x16xi32> to vector<16xi32>
      %swap3A_232 = vector.shape_cast %add3A_225 : vector<16xi32> to vector<1x1x16xi32>
      tpu.vector_store %arg5[%swap3A_227, %swap3A_228, %swap3A_229], %swap3A_232 {strides = array<i32>} : memref<25x8x128xi32, #tpu.memory_space<vmem>>, vector<1x1x16xi32>,
      %get3A_233 = arith.constant 1 : i32
      %get3A_234 = arith.index_cast %add3A_42 : i32 to index
      %get3A_235 = arith.index_cast %get3A_233 : i32 to index
      %get3A_236 = arith.constant 64 : index
      %get3A_237 = tpu.vector_load %arg5[%get3A_234, %get3A_235, %get3A_236] {strides = array<i32>} : memref<25x8x128xi32, #tpu.memory_space<vmem>>, vector<1x1x16xi32>,
      %get3A_238 = vector.shape_cast %get3A_237 : vector<1x1x16xi32> to vector<16xi32>
      %add3A_239 = arith.constant 1 : i32
      %add3A_240 = vector.broadcast %add3A_239 : i32 to vector<16xi32>
      %add3A_241 = arith.addi %get3A_238, %add3A_240 : vector<16xi32>
      %swap3A_242 = arith.constant 1 : i32
      %swap3A_243 = arith.index_cast %add3A_42 : i32 to index
      %swap3A_244 = arith.index_cast %swap3A_242 : i32 to index
      %swap3A_245 = arith.constant 64 : index
      %swap3A_246 = tpu.vector_load %arg5[%swap3A_243, %swap3A_244, %swap3A_245] {strides = array<i32>} : memref<25x8x128xi32, #tpu.memory_space<vmem>>, vector<1x1x16xi32>,
      %swap3A_247 = vector.shape_cast %swap3A_246 : vector<1x1x16xi32> to vector<16xi32>
      %swap3A_248 = vector.shape_cast %add3A_241 : vector<16xi32> to vector<1x1x16xi32>
      tpu.vector_store %arg5[%swap3A_243, %swap3A_244, %swap3A_245], %swap3A_248 {strides = array<i32>} : memref<25x8x128xi32, #tpu.memory_space<vmem>>, vector<1x1x16xi32>,
      %get3A_249 = arith.constant 1 : i32
      %get3A_250 = arith.index_cast %add3A_42 : i32 to index
      %get3A_251 = arith.index_cast %get3A_249 : i32 to index
      %get3A_252 = arith.constant 80 : index
      %get3A_253 = tpu.vector_load %arg5[%get3A_250, %get3A_251, %get3A_252] {strides = array<i32>} : memref<25x8x128xi32, #tpu.memory_space<vmem>>, vector<1x1x16xi32>,
      %get3A_254 = vector.shape_cast %get3A_253 : vector<1x1x16xi32> to vector<16xi32>
      %add3A_255 = arith.constant 1 : i32
      %add3A_256 = vector.broadcast %add3A_255 : i32 to vector<16xi32>
      %add3A_257 = arith.addi %get3A_254, %add3A_256 : vector<16xi32>
      %swap3A_258 = arith.constant 1 : i32
      %swap3A_259 = arith.index_cast %add3A_42 : i32 to index
      %swap3A_260 = arith.index_cast %swap3A_258 : i32 to index
      %swap3A_261 = arith.constant 80 : index
      %swap3A_262 = tpu.vector_load %arg5[%swap3A_259, %swap3A_260, %swap3A_261] {strides = array<i32>} : memref<25x8x128xi32, #tpu.memory_space<vmem>>, vector<1x1x16xi32>,
      %swap3A_263 = vector.shape_cast %swap3A_262 : vector<1x1x16xi32> to vector<16xi32>
      %swap3A_264 = vector.shape_cast %add3A_257 : vector<16xi32> to vector<1x1x16xi32>
      tpu.vector_store %arg5[%swap3A_259, %swap3A_260, %swap3A_261], %swap3A_264 {strides = array<i32>} : memref<25x8x128xi32, #tpu.memory_space<vmem>>, vector<1x1x16xi32>,
      %get3A_265 = arith.constant 1 : i32
      %get3A_266 = arith.index_cast %add3A_42 : i32 to index
      %get3A_267 = arith.index_cast %get3A_265 : i32 to index
      %get3A_268 = arith.constant 96 : index
      %get3A_269 = tpu.vector_load %arg5[%get3A_266, %get3A_267, %get3A_268] {strides = array<i32>} : memref<25x8x128xi32, #tpu.memory_space<vmem>>, vector<1x1x16xi32>,
      %get3A_270 = vector.shape_cast %get3A_269 : vector<1x1x16xi32> to vector<16xi32>
      %add3A_271 = arith.constant 1 : i32
      %add3A_272 = vector.broadcast %add3A_271 : i32 to vector<16xi32>
      %add3A_273 = arith.addi %get3A_270, %add3A_272 : vector<16xi32>
      %swap3A_274 = arith.constant 1 : i32
      %swap3A_275 = arith.index_cast %add3A_42 : i32 to index
      %swap3A_276 = arith.index_cast %swap3A_274 : i32 to index
      %swap3A_277 = arith.constant 96 : index
      %swap3A_278 = tpu.vector_load %arg5[%swap3A_275, %swap3A_276, %swap3A_277] {strides = array<i32>} : memref<25x8x128xi32, #tpu.memory_space<vmem>>, vector<1x1x16xi32>,
      %swap3A_279 = vector.shape_cast %swap3A_278 : vector<1x1x16xi32> to vector<16xi32>
      %swap3A_280 = vector.shape_cast %add3A_273 : vector<16xi32> to vector<1x1x16xi32>
      tpu.vector_store %arg5[%swap3A_275, %swap3A_276, %swap3A_277], %swap3A_280 {strides = array<i32>} : memref<25x8x128xi32, #tpu.memory_space<vmem>>, vector<1x1x16xi32>,
      %get3A_281 = arith.constant 1 : i32
      %get3A_282 = arith.index_cast %add3A_42 : i32 to index
      %get3A_283 = arith.index_cast %get3A_281 : i32 to index
      %get3A_284 = arith.constant 112 : index
      %get3A_285 = tpu.vector_load %arg5[%get3A_282, %get3A_283, %get3A_284] {strides = array<i32>} : memref<25x8x128xi32, #tpu.memory_space<vmem>>, vector<1x1x16xi32>,
      %get3A_286 = vector.shape_cast %get3A_285 : vector<1x1x16xi32> to vector<16xi32>
      %add3A_287 = arith.constant 1 : i32
      %add3A_288 = vector.broadcast %add3A_287 : i32 to vector<16xi32>
      %add3A_289 = arith.addi %get3A_286, %add3A_288 : vector<16xi32>
      %swap3A_290 = arith.constant 1 : i32
      %swap3A_291 = arith.index_cast %add3A_42 : i32 to index
      %swap3A_292 = arith.index_cast %swap3A_290 : i32 to index
      %swap3A_293 = arith.constant 112 : index
      %swap3A_294 = tpu.vector_load %arg5[%swap3A_291, %swap3A_292, %swap3A_293] {strides = array<i32>} : memref<25x8x128xi32, #tpu.memory_space<vmem>>, vector<1x1x16xi32>,
      %swap3A_295 = vector.shape_cast %swap3A_294 : vector<1x1x16xi32> to vector<16xi32>
      %swap3A_296 = vector.shape_cast %add3A_289 : vector<16xi32> to vector<1x1x16xi32>
      tpu.vector_store %arg5[%swap3A_291, %swap3A_292, %swap3A_293], %swap3A_296 {strides = array<i32>} : memref<25x8x128xi32, #tpu.memory_space<vmem>>, vector<1x1x16xi32>,
      %get3A_297 = arith.constant 2 : i32
      %get3A_298 = arith.index_cast %add3A_42 : i32 to index
      %get3A_299 = arith.index_cast %get3A_297 : i32 to index
      %get3A_300 = arith.constant 0 : index
      %get3A_301 = tpu.vector_load %arg5[%get3A_298, %get3A_299, %get3A_300] {strides = array<i32>} : memref<25x8x128xi32, #tpu.memory_space<vmem>>, vector<1x1x16xi32>,
      %get3A_302 = vector.shape_cast %get3A_301 : vector<1x1x16xi32> to vector<16xi32>
      %add3A_303 = arith.constant 1 : i32
      %add3A_304 = vector.broadcast %add3A_303 : i32 to vector<16xi32>
      %add3A_305 = arith.addi %get3A_302, %add3A_304 : vector<16xi32>
      %swap3A_306 = arith.constant 2 : i32
      %swap3A_307 = arith.index_cast %add3A_42 : i32 to index
      %swap3A_308 = arith.index_cast %swap3A_306 : i32 to index
      %swap3A_309 = arith.constant 0 : index
      %swap3A_310 = tpu.vector_load %arg5[%swap3A_307, %swap3A_308, %swap3A_309] {strides = array<i32>} : memref<25x8x128xi32, #tpu.memory_space<vmem>>, vector<1x1x16xi32>,
      %swap3A_311 = vector.shape_cast %swap3A_310 : vector<1x1x16xi32> to vector<16xi32>
      %swap3A_312 = vector.shape_cast %add3A_305 : vector<16xi32> to vector<1x1x16xi32>
      tpu.vector_store %arg5[%swap3A_307, %swap3A_308, %swap3A_309], %swap3A_312 {strides = array<i32>} : memref<25x8x128xi32, #tpu.memory_space<vmem>>, vector<1x1x16xi32>,
      %get3A_313 = arith.constant 2 : i32
      %get3A_314 = arith.index_cast %add3A_42 : i32 to index
      %get3A_315 = arith.index_cast %get3A_313 : i32 to index
      %get3A_316 = arith.constant 16 : index
      %get3A_317 = tpu.vector_load %arg5[%get3A_314, %get3A_315, %get3A_316] {strides = array<i32>} : memref<25x8x128xi32, #tpu.memory_space<vmem>>, vector<1x1x16xi32>,
      %get3A_318 = vector.shape_cast %get3A_317 : vector<1x1x16xi32> to vector<16xi32>
      %add3A_319 = arith.constant 1 : i32
      %add3A_320 = vector.broadcast %add3A_319 : i32 to vector<16xi32>
      %add3A_321 = arith.addi %get3A_318, %add3A_320 : vector<16xi32>
      %swap3A_322 = arith.constant 2 : i32
      %swap3A_323 = arith.index_cast %add3A_42 : i32 to index
      %swap3A_324 = arith.index_cast %swap3A_322 : i32 to index
      %swap3A_325 = arith.constant 16 : index
      %swap3A_326 = tpu.vector_load %arg5[%swap3A_323, %swap3A_324, %swap3A_325] {strides = array<i32>} : memref<25x8x128xi32, #tpu.memory_space<vmem>>, vector<1x1x16xi32>,
      %swap3A_327 = vector.shape_cast %swap3A_326 : vector<1x1x16xi32> to vector<16xi32>
      %swap3A_328 = vector.shape_cast %add3A_321 : vector<16xi32> to vector<1x1x16xi32>
      tpu.vector_store %arg5[%swap3A_323, %swap3A_324, %swap3A_325], %swap3A_328 {strides = array<i32>} : memref<25x8x128xi32, #tpu.memory_space<vmem>>, vector<1x1x16xi32>,
      %get3A_329 = arith.constant 2 : i32
      %get3A_330 = arith.index_cast %add3A_42 : i32 to index
      %get3A_331 = arith.index_cast %get3A_329 : i32 to index
      %get3A_332 = arith.constant 32 : index
      %get3A_333 = tpu.vector_load %arg5[%get3A_330, %get3A_331, %get3A_332] {strides = array<i32>} : memref<25x8x128xi32, #tpu.memory_space<vmem>>, vector<1x1x16xi32>,
      %get3A_334 = vector.shape_cast %get3A_333 : vector<1x1x16xi32> to vector<16xi32>
      %add3A_335 = arith.constant 1 : i32
      %add3A_336 = vector.broadcast %add3A_335 : i32 to vector<16xi32>
      %add3A_337 = arith.addi %get3A_334, %add3A_336 : vector<16xi32>
      %swap3A_338 = arith.constant 2 : i32
      %swap3A_339 = arith.index_cast %add3A_42 : i32 to index
      %swap3A_340 = arith.index_cast %swap3A_338 : i32 to index
      %swap3A_341 = arith.constant 32 : index
      %swap3A_342 = tpu.vector_load %arg5[%swap3A_339, %swap3A_340, %swap3A_341] {strides = array<i32>} : memref<25x8x128xi32, #tpu.memory_space<vmem>>, vector<1x1x16xi32>,
      %swap3A_343 = vector.shape_cast %swap3A_342 : vector<1x1x16xi32> to vector<16xi32>
      %swap3A_344 = vector.shape_cast %add3A_337 : vector<16xi32> to vector<1x1x16xi32>
      tpu.vector_store %arg5[%swap3A_339, %swap3A_340, %swap3A_341], %swap3A_344 {strides = array<i32>} : memref<25x8x128xi32, #tpu.memory_space<vmem>>, vector<1x1x16xi32>,
      %get3A_345 = arith.constant 2 : i32
      %get3A_346 = arith.index_cast %add3A_42 : i32 to index
      %get3A_347 = arith.index_cast %get3A_345 : i32 to index
      %get3A_348 = arith.constant 48 : index
      %get3A_349 = tpu.vector_load %arg5[%get3A_346, %get3A_347, %get3A_348] {strides = array<i32>} : memref<25x8x128xi32, #tpu.memory_space<vmem>>, vector<1x1x16xi32>,
      %get3A_350 = vector.shape_cast %get3A_349 : vector<1x1x16xi32> to vector<16xi32>
      %add3A_351 = arith.constant 1 : i32
      %add3A_352 = vector.broadcast %add3A_351 : i32 to vector<16xi32>
      %add3A_353 = arith.addi %get3A_350, %add3A_352 : vector<16xi32>
      %swap3A_354 = arith.constant 2 : i32
      %swap3A_355 = arith.index_cast %add3A_42 : i32 to index
      %swap3A_356 = arith.index_cast %swap3A_354 : i32 to index
      %swap3A_357 = arith.constant 48 : index
      %swap3A_358 = tpu.vector_load %arg5[%swap3A_355, %swap3A_356, %swap3A_357] {strides = array<i32>} : memref<25x8x128xi32, #tpu.memory_space<vmem>>, vector<1x1x16xi32>,
      %swap3A_359 = vector.shape_cast %swap3A_358 : vector<1x1x16xi32> to vector<16xi32>
      %swap3A_360 = vector.shape_cast %add3A_353 : vector<16xi32> to vector<1x1x16xi32>
      tpu.vector_store %arg5[%swap3A_355, %swap3A_356, %swap3A_357], %swap3A_360 {strides = array<i32>} : memref<25x8x128xi32, #tpu.memory_space<vmem>>, vector<1x1x16xi32>,
      %get3A_361 = arith.constant 2 : i32
      %get3A_362 = arith.index_cast %add3A_42 : i32 to index
      %get3A_363 = arith.index_cast %get3A_361 : i32 to index
      %get3A_364 = arith.constant 64 : index
      %get3A_365 = tpu.vector_load %arg5[%get3A_362, %get3A_363, %get3A_364] {strides = array<i32>} : memref<25x8x128xi32, #tpu.memory_space<vmem>>, vector<1x1x16xi32>,
      %get3A_366 = vector.shape_cast %get3A_365 : vector<1x1x16xi32> to vector<16xi32>
      %add3A_367 = arith.constant 1 : i32
      %add3A_368 = vector.broadcast %add3A_367 : i32 to vector<16xi32>
      %add3A_369 = arith.addi %get3A_366, %add3A_368 : vector<16xi32>
      %swap3A_370 = arith.constant 2 : i32
      %swap3A_371 = arith.index_cast %add3A_42 : i32 to index
      %swap3A_372 = arith.index_cast %swap3A_370 : i32 to index
      %swap3A_373 = arith.constant 64 : index
      %swap3A_374 = tpu.vector_load %arg5[%swap3A_371, %swap3A_372, %swap3A_373] {strides = array<i32>} : memref<25x8x128xi32, #tpu.memory_space<vmem>>, vector<1x1x16xi32>,
      %swap3A_375 = vector.shape_cast %swap3A_374 : vector<1x1x16xi32> to vector<16xi32>
      %swap3A_376 = vector.shape_cast %add3A_369 : vector<16xi32> to vector<1x1x16xi32>
      tpu.vector_store %arg5[%swap3A_371, %swap3A_372, %swap3A_373], %swap3A_376 {strides = array<i32>} : memref<25x8x128xi32, #tpu.memory_space<vmem>>, vector<1x1x16xi32>,
      %get3A_377 = arith.constant 2 : i32
      %get3A_378 = arith.index_cast %add3A_42 : i32 to index
      %get3A_379 = arith.index_cast %get3A_377 : i32 to index
      %get3A_380 = arith.constant 80 : index
      %get3A_381 = tpu.vector_load %arg5[%get3A_378, %get3A_379, %get3A_380] {strides = array<i32>} : memref<25x8x128xi32, #tpu.memory_space<vmem>>, vector<1x1x16xi32>,
      %get3A_382 = vector.shape_cast %get3A_381 : vector<1x1x16xi32> to vector<16xi32>
      %add3A_383 = arith.constant 1 : i32
      %add3A_384 = vector.broadcast %add3A_383 : i32 to vector<16xi32>
      %add3A_385 = arith.addi %get3A_382, %add3A_384 : vector<16xi32>
      %swap3A_386 = arith.constant 2 : i32
      %swap3A_387 = arith.index_cast %add3A_42 : i32 to index
      %swap3A_388 = arith.index_cast %swap3A_386 : i32 to index
      %swap3A_389 = arith.constant 80 : index
      %swap3A_390 = tpu.vector_load %arg5[%swap3A_387, %swap3A_388, %swap3A_389] {strides = array<i32>} : memref<25x8x128xi32, #tpu.memory_space<vmem>>, vector<1x1x16xi32>,
      %swap3A_391 = vector.shape_cast %swap3A_390 : vector<1x1x16xi32> to vector<16xi32>
      %swap3A_392 = vector.shape_cast %add3A_385 : vector<16xi32> to vector<1x1x16xi32>
      tpu.vector_store %arg5[%swap3A_387, %swap3A_388, %swap3A_389], %swap3A_392 {strides = array<i32>} : memref<25x8x128xi32, #tpu.memory_space<vmem>>, vector<1x1x16xi32>,
      %get3A_393 = arith.constant 2 : i32
      %get3A_394 = arith.index_cast %add3A_42 : i32 to index
      %get3A_395 = arith.index_cast %get3A_393 : i32 to index
      %get3A_396 = arith.constant 96 : index
      %get3A_397 = tpu.vector_load %arg5[%get3A_394, %get3A_395, %get3A_396] {strides = array<i32>} : memref<25x8x128xi32, #tpu.memory_space<vmem>>, vector<1x1x16xi32>,
      %get3A_398 = vector.shape_cast %get3A_397 : vector<1x1x16xi32> to vector<16xi32>
      %add3A_399 = arith.constant 1 : i32
      %add3A_400 = vector.broadcast %add3A_399 : i32 to vector<16xi32>
      %add3A_401 = arith.addi %get3A_398, %add3A_400 : vector<16xi32>
      %swap3A_402 = arith.constant 2 : i32
      %swap3A_403 = arith.index_cast %add3A_42 : i32 to index
      %swap3A_404 = arith.index_cast %swap3A_402 : i32 to index
      %swap3A_405 = arith.constant 96 : index
      %swap3A_406 = tpu.vector_load %arg5[%swap3A_403, %swap3A_404, %swap3A_405] {strides = array<i32>} : memref<25x8x128xi32, #tpu.memory_space<vmem>>, vector<1x1x16xi32>,
      %swap3A_407 = vector.shape_cast %swap3A_406 : vector<1x1x16xi32> to vector<16xi32>
      %swap3A_408 = vector.shape_cast %add3A_401 : vector<16xi32> to vector<1x1x16xi32>
      tpu.vector_store %arg5[%swap3A_403, %swap3A_404, %swap3A_405], %swap3A_408 {strides = array<i32>} : memref<25x8x128xi32, #tpu.memory_space<vmem>>, vector<1x1x16xi32>,
      %get3A_409 = arith.constant 2 : i32
      %get3A_410 = arith.index_cast %add3A_42 : i32 to index
      %get3A_411 = arith.index_cast %get3A_409 : i32 to index
      %get3A_412 = arith.constant 112 : index
      %get3A_413 = tpu.vector_load %arg5[%get3A_410, %get3A_411, %get3A_412] {strides = array<i32>} : memref<25x8x128xi32, #tpu.memory_space<vmem>>, vector<1x1x16xi32>,
      %get3A_414 = vector.shape_cast %get3A_413 : vector<1x1x16xi32> to vector<16xi32>
      %add3A_415 = arith.constant 1 : i32
      %add3A_416 = vector.broadcast %add3A_415 : i32 to vector<16xi32>
      %add3A_417 = arith.addi %get3A_414, %add3A_416 : vector<16xi32>
      %swap3A_418 = arith.constant 2 : i32
      %swap3A_419 = arith.index_cast %add3A_42 : i32 to index
      %swap3A_420 = arith.index_cast %swap3A_418 : i32 to index
      %swap3A_421 = arith.constant 112 : index
      %swap3A_422 = tpu.vector_load %arg5[%swap3A_419, %swap3A_420, %swap3A_421] {strides = array<i32>} : memref<25x8x128xi32, #tpu.memory_space<vmem>>, vector<1x1x16xi32>,
      %swap3A_423 = vector.shape_cast %swap3A_422 : vector<1x1x16xi32> to vector<16xi32>
      %swap3A_424 = vector.shape_cast %add3A_417 : vector<16xi32> to vector<1x1x16xi32>
      tpu.vector_store %arg5[%swap3A_419, %swap3A_420, %swap3A_421], %swap3A_424 {strides = array<i32>} : memref<25x8x128xi32, #tpu.memory_space<vmem>>, vector<1x1x16xi32>,
      %get3A_425 = arith.constant 3 : i32
      %get3A_426 = arith.index_cast %add3A_42 : i32 to index
      %get3A_427 = arith.index_cast %get3A_425 : i32 to index
      %get3A_428 = arith.constant 0 : index
      %get3A_429 = tpu.vector_load %arg5[%get3A_426, %get3A_427, %get3A_428] {strides = array<i32>} : memref<25x8x128xi32, #tpu.memory_space<vmem>>, vector<1x1x16xi32>,
      %get3A_430 = vector.shape_cast %get3A_429 : vector<1x1x16xi32> to vector<16xi32>
      %add3A_431 = arith.constant 1 : i32
      %add3A_432 = vector.broadcast %add3A_431 : i32 to vector<16xi32>
      %add3A_433 = arith.addi %get3A_430, %add3A_432 : vector<16xi32>
      %swap3A_434 = arith.constant 3 : i32
      %swap3A_435 = arith.index_cast %add3A_42 : i32 to index
      %swap3A_436 = arith.index_cast %swap3A_434 : i32 to index
      %swap3A_437 = arith.constant 0 : index
      %swap3A_438 = tpu.vector_load %arg5[%swap3A_435, %swap3A_436, %swap3A_437] {strides = array<i32>} : memref<25x8x128xi32, #tpu.memory_space<vmem>>, vector<1x1x16xi32>,
      %swap3A_439 = vector.shape_cast %swap3A_438 : vector<1x1x16xi32> to vector<16xi32>
      %swap3A_440 = vector.shape_cast %add3A_433 : vector<16xi32> to vector<1x1x16xi32>
      tpu.vector_store %arg5[%swap3A_435, %swap3A_436, %swap3A_437], %swap3A_440 {strides = array<i32>} : memref<25x8x128xi32, #tpu.memory_space<vmem>>, vector<1x1x16xi32>,
      %get3A_441 = arith.constant 3 : i32
      %get3A_442 = arith.index_cast %add3A_42 : i32 to index
      %get3A_443 = arith.index_cast %get3A_441 : i32 to index
      %get3A_444 = arith.constant 16 : index
      %get3A_445 = tpu.vector_load %arg5[%get3A_442, %get3A_443, %get3A_444] {strides = array<i32>} : memref<25x8x128xi32, #tpu.memory_space<vmem>>, vector<1x1x16xi32>,
      %get3A_446 = vector.shape_cast %get3A_445 : vector<1x1x16xi32> to vector<16xi32>
      %add3A_447 = arith.constant 1 : i32
      %add3A_448 = vector.broadcast %add3A_447 : i32 to vector<16xi32>
      %add3A_449 = arith.addi %get3A_446, %add3A_448 : vector<16xi32>
      %swap3A_450 = arith.constant 3 : i32
      %swap3A_451 = arith.index_cast %add3A_42 : i32 to index
      %swap3A_452 = arith.index_cast %swap3A_450 : i32 to index
      %swap3A_453 = arith.constant 16 : index
      %swap3A_454 = tpu.vector_load %arg5[%swap3A_451, %swap3A_452, %swap3A_453] {strides = array<i32>} : memref<25x8x128xi32, #tpu.memory_space<vmem>>, vector<1x1x16xi32>,
      %swap3A_455 = vector.shape_cast %swap3A_454 : vector<1x1x16xi32> to vector<16xi32>
      %swap3A_456 = vector.shape_cast %add3A_449 : vector<16xi32> to vector<1x1x16xi32>
      tpu.vector_store %arg5[%swap3A_451, %swap3A_452, %swap3A_453], %swap3A_456 {strides = array<i32>} : memref<25x8x128xi32, #tpu.memory_space<vmem>>, vector<1x1x16xi32>,
      %get3A_457 = arith.constant 3 : i32
      %get3A_458 = arith.index_cast %add3A_42 : i32 to index
      %get3A_459 = arith.index_cast %get3A_457 : i32 to index
      %get3A_460 = arith.constant 32 : index
      %get3A_461 = tpu.vector_load %arg5[%get3A_458, %get3A_459, %get3A_460] {strides = array<i32>} : memref<25x8x128xi32, #tpu.memory_space<vmem>>, vector<1x1x16xi32>,
      %get3A_462 = vector.shape_cast %get3A_461 : vector<1x1x16xi32> to vector<16xi32>
      %add3A_463 = arith.constant 1 : i32
      %add3A_464 = vector.broadcast %add3A_463 : i32 to vector<16xi32>
      %add3A_465 = arith.addi %get3A_462, %add3A_464 : vector<16xi32>
      %swap3A_466 = arith.constant 3 : i32
      %swap3A_467 = arith.index_cast %add3A_42 : i32 to index
      %swap3A_468 = arith.index_cast %swap3A_466 : i32 to index
      %swap3A_469 = arith.constant 32 : index
      %swap3A_470 = tpu.vector_load %arg5[%swap3A_467, %swap3A_468, %swap3A_469] {strides = array<i32>} : memref<25x8x128xi32, #tpu.memory_space<vmem>>, vector<1x1x16xi32>,
      %swap3A_471 = vector.shape_cast %swap3A_470 : vector<1x1x16xi32> to vector<16xi32>
      %swap3A_472 = vector.shape_cast %add3A_465 : vector<16xi32> to vector<1x1x16xi32>
      tpu.vector_store %arg5[%swap3A_467, %swap3A_468, %swap3A_469], %swap3A_472 {strides = array<i32>} : memref<25x8x128xi32, #tpu.memory_space<vmem>>, vector<1x1x16xi32>,
      %get3A_473 = arith.constant 3 : i32
      %get3A_474 = arith.index_cast %add3A_42 : i32 to index
      %get3A_475 = arith.index_cast %get3A_473 : i32 to index
      %get3A_476 = arith.constant 48 : index
      %get3A_477 = tpu.vector_load %arg5[%get3A_474, %get3A_475, %get3A_476] {strides = array<i32>} : memref<25x8x128xi32, #tpu.memory_space<vmem>>, vector<1x1x16xi32>,
      %get3A_478 = vector.shape_cast %get3A_477 : vector<1x1x16xi32> to vector<16xi32>
      %add3A_479 = arith.constant 1 : i32
      %add3A_480 = vector.broadcast %add3A_479 : i32 to vector<16xi32>
      %add3A_481 = arith.addi %get3A_478, %add3A_480 : vector<16xi32>
      %swap3A_482 = arith.constant 3 : i32
      %swap3A_483 = arith.index_cast %add3A_42 : i32 to index
      %swap3A_484 = arith.index_cast %swap3A_482 : i32 to index
      %swap3A_485 = arith.constant 48 : index
      %swap3A_486 = tpu.vector_load %arg5[%swap3A_483, %swap3A_484, %swap3A_485] {strides = array<i32>} : memref<25x8x128xi32, #tpu.memory_space<vmem>>, vector<1x1x16xi32>,
      %swap3A_487 = vector.shape_cast %swap3A_486 : vector<1x1x16xi32> to vector<16xi32>
      %swap3A_488 = vector.shape_cast %add3A_481 : vector<16xi32> to vector<1x1x16xi32>
      tpu.vector_store %arg5[%swap3A_483, %swap3A_484, %swap3A_485], %swap3A_488 {strides = array<i32>} : memref<25x8x128xi32, #tpu.memory_space<vmem>>, vector<1x1x16xi32>,
      %get3A_489 = arith.constant 3 : i32
      %get3A_490 = arith.index_cast %add3A_42 : i32 to index
      %get3A_491 = arith.index_cast %get3A_489 : i32 to index
      %get3A_492 = arith.constant 64 : index
      %get3A_493 = tpu.vector_load %arg5[%get3A_490, %get3A_491, %get3A_492] {strides = array<i32>} : memref<25x8x128xi32, #tpu.memory_space<vmem>>, vector<1x1x16xi32>,
      %get3A_494 = vector.shape_cast %get3A_493 : vector<1x1x16xi32> to vector<16xi32>
      %add3A_495 = arith.constant 1 : i32
      %add3A_496 = vector.broadcast %add3A_495 : i32 to vector<16xi32>
      %add3A_497 = arith.addi %get3A_494, %add3A_496 : vector<16xi32>
      %swap3A_498 = arith.constant 3 : i32
      %swap3A_499 = arith.index_cast %add3A_42 : i32 to index
      %swap3A_500 = arith.index_cast %swap3A_498 : i32 to index
      %swap3A_501 = arith.constant 64 : index
      %swap3A_502 = tpu.vector_load %arg5[%swap3A_499, %swap3A_500, %swap3A_501] {strides = array<i32>} : memref<25x8x128xi32, #tpu.memory_space<vmem>>, vector<1x1x16xi32>,
      %swap3A_503 = vector.shape_cast %swap3A_502 : vector<1x1x16xi32> to vector<16xi32>
      %swap3A_504 = vector.shape_cast %add3A_497 : vector<16xi32> to vector<1x1x16xi32>
      tpu.vector_store %arg5[%swap3A_499, %swap3A_500, %swap3A_501], %swap3A_504 {strides = array<i32>} : memref<25x8x128xi32, #tpu.memory_space<vmem>>, vector<1x1x16xi32>,
      %get3A_505 = arith.constant 3 : i32
      %get3A_506 = arith.index_cast %add3A_42 : i32 to index
      %get3A_507 = arith.index_cast %get3A_505 : i32 to index
      %get3A_508 = arith.constant 80 : index
      %get3A_509 = tpu.vector_load %arg5[%get3A_506, %get3A_507, %get3A_508] {strides = array<i32>} : memref<25x8x128xi32, #tpu.memory_space<vmem>>, vector<1x1x16xi32>,
      %get3A_510 = vector.shape_cast %get3A_509 : vector<1x1x16xi32> to vector<16xi32>
      %add3A_511 = arith.constant 1 : i32
      %add3A_512 = vector.broadcast %add3A_511 : i32 to vector<16xi32>
      %add3A_513 = arith.addi %get3A_510, %add3A_512 : vector<16xi32>
      %swap3A_514 = arith.constant 3 : i32
      %swap3A_515 = arith.index_cast %add3A_42 : i32 to index
      %swap3A_516 = arith.index_cast %swap3A_514 : i32 to index
      %swap3A_517 = arith.constant 80 : index
      %swap3A_518 = tpu.vector_load %arg5[%swap3A_515, %swap3A_516, %swap3A_517] {strides = array<i32>} : memref<25x8x128xi32, #tpu.memory_space<vmem>>, vector<1x1x16xi32>,
      %swap3A_519 = vector.shape_cast %swap3A_518 : vector<1x1x16xi32> to vector<16xi32>
      %swap3A_520 = vector.shape_cast %add3A_513 : vector<16xi32> to vector<1x1x16xi32>
      tpu.vector_store %arg5[%swap3A_515, %swap3A_516, %swap3A_517], %swap3A_520 {strides = array<i32>} : memref<25x8x128xi32, #tpu.memory_space<vmem>>, vector<1x1x16xi32>,
      %get3A_521 = arith.constant 3 : i32
      %get3A_522 = arith.index_cast %add3A_42 : i32 to index
      %get3A_523 = arith.index_cast %get3A_521 : i32 to index
      %get3A_524 = arith.constant 96 : index
      %get3A_525 = tpu.vector_load %arg5[%get3A_522, %get3A_523, %get3A_524] {strides = array<i32>} : memref<25x8x128xi32, #tpu.memory_space<vmem>>, vector<1x1x16xi32>,
      %get3A_526 = vector.shape_cast %get3A_525 : vector<1x1x16xi32> to vector<16xi32>
      %add3A_527 = arith.constant 1 : i32
      %add3A_528 = vector.broadcast %add3A_527 : i32 to vector<16xi32>
      %add3A_529 = arith.addi %get3A_526, %add3A_528 : vector<16xi32>
      %swap3A_530 = arith.constant 3 : i32
      %swap3A_531 = arith.index_cast %add3A_42 : i32 to index
      %swap3A_532 = arith.index_cast %swap3A_530 : i32 to index
      %swap3A_533 = arith.constant 96 : index
      %swap3A_534 = tpu.vector_load %arg5[%swap3A_531, %swap3A_532, %swap3A_533] {strides = array<i32>} : memref<25x8x128xi32, #tpu.memory_space<vmem>>, vector<1x1x16xi32>,
      %swap3A_535 = vector.shape_cast %swap3A_534 : vector<1x1x16xi32> to vector<16xi32>
      %swap3A_536 = vector.shape_cast %add3A_529 : vector<16xi32> to vector<1x1x16xi32>
      tpu.vector_store %arg5[%swap3A_531, %swap3A_532, %swap3A_533], %swap3A_536 {strides = array<i32>} : memref<25x8x128xi32, #tpu.memory_space<vmem>>, vector<1x1x16xi32>,
      %get3A_537 = arith.constant 3 : i32
      %get3A_538 = arith.index_cast %add3A_42 : i32 to index
      %get3A_539 = arith.index_cast %get3A_537 : i32 to index
      %get3A_540 = arith.constant 112 : index
      %get3A_541 = tpu.vector_load %arg5[%get3A_538, %get3A_539, %get3A_540] {strides = array<i32>} : memref<25x8x128xi32, #tpu.memory_space<vmem>>, vector<1x1x16xi32>,
      %get3A_542 = vector.shape_cast %get3A_541 : vector<1x1x16xi32> to vector<16xi32>
      %add3A_543 = arith.constant 1 : i32
      %add3A_544 = vector.broadcast %add3A_543 : i32 to vector<16xi32>
      %add3A_545 = arith.addi %get3A_542, %add3A_544 : vector<16xi32>
      %swap3A_546 = arith.constant 3 : i32
      %swap3A_547 = arith.index_cast %add3A_42 : i32 to index
      %swap3A_548 = arith.index_cast %swap3A_546 : i32 to index
      %swap3A_549 = arith.constant 112 : index
      %swap3A_550 = tpu.vector_load %arg5[%swap3A_547, %swap3A_548, %swap3A_549] {strides = array<i32>} : memref<25x8x128xi32, #tpu.memory_space<vmem>>, vector<1x1x16xi32>,
      %swap3A_551 = vector.shape_cast %swap3A_550 : vector<1x1x16xi32> to vector<16xi32>
      %swap3A_552 = vector.shape_cast %add3A_545 : vector<16xi32> to vector<1x1x16xi32>
      tpu.vector_store %arg5[%swap3A_547, %swap3A_548, %swap3A_549], %swap3A_552 {strides = array<i32>} : memref<25x8x128xi32, #tpu.memory_space<vmem>>, vector<1x1x16xi32>,
      %get3A_553 = arith.constant 4 : i32
      %get3A_554 = arith.index_cast %add3A_42 : i32 to index
      %get3A_555 = arith.index_cast %get3A_553 : i32 to index
      %get3A_556 = arith.constant 0 : index
      %get3A_557 = tpu.vector_load %arg5[%get3A_554, %get3A_555, %get3A_556] {strides = array<i32>} : memref<25x8x128xi32, #tpu.memory_space<vmem>>, vector<1x1x16xi32>,
      %get3A_558 = vector.shape_cast %get3A_557 : vector<1x1x16xi32> to vector<16xi32>
      %add3A_559 = arith.constant 1 : i32
      %add3A_560 = vector.broadcast %add3A_559 : i32 to vector<16xi32>
      %add3A_561 = arith.addi %get3A_558, %add3A_560 : vector<16xi32>
      %swap3A_562 = arith.constant 4 : i32
      %swap3A_563 = arith.index_cast %add3A_42 : i32 to index
      %swap3A_564 = arith.index_cast %swap3A_562 : i32 to index
      %swap3A_565 = arith.constant 0 : index
      %swap3A_566 = tpu.vector_load %arg5[%swap3A_563, %swap3A_564, %swap3A_565] {strides = array<i32>} : memref<25x8x128xi32, #tpu.memory_space<vmem>>, vector<1x1x16xi32>,
      %swap3A_567 = vector.shape_cast %swap3A_566 : vector<1x1x16xi32> to vector<16xi32>
      %swap3A_568 = vector.shape_cast %add3A_561 : vector<16xi32> to vector<1x1x16xi32>
      tpu.vector_store %arg5[%swap3A_563, %swap3A_564, %swap3A_565], %swap3A_568 {strides = array<i32>} : memref<25x8x128xi32, #tpu.memory_space<vmem>>, vector<1x1x16xi32>,
      %get3A_569 = arith.constant 4 : i32
      %get3A_570 = arith.index_cast %add3A_42 : i32 to index
      %get3A_571 = arith.index_cast %get3A_569 : i32 to index
      %get3A_572 = arith.constant 16 : index
      %get3A_573 = tpu.vector_load %arg5[%get3A_570, %get3A_571, %get3A_572] {strides = array<i32>} : memref<25x8x128xi32, #tpu.memory_space<vmem>>, vector<1x1x16xi32>,
      %get3A_574 = vector.shape_cast %get3A_573 : vector<1x1x16xi32> to vector<16xi32>
      %add3A_575 = arith.constant 1 : i32
      %add3A_576 = vector.broadcast %add3A_575 : i32 to vector<16xi32>
      %add3A_577 = arith.addi %get3A_574, %add3A_576 : vector<16xi32>
      %swap3A_578 = arith.constant 4 : i32
      %swap3A_579 = arith.index_cast %add3A_42 : i32 to index
      %swap3A_580 = arith.index_cast %swap3A_578 : i32 to index
      %swap3A_581 = arith.constant 16 : index
      %swap3A_582 = tpu.vector_load %arg5[%swap3A_579, %swap3A_580, %swap3A_581] {strides = array<i32>} : memref<25x8x128xi32, #tpu.memory_space<vmem>>, vector<1x1x16xi32>,
      %swap3A_583 = vector.shape_cast %swap3A_582 : vector<1x1x16xi32> to vector<16xi32>
      %swap3A_584 = vector.shape_cast %add3A_577 : vector<16xi32> to vector<1x1x16xi32>
      tpu.vector_store %arg5[%swap3A_579, %swap3A_580, %swap3A_581], %swap3A_584 {strides = array<i32>} : memref<25x8x128xi32, #tpu.memory_space<vmem>>, vector<1x1x16xi32>,
      %get3A_585 = arith.constant 4 : i32
      %get3A_586 = arith.index_cast %add3A_42 : i32 to index
      %get3A_587 = arith.index_cast %get3A_585 : i32 to index
      %get3A_588 = arith.constant 32 : index
      %get3A_589 = tpu.vector_load %arg5[%get3A_586, %get3A_587, %get3A_588] {strides = array<i32>} : memref<25x8x128xi32, #tpu.memory_space<vmem>>, vector<1x1x16xi32>,
      %get3A_590 = vector.shape_cast %get3A_589 : vector<1x1x16xi32> to vector<16xi32>
      %add3A_591 = arith.constant 1 : i32
      %add3A_592 = vector.broadcast %add3A_591 : i32 to vector<16xi32>
      %add3A_593 = arith.addi %get3A_590, %add3A_592 : vector<16xi32>
      %swap3A_594 = arith.constant 4 : i32
      %swap3A_595 = arith.index_cast %add3A_42 : i32 to index
      %swap3A_596 = arith.index_cast %swap3A_594 : i32 to index
      %swap3A_597 = arith.constant 32 : index
      %swap3A_598 = tpu.vector_load %arg5[%swap3A_595, %swap3A_596, %swap3A_597] {strides = array<i32>} : memref<25x8x128xi32, #tpu.memory_space<vmem>>, vector<1x1x16xi32>,
      %swap3A_599 = vector.shape_cast %swap3A_598 : vector<1x1x16xi32> to vector<16xi32>
      %swap3A_600 = vector.shape_cast %add3A_593 : vector<16xi32> to vector<1x1x16xi32>
      tpu.vector_store %arg5[%swap3A_595, %swap3A_596, %swap3A_597], %swap3A_600 {strides = array<i32>} : memref<25x8x128xi32, #tpu.memory_space<vmem>>, vector<1x1x16xi32>,
      %get3A_601 = arith.constant 4 : i32
      %get3A_602 = arith.index_cast %add3A_42 : i32 to index
      %get3A_603 = arith.index_cast %get3A_601 : i32 to index
      %get3A_604 = arith.constant 48 : index
      %get3A_605 = tpu.vector_load %arg5[%get3A_602, %get3A_603, %get3A_604] {strides = array<i32>} : memref<25x8x128xi32, #tpu.memory_space<vmem>>, vector<1x1x16xi32>,
      %get3A_606 = vector.shape_cast %get3A_605 : vector<1x1x16xi32> to vector<16xi32>
      %add3A_607 = arith.constant 1 : i32
      %add3A_608 = vector.broadcast %add3A_607 : i32 to vector<16xi32>
      %add3A_609 = arith.addi %get3A_606, %add3A_608 : vector<16xi32>
      %swap3A_610 = arith.constant 4 : i32
      %swap3A_611 = arith.index_cast %add3A_42 : i32 to index
      %swap3A_612 = arith.index_cast %swap3A_610 : i32 to index
      %swap3A_613 = arith.constant 48 : index
      %swap3A_614 = tpu.vector_load %arg5[%swap3A_611, %swap3A_612, %swap3A_613] {strides = array<i32>} : memref<25x8x128xi32, #tpu.memory_space<vmem>>, vector<1x1x16xi32>,
      %swap3A_615 = vector.shape_cast %swap3A_614 : vector<1x1x16xi32> to vector<16xi32>
      %swap3A_616 = vector.shape_cast %add3A_609 : vector<16xi32> to vector<1x1x16xi32>
      tpu.vector_store %arg5[%swap3A_611, %swap3A_612, %swap3A_613], %swap3A_616 {strides = array<i32>} : memref<25x8x128xi32, #tpu.memory_space<vmem>>, vector<1x1x16xi32>,
      %get3A_617 = arith.constant 4 : i32
      %get3A_618 = arith.index_cast %add3A_42 : i32 to index
      %get3A_619 = arith.index_cast %get3A_617 : i32 to index
      %get3A_620 = arith.constant 64 : index
      %get3A_621 = tpu.vector_load %arg5[%get3A_618, %get3A_619, %get3A_620] {strides = array<i32>} : memref<25x8x128xi32, #tpu.memory_space<vmem>>, vector<1x1x16xi32>,
      %get3A_622 = vector.shape_cast %get3A_621 : vector<1x1x16xi32> to vector<16xi32>
      %add3A_623 = arith.constant 1 : i32
      %add3A_624 = vector.broadcast %add3A_623 : i32 to vector<16xi32>
      %add3A_625 = arith.addi %get3A_622, %add3A_624 : vector<16xi32>
      %swap3A_626 = arith.constant 4 : i32
      %swap3A_627 = arith.index_cast %add3A_42 : i32 to index
      %swap3A_628 = arith.index_cast %swap3A_626 : i32 to index
      %swap3A_629 = arith.constant 64 : index
      %swap3A_630 = tpu.vector_load %arg5[%swap3A_627, %swap3A_628, %swap3A_629] {strides = array<i32>} : memref<25x8x128xi32, #tpu.memory_space<vmem>>, vector<1x1x16xi32>,
      %swap3A_631 = vector.shape_cast %swap3A_630 : vector<1x1x16xi32> to vector<16xi32>
      %swap3A_632 = vector.shape_cast %add3A_625 : vector<16xi32> to vector<1x1x16xi32>
      tpu.vector_store %arg5[%swap3A_627, %swap3A_628, %swap3A_629], %swap3A_632 {strides = array<i32>} : memref<25x8x128xi32, #tpu.memory_space<vmem>>, vector<1x1x16xi32>,
      %get3A_633 = arith.constant 4 : i32
      %get3A_634 = arith.index_cast %add3A_42 : i32 to index
      %get3A_635 = arith.index_cast %get3A_633 : i32 to index
      %get3A_636 = arith.constant 80 : index
      %get3A_637 = tpu.vector_load %arg5[%get3A_634, %get3A_635, %get3A_636] {strides = array<i32>} : memref<25x8x128xi32, #tpu.memory_space<vmem>>, vector<1x1x16xi32>,
      %get3A_638 = vector.shape_cast %get3A_637 : vector<1x1x16xi32> to vector<16xi32>
      %add3A_639 = arith.constant 1 : i32
      %add3A_640 = vector.broadcast %add3A_639 : i32 to vector<16xi32>
      %add3A_641 = arith.addi %get3A_638, %add3A_640 : vector<16xi32>
      %swap3A_642 = arith.constant 4 : i32
      %swap3A_643 = arith.index_cast %add3A_42 : i32 to index
      %swap3A_644 = arith.index_cast %swap3A_642 : i32 to index
      %swap3A_645 = arith.constant 80 : index
      %swap3A_646 = tpu.vector_load %arg5[%swap3A_643, %swap3A_644, %swap3A_645] {strides = array<i32>} : memref<25x8x128xi32, #tpu.memory_space<vmem>>, vector<1x1x16xi32>,
      %swap3A_647 = vector.shape_cast %swap3A_646 : vector<1x1x16xi32> to vector<16xi32>
      %swap3A_648 = vector.shape_cast %add3A_641 : vector<16xi32> to vector<1x1x16xi32>
      tpu.vector_store %arg5[%swap3A_643, %swap3A_644, %swap3A_645], %swap3A_648 {strides = array<i32>} : memref<25x8x128xi32, #tpu.memory_space<vmem>>, vector<1x1x16xi32>,
      %get3A_649 = arith.constant 4 : i32
      %get3A_650 = arith.index_cast %add3A_42 : i32 to index
      %get3A_651 = arith.index_cast %get3A_649 : i32 to index
      %get3A_652 = arith.constant 96 : index
      %get3A_653 = tpu.vector_load %arg5[%get3A_650, %get3A_651, %get3A_652] {strides = array<i32>} : memref<25x8x128xi32, #tpu.memory_space<vmem>>, vector<1x1x16xi32>,
      %get3A_654 = vector.shape_cast %get3A_653 : vector<1x1x16xi32> to vector<16xi32>
      %add3A_655 = arith.constant 1 : i32
      %add3A_656 = vector.broadcast %add3A_655 : i32 to vector<16xi32>
      %add3A_657 = arith.addi %get3A_654, %add3A_656 : vector<16xi32>
      %swap3A_658 = arith.constant 4 : i32
      %swap3A_659 = arith.index_cast %add3A_42 : i32 to index
      %swap3A_660 = arith.index_cast %swap3A_658 : i32 to index
      %swap3A_661 = arith.constant 96 : index
      %swap3A_662 = tpu.vector_load %arg5[%swap3A_659, %swap3A_660, %swap3A_661] {strides = array<i32>} : memref<25x8x128xi32, #tpu.memory_space<vmem>>, vector<1x1x16xi32>,
      %swap3A_663 = vector.shape_cast %swap3A_662 : vector<1x1x16xi32> to vector<16xi32>
      %swap3A_664 = vector.shape_cast %add3A_657 : vector<16xi32> to vector<1x1x16xi32>
      tpu.vector_store %arg5[%swap3A_659, %swap3A_660, %swap3A_661], %swap3A_664 {strides = array<i32>} : memref<25x8x128xi32, #tpu.memory_space<vmem>>, vector<1x1x16xi32>,
      %get3A_665 = arith.constant 4 : i32
      %get3A_666 = arith.index_cast %add3A_42 : i32 to index
      %get3A_667 = arith.index_cast %get3A_665 : i32 to index
      %get3A_668 = arith.constant 112 : index
      %get3A_669 = tpu.vector_load %arg5[%get3A_666, %get3A_667, %get3A_668] {strides = array<i32>} : memref<25x8x128xi32, #tpu.memory_space<vmem>>, vector<1x1x16xi32>,
      %get3A_670 = vector.shape_cast %get3A_669 : vector<1x1x16xi32> to vector<16xi32>
      %add3A_671 = arith.constant 1 : i32
      %add3A_672 = vector.broadcast %add3A_671 : i32 to vector<16xi32>
      %add3A_673 = arith.addi %get3A_670, %add3A_672 : vector<16xi32>
      %swap3A_674 = arith.constant 4 : i32
      %swap3A_675 = arith.index_cast %add3A_42 : i32 to index
      %swap3A_676 = arith.index_cast %swap3A_674 : i32 to index
      %swap3A_677 = arith.constant 112 : index
      %swap3A_678 = tpu.vector_load %arg5[%swap3A_675, %swap3A_676, %swap3A_677] {strides = array<i32>} : memref<25x8x128xi32, #tpu.memory_space<vmem>>, vector<1x1x16xi32>,
      %swap3A_679 = vector.shape_cast %swap3A_678 : vector<1x1x16xi32> to vector<16xi32>
      %swap3A_680 = vector.shape_cast %add3A_673 : vector<16xi32> to vector<1x1x16xi32>
      tpu.vector_store %arg5[%swap3A_675, %swap3A_676, %swap3A_677], %swap3A_680 {strides = array<i32>} : memref<25x8x128xi32, #tpu.memory_space<vmem>>, vector<1x1x16xi32>,
      %get3A_681 = arith.constant 5 : i32
      %get3A_682 = arith.index_cast %add3A_42 : i32 to index
      %get3A_683 = arith.index_cast %get3A_681 : i32 to index
      %get3A_684 = arith.constant 0 : index
      %get3A_685 = tpu.vector_load %arg5[%get3A_682, %get3A_683, %get3A_684] {strides = array<i32>} : memref<25x8x128xi32, #tpu.memory_space<vmem>>, vector<1x1x16xi32>,
      %get3A_686 = vector.shape_cast %get3A_685 : vector<1x1x16xi32> to vector<16xi32>
      %add3A_687 = arith.constant 1 : i32
      %add3A_688 = vector.broadcast %add3A_687 : i32 to vector<16xi32>
      %add3A_689 = arith.addi %get3A_686, %add3A_688 : vector<16xi32>
      %swap3A_690 = arith.constant 5 : i32
      %swap3A_691 = arith.index_cast %add3A_42 : i32 to index
      %swap3A_692 = arith.index_cast %swap3A_690 : i32 to index
      %swap3A_693 = arith.constant 0 : index
      %swap3A_694 = tpu.vector_load %arg5[%swap3A_691, %swap3A_692, %swap3A_693] {strides = array<i32>} : memref<25x8x128xi32, #tpu.memory_space<vmem>>, vector<1x1x16xi32>,
      %swap3A_695 = vector.shape_cast %swap3A_694 : vector<1x1x16xi32> to vector<16xi32>
      %swap3A_696 = vector.shape_cast %add3A_689 : vector<16xi32> to vector<1x1x16xi32>
      tpu.vector_store %arg5[%swap3A_691, %swap3A_692, %swap3A_693], %swap3A_696 {strides = array<i32>} : memref<25x8x128xi32, #tpu.memory_space<vmem>>, vector<1x1x16xi32>,
      %get3A_697 = arith.constant 5 : i32
      %get3A_698 = arith.index_cast %add3A_42 : i32 to index
      %get3A_699 = arith.index_cast %get3A_697 : i32 to index
      %get3A_700 = arith.constant 16 : index
      %get3A_701 = tpu.vector_load %arg5[%get3A_698, %get3A_699, %get3A_700] {strides = array<i32>} : memref<25x8x128xi32, #tpu.memory_space<vmem>>, vector<1x1x16xi32>,
      %get3A_702 = vector.shape_cast %get3A_701 : vector<1x1x16xi32> to vector<16xi32>
      %add3A_703 = arith.constant 1 : i32
      %add3A_704 = vector.broadcast %add3A_703 : i32 to vector<16xi32>
      %add3A_705 = arith.addi %get3A_702, %add3A_704 : vector<16xi32>
      %swap3A_706 = arith.constant 5 : i32
      %swap3A_707 = arith.index_cast %add3A_42 : i32 to index
      %swap3A_708 = arith.index_cast %swap3A_706 : i32 to index
      %swap3A_709 = arith.constant 16 : index
      %swap3A_710 = tpu.vector_load %arg5[%swap3A_707, %swap3A_708, %swap3A_709] {strides = array<i32>} : memref<25x8x128xi32, #tpu.memory_space<vmem>>, vector<1x1x16xi32>,
      %swap3A_711 = vector.shape_cast %swap3A_710 : vector<1x1x16xi32> to vector<16xi32>
      %swap3A_712 = vector.shape_cast %add3A_705 : vector<16xi32> to vector<1x1x16xi32>
      tpu.vector_store %arg5[%swap3A_707, %swap3A_708, %swap3A_709], %swap3A_712 {strides = array<i32>} : memref<25x8x128xi32, #tpu.memory_space<vmem>>, vector<1x1x16xi32>,
      %get3A_713 = arith.constant 5 : i32
      %get3A_714 = arith.index_cast %add3A_42 : i32 to index
      %get3A_715 = arith.index_cast %get3A_713 : i32 to index
      %get3A_716 = arith.constant 32 : index
      %get3A_717 = tpu.vector_load %arg5[%get3A_714, %get3A_715, %get3A_716] {strides = array<i32>} : memref<25x8x128xi32, #tpu.memory_space<vmem>>, vector<1x1x16xi32>,
      %get3A_718 = vector.shape_cast %get3A_717 : vector<1x1x16xi32> to vector<16xi32>
      %add3A_719 = arith.constant 1 : i32
      %add3A_720 = vector.broadcast %add3A_719 : i32 to vector<16xi32>
      %add3A_721 = arith.addi %get3A_718, %add3A_720 : vector<16xi32>
      %swap3A_722 = arith.constant 5 : i32
      %swap3A_723 = arith.index_cast %add3A_42 : i32 to index
      %swap3A_724 = arith.index_cast %swap3A_722 : i32 to index
      %swap3A_725 = arith.constant 32 : index
      %swap3A_726 = tpu.vector_load %arg5[%swap3A_723, %swap3A_724, %swap3A_725] {strides = array<i32>} : memref<25x8x128xi32, #tpu.memory_space<vmem>>, vector<1x1x16xi32>,
      %swap3A_727 = vector.shape_cast %swap3A_726 : vector<1x1x16xi32> to vector<16xi32>
      %swap3A_728 = vector.shape_cast %add3A_721 : vector<16xi32> to vector<1x1x16xi32>
      tpu.vector_store %arg5[%swap3A_723, %swap3A_724, %swap3A_725], %swap3A_728 {strides = array<i32>} : memref<25x8x128xi32, #tpu.memory_space<vmem>>, vector<1x1x16xi32>,
      %get3A_729 = arith.constant 5 : i32
      %get3A_730 = arith.index_cast %add3A_42 : i32 to index
      %get3A_731 = arith.index_cast %get3A_729 : i32 to index
      %get3A_732 = arith.constant 48 : index
      %get3A_733 = tpu.vector_load %arg5[%get3A_730, %get3A_731, %get3A_732] {strides = array<i32>} : memref<25x8x128xi32, #tpu.memory_space<vmem>>, vector<1x1x16xi32>,
      %get3A_734 = vector.shape_cast %get3A_733 : vector<1x1x16xi32> to vector<16xi32>
      %add3A_735 = arith.constant 1 : i32
      %add3A_736 = vector.broadcast %add3A_735 : i32 to vector<16xi32>
      %add3A_737 = arith.addi %get3A_734, %add3A_736 : vector<16xi32>
      %swap3A_738 = arith.constant 5 : i32
      %swap3A_739 = arith.index_cast %add3A_42 : i32 to index
      %swap3A_740 = arith.index_cast %swap3A_738 : i32 to index
      %swap3A_741 = arith.constant 48 : index
      %swap3A_742 = tpu.vector_load %arg5[%swap3A_739, %swap3A_740, %swap3A_741] {strides = array<i32>} : memref<25x8x128xi32, #tpu.memory_space<vmem>>, vector<1x1x16xi32>,
      %swap3A_743 = vector.shape_cast %swap3A_742 : vector<1x1x16xi32> to vector<16xi32>
      %swap3A_744 = vector.shape_cast %add3A_737 : vector<16xi32> to vector<1x1x16xi32>
      tpu.vector_store %arg5[%swap3A_739, %swap3A_740, %swap3A_741], %swap3A_744 {strides = array<i32>} : memref<25x8x128xi32, #tpu.memory_space<vmem>>, vector<1x1x16xi32>,
      %get3A_745 = arith.constant 5 : i32
      %get3A_746 = arith.index_cast %add3A_42 : i32 to index
      %get3A_747 = arith.index_cast %get3A_745 : i32 to index
      %get3A_748 = arith.constant 64 : index
      %get3A_749 = tpu.vector_load %arg5[%get3A_746, %get3A_747, %get3A_748] {strides = array<i32>} : memref<25x8x128xi32, #tpu.memory_space<vmem>>, vector<1x1x16xi32>,
      %get3A_750 = vector.shape_cast %get3A_749 : vector<1x1x16xi32> to vector<16xi32>
      %add3A_751 = arith.constant 1 : i32
      %add3A_752 = vector.broadcast %add3A_751 : i32 to vector<16xi32>
      %add3A_753 = arith.addi %get3A_750, %add3A_752 : vector<16xi32>
      %swap3A_754 = arith.constant 5 : i32
      %swap3A_755 = arith.index_cast %add3A_42 : i32 to index
      %swap3A_756 = arith.index_cast %swap3A_754 : i32 to index
      %swap3A_757 = arith.constant 64 : index
      %swap3A_758 = tpu.vector_load %arg5[%swap3A_755, %swap3A_756, %swap3A_757] {strides = array<i32>} : memref<25x8x128xi32, #tpu.memory_space<vmem>>, vector<1x1x16xi32>,
      %swap3A_759 = vector.shape_cast %swap3A_758 : vector<1x1x16xi32> to vector<16xi32>
      %swap3A_760 = vector.shape_cast %add3A_753 : vector<16xi32> to vector<1x1x16xi32>
      tpu.vector_store %arg5[%swap3A_755, %swap3A_756, %swap3A_757], %swap3A_760 {strides = array<i32>} : memref<25x8x128xi32, #tpu.memory_space<vmem>>, vector<1x1x16xi32>,
      %get3A_761 = arith.constant 5 : i32
      %get3A_762 = arith.index_cast %add3A_42 : i32 to index
      %get3A_763 = arith.index_cast %get3A_761 : i32 to index
      %get3A_764 = arith.constant 80 : index
      %get3A_765 = tpu.vector_load %arg5[%get3A_762, %get3A_763, %get3A_764] {strides = array<i32>} : memref<25x8x128xi32, #tpu.memory_space<vmem>>, vector<1x1x16xi32>,
      %get3A_766 = vector.shape_cast %get3A_765 : vector<1x1x16xi32> to vector<16xi32>
      %add3A_767 = arith.constant 1 : i32
      %add3A_768 = vector.broadcast %add3A_767 : i32 to vector<16xi32>
      %add3A_769 = arith.addi %get3A_766, %add3A_768 : vector<16xi32>
      %swap3A_770 = arith.constant 5 : i32
      %swap3A_771 = arith.index_cast %add3A_42 : i32 to index
      %swap3A_772 = arith.index_cast %swap3A_770 : i32 to index
      %swap3A_773 = arith.constant 80 : index
      %swap3A_774 = tpu.vector_load %arg5[%swap3A_771, %swap3A_772, %swap3A_773] {strides = array<i32>} : memref<25x8x128xi32, #tpu.memory_space<vmem>>, vector<1x1x16xi32>,
      %swap3A_775 = vector.shape_cast %swap3A_774 : vector<1x1x16xi32> to vector<16xi32>
      %swap3A_776 = vector.shape_cast %add3A_769 : vector<16xi32> to vector<1x1x16xi32>
      tpu.vector_store %arg5[%swap3A_771, %swap3A_772, %swap3A_773], %swap3A_776 {strides = array<i32>} : memref<25x8x128xi32, #tpu.memory_space<vmem>>, vector<1x1x16xi32>,
      %get3A_777 = arith.constant 5 : i32
      %get3A_778 = arith.index_cast %add3A_42 : i32 to index
      %get3A_779 = arith.index_cast %get3A_777 : i32 to index
      %get3A_780 = arith.constant 96 : index
      %get3A_781 = tpu.vector_load %arg5[%get3A_778, %get3A_779, %get3A_780] {strides = array<i32>} : memref<25x8x128xi32, #tpu.memory_space<vmem>>, vector<1x1x16xi32>,
      %get3A_782 = vector.shape_cast %get3A_781 : vector<1x1x16xi32> to vector<16xi32>
      %add3A_783 = arith.constant 1 : i32
      %add3A_784 = vector.broadcast %add3A_783 : i32 to vector<16xi32>
      %add3A_785 = arith.addi %get3A_782, %add3A_784 : vector<16xi32>
      %swap3A_786 = arith.constant 5 : i32
      %swap3A_787 = arith.index_cast %add3A_42 : i32 to index
      %swap3A_788 = arith.index_cast %swap3A_786 : i32 to index
      %swap3A_789 = arith.constant 96 : index
      %swap3A_790 = tpu.vector_load %arg5[%swap3A_787, %swap3A_788, %swap3A_789] {strides = array<i32>} : memref<25x8x128xi32, #tpu.memory_space<vmem>>, vector<1x1x16xi32>,
      %swap3A_791 = vector.shape_cast %swap3A_790 : vector<1x1x16xi32> to vector<16xi32>
      %swap3A_792 = vector.shape_cast %add3A_785 : vector<16xi32> to vector<1x1x16xi32>
      tpu.vector_store %arg5[%swap3A_787, %swap3A_788, %swap3A_789], %swap3A_792 {strides = array<i32>} : memref<25x8x128xi32, #tpu.memory_space<vmem>>, vector<1x1x16xi32>,
      %get3A_793 = arith.constant 5 : i32
      %get3A_794 = arith.index_cast %add3A_42 : i32 to index
      %get3A_795 = arith.index_cast %get3A_793 : i32 to index
      %get3A_796 = arith.constant 112 : index
      %get3A_797 = tpu.vector_load %arg5[%get3A_794, %get3A_795, %get3A_796] {strides = array<i32>} : memref<25x8x128xi32, #tpu.memory_space<vmem>>, vector<1x1x16xi32>,
      %get3A_798 = vector.shape_cast %get3A_797 : vector<1x1x16xi32> to vector<16xi32>
      %add3A_799 = arith.constant 1 : i32
      %add3A_800 = vector.broadcast %add3A_799 : i32 to vector<16xi32>
      %add3A_801 = arith.addi %get3A_798, %add3A_800 : vector<16xi32>
      %swap3A_802 = arith.constant 5 : i32
      %swap3A_803 = arith.index_cast %add3A_42 : i32 to index
      %swap3A_804 = arith.index_cast %swap3A_802 : i32 to index
      %swap3A_805 = arith.constant 112 : index
      %swap3A_806 = tpu.vector_load %arg5[%swap3A_803, %swap3A_804, %swap3A_805] {strides = array<i32>} : memref<25x8x128xi32, #tpu.memory_space<vmem>>, vector<1x1x16xi32>,
      %swap3A_807 = vector.shape_cast %swap3A_806 : vector<1x1x16xi32> to vector<16xi32>
      %swap3A_808 = vector.shape_cast %add3A_801 : vector<16xi32> to vector<1x1x16xi32>
      tpu.vector_store %arg5[%swap3A_803, %swap3A_804, %swap3A_805], %swap3A_808 {strides = array<i32>} : memref<25x8x128xi32, #tpu.memory_space<vmem>>, vector<1x1x16xi32>,
      %get3A_809 = arith.constant 6 : i32
      %get3A_810 = arith.index_cast %add3A_42 : i32 to index
      %get3A_811 = arith.index_cast %get3A_809 : i32 to index
      %get3A_812 = arith.constant 0 : index
      %get3A_813 = tpu.vector_load %arg5[%get3A_810, %get3A_811, %get3A_812] {strides = array<i32>} : memref<25x8x128xi32, #tpu.memory_space<vmem>>, vector<1x1x16xi32>,
      %get3A_814 = vector.shape_cast %get3A_813 : vector<1x1x16xi32> to vector<16xi32>
      %add3A_815 = arith.constant 1 : i32
      %add3A_816 = vector.broadcast %add3A_815 : i32 to vector<16xi32>
      %add3A_817 = arith.addi %get3A_814, %add3A_816 : vector<16xi32>
      %swap3A_818 = arith.constant 6 : i32
      %swap3A_819 = arith.index_cast %add3A_42 : i32 to index
      %swap3A_820 = arith.index_cast %swap3A_818 : i32 to index
      %swap3A_821 = arith.constant 0 : index
      %swap3A_822 = tpu.vector_load %arg5[%swap3A_819, %swap3A_820, %swap3A_821] {strides = array<i32>} : memref<25x8x128xi32, #tpu.memory_space<vmem>>, vector<1x1x16xi32>,
      %swap3A_823 = vector.shape_cast %swap3A_822 : vector<1x1x16xi32> to vector<16xi32>
      %swap3A_824 = vector.shape_cast %add3A_817 : vector<16xi32> to vector<1x1x16xi32>
      tpu.vector_store %arg5[%swap3A_819, %swap3A_820, %swap3A_821], %swap3A_824 {strides = array<i32>} : memref<25x8x128xi32, #tpu.memory_space<vmem>>, vector<1x1x16xi32>,
      %get3A_825 = arith.constant 6 : i32
      %get3A_826 = arith.index_cast %add3A_42 : i32 to index
      %get3A_827 = arith.index_cast %get3A_825 : i32 to index
      %get3A_828 = arith.constant 16 : index
      %get3A_829 = tpu.vector_load %arg5[%get3A_826, %get3A_827, %get3A_828] {strides = array<i32>} : memref<25x8x128xi32, #tpu.memory_space<vmem>>, vector<1x1x16xi32>,
      %get3A_830 = vector.shape_cast %get3A_829 : vector<1x1x16xi32> to vector<16xi32>
      %add3A_831 = arith.constant 1 : i32
      %add3A_832 = vector.broadcast %add3A_831 : i32 to vector<16xi32>
      %add3A_833 = arith.addi %get3A_830, %add3A_832 : vector<16xi32>
      %swap3A_834 = arith.constant 6 : i32
      %swap3A_835 = arith.index_cast %add3A_42 : i32 to index
      %swap3A_836 = arith.index_cast %swap3A_834 : i32 to index
      %swap3A_837 = arith.constant 16 : index
      %swap3A_838 = tpu.vector_load %arg5[%swap3A_835, %swap3A_836, %swap3A_837] {strides = array<i32>} : memref<25x8x128xi32, #tpu.memory_space<vmem>>, vector<1x1x16xi32>,
      %swap3A_839 = vector.shape_cast %swap3A_838 : vector<1x1x16xi32> to vector<16xi32>
      %swap3A_840 = vector.shape_cast %add3A_833 : vector<16xi32> to vector<1x1x16xi32>
      tpu.vector_store %arg5[%swap3A_835, %swap3A_836, %swap3A_837], %swap3A_840 {strides = array<i32>} : memref<25x8x128xi32, #tpu.memory_space<vmem>>, vector<1x1x16xi32>,
      %get3A_841 = arith.constant 6 : i32
      %get3A_842 = arith.index_cast %add3A_42 : i32 to index
      %get3A_843 = arith.index_cast %get3A_841 : i32 to index
      %get3A_844 = arith.constant 32 : index
      %get3A_845 = tpu.vector_load %arg5[%get3A_842, %get3A_843, %get3A_844] {strides = array<i32>} : memref<25x8x128xi32, #tpu.memory_space<vmem>>, vector<1x1x16xi32>,
      %get3A_846 = vector.shape_cast %get3A_845 : vector<1x1x16xi32> to vector<16xi32>
      %add3A_847 = arith.constant 1 : i32
      %add3A_848 = vector.broadcast %add3A_847 : i32 to vector<16xi32>
      %add3A_849 = arith.addi %get3A_846, %add3A_848 : vector<16xi32>
      %swap3A_850 = arith.constant 6 : i32
      %swap3A_851 = arith.index_cast %add3A_42 : i32 to index
      %swap3A_852 = arith.index_cast %swap3A_850 : i32 to index
      %swap3A_853 = arith.constant 32 : index
      %swap3A_854 = tpu.vector_load %arg5[%swap3A_851, %swap3A_852, %swap3A_853] {strides = array<i32>} : memref<25x8x128xi32, #tpu.memory_space<vmem>>, vector<1x1x16xi32>,
      %swap3A_855 = vector.shape_cast %swap3A_854 : vector<1x1x16xi32> to vector<16xi32>
      %swap3A_856 = vector.shape_cast %add3A_849 : vector<16xi32> to vector<1x1x16xi32>
      tpu.vector_store %arg5[%swap3A_851, %swap3A_852, %swap3A_853], %swap3A_856 {strides = array<i32>} : memref<25x8x128xi32, #tpu.memory_space<vmem>>, vector<1x1x16xi32>,
      %get3A_857 = arith.constant 6 : i32
      %get3A_858 = arith.index_cast %add3A_42 : i32 to index
      %get3A_859 = arith.index_cast %get3A_857 : i32 to index
      %get3A_860 = arith.constant 48 : index
      %get3A_861 = tpu.vector_load %arg5[%get3A_858, %get3A_859, %get3A_860] {strides = array<i32>} : memref<25x8x128xi32, #tpu.memory_space<vmem>>, vector<1x1x16xi32>,
      %get3A_862 = vector.shape_cast %get3A_861 : vector<1x1x16xi32> to vector<16xi32>
      %add3A_863 = arith.constant 1 : i32
      %add3A_864 = vector.broadcast %add3A_863 : i32 to vector<16xi32>
      %add3A_865 = arith.addi %get3A_862, %add3A_864 : vector<16xi32>
      %swap3A_866 = arith.constant 6 : i32
      %swap3A_867 = arith.index_cast %add3A_42 : i32 to index
      %swap3A_868 = arith.index_cast %swap3A_866 : i32 to index
      %swap3A_869 = arith.constant 48 : index
      %swap3A_870 = tpu.vector_load %arg5[%swap3A_867, %swap3A_868, %swap3A_869] {strides = array<i32>} : memref<25x8x128xi32, #tpu.memory_space<vmem>>, vector<1x1x16xi32>,
      %swap3A_871 = vector.shape_cast %swap3A_870 : vector<1x1x16xi32> to vector<16xi32>
      %swap3A_872 = vector.shape_cast %add3A_865 : vector<16xi32> to vector<1x1x16xi32>
      tpu.vector_store %arg5[%swap3A_867, %swap3A_868, %swap3A_869], %swap3A_872 {strides = array<i32>} : memref<25x8x128xi32, #tpu.memory_space<vmem>>, vector<1x1x16xi32>,
      %get3A_873 = arith.constant 6 : i32
      %get3A_874 = arith.index_cast %add3A_42 : i32 to index
      %get3A_875 = arith.index_cast %get3A_873 : i32 to index
      %get3A_876 = arith.constant 64 : index
      %get3A_877 = tpu.vector_load %arg5[%get3A_874, %get3A_875, %get3A_876] {strides = array<i32>} : memref<25x8x128xi32, #tpu.memory_space<vmem>>, vector<1x1x16xi32>,
      %get3A_878 = vector.shape_cast %get3A_877 : vector<1x1x16xi32> to vector<16xi32>
      %add3A_879 = arith.constant 1 : i32
      %add3A_880 = vector.broadcast %add3A_879 : i32 to vector<16xi32>
      %add3A_881 = arith.addi %get3A_878, %add3A_880 : vector<16xi32>
      %swap3A_882 = arith.constant 6 : i32
      %swap3A_883 = arith.index_cast %add3A_42 : i32 to index
      %swap3A_884 = arith.index_cast %swap3A_882 : i32 to index
      %swap3A_885 = arith.constant 64 : index
      %swap3A_886 = tpu.vector_load %arg5[%swap3A_883, %swap3A_884, %swap3A_885] {strides = array<i32>} : memref<25x8x128xi32, #tpu.memory_space<vmem>>, vector<1x1x16xi32>,
      %swap3A_887 = vector.shape_cast %swap3A_886 : vector<1x1x16xi32> to vector<16xi32>
      %swap3A_888 = vector.shape_cast %add3A_881 : vector<16xi32> to vector<1x1x16xi32>
      tpu.vector_store %arg5[%swap3A_883, %swap3A_884, %swap3A_885], %swap3A_888 {strides = array<i32>} : memref<25x8x128xi32, #tpu.memory_space<vmem>>, vector<1x1x16xi32>,
      %get3A_889 = arith.constant 6 : i32
      %get3A_890 = arith.index_cast %add3A_42 : i32 to index
      %get3A_891 = arith.index_cast %get3A_889 : i32 to index
      %get3A_892 = arith.constant 80 : index
      %get3A_893 = tpu.vector_load %arg5[%get3A_890, %get3A_891, %get3A_892] {strides = array<i32>} : memref<25x8x128xi32, #tpu.memory_space<vmem>>, vector<1x1x16xi32>,
      %get3A_894 = vector.shape_cast %get3A_893 : vector<1x1x16xi32> to vector<16xi32>
      %add3A_895 = arith.constant 1 : i32
      %add3A_896 = vector.broadcast %add3A_895 : i32 to vector<16xi32>
      %add3A_897 = arith.addi %get3A_894, %add3A_896 : vector<16xi32>
      %swap3A_898 = arith.constant 6 : i32
      %swap3A_899 = arith.index_cast %add3A_42 : i32 to index
      %swap3A_900 = arith.index_cast %swap3A_898 : i32 to index
      %swap3A_901 = arith.constant 80 : index
      %swap3A_902 = tpu.vector_load %arg5[%swap3A_899, %swap3A_900, %swap3A_901] {strides = array<i32>} : memref<25x8x128xi32, #tpu.memory_space<vmem>>, vector<1x1x16xi32>,
      %swap3A_903 = vector.shape_cast %swap3A_902 : vector<1x1x16xi32> to vector<16xi32>
      %swap3A_904 = vector.shape_cast %add3A_897 : vector<16xi32> to vector<1x1x16xi32>
      tpu.vector_store %arg5[%swap3A_899, %swap3A_900, %swap3A_901], %swap3A_904 {strides = array<i32>} : memref<25x8x128xi32, #tpu.memory_space<vmem>>, vector<1x1x16xi32>,
      %get3A_905 = arith.constant 6 : i32
      %get3A_906 = arith.index_cast %add3A_42 : i32 to index
      %get3A_907 = arith.index_cast %get3A_905 : i32 to index
      %get3A_908 = arith.constant 96 : index
      %get3A_909 = tpu.vector_load %arg5[%get3A_906, %get3A_907, %get3A_908] {strides = array<i32>} : memref<25x8x128xi32, #tpu.memory_space<vmem>>, vector<1x1x16xi32>,
      %get3A_910 = vector.shape_cast %get3A_909 : vector<1x1x16xi32> to vector<16xi32>
      %add3A_911 = arith.constant 1 : i32
      %add3A_912 = vector.broadcast %add3A_911 : i32 to vector<16xi32>
      %add3A_913 = arith.addi %get3A_910, %add3A_912 : vector<16xi32>
      %swap3A_914 = arith.constant 6 : i32
      %swap3A_915 = arith.index_cast %add3A_42 : i32 to index
      %swap3A_916 = arith.index_cast %swap3A_914 : i32 to index
      %swap3A_917 = arith.constant 96 : index
      %swap3A_918 = tpu.vector_load %arg5[%swap3A_915, %swap3A_916, %swap3A_917] {strides = array<i32>} : memref<25x8x128xi32, #tpu.memory_space<vmem>>, vector<1x1x16xi32>,
      %swap3A_919 = vector.shape_cast %swap3A_918 : vector<1x1x16xi32> to vector<16xi32>
      %swap3A_920 = vector.shape_cast %add3A_913 : vector<16xi32> to vector<1x1x16xi32>
      tpu.vector_store %arg5[%swap3A_915, %swap3A_916, %swap3A_917], %swap3A_920 {strides = array<i32>} : memref<25x8x128xi32, #tpu.memory_space<vmem>>, vector<1x1x16xi32>,
      %get3A_921 = arith.constant 6 : i32
      %get3A_922 = arith.index_cast %add3A_42 : i32 to index
      %get3A_923 = arith.index_cast %get3A_921 : i32 to index
      %get3A_924 = arith.constant 112 : index
      %get3A_925 = tpu.vector_load %arg5[%get3A_922, %get3A_923, %get3A_924] {strides = array<i32>} : memref<25x8x128xi32, #tpu.memory_space<vmem>>, vector<1x1x16xi32>,
      %get3A_926 = vector.shape_cast %get3A_925 : vector<1x1x16xi32> to vector<16xi32>
      %add3A_927 = arith.constant 1 : i32
      %add3A_928 = vector.broadcast %add3A_927 : i32 to vector<16xi32>
      %add3A_929 = arith.addi %get3A_926, %add3A_928 : vector<16xi32>
      %swap3A_930 = arith.constant 6 : i32
      %swap3A_931 = arith.index_cast %add3A_42 : i32 to index
      %swap3A_932 = arith.index_cast %swap3A_930 : i32 to index
      %swap3A_933 = arith.constant 112 : index
      %swap3A_934 = tpu.vector_load %arg5[%swap3A_931, %swap3A_932, %swap3A_933] {strides = array<i32>} : memref<25x8x128xi32, #tpu.memory_space<vmem>>, vector<1x1x16xi32>,
      %swap3A_935 = vector.shape_cast %swap3A_934 : vector<1x1x16xi32> to vector<16xi32>
      %swap3A_936 = vector.shape_cast %add3A_929 : vector<16xi32> to vector<1x1x16xi32>
      tpu.vector_store %arg5[%swap3A_931, %swap3A_932, %swap3A_933], %swap3A_936 {strides = array<i32>} : memref<25x8x128xi32, #tpu.memory_space<vmem>>, vector<1x1x16xi32>,
      %get3A_937 = arith.constant 7 : i32
      %get3A_938 = arith.index_cast %add3A_42 : i32 to index
      %get3A_939 = arith.index_cast %get3A_937 : i32 to index
      %get3A_940 = arith.constant 0 : index
      %get3A_941 = tpu.vector_load %arg5[%get3A_938, %get3A_939, %get3A_940] {strides = array<i32>} : memref<25x8x128xi32, #tpu.memory_space<vmem>>, vector<1x1x16xi32>,
      %get3A_942 = vector.shape_cast %get3A_941 : vector<1x1x16xi32> to vector<16xi32>
      %add3A_943 = arith.constant 1 : i32
      %add3A_944 = vector.broadcast %add3A_943 : i32 to vector<16xi32>
      %add3A_945 = arith.addi %get3A_942, %add3A_944 : vector<16xi32>
      %swap3A_946 = arith.constant 7 : i32
      %swap3A_947 = arith.index_cast %add3A_42 : i32 to index
      %swap3A_948 = arith.index_cast %swap3A_946 : i32 to index
      %swap3A_949 = arith.constant 0 : index
      %swap3A_950 = tpu.vector_load %arg5[%swap3A_947, %swap3A_948, %swap3A_949] {strides = array<i32>} : memref<25x8x128xi32, #tpu.memory_space<vmem>>, vector<1x1x16xi32>,
      %swap3A_951 = vector.shape_cast %swap3A_950 : vector<1x1x16xi32> to vector<16xi32>
      %swap3A_952 = vector.shape_cast %add3A_945 : vector<16xi32> to vector<1x1x16xi32>
      tpu.vector_store %arg5[%swap3A_947, %swap3A_948, %swap3A_949], %swap3A_952 {strides = array<i32>} : memref<25x8x128xi32, #tpu.memory_space<vmem>>, vector<1x1x16xi32>,
      %get3A_953 = arith.constant 7 : i32
      %get3A_954 = arith.index_cast %add3A_42 : i32 to index
      %get3A_955 = arith.index_cast %get3A_953 : i32 to index
      %get3A_956 = arith.constant 16 : index
      %get3A_957 = tpu.vector_load %arg5[%get3A_954, %get3A_955, %get3A_956] {strides = array<i32>} : memref<25x8x128xi32, #tpu.memory_space<vmem>>, vector<1x1x16xi32>,
      %get3A_958 = vector.shape_cast %get3A_957 : vector<1x1x16xi32> to vector<16xi32>
      %add3A_959 = arith.constant 1 : i32
      %add3A_960 = vector.broadcast %add3A_959 : i32 to vector<16xi32>
      %add3A_961 = arith.addi %get3A_958, %add3A_960 : vector<16xi32>
      %swap3A_962 = arith.constant 7 : i32
      %swap3A_963 = arith.index_cast %add3A_42 : i32 to index
      %swap3A_964 = arith.index_cast %swap3A_962 : i32 to index
      %swap3A_965 = arith.constant 16 : index
      %swap3A_966 = tpu.vector_load %arg5[%swap3A_963, %swap3A_964, %swap3A_965] {strides = array<i32>} : memref<25x8x128xi32, #tpu.memory_space<vmem>>, vector<1x1x16xi32>,
      %swap3A_967 = vector.shape_cast %swap3A_966 : vector<1x1x16xi32> to vector<16xi32>
      %swap3A_968 = vector.shape_cast %add3A_961 : vector<16xi32> to vector<1x1x16xi32>
      tpu.vector_store %arg5[%swap3A_963, %swap3A_964, %swap3A_965], %swap3A_968 {strides = array<i32>} : memref<25x8x128xi32, #tpu.memory_space<vmem>>, vector<1x1x16xi32>,
      %get3A_969 = arith.constant 7 : i32
      %get3A_970 = arith.index_cast %add3A_42 : i32 to index
      %get3A_971 = arith.index_cast %get3A_969 : i32 to index
      %get3A_972 = arith.constant 32 : index
      %get3A_973 = tpu.vector_load %arg5[%get3A_970, %get3A_971, %get3A_972] {strides = array<i32>} : memref<25x8x128xi32, #tpu.memory_space<vmem>>, vector<1x1x16xi32>,
      %get3A_974 = vector.shape_cast %get3A_973 : vector<1x1x16xi32> to vector<16xi32>
      %add3A_975 = arith.constant 1 : i32
      %add3A_976 = vector.broadcast %add3A_975 : i32 to vector<16xi32>
      %add3A_977 = arith.addi %get3A_974, %add3A_976 : vector<16xi32>
      %swap3A_978 = arith.constant 7 : i32
      %swap3A_979 = arith.index_cast %add3A_42 : i32 to index
      %swap3A_980 = arith.index_cast %swap3A_978 : i32 to index
      %swap3A_981 = arith.constant 32 : index
      %swap3A_982 = tpu.vector_load %arg5[%swap3A_979, %swap3A_980, %swap3A_981] {strides = array<i32>} : memref<25x8x128xi32, #tpu.memory_space<vmem>>, vector<1x1x16xi32>,
      %swap3A_983 = vector.shape_cast %swap3A_982 : vector<1x1x16xi32> to vector<16xi32>
      %swap3A_984 = vector.shape_cast %add3A_977 : vector<16xi32> to vector<1x1x16xi32>
      tpu.vector_store %arg5[%swap3A_979, %swap3A_980, %swap3A_981], %swap3A_984 {strides = array<i32>} : memref<25x8x128xi32, #tpu.memory_space<vmem>>, vector<1x1x16xi32>,
      %get3A_985 = arith.constant 7 : i32
      %get3A_986 = arith.index_cast %add3A_42 : i32 to index
      %get3A_987 = arith.index_cast %get3A_985 : i32 to index
      %get3A_988 = arith.constant 48 : index
      %get3A_989 = tpu.vector_load %arg5[%get3A_986, %get3A_987, %get3A_988] {strides = array<i32>} : memref<25x8x128xi32, #tpu.memory_space<vmem>>, vector<1x1x16xi32>,
      %get3A_990 = vector.shape_cast %get3A_989 : vector<1x1x16xi32> to vector<16xi32>
      %add3A_991 = arith.constant 1 : i32
      %add3A_992 = vector.broadcast %add3A_991 : i32 to vector<16xi32>
      %add3A_993 = arith.addi %get3A_990, %add3A_992 : vector<16xi32>
      %swap3A_994 = arith.constant 7 : i32
      %swap3A_995 = arith.index_cast %add3A_42 : i32 to index
      %swap3A_996 = arith.index_cast %swap3A_994 : i32 to index
      %swap3A_997 = arith.constant 48 : index
      %swap3A_998 = tpu.vector_load %arg5[%swap3A_995, %swap3A_996, %swap3A_997] {strides = array<i32>} : memref<25x8x128xi32, #tpu.memory_space<vmem>>, vector<1x1x16xi32>,
      %swap3A_999 = vector.shape_cast %swap3A_998 : vector<1x1x16xi32> to vector<16xi32>
      %swap3A_1000 = vector.shape_cast %add3A_993 : vector<16xi32> to vector<1x1x16xi32>
      tpu.vector_store %arg5[%swap3A_995, %swap3A_996, %swap3A_997], %swap3A_1000 {strides = array<i32>} : memref<25x8x128xi32, #tpu.memory_space<vmem>>, vector<1x1x16xi32>,
      %get3A_1001 = arith.constant 7 : i32
      %get3A_1002 = arith.index_cast %add3A_42 : i32 to index
      %get3A_1003 = arith.index_cast %get3A_1001 : i32 to index
      %get3A_1004 = arith.constant 64 : index
      %get3A_1005 = tpu.vector_load %arg5[%get3A_1002, %get3A_1003, %get3A_1004] {strides = array<i32>} : memref<25x8x128xi32, #tpu.memory_space<vmem>>, vector<1x1x16xi32>,
      %get3A_1006 = vector.shape_cast %get3A_1005 : vector<1x1x16xi32> to vector<16xi32>
      %add3A_1007 = arith.constant 1 : i32
      %add3A_1008 = vector.broadcast %add3A_1007 : i32 to vector<16xi32>
      %add3A_1009 = arith.addi %get3A_1006, %add3A_1008 : vector<16xi32>
      %swap3A_1010 = arith.constant 7 : i32
      %swap3A_1011 = arith.index_cast %add3A_42 : i32 to index
      %swap3A_1012 = arith.index_cast %swap3A_1010 : i32 to index
      %swap3A_1013 = arith.constant 64 : index
      %swap3A_1014 = tpu.vector_load %arg5[%swap3A_1011, %swap3A_1012, %swap3A_1013] {strides = array<i32>} : memref<25x8x128xi32, #tpu.memory_space<vmem>>, vector<1x1x16xi32>,
      %swap3A_1015 = vector.shape_cast %swap3A_1014 : vector<1x1x16xi32> to vector<16xi32>
      %swap3A_1016 = vector.shape_cast %add3A_1009 : vector<16xi32> to vector<1x1x16xi32>
      tpu.vector_store %arg5[%swap3A_1011, %swap3A_1012, %swap3A_1013], %swap3A_1016 {strides = array<i32>} : memref<25x8x128xi32, #tpu.memory_space<vmem>>, vector<1x1x16xi32>,
      %get3A_1017 = arith.constant 7 : i32
      %get3A_1018 = arith.index_cast %add3A_42 : i32 to index
      %get3A_1019 = arith.index_cast %get3A_1017 : i32 to index
      %get3A_1020 = arith.constant 80 : index
      %get3A_1021 = tpu.vector_load %arg5[%get3A_1018, %get3A_1019, %get3A_1020] {strides = array<i32>} : memref<25x8x128xi32, #tpu.memory_space<vmem>>, vector<1x1x16xi32>,
      %get3A_1022 = vector.shape_cast %get3A_1021 : vector<1x1x16xi32> to vector<16xi32>
      %add3A_1023 = arith.constant 1 : i32
      %add3A_1024 = vector.broadcast %add3A_1023 : i32 to vector<16xi32>
      %add3A_1025 = arith.addi %get3A_1022, %add3A_1024 : vector<16xi32>
      %swap3A_1026 = arith.constant 7 : i32
      %swap3A_1027 = arith.index_cast %add3A_42 : i32 to index
      %swap3A_1028 = arith.index_cast %swap3A_1026 : i32 to index
      %swap3A_1029 = arith.constant 80 : index
      %swap3A_1030 = tpu.vector_load %arg5[%swap3A_1027, %swap3A_1028, %swap3A_1029] {strides = array<i32>} : memref<25x8x128xi32, #tpu.memory_space<vmem>>, vector<1x1x16xi32>,
      %swap3A_1031 = vector.shape_cast %swap3A_1030 : vector<1x1x16xi32> to vector<16xi32>
      %swap3A_1032 = vector.shape_cast %add3A_1025 : vector<16xi32> to vector<1x1x16xi32>
      tpu.vector_store %arg5[%swap3A_1027, %swap3A_1028, %swap3A_1029], %swap3A_1032 {strides = array<i32>} : memref<25x8x128xi32, #tpu.memory_space<vmem>>, vector<1x1x16xi32>,
      %get3A_1033 = arith.constant 7 : i32
      %get3A_1034 = arith.index_cast %add3A_42 : i32 to index
      %get3A_1035 = arith.index_cast %get3A_1033 : i32 to index
      %get3A_1036 = arith.constant 96 : index
      %get3A_1037 = tpu.vector_load %arg5[%get3A_1034, %get3A_1035, %get3A_1036] {strides = array<i32>} : memref<25x8x128xi32, #tpu.memory_space<vmem>>, vector<1x1x16xi32>,
      %get3A_1038 = vector.shape_cast %get3A_1037 : vector<1x1x16xi32> to vector<16xi32>
      %add3A_1039 = arith.constant 1 : i32
      %add3A_1040 = vector.broadcast %add3A_1039 : i32 to vector<16xi32>
      %add3A_1041 = arith.addi %get3A_1038, %add3A_1040 : vector<16xi32>
      %swap3A_1042 = arith.constant 7 : i32
      %swap3A_1043 = arith.index_cast %add3A_42 : i32 to index
      %swap3A_1044 = arith.index_cast %swap3A_1042 : i32 to index
      %swap3A_1045 = arith.constant 96 : index
      %swap3A_1046 = tpu.vector_load %arg5[%swap3A_1043, %swap3A_1044, %swap3A_1045] {strides = array<i32>} : memref<25x8x128xi32, #tpu.memory_space<vmem>>, vector<1x1x16xi32>,
      %swap3A_1047 = vector.shape_cast %swap3A_1046 : vector<1x1x16xi32> to vector<16xi32>
      %swap3A_1048 = vector.shape_cast %add3A_1041 : vector<16xi32> to vector<1x1x16xi32>
      tpu.vector_store %arg5[%swap3A_1043, %swap3A_1044, %swap3A_1045], %swap3A_1048 {strides = array<i32>} : memref<25x8x128xi32, #tpu.memory_space<vmem>>, vector<1x1x16xi32>,
      %get3A_1049 = arith.constant 7 : i32
      %get3A_1050 = arith.index_cast %add3A_42 : i32 to index
      %get3A_1051 = arith.index_cast %get3A_1049 : i32 to index
      %get3A_1052 = arith.constant 112 : index
      %get3A_1053 = tpu.vector_load %arg5[%get3A_1050, %get3A_1051, %get3A_1052] {strides = array<i32>} : memref<25x8x128xi32, #tpu.memory_space<vmem>>, vector<1x1x16xi32>,
      %get3A_1054 = vector.shape_cast %get3A_1053 : vector<1x1x16xi32> to vector<16xi32>
      %add3A_1055 = arith.constant 1 : i32
      %add3A_1056 = vector.broadcast %add3A_1055 : i32 to vector<16xi32>
      %add3A_1057 = arith.addi %get3A_1054, %add3A_1056 : vector<16xi32>
      %swap3A_1058 = arith.constant 7 : i32
      %swap3A_1059 = arith.index_cast %add3A_42 : i32 to index
      %swap3A_1060 = arith.index_cast %swap3A_1058 : i32 to index
      %swap3A_1061 = arith.constant 112 : index
      %swap3A_1062 = tpu.vector_load %arg5[%swap3A_1059, %swap3A_1060, %swap3A_1061] {strides = array<i32>} : memref<25x8x128xi32, #tpu.memory_space<vmem>>, vector<1x1x16xi32>,
      %swap3A_1063 = vector.shape_cast %swap3A_1062 : vector<1x1x16xi32> to vector<16xi32>
      %swap3A_1064 = vector.shape_cast %add3A_1057 : vector<16xi32> to vector<1x1x16xi32>
      tpu.vector_store %arg5[%swap3A_1059, %swap3A_1060, %swap3A_1061], %swap3A_1064 {strides = array<i32>} : memref<25x8x128xi32, #tpu.memory_space<vmem>>, vector<1x1x16xi32>,
    }
    %scan3A_6 = arith.constant 25 : i32
    %dma_start3A = arith.constant 0 : i32
    %dma_start3A_7 = arith.constant 0 : i32
    %dma_start3A_8 = arith.constant 0 : i32
    %dma_start3A_9 = tpu.memref_slice %arg5[%dma_start3A, %dma_start3A_7, %dma_start3A_8] : memref<25x8x128xi32, #tpu.memory_space<vmem>> -> memref<1x1x128xi32, #tpu.memory_space<vmem>>
    %dma_start3A_10 = tpu.memref_squeeze %dma_start3A_9 : memref<1x1x128xi32, #tpu.memory_space<vmem>> -> memref<128xi32, #tpu.memory_space<vmem>>
    %dma_start3A_11 = arith.constant 0 : i32
    %dma_start3A_12 = arith.constant 0 : i32
    %dma_start3A_13 = tpu.memref_slice %arg3[%dma_start3A_11, %dma_start3A_12] : memref<1000001x128xf32, #tpu.memory_space<hbm>> -> memref<1000001x128xf32, #tpu.memory_space<hbm>>
    tpu.enqueue_indirect_dma source(%dma_start3A_13 : memref<1000001x128xf32, #tpu.memory_space<hbm>>) target(%arg6 : memref<128x128xf32, #tpu.memory_space<vmem>>) offsets(%dma_start3A_10 : memref<128xi32, #tpu.memory_space<vmem>>) semaphore(%arg12 : memref<!tpu.dma_semaphore, #tpu.memory_space<semaphore_mem>>)
    %dma_start3A_14 = arith.constant 0 : i32
    %dma_start3A_15 = arith.constant 1 : i32
    %dma_start3A_16 = arith.constant 0 : i32
    %dma_start3A_17 = tpu.memref_slice %arg5[%dma_start3A_14, %dma_start3A_15, %dma_start3A_16] : memref<25x8x128xi32, #tpu.memory_space<vmem>> -> memref<1x1x128xi32, #tpu.memory_space<vmem>>
    %dma_start3A_18 = tpu.memref_squeeze %dma_start3A_17 : memref<1x1x128xi32, #tpu.memory_space<vmem>> -> memref<128xi32, #tpu.memory_space<vmem>>
    %dma_start3A_19 = arith.constant 0 : i32
    %dma_start3A_20 = arith.constant 0 : i32
    %dma_start3A_21 = tpu.memref_slice %arg3[%dma_start3A_19, %dma_start3A_20] : memref<1000001x128xf32, #tpu.memory_space<hbm>> -> memref<1000001x128xf32, #tpu.memory_space<hbm>>
    tpu.enqueue_indirect_dma source(%dma_start3A_21 : memref<1000001x128xf32, #tpu.memory_space<hbm>>) target(%arg7 : memref<128x128xf32, #tpu.memory_space<vmem>>) offsets(%dma_start3A_18 : memref<128xi32, #tpu.memory_space<vmem>>) semaphore(%arg13 : memref<!tpu.dma_semaphore, #tpu.memory_space<semaphore_mem>>)
    %scan3A_22 = arith.constant 0 : i32
    %scan3A_23 = arith.constant 25 : i32
    %scan3A_24 = arith.addi %scan3A_22, %scan3A_23 : i32
    %scan3A_25 = arith.constant 1 : i32
    scf.for %scan3A_38 = %scan3A_22 to %scan3A_24 step %scan3A_25  : i32 {
      %mul3A_39 = arith.constant 1 : i32
      %mul3A_40 = arith.muli %scan3A_38, %mul3A_39 : i32
      %add3A_41 = arith.constant 0 : i32
      %add3A_42 = arith.addi %add3A_41, %mul3A_40 : i32
      %dma_start3A_43 = arith.constant 2 : i32
      %dma_start3A_44 = arith.constant 0 : i32
      %dma_start3A_45 = tpu.memref_slice %arg5[%add3A_42, %dma_start3A_43, %dma_start3A_44] : memref<25x8x128xi32, #tpu.memory_space<vmem>> -> memref<1x1x128xi32, #tpu.memory_space<vmem>>
      %dma_start3A_46 = tpu.memref_squeeze %dma_start3A_45 : memref<1x1x128xi32, #tpu.memory_space<vmem>> -> memref<128xi32, #tpu.memory_space<vmem>>
      %dma_start3A_47 = arith.constant 0 : i32
      %dma_start3A_48 = arith.constant 0 : i32
      %dma_start3A_49 = tpu.memref_slice %arg3[%dma_start3A_47, %dma_start3A_48] : memref<1000001x128xf32, #tpu.memory_space<hbm>> -> memref<1000001x128xf32, #tpu.memory_space<hbm>>
      tpu.enqueue_indirect_dma source(%dma_start3A_49 : memref<1000001x128xf32, #tpu.memory_space<hbm>>) target(%arg8 : memref<128x128xf32, #tpu.memory_space<vmem>>) offsets(%dma_start3A_46 : memref<128xi32, #tpu.memory_space<vmem>>) semaphore(%arg14 : memref<!tpu.dma_semaphore, #tpu.memory_space<semaphore_mem>>)
      %dma_wait3A_50 = arith.constant 0 : i32
      %dma_wait3A_51 = arith.constant 0 : i32
      %dma_wait3A_52 = tpu.memref_slice %arg3[%dma_wait3A_50, %dma_wait3A_51] : memref<1000001x128xf32, #tpu.memory_space<hbm>> -> memref<128x128xf32, #tpu.memory_space<hbm>>
      %dma_wait3A_53 = arith.constant 0 : i32
      %dma_wait3A_54 = arith.constant 0 : i32
      %dma_wait3A_55 = tpu.memref_slice %arg3[%dma_wait3A_53, %dma_wait3A_54] : memref<1000001x128xf32, #tpu.memory_space<hbm>> -> memref<128x128xf32, #tpu.memory_space<hbm>>
      tpu.wait_dma2 semaphore(%arg12 : memref<!tpu.dma_semaphore, #tpu.memory_space<semaphore_mem>>) src(%dma_wait3A_55 : memref<128x128xf32, #tpu.memory_space<hbm>>) dst(%arg6 : memref<128x128xf32, #tpu.memory_space<vmem>>)
      %gt3A = arith.constant 0 : i32
      %gt3A_56 = arith.cmpi sgt, %add3A_42, %gt3A : i32
      %convert_element_type3A = arith.extui %gt3A_56 : i1 to i32
      %cond3A = arith.constant 0 : i32
      %cond3A_57 = arith.cmpi ne, %convert_element_type3A, %cond3A : i32
      scf.if %cond3A_57 {
        %dma_wait3A_324 = arith.constant 0 : i32
        %dma_wait3A_325 = arith.constant 0 : i32
        %dma_wait3A_326 = tpu.memref_slice %arg4[%dma_wait3A_324, %dma_wait3A_325] : memref<819200x64xf32, #tpu.memory_space<hbm>> -> memref<128x64xf32, #tpu.memory_space<hbm>>
        %dma_wait3A_327 = arith.constant 0 : i32
        %dma_wait3A_328 = arith.constant 0 : i32
        %dma_wait3A_329 = tpu.memref_slice %arg4[%dma_wait3A_327, %dma_wait3A_328] : memref<819200x64xf32, #tpu.memory_space<hbm>> -> memref<128x64xf32, #tpu.memory_space<hbm>>
        tpu.wait_dma2 semaphore(%arg16 : memref<!tpu.dma_semaphore, #tpu.memory_space<semaphore_mem>>) src(%arg10 : memref<128x64xf32, #tpu.memory_space<vmem>>) dst(%dma_wait3A_329 : memref<128x64xf32, #tpu.memory_space<hbm>>)
      } else {
      }
      %scan3A_58 = arith.constant 0 : i32
      %scan3A_59 = arith.constant 32 : i32
      %scan3A_60 = arith.addi %scan3A_58, %scan3A_59 : i32
      %scan3A_61 = arith.constant 1 : i32
      scf.for %scan3A_324 = %scan3A_58 to %scan3A_60 step %scan3A_61  : i32 {
        %mul3A_325 = arith.constant 1 : i32
        %mul3A_326 = arith.muli %scan3A_324, %mul3A_325 : i32
        %add3A_327 = arith.constant 0 : i32
        %add3A_328 = arith.addi %add3A_327, %mul3A_326 : i32
        %mul3A_329 = arith.constant 4 : i32
        %mul3A_330 = arith.muli %add3A_328, %mul3A_329 : i32
        %add3A_331 = arith.constant 0 : i32
        %add3A_332 = arith.addi %mul3A_330, %add3A_331 : i32
        %get3A = arith.index_cast %add3A_332 : i32 to index
        %get3A_333 = arith.constant 0 : index
        %get3A_334 = tpu.vector_load %arg6[%get3A, %get3A_333] {strides = array<i32>} : memref<128x128xf32, #tpu.memory_space<vmem>>, vector<1x16xf32>,
        %get3A_335 = vector.shape_cast %get3A_334 : vector<1x16xf32> to vector<16xf32>
        %swap3A = arith.index_cast %add3A_332 : i32 to index
        %swap3A_336 = arith.constant 0 : index
        %swap3A_337 = tpu.vector_load %arg10[%swap3A, %swap3A_336] {strides = array<i32>} : memref<128x64xf32, #tpu.memory_space<vmem>>, vector<1x16xf32>,
        %swap3A_338 = vector.shape_cast %swap3A_337 : vector<1x16xf32> to vector<16xf32>
        %swap3A_339 = vector.shape_cast %get3A_335 : vector<16xf32> to vector<1x16xf32>
        tpu.vector_store %arg10[%swap3A, %swap3A_336], %swap3A_339 {strides = array<i32>} : memref<128x64xf32, #tpu.memory_space<vmem>>, vector<1x16xf32>,
        %get3A_340 = arith.index_cast %add3A_332 : i32 to index
        %get3A_341 = arith.constant 16 : index
        %get3A_342 = tpu.vector_load %arg6[%get3A_340, %get3A_341] {strides = array<i32>} : memref<128x128xf32, #tpu.memory_space<vmem>>, vector<1x16xf32>,
        %get3A_343 = vector.shape_cast %get3A_342 : vector<1x16xf32> to vector<16xf32>
        %swap3A_344 = arith.index_cast %add3A_332 : i32 to index
        %swap3A_345 = arith.constant 16 : index
        %swap3A_346 = tpu.vector_load %arg10[%swap3A_344, %swap3A_345] {strides = array<i32>} : memref<128x64xf32, #tpu.memory_space<vmem>>, vector<1x16xf32>,
        %swap3A_347 = vector.shape_cast %swap3A_346 : vector<1x16xf32> to vector<16xf32>
        %swap3A_348 = vector.shape_cast %get3A_343 : vector<16xf32> to vector<1x16xf32>
        tpu.vector_store %arg10[%swap3A_344, %swap3A_345], %swap3A_348 {strides = array<i32>} : memref<128x64xf32, #tpu.memory_space<vmem>>, vector<1x16xf32>,
        %get3A_349 = arith.index_cast %add3A_332 : i32 to index
        %get3A_350 = arith.constant 32 : index
        %get3A_351 = tpu.vector_load %arg6[%get3A_349, %get3A_350] {strides = array<i32>} : memref<128x128xf32, #tpu.memory_space<vmem>>, vector<1x16xf32>,
        %get3A_352 = vector.shape_cast %get3A_351 : vector<1x16xf32> to vector<16xf32>
        %swap3A_353 = arith.index_cast %add3A_332 : i32 to index
        %swap3A_354 = arith.constant 32 : index
        %swap3A_355 = tpu.vector_load %arg10[%swap3A_353, %swap3A_354] {strides = array<i32>} : memref<128x64xf32, #tpu.memory_space<vmem>>, vector<1x16xf32>,
        %swap3A_356 = vector.shape_cast %swap3A_355 : vector<1x16xf32> to vector<16xf32>
        %swap3A_357 = vector.shape_cast %get3A_352 : vector<16xf32> to vector<1x16xf32>
        tpu.vector_store %arg10[%swap3A_353, %swap3A_354], %swap3A_357 {strides = array<i32>} : memref<128x64xf32, #tpu.memory_space<vmem>>, vector<1x16xf32>,
        %get3A_358 = arith.index_cast %add3A_332 : i32 to index
        %get3A_359 = arith.constant 48 : index
        %get3A_360 = tpu.vector_load %arg6[%get3A_358, %get3A_359] {strides = array<i32>} : memref<128x128xf32, #tpu.memory_space<vmem>>, vector<1x16xf32>,
        %get3A_361 = vector.shape_cast %get3A_360 : vector<1x16xf32> to vector<16xf32>
        %swap3A_362 = arith.index_cast %add3A_332 : i32 to index
        %swap3A_363 = arith.constant 48 : index
        %swap3A_364 = tpu.vector_load %arg10[%swap3A_362, %swap3A_363] {strides = array<i32>} : memref<128x64xf32, #tpu.memory_space<vmem>>, vector<1x16xf32>,
        %swap3A_365 = vector.shape_cast %swap3A_364 : vector<1x16xf32> to vector<16xf32>
        %swap3A_366 = vector.shape_cast %get3A_361 : vector<16xf32> to vector<1x16xf32>
        tpu.vector_store %arg10[%swap3A_362, %swap3A_363], %swap3A_366 {strides = array<i32>} : memref<128x64xf32, #tpu.memory_space<vmem>>, vector<1x16xf32>,
        %mul3A_367 = arith.constant 4 : i32
        %mul3A_368 = arith.muli %add3A_328, %mul3A_367 : i32
        %add3A_369 = arith.constant 1 : i32
        %add3A_370 = arith.addi %mul3A_368, %add3A_369 : i32
        %get3A_371 = arith.index_cast %add3A_370 : i32 to index
        %get3A_372 = arith.constant 0 : index
        %get3A_373 = tpu.vector_load %arg6[%get3A_371, %get3A_372] {strides = array<i32>} : memref<128x128xf32, #tpu.memory_space<vmem>>, vector<1x16xf32>,
        %get3A_374 = vector.shape_cast %get3A_373 : vector<1x16xf32> to vector<16xf32>
        %swap3A_375 = arith.index_cast %add3A_370 : i32 to index
        %swap3A_376 = arith.constant 0 : index
        %swap3A_377 = tpu.vector_load %arg10[%swap3A_375, %swap3A_376] {strides = array<i32>} : memref<128x64xf32, #tpu.memory_space<vmem>>, vector<1x16xf32>,
        %swap3A_378 = vector.shape_cast %swap3A_377 : vector<1x16xf32> to vector<16xf32>
        %swap3A_379 = vector.shape_cast %get3A_374 : vector<16xf32> to vector<1x16xf32>
        tpu.vector_store %arg10[%swap3A_375, %swap3A_376], %swap3A_379 {strides = array<i32>} : memref<128x64xf32, #tpu.memory_space<vmem>>, vector<1x16xf32>,
        %get3A_380 = arith.index_cast %add3A_370 : i32 to index
        %get3A_381 = arith.constant 16 : index
        %get3A_382 = tpu.vector_load %arg6[%get3A_380, %get3A_381] {strides = array<i32>} : memref<128x128xf32, #tpu.memory_space<vmem>>, vector<1x16xf32>,
        %get3A_383 = vector.shape_cast %get3A_382 : vector<1x16xf32> to vector<16xf32>
        %swap3A_384 = arith.index_cast %add3A_370 : i32 to index
        %swap3A_385 = arith.constant 16 : index
        %swap3A_386 = tpu.vector_load %arg10[%swap3A_384, %swap3A_385] {strides = array<i32>} : memref<128x64xf32, #tpu.memory_space<vmem>>, vector<1x16xf32>,
        %swap3A_387 = vector.shape_cast %swap3A_386 : vector<1x16xf32> to vector<16xf32>
        %swap3A_388 = vector.shape_cast %get3A_383 : vector<16xf32> to vector<1x16xf32>
        tpu.vector_store %arg10[%swap3A_384, %swap3A_385], %swap3A_388 {strides = array<i32>} : memref<128x64xf32, #tpu.memory_space<vmem>>, vector<1x16xf32>,
        %get3A_389 = arith.index_cast %add3A_370 : i32 to index
        %get3A_390 = arith.constant 32 : index
        %get3A_391 = tpu.vector_load %arg6[%get3A_389, %get3A_390] {strides = array<i32>} : memref<128x128xf32, #tpu.memory_space<vmem>>, vector<1x16xf32>,
        %get3A_392 = vector.shape_cast %get3A_391 : vector<1x16xf32> to vector<16xf32>
        %swap3A_393 = arith.index_cast %add3A_370 : i32 to index
        %swap3A_394 = arith.constant 32 : index
        %swap3A_395 = tpu.vector_load %arg10[%swap3A_393, %swap3A_394] {strides = array<i32>} : memref<128x64xf32, #tpu.memory_space<vmem>>, vector<1x16xf32>,
        %swap3A_396 = vector.shape_cast %swap3A_395 : vector<1x16xf32> to vector<16xf32>
        %swap3A_397 = vector.shape_cast %get3A_392 : vector<16xf32> to vector<1x16xf32>
        tpu.vector_store %arg10[%swap3A_393, %swap3A_394], %swap3A_397 {strides = array<i32>} : memref<128x64xf32, #tpu.memory_space<vmem>>, vector<1x16xf32>,
        %get3A_398 = arith.index_cast %add3A_370 : i32 to index
        %get3A_399 = arith.constant 48 : index
        %get3A_400 = tpu.vector_load %arg6[%get3A_398, %get3A_399] {strides = array<i32>} : memref<128x128xf32, #tpu.memory_space<vmem>>, vector<1x16xf32>,
        %get3A_401 = vector.shape_cast %get3A_400 : vector<1x16xf32> to vector<16xf32>
        %swap3A_402 = arith.index_cast %add3A_370 : i32 to index
        %swap3A_403 = arith.constant 48 : index
        %swap3A_404 = tpu.vector_load %arg10[%swap3A_402, %swap3A_403] {strides = array<i32>} : memref<128x64xf32, #tpu.memory_space<vmem>>, vector<1x16xf32>,
        %swap3A_405 = vector.shape_cast %swap3A_404 : vector<1x16xf32> to vector<16xf32>
        %swap3A_406 = vector.shape_cast %get3A_401 : vector<16xf32> to vector<1x16xf32>
        tpu.vector_store %arg10[%swap3A_402, %swap3A_403], %swap3A_406 {strides = array<i32>} : memref<128x64xf32, #tpu.memory_space<vmem>>, vector<1x16xf32>,
        %mul3A_407 = arith.constant 4 : i32
        %mul3A_408 = arith.muli %add3A_328, %mul3A_407 : i32
        %add3A_409 = arith.constant 2 : i32
        %add3A_410 = arith.addi %mul3A_408, %add3A_409 : i32
        %get3A_411 = arith.index_cast %add3A_410 : i32 to index
        %get3A_412 = arith.constant 0 : index
        %get3A_413 = tpu.vector_load %arg6[%get3A_411, %get3A_412] {strides = array<i32>} : memref<128x128xf32, #tpu.memory_space<vmem>>, vector<1x16xf32>,
        %get3A_414 = vector.shape_cast %get3A_413 : vector<1x16xf32> to vector<16xf32>
        %swap3A_415 = arith.index_cast %add3A_410 : i32 to index
        %swap3A_416 = arith.constant 0 : index
        %swap3A_417 = tpu.vector_load %arg10[%swap3A_415, %swap3A_416] {strides = array<i32>} : memref<128x64xf32, #tpu.memory_space<vmem>>, vector<1x16xf32>,
        %swap3A_418 = vector.shape_cast %swap3A_417 : vector<1x16xf32> to vector<16xf32>
        %swap3A_419 = vector.shape_cast %get3A_414 : vector<16xf32> to vector<1x16xf32>
        tpu.vector_store %arg10[%swap3A_415, %swap3A_416], %swap3A_419 {strides = array<i32>} : memref<128x64xf32, #tpu.memory_space<vmem>>, vector<1x16xf32>,
        %get3A_420 = arith.index_cast %add3A_410 : i32 to index
        %get3A_421 = arith.constant 16 : index
        %get3A_422 = tpu.vector_load %arg6[%get3A_420, %get3A_421] {strides = array<i32>} : memref<128x128xf32, #tpu.memory_space<vmem>>, vector<1x16xf32>,
        %get3A_423 = vector.shape_cast %get3A_422 : vector<1x16xf32> to vector<16xf32>
        %swap3A_424 = arith.index_cast %add3A_410 : i32 to index
        %swap3A_425 = arith.constant 16 : index
        %swap3A_426 = tpu.vector_load %arg10[%swap3A_424, %swap3A_425] {strides = array<i32>} : memref<128x64xf32, #tpu.memory_space<vmem>>, vector<1x16xf32>,
        %swap3A_427 = vector.shape_cast %swap3A_426 : vector<1x16xf32> to vector<16xf32>
        %swap3A_428 = vector.shape_cast %get3A_423 : vector<16xf32> to vector<1x16xf32>
        tpu.vector_store %arg10[%swap3A_424, %swap3A_425], %swap3A_428 {strides = array<i32>} : memref<128x64xf32, #tpu.memory_space<vmem>>, vector<1x16xf32>,
        %get3A_429 = arith.index_cast %add3A_410 : i32 to index
        %get3A_430 = arith.constant 32 : index
        %get3A_431 = tpu.vector_load %arg6[%get3A_429, %get3A_430] {strides = array<i32>} : memref<128x128xf32, #tpu.memory_space<vmem>>, vector<1x16xf32>,
        %get3A_432 = vector.shape_cast %get3A_431 : vector<1x16xf32> to vector<16xf32>
        %swap3A_433 = arith.index_cast %add3A_410 : i32 to index
        %swap3A_434 = arith.constant 32 : index
        %swap3A_435 = tpu.vector_load %arg10[%swap3A_433, %swap3A_434] {strides = array<i32>} : memref<128x64xf32, #tpu.memory_space<vmem>>, vector<1x16xf32>,
        %swap3A_436 = vector.shape_cast %swap3A_435 : vector<1x16xf32> to vector<16xf32>
        %swap3A_437 = vector.shape_cast %get3A_432 : vector<16xf32> to vector<1x16xf32>
        tpu.vector_store %arg10[%swap3A_433, %swap3A_434], %swap3A_437 {strides = array<i32>} : memref<128x64xf32, #tpu.memory_space<vmem>>, vector<1x16xf32>,
        %get3A_438 = arith.index_cast %add3A_410 : i32 to index
        %get3A_439 = arith.constant 48 : index
        %get3A_440 = tpu.vector_load %arg6[%get3A_438, %get3A_439] {strides = array<i32>} : memref<128x128xf32, #tpu.memory_space<vmem>>, vector<1x16xf32>,
        %get3A_441 = vector.shape_cast %get3A_440 : vector<1x16xf32> to vector<16xf32>
        %swap3A_442 = arith.index_cast %add3A_410 : i32 to index
        %swap3A_443 = arith.constant 48 : index
        %swap3A_444 = tpu.vector_load %arg10[%swap3A_442, %swap3A_443] {strides = array<i32>} : memref<128x64xf32, #tpu.memory_space<vmem>>, vector<1x16xf32>,
        %swap3A_445 = vector.shape_cast %swap3A_444 : vector<1x16xf32> to vector<16xf32>
        %swap3A_446 = vector.shape_cast %get3A_441 : vector<16xf32> to vector<1x16xf32>
        tpu.vector_store %arg10[%swap3A_442, %swap3A_443], %swap3A_446 {strides = array<i32>} : memref<128x64xf32, #tpu.memory_space<vmem>>, vector<1x16xf32>,
        %mul3A_447 = arith.constant 4 : i32
        %mul3A_448 = arith.muli %add3A_328, %mul3A_447 : i32
        %add3A_449 = arith.constant 3 : i32
        %add3A_450 = arith.addi %mul3A_448, %add3A_449 : i32
        %get3A_451 = arith.index_cast %add3A_450 : i32 to index
        %get3A_452 = arith.constant 0 : index
        %get3A_453 = tpu.vector_load %arg6[%get3A_451, %get3A_452] {strides = array<i32>} : memref<128x128xf32, #tpu.memory_space<vmem>>, vector<1x16xf32>,
        %get3A_454 = vector.shape_cast %get3A_453 : vector<1x16xf32> to vector<16xf32>
        %swap3A_455 = arith.index_cast %add3A_450 : i32 to index
        %swap3A_456 = arith.constant 0 : index
        %swap3A_457 = tpu.vector_load %arg10[%swap3A_455, %swap3A_456] {strides = array<i32>} : memref<128x64xf32, #tpu.memory_space<vmem>>, vector<1x16xf32>,
        %swap3A_458 = vector.shape_cast %swap3A_457 : vector<1x16xf32> to vector<16xf32>
        %swap3A_459 = vector.shape_cast %get3A_454 : vector<16xf32> to vector<1x16xf32>
        tpu.vector_store %arg10[%swap3A_455, %swap3A_456], %swap3A_459 {strides = array<i32>} : memref<128x64xf32, #tpu.memory_space<vmem>>, vector<1x16xf32>,
        %get3A_460 = arith.index_cast %add3A_450 : i32 to index
        %get3A_461 = arith.constant 16 : index
        %get3A_462 = tpu.vector_load %arg6[%get3A_460, %get3A_461] {strides = array<i32>} : memref<128x128xf32, #tpu.memory_space<vmem>>, vector<1x16xf32>,
        %get3A_463 = vector.shape_cast %get3A_462 : vector<1x16xf32> to vector<16xf32>
        %swap3A_464 = arith.index_cast %add3A_450 : i32 to index
        %swap3A_465 = arith.constant 16 : index
        %swap3A_466 = tpu.vector_load %arg10[%swap3A_464, %swap3A_465] {strides = array<i32>} : memref<128x64xf32, #tpu.memory_space<vmem>>, vector<1x16xf32>,
        %swap3A_467 = vector.shape_cast %swap3A_466 : vector<1x16xf32> to vector<16xf32>
        %swap3A_468 = vector.shape_cast %get3A_463 : vector<16xf32> to vector<1x16xf32>
        tpu.vector_store %arg10[%swap3A_464, %swap3A_465], %swap3A_468 {strides = array<i32>} : memref<128x64xf32, #tpu.memory_space<vmem>>, vector<1x16xf32>,
        %get3A_469 = arith.index_cast %add3A_450 : i32 to index
        %get3A_470 = arith.constant 32 : index
        %get3A_471 = tpu.vector_load %arg6[%get3A_469, %get3A_470] {strides = array<i32>} : memref<128x128xf32, #tpu.memory_space<vmem>>, vector<1x16xf32>,
        %get3A_472 = vector.shape_cast %get3A_471 : vector<1x16xf32> to vector<16xf32>
        %swap3A_473 = arith.index_cast %add3A_450 : i32 to index
        %swap3A_474 = arith.constant 32 : index
        %swap3A_475 = tpu.vector_load %arg10[%swap3A_473, %swap3A_474] {strides = array<i32>} : memref<128x64xf32, #tpu.memory_space<vmem>>, vector<1x16xf32>,
        %swap3A_476 = vector.shape_cast %swap3A_475 : vector<1x16xf32> to vector<16xf32>
        %swap3A_477 = vector.shape_cast %get3A_472 : vector<16xf32> to vector<1x16xf32>
        tpu.vector_store %arg10[%swap3A_473, %swap3A_474], %swap3A_477 {strides = array<i32>} : memref<128x64xf32, #tpu.memory_space<vmem>>, vector<1x16xf32>,
        %get3A_478 = arith.index_cast %add3A_450 : i32 to index
        %get3A_479 = arith.constant 48 : index
        %get3A_480 = tpu.vector_load %arg6[%get3A_478, %get3A_479] {strides = array<i32>} : memref<128x128xf32, #tpu.memory_space<vmem>>, vector<1x16xf32>,
        %get3A_481 = vector.shape_cast %get3A_480 : vector<1x16xf32> to vector<16xf32>
        %swap3A_482 = arith.index_cast %add3A_450 : i32 to index
        %swap3A_483 = arith.constant 48 : index
        %swap3A_484 = tpu.vector_load %arg10[%swap3A_482, %swap3A_483] {strides = array<i32>} : memref<128x64xf32, #tpu.memory_space<vmem>>, vector<1x16xf32>,
        %swap3A_485 = vector.shape_cast %swap3A_484 : vector<1x16xf32> to vector<16xf32>
        %swap3A_486 = vector.shape_cast %get3A_481 : vector<16xf32> to vector<1x16xf32>
        tpu.vector_store %arg10[%swap3A_482, %swap3A_483], %swap3A_486 {strides = array<i32>} : memref<128x64xf32, #tpu.memory_space<vmem>>, vector<1x16xf32>,
      }
      %scan3A_62 = arith.constant 32 : i32
      %mul3A_63 = arith.constant 8 : i32
      %mul3A_64 = arith.muli %mul3A_63, %add3A_42 : i32
      %add3A_65 = arith.constant 0 : i32
      %add3A_66 = arith.addi %mul3A_64, %add3A_65 : i32
      %mul3A_67 = arith.constant 128 : i32
      %mul3A_68 = arith.muli %add3A_66, %mul3A_67 : i32
      %add3A_69 = arith.addi %mul3A_2, %mul3A_68 : i32
      %multiple_of3A = tpu.assume_multiple %add3A_69, 128 : i32
      %dma_start3A_70 = arith.constant 0 : i32
      %dma_start3A_71 = tpu.memref_slice %arg4[%multiple_of3A, %dma_start3A_70] : memref<819200x64xf32, #tpu.memory_space<hbm>> -> memref<128x64xf32, #tpu.memory_space<hbm>>
      %dma_start3A_72 = arith.constant 0 : i32
      %dma_start3A_73 = tpu.memref_slice %arg4[%multiple_of3A, %dma_start3A_72] : memref<819200x64xf32, #tpu.memory_space<hbm>> -> memref<128x64xf32, #tpu.memory_space<hbm>>
      tpu.enqueue_dma source(%arg10 : memref<128x64xf32, #tpu.memory_space<vmem>>) target(%dma_start3A_73 : memref<128x64xf32, #tpu.memory_space<hbm>>) target_semaphore(%arg16 : memref<!tpu.dma_semaphore, #tpu.memory_space<semaphore_mem>>)
      %dma_start3A_74 = arith.constant 3 : i32
      %dma_start3A_75 = arith.constant 0 : i32
      %dma_start3A_76 = tpu.memref_slice %arg5[%add3A_42, %dma_start3A_74, %dma_start3A_75] : memref<25x8x128xi32, #tpu.memory_space<vmem>> -> memref<1x1x128xi32, #tpu.memory_space<vmem>>
      %dma_start3A_77 = tpu.memref_squeeze %dma_start3A_76 : memref<1x1x128xi32, #tpu.memory_space<vmem>> -> memref<128xi32, #tpu.memory_space<vmem>>
      %dma_start3A_78 = arith.constant 0 : i32
      %dma_start3A_79 = arith.constant 0 : i32
      %dma_start3A_80 = tpu.memref_slice %arg3[%dma_start3A_78, %dma_start3A_79] : memref<1000001x128xf32, #tpu.memory_space<hbm>> -> memref<1000001x128xf32, #tpu.memory_space<hbm>>
      tpu.enqueue_indirect_dma source(%dma_start3A_80 : memref<1000001x128xf32, #tpu.memory_space<hbm>>) target(%arg9 : memref<128x128xf32, #tpu.memory_space<vmem>>) offsets(%dma_start3A_77 : memref<128xi32, #tpu.memory_space<vmem>>) semaphore(%arg15 : memref<!tpu.dma_semaphore, #tpu.memory_space<semaphore_mem>>)
      %dma_wait3A_81 = arith.constant 0 : i32
      %dma_wait3A_82 = arith.constant 0 : i32
      %dma_wait3A_83 = tpu.memref_slice %arg3[%dma_wait3A_81, %dma_wait3A_82] : memref<1000001x128xf32, #tpu.memory_space<hbm>> -> memref<128x128xf32, #tpu.memory_space<hbm>>
      %dma_wait3A_84 = arith.constant 0 : i32
      %dma_wait3A_85 = arith.constant 0 : i32
      %dma_wait3A_86 = tpu.memref_slice %arg3[%dma_wait3A_84, %dma_wait3A_85] : memref<1000001x128xf32, #tpu.memory_space<hbm>> -> memref<128x128xf32, #tpu.memory_space<hbm>>
      tpu.wait_dma2 semaphore(%arg13 : memref<!tpu.dma_semaphore, #tpu.memory_space<semaphore_mem>>) src(%dma_wait3A_86 : memref<128x128xf32, #tpu.memory_space<hbm>>) dst(%arg7 : memref<128x128xf32, #tpu.memory_space<vmem>>)
      %gt3A_87 = arith.constant 0 : i32
      %gt3A_88 = arith.cmpi sgt, %add3A_42, %gt3A_87 : i32
      %convert_element_type3A_89 = arith.extui %gt3A_88 : i1 to i32
      %cond3A_90 = arith.constant 0 : i32
      %cond3A_91 = arith.cmpi ne, %convert_element_type3A_89, %cond3A_90 : i32
      scf.if %cond3A_91 {
        %dma_wait3A_324 = arith.constant 0 : i32
        %dma_wait3A_325 = arith.constant 0 : i32
        %dma_wait3A_326 = tpu.memref_slice %arg4[%dma_wait3A_324, %dma_wait3A_325] : memref<819200x64xf32, #tpu.memory_space<hbm>> -> memref<128x64xf32, #tpu.memory_space<hbm>>
        %dma_wait3A_327 = arith.constant 0 : i32
        %dma_wait3A_328 = arith.constant 0 : i32
        %dma_wait3A_329 = tpu.memref_slice %arg4[%dma_wait3A_327, %dma_wait3A_328] : memref<819200x64xf32, #tpu.memory_space<hbm>> -> memref<128x64xf32, #tpu.memory_space<hbm>>
        tpu.wait_dma2 semaphore(%arg17 : memref<!tpu.dma_semaphore, #tpu.memory_space<semaphore_mem>>) src(%arg11 : memref<128x64xf32, #tpu.memory_space<vmem>>) dst(%dma_wait3A_329 : memref<128x64xf32, #tpu.memory_space<hbm>>)
      } else {
      }
      %scan3A_92 = arith.constant 0 : i32
      %scan3A_93 = arith.constant 32 : i32
      %scan3A_94 = arith.addi %scan3A_92, %scan3A_93 : i32
      %scan3A_95 = arith.constant 1 : i32
      scf.for %scan3A_324 = %scan3A_92 to %scan3A_94 step %scan3A_95  : i32 {
        %mul3A_325 = arith.constant 1 : i32
        %mul3A_326 = arith.muli %scan3A_324, %mul3A_325 : i32
        %add3A_327 = arith.constant 0 : i32
        %add3A_328 = arith.addi %add3A_327, %mul3A_326 : i32
        %mul3A_329 = arith.constant 4 : i32
        %mul3A_330 = arith.muli %add3A_328, %mul3A_329 : i32
        %add3A_331 = arith.constant 0 : i32
        %add3A_332 = arith.addi %mul3A_330, %add3A_331 : i32
        %get3A = arith.index_cast %add3A_332 : i32 to index
        %get3A_333 = arith.constant 0 : index
        %get3A_334 = tpu.vector_load %arg7[%get3A, %get3A_333] {strides = array<i32>} : memref<128x128xf32, #tpu.memory_space<vmem>>, vector<1x16xf32>,
        %get3A_335 = vector.shape_cast %get3A_334 : vector<1x16xf32> to vector<16xf32>
        %swap3A = arith.index_cast %add3A_332 : i32 to index
        %swap3A_336 = arith.constant 0 : index
        %swap3A_337 = tpu.vector_load %arg11[%swap3A, %swap3A_336] {strides = array<i32>} : memref<128x64xf32, #tpu.memory_space<vmem>>, vector<1x16xf32>,
        %swap3A_338 = vector.shape_cast %swap3A_337 : vector<1x16xf32> to vector<16xf32>
        %swap3A_339 = vector.shape_cast %get3A_335 : vector<16xf32> to vector<1x16xf32>
        tpu.vector_store %arg11[%swap3A, %swap3A_336], %swap3A_339 {strides = array<i32>} : memref<128x64xf32, #tpu.memory_space<vmem>>, vector<1x16xf32>,
        %get3A_340 = arith.index_cast %add3A_332 : i32 to index
        %get3A_341 = arith.constant 16 : index
        %get3A_342 = tpu.vector_load %arg7[%get3A_340, %get3A_341] {strides = array<i32>} : memref<128x128xf32, #tpu.memory_space<vmem>>, vector<1x16xf32>,
        %get3A_343 = vector.shape_cast %get3A_342 : vector<1x16xf32> to vector<16xf32>
        %swap3A_344 = arith.index_cast %add3A_332 : i32 to index
        %swap3A_345 = arith.constant 16 : index
        %swap3A_346 = tpu.vector_load %arg11[%swap3A_344, %swap3A_345] {strides = array<i32>} : memref<128x64xf32, #tpu.memory_space<vmem>>, vector<1x16xf32>,
        %swap3A_347 = vector.shape_cast %swap3A_346 : vector<1x16xf32> to vector<16xf32>
        %swap3A_348 = vector.shape_cast %get3A_343 : vector<16xf32> to vector<1x16xf32>
        tpu.vector_store %arg11[%swap3A_344, %swap3A_345], %swap3A_348 {strides = array<i32>} : memref<128x64xf32, #tpu.memory_space<vmem>>, vector<1x16xf32>,
        %get3A_349 = arith.index_cast %add3A_332 : i32 to index
        %get3A_350 = arith.constant 32 : index
        %get3A_351 = tpu.vector_load %arg7[%get3A_349, %get3A_350] {strides = array<i32>} : memref<128x128xf32, #tpu.memory_space<vmem>>, vector<1x16xf32>,
        %get3A_352 = vector.shape_cast %get3A_351 : vector<1x16xf32> to vector<16xf32>
        %swap3A_353 = arith.index_cast %add3A_332 : i32 to index
        %swap3A_354 = arith.constant 32 : index
        %swap3A_355 = tpu.vector_load %arg11[%swap3A_353, %swap3A_354] {strides = array<i32>} : memref<128x64xf32, #tpu.memory_space<vmem>>, vector<1x16xf32>,
        %swap3A_356 = vector.shape_cast %swap3A_355 : vector<1x16xf32> to vector<16xf32>
        %swap3A_357 = vector.shape_cast %get3A_352 : vector<16xf32> to vector<1x16xf32>
        tpu.vector_store %arg11[%swap3A_353, %swap3A_354], %swap3A_357 {strides = array<i32>} : memref<128x64xf32, #tpu.memory_space<vmem>>, vector<1x16xf32>,
        %get3A_358 = arith.index_cast %add3A_332 : i32 to index
        %get3A_359 = arith.constant 48 : index
        %get3A_360 = tpu.vector_load %arg7[%get3A_358, %get3A_359] {strides = array<i32>} : memref<128x128xf32, #tpu.memory_space<vmem>>, vector<1x16xf32>,
        %get3A_361 = vector.shape_cast %get3A_360 : vector<1x16xf32> to vector<16xf32>
        %swap3A_362 = arith.index_cast %add3A_332 : i32 to index
        %swap3A_363 = arith.constant 48 : index
        %swap3A_364 = tpu.vector_load %arg11[%swap3A_362, %swap3A_363] {strides = array<i32>} : memref<128x64xf32, #tpu.memory_space<vmem>>, vector<1x16xf32>,
        %swap3A_365 = vector.shape_cast %swap3A_364 : vector<1x16xf32> to vector<16xf32>
        %swap3A_366 = vector.shape_cast %get3A_361 : vector<16xf32> to vector<1x16xf32>
        tpu.vector_store %arg11[%swap3A_362, %swap3A_363], %swap3A_366 {strides = array<i32>} : memref<128x64xf32, #tpu.memory_space<vmem>>, vector<1x16xf32>,
        %mul3A_367 = arith.constant 4 : i32
        %mul3A_368 = arith.muli %add3A_328, %mul3A_367 : i32
        %add3A_369 = arith.constant 1 : i32
        %add3A_370 = arith.addi %mul3A_368, %add3A_369 : i32
        %get3A_371 = arith.index_cast %add3A_370 : i32 to index
        %get3A_372 = arith.constant 0 : index
        %get3A_373 = tpu.vector_load %arg7[%get3A_371, %get3A_372] {strides = array<i32>} : memref<128x128xf32, #tpu.memory_space<vmem>>, vector<1x16xf32>,
        %get3A_374 = vector.shape_cast %get3A_373 : vector<1x16xf32> to vector<16xf32>
        %swap3A_375 = arith.index_cast %add3A_370 : i32 to index
        %swap3A_376 = arith.constant 0 : index
        %swap3A_377 = tpu.vector_load %arg11[%swap3A_375, %swap3A_376] {strides = array<i32>} : memref<128x64xf32, #tpu.memory_space<vmem>>, vector<1x16xf32>,
        %swap3A_378 = vector.shape_cast %swap3A_377 : vector<1x16xf32> to vector<16xf32>
        %swap3A_379 = vector.shape_cast %get3A_374 : vector<16xf32> to vector<1x16xf32>
        tpu.vector_store %arg11[%swap3A_375, %swap3A_376], %swap3A_379 {strides = array<i32>} : memref<128x64xf32, #tpu.memory_space<vmem>>, vector<1x16xf32>,
        %get3A_380 = arith.index_cast %add3A_370 : i32 to index
        %get3A_381 = arith.constant 16 : index
        %get3A_382 = tpu.vector_load %arg7[%get3A_380, %get3A_381] {strides = array<i32>} : memref<128x128xf32, #tpu.memory_space<vmem>>, vector<1x16xf32>,
        %get3A_383 = vector.shape_cast %get3A_382 : vector<1x16xf32> to vector<16xf32>
        %swap3A_384 = arith.index_cast %add3A_370 : i32 to index
        %swap3A_385 = arith.constant 16 : index
        %swap3A_386 = tpu.vector_load %arg11[%swap3A_384, %swap3A_385] {strides = array<i32>} : memref<128x64xf32, #tpu.memory_space<vmem>>, vector<1x16xf32>,
        %swap3A_387 = vector.shape_cast %swap3A_386 : vector<1x16xf32> to vector<16xf32>
        %swap3A_388 = vector.shape_cast %get3A_383 : vector<16xf32> to vector<1x16xf32>
        tpu.vector_store %arg11[%swap3A_384, %swap3A_385], %swap3A_388 {strides = array<i32>} : memref<128x64xf32, #tpu.memory_space<vmem>>, vector<1x16xf32>,
        %get3A_389 = arith.index_cast %add3A_370 : i32 to index
        %get3A_390 = arith.constant 32 : index
        %get3A_391 = tpu.vector_load %arg7[%get3A_389, %get3A_390] {strides = array<i32>} : memref<128x128xf32, #tpu.memory_space<vmem>>, vector<1x16xf32>,
        %get3A_392 = vector.shape_cast %get3A_391 : vector<1x16xf32> to vector<16xf32>
        %swap3A_393 = arith.index_cast %add3A_370 : i32 to index
        %swap3A_394 = arith.constant 32 : index
        %swap3A_395 = tpu.vector_load %arg11[%swap3A_393, %swap3A_394] {strides = array<i32>} : memref<128x64xf32, #tpu.memory_space<vmem>>, vector<1x16xf32>,
        %swap3A_396 = vector.shape_cast %swap3A_395 : vector<1x16xf32> to vector<16xf32>
        %swap3A_397 = vector.shape_cast %get3A_392 : vector<16xf32> to vector<1x16xf32>
        tpu.vector_store %arg11[%swap3A_393, %swap3A_394], %swap3A_397 {strides = array<i32>} : memref<128x64xf32, #tpu.memory_space<vmem>>, vector<1x16xf32>,
        %get3A_398 = arith.index_cast %add3A_370 : i32 to index
        %get3A_399 = arith.constant 48 : index
        %get3A_400 = tpu.vector_load %arg7[%get3A_398, %get3A_399] {strides = array<i32>} : memref<128x128xf32, #tpu.memory_space<vmem>>, vector<1x16xf32>,
        %get3A_401 = vector.shape_cast %get3A_400 : vector<1x16xf32> to vector<16xf32>
        %swap3A_402 = arith.index_cast %add3A_370 : i32 to index
        %swap3A_403 = arith.constant 48 : index
        %swap3A_404 = tpu.vector_load %arg11[%swap3A_402, %swap3A_403] {strides = array<i32>} : memref<128x64xf32, #tpu.memory_space<vmem>>, vector<1x16xf32>,
        %swap3A_405 = vector.shape_cast %swap3A_404 : vector<1x16xf32> to vector<16xf32>
        %swap3A_406 = vector.shape_cast %get3A_401 : vector<16xf32> to vector<1x16xf32>
        tpu.vector_store %arg11[%swap3A_402, %swap3A_403], %swap3A_406 {strides = array<i32>} : memref<128x64xf32, #tpu.memory_space<vmem>>, vector<1x16xf32>,
        %mul3A_407 = arith.constant 4 : i32
        %mul3A_408 = arith.muli %add3A_328, %mul3A_407 : i32
        %add3A_409 = arith.constant 2 : i32
        %add3A_410 = arith.addi %mul3A_408, %add3A_409 : i32
        %get3A_411 = arith.index_cast %add3A_410 : i32 to index
        %get3A_412 = arith.constant 0 : index
        %get3A_413 = tpu.vector_load %arg7[%get3A_411, %get3A_412] {strides = array<i32>} : memref<128x128xf32, #tpu.memory_space<vmem>>, vector<1x16xf32>,
        %get3A_414 = vector.shape_cast %get3A_413 : vector<1x16xf32> to vector<16xf32>
        %swap3A_415 = arith.index_cast %add3A_410 : i32 to index
        %swap3A_416 = arith.constant 0 : index
        %swap3A_417 = tpu.vector_load %arg11[%swap3A_415, %swap3A_416] {strides = array<i32>} : memref<128x64xf32, #tpu.memory_space<vmem>>, vector<1x16xf32>,
        %swap3A_418 = vector.shape_cast %swap3A_417 : vector<1x16xf32> to vector<16xf32>
        %swap3A_419 = vector.shape_cast %get3A_414 : vector<16xf32> to vector<1x16xf32>
        tpu.vector_store %arg11[%swap3A_415, %swap3A_416], %swap3A_419 {strides = array<i32>} : memref<128x64xf32, #tpu.memory_space<vmem>>, vector<1x16xf32>,
        %get3A_420 = arith.index_cast %add3A_410 : i32 to index
        %get3A_421 = arith.constant 16 : index
        %get3A_422 = tpu.vector_load %arg7[%get3A_420, %get3A_421] {strides = array<i32>} : memref<128x128xf32, #tpu.memory_space<vmem>>, vector<1x16xf32>,
        %get3A_423 = vector.shape_cast %get3A_422 : vector<1x16xf32> to vector<16xf32>
        %swap3A_424 = arith.index_cast %add3A_410 : i32 to index
        %swap3A_425 = arith.constant 16 : index
        %swap3A_426 = tpu.vector_load %arg11[%swap3A_424, %swap3A_425] {strides = array<i32>} : memref<128x64xf32, #tpu.memory_space<vmem>>, vector<1x16xf32>,
        %swap3A_427 = vector.shape_cast %swap3A_426 : vector<1x16xf32> to vector<16xf32>
        %swap3A_428 = vector.shape_cast %get3A_423 : vector<16xf32> to vector<1x16xf32>
        tpu.vector_store %arg11[%swap3A_424, %swap3A_425], %swap3A_428 {strides = array<i32>} : memref<128x64xf32, #tpu.memory_space<vmem>>, vector<1x16xf32>,
        %get3A_429 = arith.index_cast %add3A_410 : i32 to index
        %get3A_430 = arith.constant 32 : index
        %get3A_431 = tpu.vector_load %arg7[%get3A_429, %get3A_430] {strides = array<i32>} : memref<128x128xf32, #tpu.memory_space<vmem>>, vector<1x16xf32>,
        %get3A_432 = vector.shape_cast %get3A_431 : vector<1x16xf32> to vector<16xf32>
        %swap3A_433 = arith.index_cast %add3A_410 : i32 to index
        %swap3A_434 = arith.constant 32 : index
        %swap3A_435 = tpu.vector_load %arg11[%swap3A_433, %swap3A_434] {strides = array<i32>} : memref<128x64xf32, #tpu.memory_space<vmem>>, vector<1x16xf32>,
        %swap3A_436 = vector.shape_cast %swap3A_435 : vector<1x16xf32> to vector<16xf32>
        %swap3A_437 = vector.shape_cast %get3A_432 : vector<16xf32> to vector<1x16xf32>
        tpu.vector_store %arg11[%swap3A_433, %swap3A_434], %swap3A_437 {strides = array<i32>} : memref<128x64xf32, #tpu.memory_space<vmem>>, vector<1x16xf32>,
        %get3A_438 = arith.index_cast %add3A_410 : i32 to index
        %get3A_439 = arith.constant 48 : index
        %get3A_440 = tpu.vector_load %arg7[%get3A_438, %get3A_439] {strides = array<i32>} : memref<128x128xf32, #tpu.memory_space<vmem>>, vector<1x16xf32>,
        %get3A_441 = vector.shape_cast %get3A_440 : vector<1x16xf32> to vector<16xf32>
        %swap3A_442 = arith.index_cast %add3A_410 : i32 to index
        %swap3A_443 = arith.constant 48 : index
        %swap3A_444 = tpu.vector_load %arg11[%swap3A_442, %swap3A_443] {strides = array<i32>} : memref<128x64xf32, #tpu.memory_space<vmem>>, vector<1x16xf32>,
        %swap3A_445 = vector.shape_cast %swap3A_444 : vector<1x16xf32> to vector<16xf32>
        %swap3A_446 = vector.shape_cast %get3A_441 : vector<16xf32> to vector<1x16xf32>
        tpu.vector_store %arg11[%swap3A_442, %swap3A_443], %swap3A_446 {strides = array<i32>} : memref<128x64xf32, #tpu.memory_space<vmem>>, vector<1x16xf32>,
        %mul3A_447 = arith.constant 4 : i32
        %mul3A_448 = arith.muli %add3A_328, %mul3A_447 : i32
        %add3A_449 = arith.constant 3 : i32
        %add3A_450 = arith.addi %mul3A_448, %add3A_449 : i32
        %get3A_451 = arith.index_cast %add3A_450 : i32 to index
        %get3A_452 = arith.constant 0 : index
        %get3A_453 = tpu.vector_load %arg7[%get3A_451, %get3A_452] {strides = array<i32>} : memref<128x128xf32, #tpu.memory_space<vmem>>, vector<1x16xf32>,
        %get3A_454 = vector.shape_cast %get3A_453 : vector<1x16xf32> to vector<16xf32>
        %swap3A_455 = arith.index_cast %add3A_450 : i32 to index
        %swap3A_456 = arith.constant 0 : index
        %swap3A_457 = tpu.vector_load %arg11[%swap3A_455, %swap3A_456] {strides = array<i32>} : memref<128x64xf32, #tpu.memory_space<vmem>>, vector<1x16xf32>,
        %swap3A_458 = vector.shape_cast %swap3A_457 : vector<1x16xf32> to vector<16xf32>
        %swap3A_459 = vector.shape_cast %get3A_454 : vector<16xf32> to vector<1x16xf32>
        tpu.vector_store %arg11[%swap3A_455, %swap3A_456], %swap3A_459 {strides = array<i32>} : memref<128x64xf32, #tpu.memory_space<vmem>>, vector<1x16xf32>,
        %get3A_460 = arith.index_cast %add3A_450 : i32 to index
        %get3A_461 = arith.constant 16 : index
        %get3A_462 = tpu.vector_load %arg7[%get3A_460, %get3A_461] {strides = array<i32>} : memref<128x128xf32, #tpu.memory_space<vmem>>, vector<1x16xf32>,
        %get3A_463 = vector.shape_cast %get3A_462 : vector<1x16xf32> to vector<16xf32>
        %swap3A_464 = arith.index_cast %add3A_450 : i32 to index
        %swap3A_465 = arith.constant 16 : index
        %swap3A_466 = tpu.vector_load %arg11[%swap3A_464, %swap3A_465] {strides = array<i32>} : memref<128x64xf32, #tpu.memory_space<vmem>>, vector<1x16xf32>,
        %swap3A_467 = vector.shape_cast %swap3A_466 : vector<1x16xf32> to vector<16xf32>
        %swap3A_468 = vector.shape_cast %get3A_463 : vector<16xf32> to vector<1x16xf32>
        tpu.vector_store %arg11[%swap3A_464, %swap3A_465], %swap3A_468 {strides = array<i32>} : memref<128x64xf32, #tpu.memory_space<vmem>>, vector<1x16xf32>,
        %get3A_469 = arith.index_cast %add3A_450 : i32 to index
        %get3A_470 = arith.constant 32 : index
        %get3A_471 = tpu.vector_load %arg7[%get3A_469, %get3A_470] {strides = array<i32>} : memref<128x128xf32, #tpu.memory_space<vmem>>, vector<1x16xf32>,
        %get3A_472 = vector.shape_cast %get3A_471 : vector<1x16xf32> to vector<16xf32>
        %swap3A_473 = arith.index_cast %add3A_450 : i32 to index
        %swap3A_474 = arith.constant 32 : index
        %swap3A_475 = tpu.vector_load %arg11[%swap3A_473, %swap3A_474] {strides = array<i32>} : memref<128x64xf32, #tpu.memory_space<vmem>>, vector<1x16xf32>,
        %swap3A_476 = vector.shape_cast %swap3A_475 : vector<1x16xf32> to vector<16xf32>
        %swap3A_477 = vector.shape_cast %get3A_472 : vector<16xf32> to vector<1x16xf32>
        tpu.vector_store %arg11[%swap3A_473, %swap3A_474], %swap3A_477 {strides = array<i32>} : memref<128x64xf32, #tpu.memory_space<vmem>>, vector<1x16xf32>,
        %get3A_478 = arith.index_cast %add3A_450 : i32 to index
        %get3A_479 = arith.constant 48 : index
        %get3A_480 = tpu.vector_load %arg7[%get3A_478, %get3A_479] {strides = array<i32>} : memref<128x128xf32, #tpu.memory_space<vmem>>, vector<1x16xf32>,
        %get3A_481 = vector.shape_cast %get3A_480 : vector<1x16xf32> to vector<16xf32>
        %swap3A_482 = arith.index_cast %add3A_450 : i32 to index
        %swap3A_483 = arith.constant 48 : index
        %swap3A_484 = tpu.vector_load %arg11[%swap3A_482, %swap3A_483] {strides = array<i32>} : memref<128x64xf32, #tpu.memory_space<vmem>>, vector<1x16xf32>,
        %swap3A_485 = vector.shape_cast %swap3A_484 : vector<1x16xf32> to vector<16xf32>
        %swap3A_486 = vector.shape_cast %get3A_481 : vector<16xf32> to vector<1x16xf32>
        tpu.vector_store %arg11[%swap3A_482, %swap3A_483], %swap3A_486 {strides = array<i32>} : memref<128x64xf32, #tpu.memory_space<vmem>>, vector<1x16xf32>,
      }
      %scan3A_96 = arith.constant 32 : i32
      %mul3A_97 = arith.constant 8 : i32
      %mul3A_98 = arith.muli %mul3A_97, %add3A_42 : i32
      %add3A_99 = arith.constant 1 : i32
      %add3A_100 = arith.addi %mul3A_98, %add3A_99 : i32
      %mul3A_101 = arith.constant 128 : i32
      %mul3A_102 = arith.muli %add3A_100, %mul3A_101 : i32
      %add3A_103 = arith.addi %mul3A_2, %mul3A_102 : i32
      %multiple_of3A_104 = tpu.assume_multiple %add3A_103, 128 : i32
      %dma_start3A_105 = arith.constant 0 : i32
      %dma_start3A_106 = tpu.memref_slice %arg4[%multiple_of3A_104, %dma_start3A_105] : memref<819200x64xf32, #tpu.memory_space<hbm>> -> memref<128x64xf32, #tpu.memory_space<hbm>>
      %dma_start3A_107 = arith.constant 0 : i32
      %dma_start3A_108 = tpu.memref_slice %arg4[%multiple_of3A_104, %dma_start3A_107] : memref<819200x64xf32, #tpu.memory_space<hbm>> -> memref<128x64xf32, #tpu.memory_space<hbm>>
      tpu.enqueue_dma source(%arg11 : memref<128x64xf32, #tpu.memory_space<vmem>>) target(%dma_start3A_108 : memref<128x64xf32, #tpu.memory_space<hbm>>) target_semaphore(%arg17 : memref<!tpu.dma_semaphore, #tpu.memory_space<semaphore_mem>>)
      %dma_start3A_109 = arith.constant 4 : i32
      %dma_start3A_110 = arith.constant 0 : i32
      %dma_start3A_111 = tpu.memref_slice %arg5[%add3A_42, %dma_start3A_109, %dma_start3A_110] : memref<25x8x128xi32, #tpu.memory_space<vmem>> -> memref<1x1x128xi32, #tpu.memory_space<vmem>>
      %dma_start3A_112 = tpu.memref_squeeze %dma_start3A_111 : memref<1x1x128xi32, #tpu.memory_space<vmem>> -> memref<128xi32, #tpu.memory_space<vmem>>
      %dma_start3A_113 = arith.constant 0 : i32
      %dma_start3A_114 = arith.constant 0 : i32
      %dma_start3A_115 = tpu.memref_slice %arg3[%dma_start3A_113, %dma_start3A_114] : memref<1000001x128xf32, #tpu.memory_space<hbm>> -> memref<1000001x128xf32, #tpu.memory_space<hbm>>
      tpu.enqueue_indirect_dma source(%dma_start3A_115 : memref<1000001x128xf32, #tpu.memory_space<hbm>>) target(%arg6 : memref<128x128xf32, #tpu.memory_space<vmem>>) offsets(%dma_start3A_112 : memref<128xi32, #tpu.memory_space<vmem>>) semaphore(%arg12 : memref<!tpu.dma_semaphore, #tpu.memory_space<semaphore_mem>>)
      %dma_wait3A_116 = arith.constant 0 : i32
      %dma_wait3A_117 = arith.constant 0 : i32
      %dma_wait3A_118 = tpu.memref_slice %arg3[%dma_wait3A_116, %dma_wait3A_117] : memref<1000001x128xf32, #tpu.memory_space<hbm>> -> memref<128x128xf32, #tpu.memory_space<hbm>>
      %dma_wait3A_119 = arith.constant 0 : i32
      %dma_wait3A_120 = arith.constant 0 : i32
      %dma_wait3A_121 = tpu.memref_slice %arg3[%dma_wait3A_119, %dma_wait3A_120] : memref<1000001x128xf32, #tpu.memory_space<hbm>> -> memref<128x128xf32, #tpu.memory_space<hbm>>
      tpu.wait_dma2 semaphore(%arg14 : memref<!tpu.dma_semaphore, #tpu.memory_space<semaphore_mem>>) src(%dma_wait3A_121 : memref<128x128xf32, #tpu.memory_space<hbm>>) dst(%arg8 : memref<128x128xf32, #tpu.memory_space<vmem>>)
      %dma_wait3A_122 = arith.constant 0 : i32
      %dma_wait3A_123 = arith.constant 0 : i32
      %dma_wait3A_124 = tpu.memref_slice %arg4[%dma_wait3A_122, %dma_wait3A_123] : memref<819200x64xf32, #tpu.memory_space<hbm>> -> memref<128x64xf32, #tpu.memory_space<hbm>>
      %dma_wait3A_125 = arith.constant 0 : i32
      %dma_wait3A_126 = arith.constant 0 : i32
      %dma_wait3A_127 = tpu.memref_slice %arg4[%dma_wait3A_125, %dma_wait3A_126] : memref<819200x64xf32, #tpu.memory_space<hbm>> -> memref<128x64xf32, #tpu.memory_space<hbm>>
      tpu.wait_dma2 semaphore(%arg16 : memref<!tpu.dma_semaphore, #tpu.memory_space<semaphore_mem>>) src(%arg10 : memref<128x64xf32, #tpu.memory_space<vmem>>) dst(%dma_wait3A_127 : memref<128x64xf32, #tpu.memory_space<hbm>>)
      %scan3A_128 = arith.constant 0 : i32
      %scan3A_129 = arith.constant 32 : i32
      %scan3A_130 = arith.addi %scan3A_128, %scan3A_129 : i32
      %scan3A_131 = arith.constant 1 : i32
      scf.for %scan3A_324 = %scan3A_128 to %scan3A_130 step %scan3A_131  : i32 {
        %mul3A_325 = arith.constant 1 : i32
        %mul3A_326 = arith.muli %scan3A_324, %mul3A_325 : i32
        %add3A_327 = arith.constant 0 : i32
        %add3A_328 = arith.addi %add3A_327, %mul3A_326 : i32
        %mul3A_329 = arith.constant 4 : i32
        %mul3A_330 = arith.muli %add3A_328, %mul3A_329 : i32
        %add3A_331 = arith.constant 0 : i32
        %add3A_332 = arith.addi %mul3A_330, %add3A_331 : i32
        %get3A = arith.index_cast %add3A_332 : i32 to index
        %get3A_333 = arith.constant 0 : index
        %get3A_334 = tpu.vector_load %arg8[%get3A, %get3A_333] {strides = array<i32>} : memref<128x128xf32, #tpu.memory_space<vmem>>, vector<1x16xf32>,
        %get3A_335 = vector.shape_cast %get3A_334 : vector<1x16xf32> to vector<16xf32>
        %swap3A = arith.index_cast %add3A_332 : i32 to index
        %swap3A_336 = arith.constant 0 : index
        %swap3A_337 = tpu.vector_load %arg10[%swap3A, %swap3A_336] {strides = array<i32>} : memref<128x64xf32, #tpu.memory_space<vmem>>, vector<1x16xf32>,
        %swap3A_338 = vector.shape_cast %swap3A_337 : vector<1x16xf32> to vector<16xf32>
        %swap3A_339 = vector.shape_cast %get3A_335 : vector<16xf32> to vector<1x16xf32>
        tpu.vector_store %arg10[%swap3A, %swap3A_336], %swap3A_339 {strides = array<i32>} : memref<128x64xf32, #tpu.memory_space<vmem>>, vector<1x16xf32>,
        %get3A_340 = arith.index_cast %add3A_332 : i32 to index
        %get3A_341 = arith.constant 16 : index
        %get3A_342 = tpu.vector_load %arg8[%get3A_340, %get3A_341] {strides = array<i32>} : memref<128x128xf32, #tpu.memory_space<vmem>>, vector<1x16xf32>,
        %get3A_343 = vector.shape_cast %get3A_342 : vector<1x16xf32> to vector<16xf32>
        %swap3A_344 = arith.index_cast %add3A_332 : i32 to index
        %swap3A_345 = arith.constant 16 : index
        %swap3A_346 = tpu.vector_load %arg10[%swap3A_344, %swap3A_345] {strides = array<i32>} : memref<128x64xf32, #tpu.memory_space<vmem>>, vector<1x16xf32>,
        %swap3A_347 = vector.shape_cast %swap3A_346 : vector<1x16xf32> to vector<16xf32>
        %swap3A_348 = vector.shape_cast %get3A_343 : vector<16xf32> to vector<1x16xf32>
        tpu.vector_store %arg10[%swap3A_344, %swap3A_345], %swap3A_348 {strides = array<i32>} : memref<128x64xf32, #tpu.memory_space<vmem>>, vector<1x16xf32>,
        %get3A_349 = arith.index_cast %add3A_332 : i32 to index
        %get3A_350 = arith.constant 32 : index
        %get3A_351 = tpu.vector_load %arg8[%get3A_349, %get3A_350] {strides = array<i32>} : memref<128x128xf32, #tpu.memory_space<vmem>>, vector<1x16xf32>,
        %get3A_352 = vector.shape_cast %get3A_351 : vector<1x16xf32> to vector<16xf32>
        %swap3A_353 = arith.index_cast %add3A_332 : i32 to index
        %swap3A_354 = arith.constant 32 : index
        %swap3A_355 = tpu.vector_load %arg10[%swap3A_353, %swap3A_354] {strides = array<i32>} : memref<128x64xf32, #tpu.memory_space<vmem>>, vector<1x16xf32>,
        %swap3A_356 = vector.shape_cast %swap3A_355 : vector<1x16xf32> to vector<16xf32>
        %swap3A_357 = vector.shape_cast %get3A_352 : vector<16xf32> to vector<1x16xf32>
        tpu.vector_store %arg10[%swap3A_353, %swap3A_354], %swap3A_357 {strides = array<i32>} : memref<128x64xf32, #tpu.memory_space<vmem>>, vector<1x16xf32>,
        %get3A_358 = arith.index_cast %add3A_332 : i32 to index
        %get3A_359 = arith.constant 48 : index
        %get3A_360 = tpu.vector_load %arg8[%get3A_358, %get3A_359] {strides = array<i32>} : memref<128x128xf32, #tpu.memory_space<vmem>>, vector<1x16xf32>,
        %get3A_361 = vector.shape_cast %get3A_360 : vector<1x16xf32> to vector<16xf32>
        %swap3A_362 = arith.index_cast %add3A_332 : i32 to index
        %swap3A_363 = arith.constant 48 : index
        %swap3A_364 = tpu.vector_load %arg10[%swap3A_362, %swap3A_363] {strides = array<i32>} : memref<128x64xf32, #tpu.memory_space<vmem>>, vector<1x16xf32>,
        %swap3A_365 = vector.shape_cast %swap3A_364 : vector<1x16xf32> to vector<16xf32>
        %swap3A_366 = vector.shape_cast %get3A_361 : vector<16xf32> to vector<1x16xf32>
        tpu.vector_store %arg10[%swap3A_362, %swap3A_363], %swap3A_366 {strides = array<i32>} : memref<128x64xf32, #tpu.memory_space<vmem>>, vector<1x16xf32>,
        %mul3A_367 = arith.constant 4 : i32
        %mul3A_368 = arith.muli %add3A_328, %mul3A_367 : i32
        %add3A_369 = arith.constant 1 : i32
        %add3A_370 = arith.addi %mul3A_368, %add3A_369 : i32
        %get3A_371 = arith.index_cast %add3A_370 : i32 to index
        %get3A_372 = arith.constant 0 : index
        %get3A_373 = tpu.vector_load %arg8[%get3A_371, %get3A_372] {strides = array<i32>} : memref<128x128xf32, #tpu.memory_space<vmem>>, vector<1x16xf32>,
        %get3A_374 = vector.shape_cast %get3A_373 : vector<1x16xf32> to vector<16xf32>
        %swap3A_375 = arith.index_cast %add3A_370 : i32 to index
        %swap3A_376 = arith.constant 0 : index
        %swap3A_377 = tpu.vector_load %arg10[%swap3A_375, %swap3A_376] {strides = array<i32>} : memref<128x64xf32, #tpu.memory_space<vmem>>, vector<1x16xf32>,
        %swap3A_378 = vector.shape_cast %swap3A_377 : vector<1x16xf32> to vector<16xf32>
        %swap3A_379 = vector.shape_cast %get3A_374 : vector<16xf32> to vector<1x16xf32>
        tpu.vector_store %arg10[%swap3A_375, %swap3A_376], %swap3A_379 {strides = array<i32>} : memref<128x64xf32, #tpu.memory_space<vmem>>, vector<1x16xf32>,
        %get3A_380 = arith.index_cast %add3A_370 : i32 to index
        %get3A_381 = arith.constant 16 : index
        %get3A_382 = tpu.vector_load %arg8[%get3A_380, %get3A_381] {strides = array<i32>} : memref<128x128xf32, #tpu.memory_space<vmem>>, vector<1x16xf32>,
        %get3A_383 = vector.shape_cast %get3A_382 : vector<1x16xf32> to vector<16xf32>
        %swap3A_384 = arith.index_cast %add3A_370 : i32 to index
        %swap3A_385 = arith.constant 16 : index
        %swap3A_386 = tpu.vector_load %arg10[%swap3A_384, %swap3A_385] {strides = array<i32>} : memref<128x64xf32, #tpu.memory_space<vmem>>, vector<1x16xf32>,
        %swap3A_387 = vector.shape_cast %swap3A_386 : vector<1x16xf32> to vector<16xf32>
        %swap3A_388 = vector.shape_cast %get3A_383 : vector<16xf32> to vector<1x16xf32>
        tpu.vector_store %arg10[%swap3A_384, %swap3A_385], %swap3A_388 {strides = array<i32>} : memref<128x64xf32, #tpu.memory_space<vmem>>, vector<1x16xf32>,
        %get3A_389 = arith.index_cast %add3A_370 : i32 to index
        %get3A_390 = arith.constant 32 : index
        %get3A_391 = tpu.vector_load %arg8[%get3A_389, %get3A_390] {strides = array<i32>} : memref<128x128xf32, #tpu.memory_space<vmem>>, vector<1x16xf32>,
        %get3A_392 = vector.shape_cast %get3A_391 : vector<1x16xf32> to vector<16xf32>
        %swap3A_393 = arith.index_cast %add3A_370 : i32 to index
        %swap3A_394 = arith.constant 32 : index
        %swap3A_395 = tpu.vector_load %arg10[%swap3A_393, %swap3A_394] {strides = array<i32>} : memref<128x64xf32, #tpu.memory_space<vmem>>, vector<1x16xf32>,
        %swap3A_396 = vector.shape_cast %swap3A_395 : vector<1x16xf32> to vector<16xf32>
        %swap3A_397 = vector.shape_cast %get3A_392 : vector<16xf32> to vector<1x16xf32>
        tpu.vector_store %arg10[%swap3A_393, %swap3A_394], %swap3A_397 {strides = array<i32>} : memref<128x64xf32, #tpu.memory_space<vmem>>, vector<1x16xf32>,
        %get3A_398 = arith.index_cast %add3A_370 : i32 to index
        %get3A_399 = arith.constant 48 : index
        %get3A_400 = tpu.vector_load %arg8[%get3A_398, %get3A_399] {strides = array<i32>} : memref<128x128xf32, #tpu.memory_space<vmem>>, vector<1x16xf32>,
        %get3A_401 = vector.shape_cast %get3A_400 : vector<1x16xf32> to vector<16xf32>
        %swap3A_402 = arith.index_cast %add3A_370 : i32 to index
        %swap3A_403 = arith.constant 48 : index
        %swap3A_404 = tpu.vector_load %arg10[%swap3A_402, %swap3A_403] {strides = array<i32>} : memref<128x64xf32, #tpu.memory_space<vmem>>, vector<1x16xf32>,
        %swap3A_405 = vector.shape_cast %swap3A_404 : vector<1x16xf32> to vector<16xf32>
        %swap3A_406 = vector.shape_cast %get3A_401 : vector<16xf32> to vector<1x16xf32>
        tpu.vector_store %arg10[%swap3A_402, %swap3A_403], %swap3A_406 {strides = array<i32>} : memref<128x64xf32, #tpu.memory_space<vmem>>, vector<1x16xf32>,
        %mul3A_407 = arith.constant 4 : i32
        %mul3A_408 = arith.muli %add3A_328, %mul3A_407 : i32
        %add3A_409 = arith.constant 2 : i32
        %add3A_410 = arith.addi %mul3A_408, %add3A_409 : i32
        %get3A_411 = arith.index_cast %add3A_410 : i32 to index
        %get3A_412 = arith.constant 0 : index
        %get3A_413 = tpu.vector_load %arg8[%get3A_411, %get3A_412] {strides = array<i32>} : memref<128x128xf32, #tpu.memory_space<vmem>>, vector<1x16xf32>,
        %get3A_414 = vector.shape_cast %get3A_413 : vector<1x16xf32> to vector<16xf32>
        %swap3A_415 = arith.index_cast %add3A_410 : i32 to index
        %swap3A_416 = arith.constant 0 : index
        %swap3A_417 = tpu.vector_load %arg10[%swap3A_415, %swap3A_416] {strides = array<i32>} : memref<128x64xf32, #tpu.memory_space<vmem>>, vector<1x16xf32>,
        %swap3A_418 = vector.shape_cast %swap3A_417 : vector<1x16xf32> to vector<16xf32>
        %swap3A_419 = vector.shape_cast %get3A_414 : vector<16xf32> to vector<1x16xf32>
        tpu.vector_store %arg10[%swap3A_415, %swap3A_416], %swap3A_419 {strides = array<i32>} : memref<128x64xf32, #tpu.memory_space<vmem>>, vector<1x16xf32>,
        %get3A_420 = arith.index_cast %add3A_410 : i32 to index
        %get3A_421 = arith.constant 16 : index
        %get3A_422 = tpu.vector_load %arg8[%get3A_420, %get3A_421] {strides = array<i32>} : memref<128x128xf32, #tpu.memory_space<vmem>>, vector<1x16xf32>,
        %get3A_423 = vector.shape_cast %get3A_422 : vector<1x16xf32> to vector<16xf32>
        %swap3A_424 = arith.index_cast %add3A_410 : i32 to index
        %swap3A_425 = arith.constant 16 : index
        %swap3A_426 = tpu.vector_load %arg10[%swap3A_424, %swap3A_425] {strides = array<i32>} : memref<128x64xf32, #tpu.memory_space<vmem>>, vector<1x16xf32>,
        %swap3A_427 = vector.shape_cast %swap3A_426 : vector<1x16xf32> to vector<16xf32>
        %swap3A_428 = vector.shape_cast %get3A_423 : vector<16xf32> to vector<1x16xf32>
        tpu.vector_store %arg10[%swap3A_424, %swap3A_425], %swap3A_428 {strides = array<i32>} : memref<128x64xf32, #tpu.memory_space<vmem>>, vector<1x16xf32>,
        %get3A_429 = arith.index_cast %add3A_410 : i32 to index
        %get3A_430 = arith.constant 32 : index
        %get3A_431 = tpu.vector_load %arg8[%get3A_429, %get3A_430] {strides = array<i32>} : memref<128x128xf32, #tpu.memory_space<vmem>>, vector<1x16xf32>,
        %get3A_432 = vector.shape_cast %get3A_431 : vector<1x16xf32> to vector<16xf32>
        %swap3A_433 = arith.index_cast %add3A_410 : i32 to index
        %swap3A_434 = arith.constant 32 : index
        %swap3A_435 = tpu.vector_load %arg10[%swap3A_433, %swap3A_434] {strides = array<i32>} : memref<128x64xf32, #tpu.memory_space<vmem>>, vector<1x16xf32>,
        %swap3A_436 = vector.shape_cast %swap3A_435 : vector<1x16xf32> to vector<16xf32>
        %swap3A_437 = vector.shape_cast %get3A_432 : vector<16xf32> to vector<1x16xf32>
        tpu.vector_store %arg10[%swap3A_433, %swap3A_434], %swap3A_437 {strides = array<i32>} : memref<128x64xf32, #tpu.memory_space<vmem>>, vector<1x16xf32>,
        %get3A_438 = arith.index_cast %add3A_410 : i32 to index
        %get3A_439 = arith.constant 48 : index
        %get3A_440 = tpu.vector_load %arg8[%get3A_438, %get3A_439] {strides = array<i32>} : memref<128x128xf32, #tpu.memory_space<vmem>>, vector<1x16xf32>,
        %get3A_441 = vector.shape_cast %get3A_440 : vector<1x16xf32> to vector<16xf32>
        %swap3A_442 = arith.index_cast %add3A_410 : i32 to index
        %swap3A_443 = arith.constant 48 : index
        %swap3A_444 = tpu.vector_load %arg10[%swap3A_442, %swap3A_443] {strides = array<i32>} : memref<128x64xf32, #tpu.memory_space<vmem>>, vector<1x16xf32>,
        %swap3A_445 = vector.shape_cast %swap3A_444 : vector<1x16xf32> to vector<16xf32>
        %swap3A_446 = vector.shape_cast %get3A_441 : vector<16xf32> to vector<1x16xf32>
        tpu.vector_store %arg10[%swap3A_442, %swap3A_443], %swap3A_446 {strides = array<i32>} : memref<128x64xf32, #tpu.memory_space<vmem>>, vector<1x16xf32>,
        %mul3A_447 = arith.constant 4 : i32
        %mul3A_448 = arith.muli %add3A_328, %mul3A_447 : i32
        %add3A_449 = arith.constant 3 : i32
        %add3A_450 = arith.addi %mul3A_448, %add3A_449 : i32
        %get3A_451 = arith.index_cast %add3A_450 : i32 to index
        %get3A_452 = arith.constant 0 : index
        %get3A_453 = tpu.vector_load %arg8[%get3A_451, %get3A_452] {strides = array<i32>} : memref<128x128xf32, #tpu.memory_space<vmem>>, vector<1x16xf32>,
        %get3A_454 = vector.shape_cast %get3A_453 : vector<1x16xf32> to vector<16xf32>
        %swap3A_455 = arith.index_cast %add3A_450 : i32 to index
        %swap3A_456 = arith.constant 0 : index
        %swap3A_457 = tpu.vector_load %arg10[%swap3A_455, %swap3A_456] {strides = array<i32>} : memref<128x64xf32, #tpu.memory_space<vmem>>, vector<1x16xf32>,
        %swap3A_458 = vector.shape_cast %swap3A_457 : vector<1x16xf32> to vector<16xf32>
        %swap3A_459 = vector.shape_cast %get3A_454 : vector<16xf32> to vector<1x16xf32>
        tpu.vector_store %arg10[%swap3A_455, %swap3A_456], %swap3A_459 {strides = array<i32>} : memref<128x64xf32, #tpu.memory_space<vmem>>, vector<1x16xf32>,
        %get3A_460 = arith.index_cast %add3A_450 : i32 to index
        %get3A_461 = arith.constant 16 : index
        %get3A_462 = tpu.vector_load %arg8[%get3A_460, %get3A_461] {strides = array<i32>} : memref<128x128xf32, #tpu.memory_space<vmem>>, vector<1x16xf32>,
        %get3A_463 = vector.shape_cast %get3A_462 : vector<1x16xf32> to vector<16xf32>
        %swap3A_464 = arith.index_cast %add3A_450 : i32 to index
        %swap3A_465 = arith.constant 16 : index
        %swap3A_466 = tpu.vector_load %arg10[%swap3A_464, %swap3A_465] {strides = array<i32>} : memref<128x64xf32, #tpu.memory_space<vmem>>, vector<1x16xf32>,
        %swap3A_467 = vector.shape_cast %swap3A_466 : vector<1x16xf32> to vector<16xf32>
        %swap3A_468 = vector.shape_cast %get3A_463 : vector<16xf32> to vector<1x16xf32>
        tpu.vector_store %arg10[%swap3A_464, %swap3A_465], %swap3A_468 {strides = array<i32>} : memref<128x64xf32, #tpu.memory_space<vmem>>, vector<1x16xf32>,
        %get3A_469 = arith.index_cast %add3A_450 : i32 to index
        %get3A_470 = arith.constant 32 : index
        %get3A_471 = tpu.vector_load %arg8[%get3A_469, %get3A_470] {strides = array<i32>} : memref<128x128xf32, #tpu.memory_space<vmem>>, vector<1x16xf32>,
        %get3A_472 = vector.shape_cast %get3A_471 : vector<1x16xf32> to vector<16xf32>
        %swap3A_473 = arith.index_cast %add3A_450 : i32 to index
        %swap3A_474 = arith.constant 32 : index
        %swap3A_475 = tpu.vector_load %arg10[%swap3A_473, %swap3A_474] {strides = array<i32>} : memref<128x64xf32, #tpu.memory_space<vmem>>, vector<1x16xf32>,
        %swap3A_476 = vector.shape_cast %swap3A_475 : vector<1x16xf32> to vector<16xf32>
        %swap3A_477 = vector.shape_cast %get3A_472 : vector<16xf32> to vector<1x16xf32>
        tpu.vector_store %arg10[%swap3A_473, %swap3A_474], %swap3A_477 {strides = array<i32>} : memref<128x64xf32, #tpu.memory_space<vmem>>, vector<1x16xf32>,
        %get3A_478 = arith.index_cast %add3A_450 : i32 to index
        %get3A_479 = arith.constant 48 : index
        %get3A_480 = tpu.vector_load %arg8[%get3A_478, %get3A_479] {strides = array<i32>} : memref<128x128xf32, #tpu.memory_space<vmem>>, vector<1x16xf32>,
        %get3A_481 = vector.shape_cast %get3A_480 : vector<1x16xf32> to vector<16xf32>
        %swap3A_482 = arith.index_cast %add3A_450 : i32 to index
        %swap3A_483 = arith.constant 48 : index
        %swap3A_484 = tpu.vector_load %arg10[%swap3A_482, %swap3A_483] {strides = array<i32>} : memref<128x64xf32, #tpu.memory_space<vmem>>, vector<1x16xf32>,
        %swap3A_485 = vector.shape_cast %swap3A_484 : vector<1x16xf32> to vector<16xf32>
        %swap3A_486 = vector.shape_cast %get3A_481 : vector<16xf32> to vector<1x16xf32>
        tpu.vector_store %arg10[%swap3A_482, %swap3A_483], %swap3A_486 {strides = array<i32>} : memref<128x64xf32, #tpu.memory_space<vmem>>, vector<1x16xf32>,
      }
      %scan3A_132 = arith.constant 32 : i32
      %mul3A_133 = arith.constant 8 : i32
      %mul3A_134 = arith.muli %mul3A_133, %add3A_42 : i32
      %add3A_135 = arith.constant 2 : i32
      %add3A_136 = arith.addi %mul3A_134, %add3A_135 : i32
      %mul3A_137 = arith.constant 128 : i32
      %mul3A_138 = arith.muli %add3A_136, %mul3A_137 : i32
      %add3A_139 = arith.addi %mul3A_2, %mul3A_138 : i32
      %multiple_of3A_140 = tpu.assume_multiple %add3A_139, 128 : i32
      %dma_start3A_141 = arith.constant 0 : i32
      %dma_start3A_142 = tpu.memref_slice %arg4[%multiple_of3A_140, %dma_start3A_141] : memref<819200x64xf32, #tpu.memory_space<hbm>> -> memref<128x64xf32, #tpu.memory_space<hbm>>
      %dma_start3A_143 = arith.constant 0 : i32
      %dma_start3A_144 = tpu.memref_slice %arg4[%multiple_of3A_140, %dma_start3A_143] : memref<819200x64xf32, #tpu.memory_space<hbm>> -> memref<128x64xf32, #tpu.memory_space<hbm>>
      tpu.enqueue_dma source(%arg10 : memref<128x64xf32, #tpu.memory_space<vmem>>) target(%dma_start3A_144 : memref<128x64xf32, #tpu.memory_space<hbm>>) target_semaphore(%arg16 : memref<!tpu.dma_semaphore, #tpu.memory_space<semaphore_mem>>)
      %dma_start3A_145 = arith.constant 5 : i32
      %dma_start3A_146 = arith.constant 0 : i32
      %dma_start3A_147 = tpu.memref_slice %arg5[%add3A_42, %dma_start3A_145, %dma_start3A_146] : memref<25x8x128xi32, #tpu.memory_space<vmem>> -> memref<1x1x128xi32, #tpu.memory_space<vmem>>
      %dma_start3A_148 = tpu.memref_squeeze %dma_start3A_147 : memref<1x1x128xi32, #tpu.memory_space<vmem>> -> memref<128xi32, #tpu.memory_space<vmem>>
      %dma_start3A_149 = arith.constant 0 : i32
      %dma_start3A_150 = arith.constant 0 : i32
      %dma_start3A_151 = tpu.memref_slice %arg3[%dma_start3A_149, %dma_start3A_150] : memref<1000001x128xf32, #tpu.memory_space<hbm>> -> memref<1000001x128xf32, #tpu.memory_space<hbm>>
      tpu.enqueue_indirect_dma source(%dma_start3A_151 : memref<1000001x128xf32, #tpu.memory_space<hbm>>) target(%arg7 : memref<128x128xf32, #tpu.memory_space<vmem>>) offsets(%dma_start3A_148 : memref<128xi32, #tpu.memory_space<vmem>>) semaphore(%arg13 : memref<!tpu.dma_semaphore, #tpu.memory_space<semaphore_mem>>)
      %dma_wait3A_152 = arith.constant 0 : i32
      %dma_wait3A_153 = arith.constant 0 : i32
      %dma_wait3A_154 = tpu.memref_slice %arg3[%dma_wait3A_152, %dma_wait3A_153] : memref<1000001x128xf32, #tpu.memory_space<hbm>> -> memref<128x128xf32, #tpu.memory_space<hbm>>
      %dma_wait3A_155 = arith.constant 0 : i32
      %dma_wait3A_156 = arith.constant 0 : i32
      %dma_wait3A_157 = tpu.memref_slice %arg3[%dma_wait3A_155, %dma_wait3A_156] : memref<1000001x128xf32, #tpu.memory_space<hbm>> -> memref<128x128xf32, #tpu.memory_space<hbm>>
      tpu.wait_dma2 semaphore(%arg15 : memref<!tpu.dma_semaphore, #tpu.memory_space<semaphore_mem>>) src(%dma_wait3A_157 : memref<128x128xf32, #tpu.memory_space<hbm>>) dst(%arg9 : memref<128x128xf32, #tpu.memory_space<vmem>>)
      %dma_wait3A_158 = arith.constant 0 : i32
      %dma_wait3A_159 = arith.constant 0 : i32
      %dma_wait3A_160 = tpu.memref_slice %arg4[%dma_wait3A_158, %dma_wait3A_159] : memref<819200x64xf32, #tpu.memory_space<hbm>> -> memref<128x64xf32, #tpu.memory_space<hbm>>
      %dma_wait3A_161 = arith.constant 0 : i32
      %dma_wait3A_162 = arith.constant 0 : i32
      %dma_wait3A_163 = tpu.memref_slice %arg4[%dma_wait3A_161, %dma_wait3A_162] : memref<819200x64xf32, #tpu.memory_space<hbm>> -> memref<128x64xf32, #tpu.memory_space<hbm>>
      tpu.wait_dma2 semaphore(%arg17 : memref<!tpu.dma_semaphore, #tpu.memory_space<semaphore_mem>>) src(%arg11 : memref<128x64xf32, #tpu.memory_space<vmem>>) dst(%dma_wait3A_163 : memref<128x64xf32, #tpu.memory_space<hbm>>)
      %scan3A_164 = arith.constant 0 : i32
      %scan3A_165 = arith.constant 32 : i32
      %scan3A_166 = arith.addi %scan3A_164, %scan3A_165 : i32
      %scan3A_167 = arith.constant 1 : i32
      scf.for %scan3A_324 = %scan3A_164 to %scan3A_166 step %scan3A_167  : i32 {
        %mul3A_325 = arith.constant 1 : i32
        %mul3A_326 = arith.muli %scan3A_324, %mul3A_325 : i32
        %add3A_327 = arith.constant 0 : i32
        %add3A_328 = arith.addi %add3A_327, %mul3A_326 : i32
        %mul3A_329 = arith.constant 4 : i32
        %mul3A_330 = arith.muli %add3A_328, %mul3A_329 : i32
        %add3A_331 = arith.constant 0 : i32
        %add3A_332 = arith.addi %mul3A_330, %add3A_331 : i32
        %get3A = arith.index_cast %add3A_332 : i32 to index
        %get3A_333 = arith.constant 0 : index
        %get3A_334 = tpu.vector_load %arg9[%get3A, %get3A_333] {strides = array<i32>} : memref<128x128xf32, #tpu.memory_space<vmem>>, vector<1x16xf32>,
        %get3A_335 = vector.shape_cast %get3A_334 : vector<1x16xf32> to vector<16xf32>
        %swap3A = arith.index_cast %add3A_332 : i32 to index
        %swap3A_336 = arith.constant 0 : index
        %swap3A_337 = tpu.vector_load %arg11[%swap3A, %swap3A_336] {strides = array<i32>} : memref<128x64xf32, #tpu.memory_space<vmem>>, vector<1x16xf32>,
        %swap3A_338 = vector.shape_cast %swap3A_337 : vector<1x16xf32> to vector<16xf32>
        %swap3A_339 = vector.shape_cast %get3A_335 : vector<16xf32> to vector<1x16xf32>
        tpu.vector_store %arg11[%swap3A, %swap3A_336], %swap3A_339 {strides = array<i32>} : memref<128x64xf32, #tpu.memory_space<vmem>>, vector<1x16xf32>,
        %get3A_340 = arith.index_cast %add3A_332 : i32 to index
        %get3A_341 = arith.constant 16 : index
        %get3A_342 = tpu.vector_load %arg9[%get3A_340, %get3A_341] {strides = array<i32>} : memref<128x128xf32, #tpu.memory_space<vmem>>, vector<1x16xf32>,
        %get3A_343 = vector.shape_cast %get3A_342 : vector<1x16xf32> to vector<16xf32>
        %swap3A_344 = arith.index_cast %add3A_332 : i32 to index
        %swap3A_345 = arith.constant 16 : index
        %swap3A_346 = tpu.vector_load %arg11[%swap3A_344, %swap3A_345] {strides = array<i32>} : memref<128x64xf32, #tpu.memory_space<vmem>>, vector<1x16xf32>,
        %swap3A_347 = vector.shape_cast %swap3A_346 : vector<1x16xf32> to vector<16xf32>
        %swap3A_348 = vector.shape_cast %get3A_343 : vector<16xf32> to vector<1x16xf32>
        tpu.vector_store %arg11[%swap3A_344, %swap3A_345], %swap3A_348 {strides = array<i32>} : memref<128x64xf32, #tpu.memory_space<vmem>>, vector<1x16xf32>,
        %get3A_349 = arith.index_cast %add3A_332 : i32 to index
        %get3A_350 = arith.constant 32 : index
        %get3A_351 = tpu.vector_load %arg9[%get3A_349, %get3A_350] {strides = array<i32>} : memref<128x128xf32, #tpu.memory_space<vmem>>, vector<1x16xf32>,
        %get3A_352 = vector.shape_cast %get3A_351 : vector<1x16xf32> to vector<16xf32>
        %swap3A_353 = arith.index_cast %add3A_332 : i32 to index
        %swap3A_354 = arith.constant 32 : index
        %swap3A_355 = tpu.vector_load %arg11[%swap3A_353, %swap3A_354] {strides = array<i32>} : memref<128x64xf32, #tpu.memory_space<vmem>>, vector<1x16xf32>,
        %swap3A_356 = vector.shape_cast %swap3A_355 : vector<1x16xf32> to vector<16xf32>
        %swap3A_357 = vector.shape_cast %get3A_352 : vector<16xf32> to vector<1x16xf32>
        tpu.vector_store %arg11[%swap3A_353, %swap3A_354], %swap3A_357 {strides = array<i32>} : memref<128x64xf32, #tpu.memory_space<vmem>>, vector<1x16xf32>,
        %get3A_358 = arith.index_cast %add3A_332 : i32 to index
        %get3A_359 = arith.constant 48 : index
        %get3A_360 = tpu.vector_load %arg9[%get3A_358, %get3A_359] {strides = array<i32>} : memref<128x128xf32, #tpu.memory_space<vmem>>, vector<1x16xf32>,
        %get3A_361 = vector.shape_cast %get3A_360 : vector<1x16xf32> to vector<16xf32>
        %swap3A_362 = arith.index_cast %add3A_332 : i32 to index
        %swap3A_363 = arith.constant 48 : index
        %swap3A_364 = tpu.vector_load %arg11[%swap3A_362, %swap3A_363] {strides = array<i32>} : memref<128x64xf32, #tpu.memory_space<vmem>>, vector<1x16xf32>,
        %swap3A_365 = vector.shape_cast %swap3A_364 : vector<1x16xf32> to vector<16xf32>
        %swap3A_366 = vector.shape_cast %get3A_361 : vector<16xf32> to vector<1x16xf32>
        tpu.vector_store %arg11[%swap3A_362, %swap3A_363], %swap3A_366 {strides = array<i32>} : memref<128x64xf32, #tpu.memory_space<vmem>>, vector<1x16xf32>,
        %mul3A_367 = arith.constant 4 : i32
        %mul3A_368 = arith.muli %add3A_328, %mul3A_367 : i32
        %add3A_369 = arith.constant 1 : i32
        %add3A_370 = arith.addi %mul3A_368, %add3A_369 : i32
        %get3A_371 = arith.index_cast %add3A_370 : i32 to index
        %get3A_372 = arith.constant 0 : index
        %get3A_373 = tpu.vector_load %arg9[%get3A_371, %get3A_372] {strides = array<i32>} : memref<128x128xf32, #tpu.memory_space<vmem>>, vector<1x16xf32>,
        %get3A_374 = vector.shape_cast %get3A_373 : vector<1x16xf32> to vector<16xf32>
        %swap3A_375 = arith.index_cast %add3A_370 : i32 to index
        %swap3A_376 = arith.constant 0 : index
        %swap3A_377 = tpu.vector_load %arg11[%swap3A_375, %swap3A_376] {strides = array<i32>} : memref<128x64xf32, #tpu.memory_space<vmem>>, vector<1x16xf32>,
        %swap3A_378 = vector.shape_cast %swap3A_377 : vector<1x16xf32> to vector<16xf32>
        %swap3A_379 = vector.shape_cast %get3A_374 : vector<16xf32> to vector<1x16xf32>
        tpu.vector_store %arg11[%swap3A_375, %swap3A_376], %swap3A_379 {strides = array<i32>} : memref<128x64xf32, #tpu.memory_space<vmem>>, vector<1x16xf32>,
        %get3A_380 = arith.index_cast %add3A_370 : i32 to index
        %get3A_381 = arith.constant 16 : index
        %get3A_382 = tpu.vector_load %arg9[%get3A_380, %get3A_381] {strides = array<i32>} : memref<128x128xf32, #tpu.memory_space<vmem>>, vector<1x16xf32>,
        %get3A_383 = vector.shape_cast %get3A_382 : vector<1x16xf32> to vector<16xf32>
        %swap3A_384 = arith.index_cast %add3A_370 : i32 to index
        %swap3A_385 = arith.constant 16 : index
        %swap3A_386 = tpu.vector_load %arg11[%swap3A_384, %swap3A_385] {strides = array<i32>} : memref<128x64xf32, #tpu.memory_space<vmem>>, vector<1x16xf32>,
        %swap3A_387 = vector.shape_cast %swap3A_386 : vector<1x16xf32> to vector<16xf32>
        %swap3A_388 = vector.shape_cast %get3A_383 : vector<16xf32> to vector<1x16xf32>
        tpu.vector_store %arg11[%swap3A_384, %swap3A_385], %swap3A_388 {strides = array<i32>} : memref<128x64xf32, #tpu.memory_space<vmem>>, vector<1x16xf32>,
        %get3A_389 = arith.index_cast %add3A_370 : i32 to index
        %get3A_390 = arith.constant 32 : index
        %get3A_391 = tpu.vector_load %arg9[%get3A_389, %get3A_390] {strides = array<i32>} : memref<128x128xf32, #tpu.memory_space<vmem>>, vector<1x16xf32>,
        %get3A_392 = vector.shape_cast %get3A_391 : vector<1x16xf32> to vector<16xf32>
        %swap3A_393 = arith.index_cast %add3A_370 : i32 to index
        %swap3A_394 = arith.constant 32 : index
        %swap3A_395 = tpu.vector_load %arg11[%swap3A_393, %swap3A_394] {strides = array<i32>} : memref<128x64xf32, #tpu.memory_space<vmem>>, vector<1x16xf32>,
        %swap3A_396 = vector.shape_cast %swap3A_395 : vector<1x16xf32> to vector<16xf32>
        %swap3A_397 = vector.shape_cast %get3A_392 : vector<16xf32> to vector<1x16xf32>
        tpu.vector_store %arg11[%swap3A_393, %swap3A_394], %swap3A_397 {strides = array<i32>} : memref<128x64xf32, #tpu.memory_space<vmem>>, vector<1x16xf32>,
        %get3A_398 = arith.index_cast %add3A_370 : i32 to index
        %get3A_399 = arith.constant 48 : index
        %get3A_400 = tpu.vector_load %arg9[%get3A_398, %get3A_399] {strides = array<i32>} : memref<128x128xf32, #tpu.memory_space<vmem>>, vector<1x16xf32>,
        %get3A_401 = vector.shape_cast %get3A_400 : vector<1x16xf32> to vector<16xf32>
        %swap3A_402 = arith.index_cast %add3A_370 : i32 to index
        %swap3A_403 = arith.constant 48 : index
        %swap3A_404 = tpu.vector_load %arg11[%swap3A_402, %swap3A_403] {strides = array<i32>} : memref<128x64xf32, #tpu.memory_space<vmem>>, vector<1x16xf32>,
        %swap3A_405 = vector.shape_cast %swap3A_404 : vector<1x16xf32> to vector<16xf32>
        %swap3A_406 = vector.shape_cast %get3A_401 : vector<16xf32> to vector<1x16xf32>
        tpu.vector_store %arg11[%swap3A_402, %swap3A_403], %swap3A_406 {strides = array<i32>} : memref<128x64xf32, #tpu.memory_space<vmem>>, vector<1x16xf32>,
        %mul3A_407 = arith.constant 4 : i32
        %mul3A_408 = arith.muli %add3A_328, %mul3A_407 : i32
        %add3A_409 = arith.constant 2 : i32
        %add3A_410 = arith.addi %mul3A_408, %add3A_409 : i32
        %get3A_411 = arith.index_cast %add3A_410 : i32 to index
        %get3A_412 = arith.constant 0 : index
        %get3A_413 = tpu.vector_load %arg9[%get3A_411, %get3A_412] {strides = array<i32>} : memref<128x128xf32, #tpu.memory_space<vmem>>, vector<1x16xf32>,
        %get3A_414 = vector.shape_cast %get3A_413 : vector<1x16xf32> to vector<16xf32>
        %swap3A_415 = arith.index_cast %add3A_410 : i32 to index
        %swap3A_416 = arith.constant 0 : index
        %swap3A_417 = tpu.vector_load %arg11[%swap3A_415, %swap3A_416] {strides = array<i32>} : memref<128x64xf32, #tpu.memory_space<vmem>>, vector<1x16xf32>,
        %swap3A_418 = vector.shape_cast %swap3A_417 : vector<1x16xf32> to vector<16xf32>
        %swap3A_419 = vector.shape_cast %get3A_414 : vector<16xf32> to vector<1x16xf32>
        tpu.vector_store %arg11[%swap3A_415, %swap3A_416], %swap3A_419 {strides = array<i32>} : memref<128x64xf32, #tpu.memory_space<vmem>>, vector<1x16xf32>,
        %get3A_420 = arith.index_cast %add3A_410 : i32 to index
        %get3A_421 = arith.constant 16 : index
        %get3A_422 = tpu.vector_load %arg9[%get3A_420, %get3A_421] {strides = array<i32>} : memref<128x128xf32, #tpu.memory_space<vmem>>, vector<1x16xf32>,
        %get3A_423 = vector.shape_cast %get3A_422 : vector<1x16xf32> to vector<16xf32>
        %swap3A_424 = arith.index_cast %add3A_410 : i32 to index
        %swap3A_425 = arith.constant 16 : index
        %swap3A_426 = tpu.vector_load %arg11[%swap3A_424, %swap3A_425] {strides = array<i32>} : memref<128x64xf32, #tpu.memory_space<vmem>>, vector<1x16xf32>,
        %swap3A_427 = vector.shape_cast %swap3A_426 : vector<1x16xf32> to vector<16xf32>
        %swap3A_428 = vector.shape_cast %get3A_423 : vector<16xf32> to vector<1x16xf32>
        tpu.vector_store %arg11[%swap3A_424, %swap3A_425], %swap3A_428 {strides = array<i32>} : memref<128x64xf32, #tpu.memory_space<vmem>>, vector<1x16xf32>,
        %get3A_429 = arith.index_cast %add3A_410 : i32 to index
        %get3A_430 = arith.constant 32 : index
        %get3A_431 = tpu.vector_load %arg9[%get3A_429, %get3A_430] {strides = array<i32>} : memref<128x128xf32, #tpu.memory_space<vmem>>, vector<1x16xf32>,
        %get3A_432 = vector.shape_cast %get3A_431 : vector<1x16xf32> to vector<16xf32>
        %swap3A_433 = arith.index_cast %add3A_410 : i32 to index
        %swap3A_434 = arith.constant 32 : index
        %swap3A_435 = tpu.vector_load %arg11[%swap3A_433, %swap3A_434] {strides = array<i32>} : memref<128x64xf32, #tpu.memory_space<vmem>>, vector<1x16xf32>,
        %swap3A_436 = vector.shape_cast %swap3A_435 : vector<1x16xf32> to vector<16xf32>
        %swap3A_437 = vector.shape_cast %get3A_432 : vector<16xf32> to vector<1x16xf32>
        tpu.vector_store %arg11[%swap3A_433, %swap3A_434], %swap3A_437 {strides = array<i32>} : memref<128x64xf32, #tpu.memory_space<vmem>>, vector<1x16xf32>,
        %get3A_438 = arith.index_cast %add3A_410 : i32 to index
        %get3A_439 = arith.constant 48 : index
        %get3A_440 = tpu.vector_load %arg9[%get3A_438, %get3A_439] {strides = array<i32>} : memref<128x128xf32, #tpu.memory_space<vmem>>, vector<1x16xf32>,
        %get3A_441 = vector.shape_cast %get3A_440 : vector<1x16xf32> to vector<16xf32>
        %swap3A_442 = arith.index_cast %add3A_410 : i32 to index
        %swap3A_443 = arith.constant 48 : index
        %swap3A_444 = tpu.vector_load %arg11[%swap3A_442, %swap3A_443] {strides = array<i32>} : memref<128x64xf32, #tpu.memory_space<vmem>>, vector<1x16xf32>,
        %swap3A_445 = vector.shape_cast %swap3A_444 : vector<1x16xf32> to vector<16xf32>
        %swap3A_446 = vector.shape_cast %get3A_441 : vector<16xf32> to vector<1x16xf32>
        tpu.vector_store %arg11[%swap3A_442, %swap3A_443], %swap3A_446 {strides = array<i32>} : memref<128x64xf32, #tpu.memory_space<vmem>>, vector<1x16xf32>,
        %mul3A_447 = arith.constant 4 : i32
        %mul3A_448 = arith.muli %add3A_328, %mul3A_447 : i32
        %add3A_449 = arith.constant 3 : i32
        %add3A_450 = arith.addi %mul3A_448, %add3A_449 : i32
        %get3A_451 = arith.index_cast %add3A_450 : i32 to index
        %get3A_452 = arith.constant 0 : index
        %get3A_453 = tpu.vector_load %arg9[%get3A_451, %get3A_452] {strides = array<i32>} : memref<128x128xf32, #tpu.memory_space<vmem>>, vector<1x16xf32>,
        %get3A_454 = vector.shape_cast %get3A_453 : vector<1x16xf32> to vector<16xf32>
        %swap3A_455 = arith.index_cast %add3A_450 : i32 to index
        %swap3A_456 = arith.constant 0 : index
        %swap3A_457 = tpu.vector_load %arg11[%swap3A_455, %swap3A_456] {strides = array<i32>} : memref<128x64xf32, #tpu.memory_space<vmem>>, vector<1x16xf32>,
        %swap3A_458 = vector.shape_cast %swap3A_457 : vector<1x16xf32> to vector<16xf32>
        %swap3A_459 = vector.shape_cast %get3A_454 : vector<16xf32> to vector<1x16xf32>
        tpu.vector_store %arg11[%swap3A_455, %swap3A_456], %swap3A_459 {strides = array<i32>} : memref<128x64xf32, #tpu.memory_space<vmem>>, vector<1x16xf32>,
        %get3A_460 = arith.index_cast %add3A_450 : i32 to index
        %get3A_461 = arith.constant 16 : index
        %get3A_462 = tpu.vector_load %arg9[%get3A_460, %get3A_461] {strides = array<i32>} : memref<128x128xf32, #tpu.memory_space<vmem>>, vector<1x16xf32>,
        %get3A_463 = vector.shape_cast %get3A_462 : vector<1x16xf32> to vector<16xf32>
        %swap3A_464 = arith.index_cast %add3A_450 : i32 to index
        %swap3A_465 = arith.constant 16 : index
        %swap3A_466 = tpu.vector_load %arg11[%swap3A_464, %swap3A_465] {strides = array<i32>} : memref<128x64xf32, #tpu.memory_space<vmem>>, vector<1x16xf32>,
        %swap3A_467 = vector.shape_cast %swap3A_466 : vector<1x16xf32> to vector<16xf32>
        %swap3A_468 = vector.shape_cast %get3A_463 : vector<16xf32> to vector<1x16xf32>
        tpu.vector_store %arg11[%swap3A_464, %swap3A_465], %swap3A_468 {strides = array<i32>} : memref<128x64xf32, #tpu.memory_space<vmem>>, vector<1x16xf32>,
        %get3A_469 = arith.index_cast %add3A_450 : i32 to index
        %get3A_470 = arith.constant 32 : index
        %get3A_471 = tpu.vector_load %arg9[%get3A_469, %get3A_470] {strides = array<i32>} : memref<128x128xf32, #tpu.memory_space<vmem>>, vector<1x16xf32>,
        %get3A_472 = vector.shape_cast %get3A_471 : vector<1x16xf32> to vector<16xf32>
        %swap3A_473 = arith.index_cast %add3A_450 : i32 to index
        %swap3A_474 = arith.constant 32 : index
        %swap3A_475 = tpu.vector_load %arg11[%swap3A_473, %swap3A_474] {strides = array<i32>} : memref<128x64xf32, #tpu.memory_space<vmem>>, vector<1x16xf32>,
        %swap3A_476 = vector.shape_cast %swap3A_475 : vector<1x16xf32> to vector<16xf32>
        %swap3A_477 = vector.shape_cast %get3A_472 : vector<16xf32> to vector<1x16xf32>
        tpu.vector_store %arg11[%swap3A_473, %swap3A_474], %swap3A_477 {strides = array<i32>} : memref<128x64xf32, #tpu.memory_space<vmem>>, vector<1x16xf32>,
        %get3A_478 = arith.index_cast %add3A_450 : i32 to index
        %get3A_479 = arith.constant 48 : index
        %get3A_480 = tpu.vector_load %arg9[%get3A_478, %get3A_479] {strides = array<i32>} : memref<128x128xf32, #tpu.memory_space<vmem>>, vector<1x16xf32>,
        %get3A_481 = vector.shape_cast %get3A_480 : vector<1x16xf32> to vector<16xf32>
        %swap3A_482 = arith.index_cast %add3A_450 : i32 to index
        %swap3A_483 = arith.constant 48 : index
        %swap3A_484 = tpu.vector_load %arg11[%swap3A_482, %swap3A_483] {strides = array<i32>} : memref<128x64xf32, #tpu.memory_space<vmem>>, vector<1x16xf32>,
        %swap3A_485 = vector.shape_cast %swap3A_484 : vector<1x16xf32> to vector<16xf32>
        %swap3A_486 = vector.shape_cast %get3A_481 : vector<16xf32> to vector<1x16xf32>
        tpu.vector_store %arg11[%swap3A_482, %swap3A_483], %swap3A_486 {strides = array<i32>} : memref<128x64xf32, #tpu.memory_space<vmem>>, vector<1x16xf32>,
      }
      %scan3A_168 = arith.constant 32 : i32
      %mul3A_169 = arith.constant 8 : i32
      %mul3A_170 = arith.muli %mul3A_169, %add3A_42 : i32
      %add3A_171 = arith.constant 3 : i32
      %add3A_172 = arith.addi %mul3A_170, %add3A_171 : i32
      %mul3A_173 = arith.constant 128 : i32
      %mul3A_174 = arith.muli %add3A_172, %mul3A_173 : i32
      %add3A_175 = arith.addi %mul3A_2, %mul3A_174 : i32
      %multiple_of3A_176 = tpu.assume_multiple %add3A_175, 128 : i32
      %dma_start3A_177 = arith.constant 0 : i32
      %dma_start3A_178 = tpu.memref_slice %arg4[%multiple_of3A_176, %dma_start3A_177] : memref<819200x64xf32, #tpu.memory_space<hbm>> -> memref<128x64xf32, #tpu.memory_space<hbm>>
      %dma_start3A_179 = arith.constant 0 : i32
      %dma_start3A_180 = tpu.memref_slice %arg4[%multiple_of3A_176, %dma_start3A_179] : memref<819200x64xf32, #tpu.memory_space<hbm>> -> memref<128x64xf32, #tpu.memory_space<hbm>>
      tpu.enqueue_dma source(%arg11 : memref<128x64xf32, #tpu.memory_space<vmem>>) target(%dma_start3A_180 : memref<128x64xf32, #tpu.memory_space<hbm>>) target_semaphore(%arg17 : memref<!tpu.dma_semaphore, #tpu.memory_space<semaphore_mem>>)
      %dma_start3A_181 = arith.constant 6 : i32
      %dma_start3A_182 = arith.constant 0 : i32
      %dma_start3A_183 = tpu.memref_slice %arg5[%add3A_42, %dma_start3A_181, %dma_start3A_182] : memref<25x8x128xi32, #tpu.memory_space<vmem>> -> memref<1x1x128xi32, #tpu.memory_space<vmem>>
      %dma_start3A_184 = tpu.memref_squeeze %dma_start3A_183 : memref<1x1x128xi32, #tpu.memory_space<vmem>> -> memref<128xi32, #tpu.memory_space<vmem>>
      %dma_start3A_185 = arith.constant 0 : i32
      %dma_start3A_186 = arith.constant 0 : i32
      %dma_start3A_187 = tpu.memref_slice %arg3[%dma_start3A_185, %dma_start3A_186] : memref<1000001x128xf32, #tpu.memory_space<hbm>> -> memref<1000001x128xf32, #tpu.memory_space<hbm>>
      tpu.enqueue_indirect_dma source(%dma_start3A_187 : memref<1000001x128xf32, #tpu.memory_space<hbm>>) target(%arg8 : memref<128x128xf32, #tpu.memory_space<vmem>>) offsets(%dma_start3A_184 : memref<128xi32, #tpu.memory_space<vmem>>) semaphore(%arg14 : memref<!tpu.dma_semaphore, #tpu.memory_space<semaphore_mem>>)
      %dma_wait3A_188 = arith.constant 0 : i32
      %dma_wait3A_189 = arith.constant 0 : i32
      %dma_wait3A_190 = tpu.memref_slice %arg3[%dma_wait3A_188, %dma_wait3A_189] : memref<1000001x128xf32, #tpu.memory_space<hbm>> -> memref<128x128xf32, #tpu.memory_space<hbm>>
      %dma_wait3A_191 = arith.constant 0 : i32
      %dma_wait3A_192 = arith.constant 0 : i32
      %dma_wait3A_193 = tpu.memref_slice %arg3[%dma_wait3A_191, %dma_wait3A_192] : memref<1000001x128xf32, #tpu.memory_space<hbm>> -> memref<128x128xf32, #tpu.memory_space<hbm>>
      tpu.wait_dma2 semaphore(%arg12 : memref<!tpu.dma_semaphore, #tpu.memory_space<semaphore_mem>>) src(%dma_wait3A_193 : memref<128x128xf32, #tpu.memory_space<hbm>>) dst(%arg6 : memref<128x128xf32, #tpu.memory_space<vmem>>)
      %dma_wait3A_194 = arith.constant 0 : i32
      %dma_wait3A_195 = arith.constant 0 : i32
      %dma_wait3A_196 = tpu.memref_slice %arg4[%dma_wait3A_194, %dma_wait3A_195] : memref<819200x64xf32, #tpu.memory_space<hbm>> -> memref<128x64xf32, #tpu.memory_space<hbm>>
      %dma_wait3A_197 = arith.constant 0 : i32
      %dma_wait3A_198 = arith.constant 0 : i32
      %dma_wait3A_199 = tpu.memref_slice %arg4[%dma_wait3A_197, %dma_wait3A_198] : memref<819200x64xf32, #tpu.memory_space<hbm>> -> memref<128x64xf32, #tpu.memory_space<hbm>>
      tpu.wait_dma2 semaphore(%arg16 : memref<!tpu.dma_semaphore, #tpu.memory_space<semaphore_mem>>) src(%arg10 : memref<128x64xf32, #tpu.memory_space<vmem>>) dst(%dma_wait3A_199 : memref<128x64xf32, #tpu.memory_space<hbm>>)
      %scan3A_200 = arith.constant 0 : i32
      %scan3A_201 = arith.constant 32 : i32
      %scan3A_202 = arith.addi %scan3A_200, %scan3A_201 : i32
      %scan3A_203 = arith.constant 1 : i32
      scf.for %scan3A_324 = %scan3A_200 to %scan3A_202 step %scan3A_203  : i32 {
        %mul3A_325 = arith.constant 1 : i32
        %mul3A_326 = arith.muli %scan3A_324, %mul3A_325 : i32
        %add3A_327 = arith.constant 0 : i32
        %add3A_328 = arith.addi %add3A_327, %mul3A_326 : i32
        %mul3A_329 = arith.constant 4 : i32
        %mul3A_330 = arith.muli %add3A_328, %mul3A_329 : i32
        %add3A_331 = arith.constant 0 : i32
        %add3A_332 = arith.addi %mul3A_330, %add3A_331 : i32
        %get3A = arith.index_cast %add3A_332 : i32 to index
        %get3A_333 = arith.constant 0 : index
        %get3A_334 = tpu.vector_load %arg6[%get3A, %get3A_333] {strides = array<i32>} : memref<128x128xf32, #tpu.memory_space<vmem>>, vector<1x16xf32>,
        %get3A_335 = vector.shape_cast %get3A_334 : vector<1x16xf32> to vector<16xf32>
        %swap3A = arith.index_cast %add3A_332 : i32 to index
        %swap3A_336 = arith.constant 0 : index
        %swap3A_337 = tpu.vector_load %arg10[%swap3A, %swap3A_336] {strides = array<i32>} : memref<128x64xf32, #tpu.memory_space<vmem>>, vector<1x16xf32>,
        %swap3A_338 = vector.shape_cast %swap3A_337 : vector<1x16xf32> to vector<16xf32>
        %swap3A_339 = vector.shape_cast %get3A_335 : vector<16xf32> to vector<1x16xf32>
        tpu.vector_store %arg10[%swap3A, %swap3A_336], %swap3A_339 {strides = array<i32>} : memref<128x64xf32, #tpu.memory_space<vmem>>, vector<1x16xf32>,
        %get3A_340 = arith.index_cast %add3A_332 : i32 to index
        %get3A_341 = arith.constant 16 : index
        %get3A_342 = tpu.vector_load %arg6[%get3A_340, %get3A_341] {strides = array<i32>} : memref<128x128xf32, #tpu.memory_space<vmem>>, vector<1x16xf32>,
        %get3A_343 = vector.shape_cast %get3A_342 : vector<1x16xf32> to vector<16xf32>
        %swap3A_344 = arith.index_cast %add3A_332 : i32 to index
        %swap3A_345 = arith.constant 16 : index
        %swap3A_346 = tpu.vector_load %arg10[%swap3A_344, %swap3A_345] {strides = array<i32>} : memref<128x64xf32, #tpu.memory_space<vmem>>, vector<1x16xf32>,
        %swap3A_347 = vector.shape_cast %swap3A_346 : vector<1x16xf32> to vector<16xf32>
        %swap3A_348 = vector.shape_cast %get3A_343 : vector<16xf32> to vector<1x16xf32>
        tpu.vector_store %arg10[%swap3A_344, %swap3A_345], %swap3A_348 {strides = array<i32>} : memref<128x64xf32, #tpu.memory_space<vmem>>, vector<1x16xf32>,
        %get3A_349 = arith.index_cast %add3A_332 : i32 to index
        %get3A_350 = arith.constant 32 : index
        %get3A_351 = tpu.vector_load %arg6[%get3A_349, %get3A_350] {strides = array<i32>} : memref<128x128xf32, #tpu.memory_space<vmem>>, vector<1x16xf32>,
        %get3A_352 = vector.shape_cast %get3A_351 : vector<1x16xf32> to vector<16xf32>
        %swap3A_353 = arith.index_cast %add3A_332 : i32 to index
        %swap3A_354 = arith.constant 32 : index
        %swap3A_355 = tpu.vector_load %arg10[%swap3A_353, %swap3A_354] {strides = array<i32>} : memref<128x64xf32, #tpu.memory_space<vmem>>, vector<1x16xf32>,
        %swap3A_356 = vector.shape_cast %swap3A_355 : vector<1x16xf32> to vector<16xf32>
        %swap3A_357 = vector.shape_cast %get3A_352 : vector<16xf32> to vector<1x16xf32>
        tpu.vector_store %arg10[%swap3A_353, %swap3A_354], %swap3A_357 {strides = array<i32>} : memref<128x64xf32, #tpu.memory_space<vmem>>, vector<1x16xf32>,
        %get3A_358 = arith.index_cast %add3A_332 : i32 to index
        %get3A_359 = arith.constant 48 : index
        %get3A_360 = tpu.vector_load %arg6[%get3A_358, %get3A_359] {strides = array<i32>} : memref<128x128xf32, #tpu.memory_space<vmem>>, vector<1x16xf32>,
        %get3A_361 = vector.shape_cast %get3A_360 : vector<1x16xf32> to vector<16xf32>
        %swap3A_362 = arith.index_cast %add3A_332 : i32 to index
        %swap3A_363 = arith.constant 48 : index
        %swap3A_364 = tpu.vector_load %arg10[%swap3A_362, %swap3A_363] {strides = array<i32>} : memref<128x64xf32, #tpu.memory_space<vmem>>, vector<1x16xf32>,
        %swap3A_365 = vector.shape_cast %swap3A_364 : vector<1x16xf32> to vector<16xf32>
        %swap3A_366 = vector.shape_cast %get3A_361 : vector<16xf32> to vector<1x16xf32>
        tpu.vector_store %arg10[%swap3A_362, %swap3A_363], %swap3A_366 {strides = array<i32>} : memref<128x64xf32, #tpu.memory_space<vmem>>, vector<1x16xf32>,
        %mul3A_367 = arith.constant 4 : i32
        %mul3A_368 = arith.muli %add3A_328, %mul3A_367 : i32
        %add3A_369 = arith.constant 1 : i32
        %add3A_370 = arith.addi %mul3A_368, %add3A_369 : i32
        %get3A_371 = arith.index_cast %add3A_370 : i32 to index
        %get3A_372 = arith.constant 0 : index
        %get3A_373 = tpu.vector_load %arg6[%get3A_371, %get3A_372] {strides = array<i32>} : memref<128x128xf32, #tpu.memory_space<vmem>>, vector<1x16xf32>,
        %get3A_374 = vector.shape_cast %get3A_373 : vector<1x16xf32> to vector<16xf32>
        %swap3A_375 = arith.index_cast %add3A_370 : i32 to index
        %swap3A_376 = arith.constant 0 : index
        %swap3A_377 = tpu.vector_load %arg10[%swap3A_375, %swap3A_376] {strides = array<i32>} : memref<128x64xf32, #tpu.memory_space<vmem>>, vector<1x16xf32>,
        %swap3A_378 = vector.shape_cast %swap3A_377 : vector<1x16xf32> to vector<16xf32>
        %swap3A_379 = vector.shape_cast %get3A_374 : vector<16xf32> to vector<1x16xf32>
        tpu.vector_store %arg10[%swap3A_375, %swap3A_376], %swap3A_379 {strides = array<i32>} : memref<128x64xf32, #tpu.memory_space<vmem>>, vector<1x16xf32>,
        %get3A_380 = arith.index_cast %add3A_370 : i32 to index
        %get3A_381 = arith.constant 16 : index
        %get3A_382 = tpu.vector_load %arg6[%get3A_380, %get3A_381] {strides = array<i32>} : memref<128x128xf32, #tpu.memory_space<vmem>>, vector<1x16xf32>,
        %get3A_383 = vector.shape_cast %get3A_382 : vector<1x16xf32> to vector<16xf32>
        %swap3A_384 = arith.index_cast %add3A_370 : i32 to index
        %swap3A_385 = arith.constant 16 : index
        %swap3A_386 = tpu.vector_load %arg10[%swap3A_384, %swap3A_385] {strides = array<i32>} : memref<128x64xf32, #tpu.memory_space<vmem>>, vector<1x16xf32>,
        %swap3A_387 = vector.shape_cast %swap3A_386 : vector<1x16xf32> to vector<16xf32>
        %swap3A_388 = vector.shape_cast %get3A_383 : vector<16xf32> to vector<1x16xf32>
        tpu.vector_store %arg10[%swap3A_384, %swap3A_385], %swap3A_388 {strides = array<i32>} : memref<128x64xf32, #tpu.memory_space<vmem>>, vector<1x16xf32>,
        %get3A_389 = arith.index_cast %add3A_370 : i32 to index
        %get3A_390 = arith.constant 32 : index
        %get3A_391 = tpu.vector_load %arg6[%get3A_389, %get3A_390] {strides = array<i32>} : memref<128x128xf32, #tpu.memory_space<vmem>>, vector<1x16xf32>,
        %get3A_392 = vector.shape_cast %get3A_391 : vector<1x16xf32> to vector<16xf32>
        %swap3A_393 = arith.index_cast %add3A_370 : i32 to index
        %swap3A_394 = arith.constant 32 : index
        %swap3A_395 = tpu.vector_load %arg10[%swap3A_393, %swap3A_394] {strides = array<i32>} : memref<128x64xf32, #tpu.memory_space<vmem>>, vector<1x16xf32>,
        %swap3A_396 = vector.shape_cast %swap3A_395 : vector<1x16xf32> to vector<16xf32>
        %swap3A_397 = vector.shape_cast %get3A_392 : vector<16xf32> to vector<1x16xf32>
        tpu.vector_store %arg10[%swap3A_393, %swap3A_394], %swap3A_397 {strides = array<i32>} : memref<128x64xf32, #tpu.memory_space<vmem>>, vector<1x16xf32>,
        %get3A_398 = arith.index_cast %add3A_370 : i32 to index
        %get3A_399 = arith.constant 48 : index
        %get3A_400 = tpu.vector_load %arg6[%get3A_398, %get3A_399] {strides = array<i32>} : memref<128x128xf32, #tpu.memory_space<vmem>>, vector<1x16xf32>,
        %get3A_401 = vector.shape_cast %get3A_400 : vector<1x16xf32> to vector<16xf32>
        %swap3A_402 = arith.index_cast %add3A_370 : i32 to index
        %swap3A_403 = arith.constant 48 : index
        %swap3A_404 = tpu.vector_load %arg10[%swap3A_402, %swap3A_403] {strides = array<i32>} : memref<128x64xf32, #tpu.memory_space<vmem>>, vector<1x16xf32>,
        %swap3A_405 = vector.shape_cast %swap3A_404 : vector<1x16xf32> to vector<16xf32>
        %swap3A_406 = vector.shape_cast %get3A_401 : vector<16xf32> to vector<1x16xf32>
        tpu.vector_store %arg10[%swap3A_402, %swap3A_403], %swap3A_406 {strides = array<i32>} : memref<128x64xf32, #tpu.memory_space<vmem>>, vector<1x16xf32>,
        %mul3A_407 = arith.constant 4 : i32
        %mul3A_408 = arith.muli %add3A_328, %mul3A_407 : i32
        %add3A_409 = arith.constant 2 : i32
        %add3A_410 = arith.addi %mul3A_408, %add3A_409 : i32
        %get3A_411 = arith.index_cast %add3A_410 : i32 to index
        %get3A_412 = arith.constant 0 : index
        %get3A_413 = tpu.vector_load %arg6[%get3A_411, %get3A_412] {strides = array<i32>} : memref<128x128xf32, #tpu.memory_space<vmem>>, vector<1x16xf32>,
        %get3A_414 = vector.shape_cast %get3A_413 : vector<1x16xf32> to vector<16xf32>
        %swap3A_415 = arith.index_cast %add3A_410 : i32 to index
        %swap3A_416 = arith.constant 0 : index
        %swap3A_417 = tpu.vector_load %arg10[%swap3A_415, %swap3A_416] {strides = array<i32>} : memref<128x64xf32, #tpu.memory_space<vmem>>, vector<1x16xf32>,
        %swap3A_418 = vector.shape_cast %swap3A_417 : vector<1x16xf32> to vector<16xf32>
        %swap3A_419 = vector.shape_cast %get3A_414 : vector<16xf32> to vector<1x16xf32>
        tpu.vector_store %arg10[%swap3A_415, %swap3A_416], %swap3A_419 {strides = array<i32>} : memref<128x64xf32, #tpu.memory_space<vmem>>, vector<1x16xf32>,
        %get3A_420 = arith.index_cast %add3A_410 : i32 to index
        %get3A_421 = arith.constant 16 : index
        %get3A_422 = tpu.vector_load %arg6[%get3A_420, %get3A_421] {strides = array<i32>} : memref<128x128xf32, #tpu.memory_space<vmem>>, vector<1x16xf32>,
        %get3A_423 = vector.shape_cast %get3A_422 : vector<1x16xf32> to vector<16xf32>
        %swap3A_424 = arith.index_cast %add3A_410 : i32 to index
        %swap3A_425 = arith.constant 16 : index
        %swap3A_426 = tpu.vector_load %arg10[%swap3A_424, %swap3A_425] {strides = array<i32>} : memref<128x64xf32, #tpu.memory_space<vmem>>, vector<1x16xf32>,
        %swap3A_427 = vector.shape_cast %swap3A_426 : vector<1x16xf32> to vector<16xf32>
        %swap3A_428 = vector.shape_cast %get3A_423 : vector<16xf32> to vector<1x16xf32>
        tpu.vector_store %arg10[%swap3A_424, %swap3A_425], %swap3A_428 {strides = array<i32>} : memref<128x64xf32, #tpu.memory_space<vmem>>, vector<1x16xf32>,
        %get3A_429 = arith.index_cast %add3A_410 : i32 to index
        %get3A_430 = arith.constant 32 : index
        %get3A_431 = tpu.vector_load %arg6[%get3A_429, %get3A_430] {strides = array<i32>} : memref<128x128xf32, #tpu.memory_space<vmem>>, vector<1x16xf32>,
        %get3A_432 = vector.shape_cast %get3A_431 : vector<1x16xf32> to vector<16xf32>
        %swap3A_433 = arith.index_cast %add3A_410 : i32 to index
        %swap3A_434 = arith.constant 32 : index
        %swap3A_435 = tpu.vector_load %arg10[%swap3A_433, %swap3A_434] {strides = array<i32>} : memref<128x64xf32, #tpu.memory_space<vmem>>, vector<1x16xf32>,
        %swap3A_436 = vector.shape_cast %swap3A_435 : vector<1x16xf32> to vector<16xf32>
        %swap3A_437 = vector.shape_cast %get3A_432 : vector<16xf32> to vector<1x16xf32>
        tpu.vector_store %arg10[%swap3A_433, %swap3A_434], %swap3A_437 {strides = array<i32>} : memref<128x64xf32, #tpu.memory_space<vmem>>, vector<1x16xf32>,
        %get3A_438 = arith.index_cast %add3A_410 : i32 to index
        %get3A_439 = arith.constant 48 : index
        %get3A_440 = tpu.vector_load %arg6[%get3A_438, %get3A_439] {strides = array<i32>} : memref<128x128xf32, #tpu.memory_space<vmem>>, vector<1x16xf32>,
        %get3A_441 = vector.shape_cast %get3A_440 : vector<1x16xf32> to vector<16xf32>
        %swap3A_442 = arith.index_cast %add3A_410 : i32 to index
        %swap3A_443 = arith.constant 48 : index
        %swap3A_444 = tpu.vector_load %arg10[%swap3A_442, %swap3A_443] {strides = array<i32>} : memref<128x64xf32, #tpu.memory_space<vmem>>, vector<1x16xf32>,
        %swap3A_445 = vector.shape_cast %swap3A_444 : vector<1x16xf32> to vector<16xf32>
        %swap3A_446 = vector.shape_cast %get3A_441 : vector<16xf32> to vector<1x16xf32>
        tpu.vector_store %arg10[%swap3A_442, %swap3A_443], %swap3A_446 {strides = array<i32>} : memref<128x64xf32, #tpu.memory_space<vmem>>, vector<1x16xf32>,
        %mul3A_447 = arith.constant 4 : i32
        %mul3A_448 = arith.muli %add3A_328, %mul3A_447 : i32
        %add3A_449 = arith.constant 3 : i32
        %add3A_450 = arith.addi %mul3A_448, %add3A_449 : i32
        %get3A_451 = arith.index_cast %add3A_450 : i32 to index
        %get3A_452 = arith.constant 0 : index
        %get3A_453 = tpu.vector_load %arg6[%get3A_451, %get3A_452] {strides = array<i32>} : memref<128x128xf32, #tpu.memory_space<vmem>>, vector<1x16xf32>,
        %get3A_454 = vector.shape_cast %get3A_453 : vector<1x16xf32> to vector<16xf32>
        %swap3A_455 = arith.index_cast %add3A_450 : i32 to index
        %swap3A_456 = arith.constant 0 : index
        %swap3A_457 = tpu.vector_load %arg10[%swap3A_455, %swap3A_456] {strides = array<i32>} : memref<128x64xf32, #tpu.memory_space<vmem>>, vector<1x16xf32>,
        %swap3A_458 = vector.shape_cast %swap3A_457 : vector<1x16xf32> to vector<16xf32>
        %swap3A_459 = vector.shape_cast %get3A_454 : vector<16xf32> to vector<1x16xf32>
        tpu.vector_store %arg10[%swap3A_455, %swap3A_456], %swap3A_459 {strides = array<i32>} : memref<128x64xf32, #tpu.memory_space<vmem>>, vector<1x16xf32>,
        %get3A_460 = arith.index_cast %add3A_450 : i32 to index
        %get3A_461 = arith.constant 16 : index
        %get3A_462 = tpu.vector_load %arg6[%get3A_460, %get3A_461] {strides = array<i32>} : memref<128x128xf32, #tpu.memory_space<vmem>>, vector<1x16xf32>,
        %get3A_463 = vector.shape_cast %get3A_462 : vector<1x16xf32> to vector<16xf32>
        %swap3A_464 = arith.index_cast %add3A_450 : i32 to index
        %swap3A_465 = arith.constant 16 : index
        %swap3A_466 = tpu.vector_load %arg10[%swap3A_464, %swap3A_465] {strides = array<i32>} : memref<128x64xf32, #tpu.memory_space<vmem>>, vector<1x16xf32>,
        %swap3A_467 = vector.shape_cast %swap3A_466 : vector<1x16xf32> to vector<16xf32>
        %swap3A_468 = vector.shape_cast %get3A_463 : vector<16xf32> to vector<1x16xf32>
        tpu.vector_store %arg10[%swap3A_464, %swap3A_465], %swap3A_468 {strides = array<i32>} : memref<128x64xf32, #tpu.memory_space<vmem>>, vector<1x16xf32>,
        %get3A_469 = arith.index_cast %add3A_450 : i32 to index
        %get3A_470 = arith.constant 32 : index
        %get3A_471 = tpu.vector_load %arg6[%get3A_469, %get3A_470] {strides = array<i32>} : memref<128x128xf32, #tpu.memory_space<vmem>>, vector<1x16xf32>,
        %get3A_472 = vector.shape_cast %get3A_471 : vector<1x16xf32> to vector<16xf32>
        %swap3A_473 = arith.index_cast %add3A_450 : i32 to index
        %swap3A_474 = arith.constant 32 : index
        %swap3A_475 = tpu.vector_load %arg10[%swap3A_473, %swap3A_474] {strides = array<i32>} : memref<128x64xf32, #tpu.memory_space<vmem>>, vector<1x16xf32>,
        %swap3A_476 = vector.shape_cast %swap3A_475 : vector<1x16xf32> to vector<16xf32>
        %swap3A_477 = vector.shape_cast %get3A_472 : vector<16xf32> to vector<1x16xf32>
        tpu.vector_store %arg10[%swap3A_473, %swap3A_474], %swap3A_477 {strides = array<i32>} : memref<128x64xf32, #tpu.memory_space<vmem>>, vector<1x16xf32>,
        %get3A_478 = arith.index_cast %add3A_450 : i32 to index
        %get3A_479 = arith.constant 48 : index
        %get3A_480 = tpu.vector_load %arg6[%get3A_478, %get3A_479] {strides = array<i32>} : memref<128x128xf32, #tpu.memory_space<vmem>>, vector<1x16xf32>,
        %get3A_481 = vector.shape_cast %get3A_480 : vector<1x16xf32> to vector<16xf32>
        %swap3A_482 = arith.index_cast %add3A_450 : i32 to index
        %swap3A_483 = arith.constant 48 : index
        %swap3A_484 = tpu.vector_load %arg10[%swap3A_482, %swap3A_483] {strides = array<i32>} : memref<128x64xf32, #tpu.memory_space<vmem>>, vector<1x16xf32>,
        %swap3A_485 = vector.shape_cast %swap3A_484 : vector<1x16xf32> to vector<16xf32>
        %swap3A_486 = vector.shape_cast %get3A_481 : vector<16xf32> to vector<1x16xf32>
        tpu.vector_store %arg10[%swap3A_482, %swap3A_483], %swap3A_486 {strides = array<i32>} : memref<128x64xf32, #tpu.memory_space<vmem>>, vector<1x16xf32>,
      }
      %scan3A_204 = arith.constant 32 : i32
      %mul3A_205 = arith.constant 8 : i32
      %mul3A_206 = arith.muli %mul3A_205, %add3A_42 : i32
      %add3A_207 = arith.constant 4 : i32
      %add3A_208 = arith.addi %mul3A_206, %add3A_207 : i32
      %mul3A_209 = arith.constant 128 : i32
      %mul3A_210 = arith.muli %add3A_208, %mul3A_209 : i32
      %add3A_211 = arith.addi %mul3A_2, %mul3A_210 : i32
      %multiple_of3A_212 = tpu.assume_multiple %add3A_211, 128 : i32
      %dma_start3A_213 = arith.constant 0 : i32
      %dma_start3A_214 = tpu.memref_slice %arg4[%multiple_of3A_212, %dma_start3A_213] : memref<819200x64xf32, #tpu.memory_space<hbm>> -> memref<128x64xf32, #tpu.memory_space<hbm>>
      %dma_start3A_215 = arith.constant 0 : i32
      %dma_start3A_216 = tpu.memref_slice %arg4[%multiple_of3A_212, %dma_start3A_215] : memref<819200x64xf32, #tpu.memory_space<hbm>> -> memref<128x64xf32, #tpu.memory_space<hbm>>
      tpu.enqueue_dma source(%arg10 : memref<128x64xf32, #tpu.memory_space<vmem>>) target(%dma_start3A_216 : memref<128x64xf32, #tpu.memory_space<hbm>>) target_semaphore(%arg16 : memref<!tpu.dma_semaphore, #tpu.memory_space<semaphore_mem>>)
      %dma_start3A_217 = arith.constant 7 : i32
      %dma_start3A_218 = arith.constant 0 : i32
      %dma_start3A_219 = tpu.memref_slice %arg5[%add3A_42, %dma_start3A_217, %dma_start3A_218] : memref<25x8x128xi32, #tpu.memory_space<vmem>> -> memref<1x1x128xi32, #tpu.memory_space<vmem>>
      %dma_start3A_220 = tpu.memref_squeeze %dma_start3A_219 : memref<1x1x128xi32, #tpu.memory_space<vmem>> -> memref<128xi32, #tpu.memory_space<vmem>>
      %dma_start3A_221 = arith.constant 0 : i32
      %dma_start3A_222 = arith.constant 0 : i32
      %dma_start3A_223 = tpu.memref_slice %arg3[%dma_start3A_221, %dma_start3A_222] : memref<1000001x128xf32, #tpu.memory_space<hbm>> -> memref<1000001x128xf32, #tpu.memory_space<hbm>>
      tpu.enqueue_indirect_dma source(%dma_start3A_223 : memref<1000001x128xf32, #tpu.memory_space<hbm>>) target(%arg9 : memref<128x128xf32, #tpu.memory_space<vmem>>) offsets(%dma_start3A_220 : memref<128xi32, #tpu.memory_space<vmem>>) semaphore(%arg15 : memref<!tpu.dma_semaphore, #tpu.memory_space<semaphore_mem>>)
      %dma_wait3A_224 = arith.constant 0 : i32
      %dma_wait3A_225 = arith.constant 0 : i32
      %dma_wait3A_226 = tpu.memref_slice %arg3[%dma_wait3A_224, %dma_wait3A_225] : memref<1000001x128xf32, #tpu.memory_space<hbm>> -> memref<128x128xf32, #tpu.memory_space<hbm>>
      %dma_wait3A_227 = arith.constant 0 : i32
      %dma_wait3A_228 = arith.constant 0 : i32
      %dma_wait3A_229 = tpu.memref_slice %arg3[%dma_wait3A_227, %dma_wait3A_228] : memref<1000001x128xf32, #tpu.memory_space<hbm>> -> memref<128x128xf32, #tpu.memory_space<hbm>>
      tpu.wait_dma2 semaphore(%arg13 : memref<!tpu.dma_semaphore, #tpu.memory_space<semaphore_mem>>) src(%dma_wait3A_229 : memref<128x128xf32, #tpu.memory_space<hbm>>) dst(%arg7 : memref<128x128xf32, #tpu.memory_space<vmem>>)
      %dma_wait3A_230 = arith.constant 0 : i32
      %dma_wait3A_231 = arith.constant 0 : i32
      %dma_wait3A_232 = tpu.memref_slice %arg4[%dma_wait3A_230, %dma_wait3A_231] : memref<819200x64xf32, #tpu.memory_space<hbm>> -> memref<128x64xf32, #tpu.memory_space<hbm>>
      %dma_wait3A_233 = arith.constant 0 : i32
      %dma_wait3A_234 = arith.constant 0 : i32
      %dma_wait3A_235 = tpu.memref_slice %arg4[%dma_wait3A_233, %dma_wait3A_234] : memref<819200x64xf32, #tpu.memory_space<hbm>> -> memref<128x64xf32, #tpu.memory_space<hbm>>
      tpu.wait_dma2 semaphore(%arg17 : memref<!tpu.dma_semaphore, #tpu.memory_space<semaphore_mem>>) src(%arg11 : memref<128x64xf32, #tpu.memory_space<vmem>>) dst(%dma_wait3A_235 : memref<128x64xf32, #tpu.memory_space<hbm>>)
      %scan3A_236 = arith.constant 0 : i32
      %scan3A_237 = arith.constant 32 : i32
      %scan3A_238 = arith.addi %scan3A_236, %scan3A_237 : i32
      %scan3A_239 = arith.constant 1 : i32
      scf.for %scan3A_324 = %scan3A_236 to %scan3A_238 step %scan3A_239  : i32 {
        %mul3A_325 = arith.constant 1 : i32
        %mul3A_326 = arith.muli %scan3A_324, %mul3A_325 : i32
        %add3A_327 = arith.constant 0 : i32
        %add3A_328 = arith.addi %add3A_327, %mul3A_326 : i32
        %mul3A_329 = arith.constant 4 : i32
        %mul3A_330 = arith.muli %add3A_328, %mul3A_329 : i32
        %add3A_331 = arith.constant 0 : i32
        %add3A_332 = arith.addi %mul3A_330, %add3A_331 : i32
        %get3A = arith.index_cast %add3A_332 : i32 to index
        %get3A_333 = arith.constant 0 : index
        %get3A_334 = tpu.vector_load %arg7[%get3A, %get3A_333] {strides = array<i32>} : memref<128x128xf32, #tpu.memory_space<vmem>>, vector<1x16xf32>,
        %get3A_335 = vector.shape_cast %get3A_334 : vector<1x16xf32> to vector<16xf32>
        %swap3A = arith.index_cast %add3A_332 : i32 to index
        %swap3A_336 = arith.constant 0 : index
        %swap3A_337 = tpu.vector_load %arg11[%swap3A, %swap3A_336] {strides = array<i32>} : memref<128x64xf32, #tpu.memory_space<vmem>>, vector<1x16xf32>,
        %swap3A_338 = vector.shape_cast %swap3A_337 : vector<1x16xf32> to vector<16xf32>
        %swap3A_339 = vector.shape_cast %get3A_335 : vector<16xf32> to vector<1x16xf32>
        tpu.vector_store %arg11[%swap3A, %swap3A_336], %swap3A_339 {strides = array<i32>} : memref<128x64xf32, #tpu.memory_space<vmem>>, vector<1x16xf32>,
        %get3A_340 = arith.index_cast %add3A_332 : i32 to index
        %get3A_341 = arith.constant 16 : index
        %get3A_342 = tpu.vector_load %arg7[%get3A_340, %get3A_341] {strides = array<i32>} : memref<128x128xf32, #tpu.memory_space<vmem>>, vector<1x16xf32>,
        %get3A_343 = vector.shape_cast %get3A_342 : vector<1x16xf32> to vector<16xf32>
        %swap3A_344 = arith.index_cast %add3A_332 : i32 to index
        %swap3A_345 = arith.constant 16 : index
        %swap3A_346 = tpu.vector_load %arg11[%swap3A_344, %swap3A_345] {strides = array<i32>} : memref<128x64xf32, #tpu.memory_space<vmem>>, vector<1x16xf32>,
        %swap3A_347 = vector.shape_cast %swap3A_346 : vector<1x16xf32> to vector<16xf32>
        %swap3A_348 = vector.shape_cast %get3A_343 : vector<16xf32> to vector<1x16xf32>
        tpu.vector_store %arg11[%swap3A_344, %swap3A_345], %swap3A_348 {strides = array<i32>} : memref<128x64xf32, #tpu.memory_space<vmem>>, vector<1x16xf32>,
        %get3A_349 = arith.index_cast %add3A_332 : i32 to index
        %get3A_350 = arith.constant 32 : index
        %get3A_351 = tpu.vector_load %arg7[%get3A_349, %get3A_350] {strides = array<i32>} : memref<128x128xf32, #tpu.memory_space<vmem>>, vector<1x16xf32>,
        %get3A_352 = vector.shape_cast %get3A_351 : vector<1x16xf32> to vector<16xf32>
        %swap3A_353 = arith.index_cast %add3A_332 : i32 to index
        %swap3A_354 = arith.constant 32 : index
        %swap3A_355 = tpu.vector_load %arg11[%swap3A_353, %swap3A_354] {strides = array<i32>} : memref<128x64xf32, #tpu.memory_space<vmem>>, vector<1x16xf32>,
        %swap3A_356 = vector.shape_cast %swap3A_355 : vector<1x16xf32> to vector<16xf32>
        %swap3A_357 = vector.shape_cast %get3A_352 : vector<16xf32> to vector<1x16xf32>
        tpu.vector_store %arg11[%swap3A_353, %swap3A_354], %swap3A_357 {strides = array<i32>} : memref<128x64xf32, #tpu.memory_space<vmem>>, vector<1x16xf32>,
        %get3A_358 = arith.index_cast %add3A_332 : i32 to index
        %get3A_359 = arith.constant 48 : index
        %get3A_360 = tpu.vector_load %arg7[%get3A_358, %get3A_359] {strides = array<i32>} : memref<128x128xf32, #tpu.memory_space<vmem>>, vector<1x16xf32>,
        %get3A_361 = vector.shape_cast %get3A_360 : vector<1x16xf32> to vector<16xf32>
        %swap3A_362 = arith.index_cast %add3A_332 : i32 to index
        %swap3A_363 = arith.constant 48 : index
        %swap3A_364 = tpu.vector_load %arg11[%swap3A_362, %swap3A_363] {strides = array<i32>} : memref<128x64xf32, #tpu.memory_space<vmem>>, vector<1x16xf32>,
        %swap3A_365 = vector.shape_cast %swap3A_364 : vector<1x16xf32> to vector<16xf32>
        %swap3A_366 = vector.shape_cast %get3A_361 : vector<16xf32> to vector<1x16xf32>
        tpu.vector_store %arg11[%swap3A_362, %swap3A_363], %swap3A_366 {strides = array<i32>} : memref<128x64xf32, #tpu.memory_space<vmem>>, vector<1x16xf32>,
        %mul3A_367 = arith.constant 4 : i32
        %mul3A_368 = arith.muli %add3A_328, %mul3A_367 : i32
        %add3A_369 = arith.constant 1 : i32
        %add3A_370 = arith.addi %mul3A_368, %add3A_369 : i32
        %get3A_371 = arith.index_cast %add3A_370 : i32 to index
        %get3A_372 = arith.constant 0 : index
        %get3A_373 = tpu.vector_load %arg7[%get3A_371, %get3A_372] {strides = array<i32>} : memref<128x128xf32, #tpu.memory_space<vmem>>, vector<1x16xf32>,
        %get3A_374 = vector.shape_cast %get3A_373 : vector<1x16xf32> to vector<16xf32>
        %swap3A_375 = arith.index_cast %add3A_370 : i32 to index
        %swap3A_376 = arith.constant 0 : index
        %swap3A_377 = tpu.vector_load %arg11[%swap3A_375, %swap3A_376] {strides = array<i32>} : memref<128x64xf32, #tpu.memory_space<vmem>>, vector<1x16xf32>,
        %swap3A_378 = vector.shape_cast %swap3A_377 : vector<1x16xf32> to vector<16xf32>
        %swap3A_379 = vector.shape_cast %get3A_374 : vector<16xf32> to vector<1x16xf32>
        tpu.vector_store %arg11[%swap3A_375, %swap3A_376], %swap3A_379 {strides = array<i32>} : memref<128x64xf32, #tpu.memory_space<vmem>>, vector<1x16xf32>,
        %get3A_380 = arith.index_cast %add3A_370 : i32 to index
        %get3A_381 = arith.constant 16 : index
        %get3A_382 = tpu.vector_load %arg7[%get3A_380, %get3A_381] {strides = array<i32>} : memref<128x128xf32, #tpu.memory_space<vmem>>, vector<1x16xf32>,
        %get3A_383 = vector.shape_cast %get3A_382 : vector<1x16xf32> to vector<16xf32>
        %swap3A_384 = arith.index_cast %add3A_370 : i32 to index
        %swap3A_385 = arith.constant 16 : index
        %swap3A_386 = tpu.vector_load %arg11[%swap3A_384, %swap3A_385] {strides = array<i32>} : memref<128x64xf32, #tpu.memory_space<vmem>>, vector<1x16xf32>,
        %swap3A_387 = vector.shape_cast %swap3A_386 : vector<1x16xf32> to vector<16xf32>
        %swap3A_388 = vector.shape_cast %get3A_383 : vector<16xf32> to vector<1x16xf32>
        tpu.vector_store %arg11[%swap3A_384, %swap3A_385], %swap3A_388 {strides = array<i32>} : memref<128x64xf32, #tpu.memory_space<vmem>>, vector<1x16xf32>,
        %get3A_389 = arith.index_cast %add3A_370 : i32 to index
        %get3A_390 = arith.constant 32 : index
        %get3A_391 = tpu.vector_load %arg7[%get3A_389, %get3A_390] {strides = array<i32>} : memref<128x128xf32, #tpu.memory_space<vmem>>, vector<1x16xf32>,
        %get3A_392 = vector.shape_cast %get3A_391 : vector<1x16xf32> to vector<16xf32>
        %swap3A_393 = arith.index_cast %add3A_370 : i32 to index
        %swap3A_394 = arith.constant 32 : index
        %swap3A_395 = tpu.vector_load %arg11[%swap3A_393, %swap3A_394] {strides = array<i32>} : memref<128x64xf32, #tpu.memory_space<vmem>>, vector<1x16xf32>,
        %swap3A_396 = vector.shape_cast %swap3A_395 : vector<1x16xf32> to vector<16xf32>
        %swap3A_397 = vector.shape_cast %get3A_392 : vector<16xf32> to vector<1x16xf32>
        tpu.vector_store %arg11[%swap3A_393, %swap3A_394], %swap3A_397 {strides = array<i32>} : memref<128x64xf32, #tpu.memory_space<vmem>>, vector<1x16xf32>,
        %get3A_398 = arith.index_cast %add3A_370 : i32 to index
        %get3A_399 = arith.constant 48 : index
        %get3A_400 = tpu.vector_load %arg7[%get3A_398, %get3A_399] {strides = array<i32>} : memref<128x128xf32, #tpu.memory_space<vmem>>, vector<1x16xf32>,
        %get3A_401 = vector.shape_cast %get3A_400 : vector<1x16xf32> to vector<16xf32>
        %swap3A_402 = arith.index_cast %add3A_370 : i32 to index
        %swap3A_403 = arith.constant 48 : index
        %swap3A_404 = tpu.vector_load %arg11[%swap3A_402, %swap3A_403] {strides = array<i32>} : memref<128x64xf32, #tpu.memory_space<vmem>>, vector<1x16xf32>,
        %swap3A_405 = vector.shape_cast %swap3A_404 : vector<1x16xf32> to vector<16xf32>
        %swap3A_406 = vector.shape_cast %get3A_401 : vector<16xf32> to vector<1x16xf32>
        tpu.vector_store %arg11[%swap3A_402, %swap3A_403], %swap3A_406 {strides = array<i32>} : memref<128x64xf32, #tpu.memory_space<vmem>>, vector<1x16xf32>,
        %mul3A_407 = arith.constant 4 : i32
        %mul3A_408 = arith.muli %add3A_328, %mul3A_407 : i32
        %add3A_409 = arith.constant 2 : i32
        %add3A_410 = arith.addi %mul3A_408, %add3A_409 : i32
        %get3A_411 = arith.index_cast %add3A_410 : i32 to index
        %get3A_412 = arith.constant 0 : index
        %get3A_413 = tpu.vector_load %arg7[%get3A_411, %get3A_412] {strides = array<i32>} : memref<128x128xf32, #tpu.memory_space<vmem>>, vector<1x16xf32>,
        %get3A_414 = vector.shape_cast %get3A_413 : vector<1x16xf32> to vector<16xf32>
        %swap3A_415 = arith.index_cast %add3A_410 : i32 to index
        %swap3A_416 = arith.constant 0 : index
        %swap3A_417 = tpu.vector_load %arg11[%swap3A_415, %swap3A_416] {strides = array<i32>} : memref<128x64xf32, #tpu.memory_space<vmem>>, vector<1x16xf32>,
        %swap3A_418 = vector.shape_cast %swap3A_417 : vector<1x16xf32> to vector<16xf32>
        %swap3A_419 = vector.shape_cast %get3A_414 : vector<16xf32> to vector<1x16xf32>
        tpu.vector_store %arg11[%swap3A_415, %swap3A_416], %swap3A_419 {strides = array<i32>} : memref<128x64xf32, #tpu.memory_space<vmem>>, vector<1x16xf32>,
        %get3A_420 = arith.index_cast %add3A_410 : i32 to index
        %get3A_421 = arith.constant 16 : index
        %get3A_422 = tpu.vector_load %arg7[%get3A_420, %get3A_421] {strides = array<i32>} : memref<128x128xf32, #tpu.memory_space<vmem>>, vector<1x16xf32>,
        %get3A_423 = vector.shape_cast %get3A_422 : vector<1x16xf32> to vector<16xf32>
        %swap3A_424 = arith.index_cast %add3A_410 : i32 to index
        %swap3A_425 = arith.constant 16 : index
        %swap3A_426 = tpu.vector_load %arg11[%swap3A_424, %swap3A_425] {strides = array<i32>} : memref<128x64xf32, #tpu.memory_space<vmem>>, vector<1x16xf32>,
        %swap3A_427 = vector.shape_cast %swap3A_426 : vector<1x16xf32> to vector<16xf32>
        %swap3A_428 = vector.shape_cast %get3A_423 : vector<16xf32> to vector<1x16xf32>
        tpu.vector_store %arg11[%swap3A_424, %swap3A_425], %swap3A_428 {strides = array<i32>} : memref<128x64xf32, #tpu.memory_space<vmem>>, vector<1x16xf32>,
        %get3A_429 = arith.index_cast %add3A_410 : i32 to index
        %get3A_430 = arith.constant 32 : index
        %get3A_431 = tpu.vector_load %arg7[%get3A_429, %get3A_430] {strides = array<i32>} : memref<128x128xf32, #tpu.memory_space<vmem>>, vector<1x16xf32>,
        %get3A_432 = vector.shape_cast %get3A_431 : vector<1x16xf32> to vector<16xf32>
        %swap3A_433 = arith.index_cast %add3A_410 : i32 to index
        %swap3A_434 = arith.constant 32 : index
        %swap3A_435 = tpu.vector_load %arg11[%swap3A_433, %swap3A_434] {strides = array<i32>} : memref<128x64xf32, #tpu.memory_space<vmem>>, vector<1x16xf32>,
        %swap3A_436 = vector.shape_cast %swap3A_435 : vector<1x16xf32> to vector<16xf32>
        %swap3A_437 = vector.shape_cast %get3A_432 : vector<16xf32> to vector<1x16xf32>
        tpu.vector_store %arg11[%swap3A_433, %swap3A_434], %swap3A_437 {strides = array<i32>} : memref<128x64xf32, #tpu.memory_space<vmem>>, vector<1x16xf32>,
        %get3A_438 = arith.index_cast %add3A_410 : i32 to index
        %get3A_439 = arith.constant 48 : index
        %get3A_440 = tpu.vector_load %arg7[%get3A_438, %get3A_439] {strides = array<i32>} : memref<128x128xf32, #tpu.memory_space<vmem>>, vector<1x16xf32>,
        %get3A_441 = vector.shape_cast %get3A_440 : vector<1x16xf32> to vector<16xf32>
        %swap3A_442 = arith.index_cast %add3A_410 : i32 to index
        %swap3A_443 = arith.constant 48 : index
        %swap3A_444 = tpu.vector_load %arg11[%swap3A_442, %swap3A_443] {strides = array<i32>} : memref<128x64xf32, #tpu.memory_space<vmem>>, vector<1x16xf32>,
        %swap3A_445 = vector.shape_cast %swap3A_444 : vector<1x16xf32> to vector<16xf32>
        %swap3A_446 = vector.shape_cast %get3A_441 : vector<16xf32> to vector<1x16xf32>
        tpu.vector_store %arg11[%swap3A_442, %swap3A_443], %swap3A_446 {strides = array<i32>} : memref<128x64xf32, #tpu.memory_space<vmem>>, vector<1x16xf32>,
        %mul3A_447 = arith.constant 4 : i32
        %mul3A_448 = arith.muli %add3A_328, %mul3A_447 : i32
        %add3A_449 = arith.constant 3 : i32
        %add3A_450 = arith.addi %mul3A_448, %add3A_449 : i32
        %get3A_451 = arith.index_cast %add3A_450 : i32 to index
        %get3A_452 = arith.constant 0 : index
        %get3A_453 = tpu.vector_load %arg7[%get3A_451, %get3A_452] {strides = array<i32>} : memref<128x128xf32, #tpu.memory_space<vmem>>, vector<1x16xf32>,
        %get3A_454 = vector.shape_cast %get3A_453 : vector<1x16xf32> to vector<16xf32>
        %swap3A_455 = arith.index_cast %add3A_450 : i32 to index
        %swap3A_456 = arith.constant 0 : index
        %swap3A_457 = tpu.vector_load %arg11[%swap3A_455, %swap3A_456] {strides = array<i32>} : memref<128x64xf32, #tpu.memory_space<vmem>>, vector<1x16xf32>,
        %swap3A_458 = vector.shape_cast %swap3A_457 : vector<1x16xf32> to vector<16xf32>
        %swap3A_459 = vector.shape_cast %get3A_454 : vector<16xf32> to vector<1x16xf32>
        tpu.vector_store %arg11[%swap3A_455, %swap3A_456], %swap3A_459 {strides = array<i32>} : memref<128x64xf32, #tpu.memory_space<vmem>>, vector<1x16xf32>,
        %get3A_460 = arith.index_cast %add3A_450 : i32 to index
        %get3A_461 = arith.constant 16 : index
        %get3A_462 = tpu.vector_load %arg7[%get3A_460, %get3A_461] {strides = array<i32>} : memref<128x128xf32, #tpu.memory_space<vmem>>, vector<1x16xf32>,
        %get3A_463 = vector.shape_cast %get3A_462 : vector<1x16xf32> to vector<16xf32>
        %swap3A_464 = arith.index_cast %add3A_450 : i32 to index
        %swap3A_465 = arith.constant 16 : index
        %swap3A_466 = tpu.vector_load %arg11[%swap3A_464, %swap3A_465] {strides = array<i32>} : memref<128x64xf32, #tpu.memory_space<vmem>>, vector<1x16xf32>,
        %swap3A_467 = vector.shape_cast %swap3A_466 : vector<1x16xf32> to vector<16xf32>
        %swap3A_468 = vector.shape_cast %get3A_463 : vector<16xf32> to vector<1x16xf32>
        tpu.vector_store %arg11[%swap3A_464, %swap3A_465], %swap3A_468 {strides = array<i32>} : memref<128x64xf32, #tpu.memory_space<vmem>>, vector<1x16xf32>,
        %get3A_469 = arith.index_cast %add3A_450 : i32 to index
        %get3A_470 = arith.constant 32 : index
        %get3A_471 = tpu.vector_load %arg7[%get3A_469, %get3A_470] {strides = array<i32>} : memref<128x128xf32, #tpu.memory_space<vmem>>, vector<1x16xf32>,
        %get3A_472 = vector.shape_cast %get3A_471 : vector<1x16xf32> to vector<16xf32>
        %swap3A_473 = arith.index_cast %add3A_450 : i32 to index
        %swap3A_474 = arith.constant 32 : index
        %swap3A_475 = tpu.vector_load %arg11[%swap3A_473, %swap3A_474] {strides = array<i32>} : memref<128x64xf32, #tpu.memory_space<vmem>>, vector<1x16xf32>,
        %swap3A_476 = vector.shape_cast %swap3A_475 : vector<1x16xf32> to vector<16xf32>
        %swap3A_477 = vector.shape_cast %get3A_472 : vector<16xf32> to vector<1x16xf32>
        tpu.vector_store %arg11[%swap3A_473, %swap3A_474], %swap3A_477 {strides = array<i32>} : memref<128x64xf32, #tpu.memory_space<vmem>>, vector<1x16xf32>,
        %get3A_478 = arith.index_cast %add3A_450 : i32 to index
        %get3A_479 = arith.constant 48 : index
        %get3A_480 = tpu.vector_load %arg7[%get3A_478, %get3A_479] {strides = array<i32>} : memref<128x128xf32, #tpu.memory_space<vmem>>, vector<1x16xf32>,
        %get3A_481 = vector.shape_cast %get3A_480 : vector<1x16xf32> to vector<16xf32>
        %swap3A_482 = arith.index_cast %add3A_450 : i32 to index
        %swap3A_483 = arith.constant 48 : index
        %swap3A_484 = tpu.vector_load %arg11[%swap3A_482, %swap3A_483] {strides = array<i32>} : memref<128x64xf32, #tpu.memory_space<vmem>>, vector<1x16xf32>,
        %swap3A_485 = vector.shape_cast %swap3A_484 : vector<1x16xf32> to vector<16xf32>
        %swap3A_486 = vector.shape_cast %get3A_481 : vector<16xf32> to vector<1x16xf32>
        tpu.vector_store %arg11[%swap3A_482, %swap3A_483], %swap3A_486 {strides = array<i32>} : memref<128x64xf32, #tpu.memory_space<vmem>>, vector<1x16xf32>,
      }
      %scan3A_240 = arith.constant 32 : i32
      %mul3A_241 = arith.constant 8 : i32
      %mul3A_242 = arith.muli %mul3A_241, %add3A_42 : i32
      %add3A_243 = arith.constant 5 : i32
      %add3A_244 = arith.addi %mul3A_242, %add3A_243 : i32
      %mul3A_245 = arith.constant 128 : i32
      %mul3A_246 = arith.muli %add3A_244, %mul3A_245 : i32
      %add3A_247 = arith.addi %mul3A_2, %mul3A_246 : i32
      %multiple_of3A_248 = tpu.assume_multiple %add3A_247, 128 : i32
      %dma_start3A_249 = arith.constant 0 : i32
      %dma_start3A_250 = tpu.memref_slice %arg4[%multiple_of3A_248, %dma_start3A_249] : memref<819200x64xf32, #tpu.memory_space<hbm>> -> memref<128x64xf32, #tpu.memory_space<hbm>>
      %dma_start3A_251 = arith.constant 0 : i32
      %dma_start3A_252 = tpu.memref_slice %arg4[%multiple_of3A_248, %dma_start3A_251] : memref<819200x64xf32, #tpu.memory_space<hbm>> -> memref<128x64xf32, #tpu.memory_space<hbm>>
      tpu.enqueue_dma source(%arg11 : memref<128x64xf32, #tpu.memory_space<vmem>>) target(%dma_start3A_252 : memref<128x64xf32, #tpu.memory_space<hbm>>) target_semaphore(%arg17 : memref<!tpu.dma_semaphore, #tpu.memory_space<semaphore_mem>>)
      %add3A_253 = arith.constant 1 : i32
      %add3A_254 = arith.addi %add3A_42, %add3A_253 : i32
      %lt3A = arith.constant 25 : i32
      %lt3A_255 = arith.cmpi slt, %add3A_254, %lt3A : i32
      %convert_element_type3A_256 = arith.extui %lt3A_255 : i1 to i32
      %cond3A_257 = arith.constant 0 : i32
      %cond3A_258 = arith.cmpi ne, %convert_element_type3A_256, %cond3A_257 : i32
      scf.if %cond3A_258 {
        %add3A_324 = arith.constant 1 : i32
        %add3A_325 = arith.addi %add3A_42, %add3A_324 : i32
        %dma_start3A_326 = arith.constant 0 : i32
        %dma_start3A_327 = arith.constant 0 : i32
        %dma_start3A_328 = tpu.memref_slice %arg5[%add3A_325, %dma_start3A_326, %dma_start3A_327] : memref<25x8x128xi32, #tpu.memory_space<vmem>> -> memref<1x1x128xi32, #tpu.memory_space<vmem>>
        %dma_start3A_329 = tpu.memref_squeeze %dma_start3A_328 : memref<1x1x128xi32, #tpu.memory_space<vmem>> -> memref<128xi32, #tpu.memory_space<vmem>>
        %dma_start3A_330 = arith.constant 0 : i32
        %dma_start3A_331 = arith.constant 0 : i32
        %dma_start3A_332 = tpu.memref_slice %arg3[%dma_start3A_330, %dma_start3A_331] : memref<1000001x128xf32, #tpu.memory_space<hbm>> -> memref<1000001x128xf32, #tpu.memory_space<hbm>>
        tpu.enqueue_indirect_dma source(%dma_start3A_332 : memref<1000001x128xf32, #tpu.memory_space<hbm>>) target(%arg6 : memref<128x128xf32, #tpu.memory_space<vmem>>) offsets(%dma_start3A_329 : memref<128xi32, #tpu.memory_space<vmem>>) semaphore(%arg12 : memref<!tpu.dma_semaphore, #tpu.memory_space<semaphore_mem>>)
      } else {
      }
      %dma_wait3A_259 = arith.constant 0 : i32
      %dma_wait3A_260 = arith.constant 0 : i32
      %dma_wait3A_261 = tpu.memref_slice %arg3[%dma_wait3A_259, %dma_wait3A_260] : memref<1000001x128xf32, #tpu.memory_space<hbm>> -> memref<128x128xf32, #tpu.memory_space<hbm>>
      %dma_wait3A_262 = arith.constant 0 : i32
      %dma_wait3A_263 = arith.constant 0 : i32
      %dma_wait3A_264 = tpu.memref_slice %arg3[%dma_wait3A_262, %dma_wait3A_263] : memref<1000001x128xf32, #tpu.memory_space<hbm>> -> memref<128x128xf32, #tpu.memory_space<hbm>>
      tpu.wait_dma2 semaphore(%arg14 : memref<!tpu.dma_semaphore, #tpu.memory_space<semaphore_mem>>) src(%dma_wait3A_264 : memref<128x128xf32, #tpu.memory_space<hbm>>) dst(%arg8 : memref<128x128xf32, #tpu.memory_space<vmem>>)
      %dma_wait3A_265 = arith.constant 0 : i32
      %dma_wait3A_266 = arith.constant 0 : i32
      %dma_wait3A_267 = tpu.memref_slice %arg4[%dma_wait3A_265, %dma_wait3A_266] : memref<819200x64xf32, #tpu.memory_space<hbm>> -> memref<128x64xf32, #tpu.memory_space<hbm>>
      %dma_wait3A_268 = arith.constant 0 : i32
      %dma_wait3A_269 = arith.constant 0 : i32
      %dma_wait3A_270 = tpu.memref_slice %arg4[%dma_wait3A_268, %dma_wait3A_269] : memref<819200x64xf32, #tpu.memory_space<hbm>> -> memref<128x64xf32, #tpu.memory_space<hbm>>
      tpu.wait_dma2 semaphore(%arg16 : memref<!tpu.dma_semaphore, #tpu.memory_space<semaphore_mem>>) src(%arg10 : memref<128x64xf32, #tpu.memory_space<vmem>>) dst(%dma_wait3A_270 : memref<128x64xf32, #tpu.memory_space<hbm>>)
      %scan3A_271 = arith.constant 0 : i32
      %scan3A_272 = arith.constant 32 : i32
      %scan3A_273 = arith.addi %scan3A_271, %scan3A_272 : i32
      %scan3A_274 = arith.constant 1 : i32
      scf.for %scan3A_324 = %scan3A_271 to %scan3A_273 step %scan3A_274  : i32 {
        %mul3A_325 = arith.constant 1 : i32
        %mul3A_326 = arith.muli %scan3A_324, %mul3A_325 : i32
        %add3A_327 = arith.constant 0 : i32
        %add3A_328 = arith.addi %add3A_327, %mul3A_326 : i32
        %mul3A_329 = arith.constant 4 : i32
        %mul3A_330 = arith.muli %add3A_328, %mul3A_329 : i32
        %add3A_331 = arith.constant 0 : i32
        %add3A_332 = arith.addi %mul3A_330, %add3A_331 : i32
        %get3A = arith.index_cast %add3A_332 : i32 to index
        %get3A_333 = arith.constant 0 : index
        %get3A_334 = tpu.vector_load %arg8[%get3A, %get3A_333] {strides = array<i32>} : memref<128x128xf32, #tpu.memory_space<vmem>>, vector<1x16xf32>,
        %get3A_335 = vector.shape_cast %get3A_334 : vector<1x16xf32> to vector<16xf32>
        %swap3A = arith.index_cast %add3A_332 : i32 to index
        %swap3A_336 = arith.constant 0 : index
        %swap3A_337 = tpu.vector_load %arg10[%swap3A, %swap3A_336] {strides = array<i32>} : memref<128x64xf32, #tpu.memory_space<vmem>>, vector<1x16xf32>,
        %swap3A_338 = vector.shape_cast %swap3A_337 : vector<1x16xf32> to vector<16xf32>
        %swap3A_339 = vector.shape_cast %get3A_335 : vector<16xf32> to vector<1x16xf32>
        tpu.vector_store %arg10[%swap3A, %swap3A_336], %swap3A_339 {strides = array<i32>} : memref<128x64xf32, #tpu.memory_space<vmem>>, vector<1x16xf32>,
        %get3A_340 = arith.index_cast %add3A_332 : i32 to index
        %get3A_341 = arith.constant 16 : index
        %get3A_342 = tpu.vector_load %arg8[%get3A_340, %get3A_341] {strides = array<i32>} : memref<128x128xf32, #tpu.memory_space<vmem>>, vector<1x16xf32>,
        %get3A_343 = vector.shape_cast %get3A_342 : vector<1x16xf32> to vector<16xf32>
        %swap3A_344 = arith.index_cast %add3A_332 : i32 to index
        %swap3A_345 = arith.constant 16 : index
        %swap3A_346 = tpu.vector_load %arg10[%swap3A_344, %swap3A_345] {strides = array<i32>} : memref<128x64xf32, #tpu.memory_space<vmem>>, vector<1x16xf32>,
        %swap3A_347 = vector.shape_cast %swap3A_346 : vector<1x16xf32> to vector<16xf32>
        %swap3A_348 = vector.shape_cast %get3A_343 : vector<16xf32> to vector<1x16xf32>
        tpu.vector_store %arg10[%swap3A_344, %swap3A_345], %swap3A_348 {strides = array<i32>} : memref<128x64xf32, #tpu.memory_space<vmem>>, vector<1x16xf32>,
        %get3A_349 = arith.index_cast %add3A_332 : i32 to index
        %get3A_350 = arith.constant 32 : index
        %get3A_351 = tpu.vector_load %arg8[%get3A_349, %get3A_350] {strides = array<i32>} : memref<128x128xf32, #tpu.memory_space<vmem>>, vector<1x16xf32>,
        %get3A_352 = vector.shape_cast %get3A_351 : vector<1x16xf32> to vector<16xf32>
        %swap3A_353 = arith.index_cast %add3A_332 : i32 to index
        %swap3A_354 = arith.constant 32 : index
        %swap3A_355 = tpu.vector_load %arg10[%swap3A_353, %swap3A_354] {strides = array<i32>} : memref<128x64xf32, #tpu.memory_space<vmem>>, vector<1x16xf32>,
        %swap3A_356 = vector.shape_cast %swap3A_355 : vector<1x16xf32> to vector<16xf32>
        %swap3A_357 = vector.shape_cast %get3A_352 : vector<16xf32> to vector<1x16xf32>
        tpu.vector_store %arg10[%swap3A_353, %swap3A_354], %swap3A_357 {strides = array<i32>} : memref<128x64xf32, #tpu.memory_space<vmem>>, vector<1x16xf32>,
        %get3A_358 = arith.index_cast %add3A_332 : i32 to index
        %get3A_359 = arith.constant 48 : index
        %get3A_360 = tpu.vector_load %arg8[%get3A_358, %get3A_359] {strides = array<i32>} : memref<128x128xf32, #tpu.memory_space<vmem>>, vector<1x16xf32>,
        %get3A_361 = vector.shape_cast %get3A_360 : vector<1x16xf32> to vector<16xf32>
        %swap3A_362 = arith.index_cast %add3A_332 : i32 to index
        %swap3A_363 = arith.constant 48 : index
        %swap3A_364 = tpu.vector_load %arg10[%swap3A_362, %swap3A_363] {strides = array<i32>} : memref<128x64xf32, #tpu.memory_space<vmem>>, vector<1x16xf32>,
        %swap3A_365 = vector.shape_cast %swap3A_364 : vector<1x16xf32> to vector<16xf32>
        %swap3A_366 = vector.shape_cast %get3A_361 : vector<16xf32> to vector<1x16xf32>
        tpu.vector_store %arg10[%swap3A_362, %swap3A_363], %swap3A_366 {strides = array<i32>} : memref<128x64xf32, #tpu.memory_space<vmem>>, vector<1x16xf32>,
        %mul3A_367 = arith.constant 4 : i32
        %mul3A_368 = arith.muli %add3A_328, %mul3A_367 : i32
        %add3A_369 = arith.constant 1 : i32
        %add3A_370 = arith.addi %mul3A_368, %add3A_369 : i32
        %get3A_371 = arith.index_cast %add3A_370 : i32 to index
        %get3A_372 = arith.constant 0 : index
        %get3A_373 = tpu.vector_load %arg8[%get3A_371, %get3A_372] {strides = array<i32>} : memref<128x128xf32, #tpu.memory_space<vmem>>, vector<1x16xf32>,
        %get3A_374 = vector.shape_cast %get3A_373 : vector<1x16xf32> to vector<16xf32>
        %swap3A_375 = arith.index_cast %add3A_370 : i32 to index
        %swap3A_376 = arith.constant 0 : index
        %swap3A_377 = tpu.vector_load %arg10[%swap3A_375, %swap3A_376] {strides = array<i32>} : memref<128x64xf32, #tpu.memory_space<vmem>>, vector<1x16xf32>,
        %swap3A_378 = vector.shape_cast %swap3A_377 : vector<1x16xf32> to vector<16xf32>
        %swap3A_379 = vector.shape_cast %get3A_374 : vector<16xf32> to vector<1x16xf32>
        tpu.vector_store %arg10[%swap3A_375, %swap3A_376], %swap3A_379 {strides = array<i32>} : memref<128x64xf32, #tpu.memory_space<vmem>>, vector<1x16xf32>,
        %get3A_380 = arith.index_cast %add3A_370 : i32 to index
        %get3A_381 = arith.constant 16 : index
        %get3A_382 = tpu.vector_load %arg8[%get3A_380, %get3A_381] {strides = array<i32>} : memref<128x128xf32, #tpu.memory_space<vmem>>, vector<1x16xf32>,
        %get3A_383 = vector.shape_cast %get3A_382 : vector<1x16xf32> to vector<16xf32>
        %swap3A_384 = arith.index_cast %add3A_370 : i32 to index
        %swap3A_385 = arith.constant 16 : index
        %swap3A_386 = tpu.vector_load %arg10[%swap3A_384, %swap3A_385] {strides = array<i32>} : memref<128x64xf32, #tpu.memory_space<vmem>>, vector<1x16xf32>,
        %swap3A_387 = vector.shape_cast %swap3A_386 : vector<1x16xf32> to vector<16xf32>
        %swap3A_388 = vector.shape_cast %get3A_383 : vector<16xf32> to vector<1x16xf32>
        tpu.vector_store %arg10[%swap3A_384, %swap3A_385], %swap3A_388 {strides = array<i32>} : memref<128x64xf32, #tpu.memory_space<vmem>>, vector<1x16xf32>,
        %get3A_389 = arith.index_cast %add3A_370 : i32 to index
        %get3A_390 = arith.constant 32 : index
        %get3A_391 = tpu.vector_load %arg8[%get3A_389, %get3A_390] {strides = array<i32>} : memref<128x128xf32, #tpu.memory_space<vmem>>, vector<1x16xf32>,
        %get3A_392 = vector.shape_cast %get3A_391 : vector<1x16xf32> to vector<16xf32>
        %swap3A_393 = arith.index_cast %add3A_370 : i32 to index
        %swap3A_394 = arith.constant 32 : index
        %swap3A_395 = tpu.vector_load %arg10[%swap3A_393, %swap3A_394] {strides = array<i32>} : memref<128x64xf32, #tpu.memory_space<vmem>>, vector<1x16xf32>,
        %swap3A_396 = vector.shape_cast %swap3A_395 : vector<1x16xf32> to vector<16xf32>
        %swap3A_397 = vector.shape_cast %get3A_392 : vector<16xf32> to vector<1x16xf32>
        tpu.vector_store %arg10[%swap3A_393, %swap3A_394], %swap3A_397 {strides = array<i32>} : memref<128x64xf32, #tpu.memory_space<vmem>>, vector<1x16xf32>,
        %get3A_398 = arith.index_cast %add3A_370 : i32 to index
        %get3A_399 = arith.constant 48 : index
        %get3A_400 = tpu.vector_load %arg8[%get3A_398, %get3A_399] {strides = array<i32>} : memref<128x128xf32, #tpu.memory_space<vmem>>, vector<1x16xf32>,
        %get3A_401 = vector.shape_cast %get3A_400 : vector<1x16xf32> to vector<16xf32>
        %swap3A_402 = arith.index_cast %add3A_370 : i32 to index
        %swap3A_403 = arith.constant 48 : index
        %swap3A_404 = tpu.vector_load %arg10[%swap3A_402, %swap3A_403] {strides = array<i32>} : memref<128x64xf32, #tpu.memory_space<vmem>>, vector<1x16xf32>,
        %swap3A_405 = vector.shape_cast %swap3A_404 : vector<1x16xf32> to vector<16xf32>
        %swap3A_406 = vector.shape_cast %get3A_401 : vector<16xf32> to vector<1x16xf32>
        tpu.vector_store %arg10[%swap3A_402, %swap3A_403], %swap3A_406 {strides = array<i32>} : memref<128x64xf32, #tpu.memory_space<vmem>>, vector<1x16xf32>,
        %mul3A_407 = arith.constant 4 : i32
        %mul3A_408 = arith.muli %add3A_328, %mul3A_407 : i32
        %add3A_409 = arith.constant 2 : i32
        %add3A_410 = arith.addi %mul3A_408, %add3A_409 : i32
        %get3A_411 = arith.index_cast %add3A_410 : i32 to index
        %get3A_412 = arith.constant 0 : index
        %get3A_413 = tpu.vector_load %arg8[%get3A_411, %get3A_412] {strides = array<i32>} : memref<128x128xf32, #tpu.memory_space<vmem>>, vector<1x16xf32>,
        %get3A_414 = vector.shape_cast %get3A_413 : vector<1x16xf32> to vector<16xf32>
        %swap3A_415 = arith.index_cast %add3A_410 : i32 to index
        %swap3A_416 = arith.constant 0 : index
        %swap3A_417 = tpu.vector_load %arg10[%swap3A_415, %swap3A_416] {strides = array<i32>} : memref<128x64xf32, #tpu.memory_space<vmem>>, vector<1x16xf32>,
        %swap3A_418 = vector.shape_cast %swap3A_417 : vector<1x16xf32> to vector<16xf32>
        %swap3A_419 = vector.shape_cast %get3A_414 : vector<16xf32> to vector<1x16xf32>
        tpu.vector_store %arg10[%swap3A_415, %swap3A_416], %swap3A_419 {strides = array<i32>} : memref<128x64xf32, #tpu.memory_space<vmem>>, vector<1x16xf32>,
        %get3A_420 = arith.index_cast %add3A_410 : i32 to index
        %get3A_421 = arith.constant 16 : index
        %get3A_422 = tpu.vector_load %arg8[%get3A_420, %get3A_421] {strides = array<i32>} : memref<128x128xf32, #tpu.memory_space<vmem>>, vector<1x16xf32>,
        %get3A_423 = vector.shape_cast %get3A_422 : vector<1x16xf32> to vector<16xf32>
        %swap3A_424 = arith.index_cast %add3A_410 : i32 to index
        %swap3A_425 = arith.constant 16 : index
        %swap3A_426 = tpu.vector_load %arg10[%swap3A_424, %swap3A_425] {strides = array<i32>} : memref<128x64xf32, #tpu.memory_space<vmem>>, vector<1x16xf32>,
        %swap3A_427 = vector.shape_cast %swap3A_426 : vector<1x16xf32> to vector<16xf32>
        %swap3A_428 = vector.shape_cast %get3A_423 : vector<16xf32> to vector<1x16xf32>
        tpu.vector_store %arg10[%swap3A_424, %swap3A_425], %swap3A_428 {strides = array<i32>} : memref<128x64xf32, #tpu.memory_space<vmem>>, vector<1x16xf32>,
        %get3A_429 = arith.index_cast %add3A_410 : i32 to index
        %get3A_430 = arith.constant 32 : index
        %get3A_431 = tpu.vector_load %arg8[%get3A_429, %get3A_430] {strides = array<i32>} : memref<128x128xf32, #tpu.memory_space<vmem>>, vector<1x16xf32>,
        %get3A_432 = vector.shape_cast %get3A_431 : vector<1x16xf32> to vector<16xf32>
        %swap3A_433 = arith.index_cast %add3A_410 : i32 to index
        %swap3A_434 = arith.constant 32 : index
        %swap3A_435 = tpu.vector_load %arg10[%swap3A_433, %swap3A_434] {strides = array<i32>} : memref<128x64xf32, #tpu.memory_space<vmem>>, vector<1x16xf32>,
        %swap3A_436 = vector.shape_cast %swap3A_435 : vector<1x16xf32> to vector<16xf32>
        %swap3A_437 = vector.shape_cast %get3A_432 : vector<16xf32> to vector<1x16xf32>
        tpu.vector_store %arg10[%swap3A_433, %swap3A_434], %swap3A_437 {strides = array<i32>} : memref<128x64xf32, #tpu.memory_space<vmem>>, vector<1x16xf32>,
        %get3A_438 = arith.index_cast %add3A_410 : i32 to index
        %get3A_439 = arith.constant 48 : index
        %get3A_440 = tpu.vector_load %arg8[%get3A_438, %get3A_439] {strides = array<i32>} : memref<128x128xf32, #tpu.memory_space<vmem>>, vector<1x16xf32>,
        %get3A_441 = vector.shape_cast %get3A_440 : vector<1x16xf32> to vector<16xf32>
        %swap3A_442 = arith.index_cast %add3A_410 : i32 to index
        %swap3A_443 = arith.constant 48 : index
        %swap3A_444 = tpu.vector_load %arg10[%swap3A_442, %swap3A_443] {strides = array<i32>} : memref<128x64xf32, #tpu.memory_space<vmem>>, vector<1x16xf32>,
        %swap3A_445 = vector.shape_cast %swap3A_444 : vector<1x16xf32> to vector<16xf32>
        %swap3A_446 = vector.shape_cast %get3A_441 : vector<16xf32> to vector<1x16xf32>
        tpu.vector_store %arg10[%swap3A_442, %swap3A_443], %swap3A_446 {strides = array<i32>} : memref<128x64xf32, #tpu.memory_space<vmem>>, vector<1x16xf32>,
        %mul3A_447 = arith.constant 4 : i32
        %mul3A_448 = arith.muli %add3A_328, %mul3A_447 : i32
        %add3A_449 = arith.constant 3 : i32
        %add3A_450 = arith.addi %mul3A_448, %add3A_449 : i32
        %get3A_451 = arith.index_cast %add3A_450 : i32 to index
        %get3A_452 = arith.constant 0 : index
        %get3A_453 = tpu.vector_load %arg8[%get3A_451, %get3A_452] {strides = array<i32>} : memref<128x128xf32, #tpu.memory_space<vmem>>, vector<1x16xf32>,
        %get3A_454 = vector.shape_cast %get3A_453 : vector<1x16xf32> to vector<16xf32>
        %swap3A_455 = arith.index_cast %add3A_450 : i32 to index
        %swap3A_456 = arith.constant 0 : index
        %swap3A_457 = tpu.vector_load %arg10[%swap3A_455, %swap3A_456] {strides = array<i32>} : memref<128x64xf32, #tpu.memory_space<vmem>>, vector<1x16xf32>,
        %swap3A_458 = vector.shape_cast %swap3A_457 : vector<1x16xf32> to vector<16xf32>
        %swap3A_459 = vector.shape_cast %get3A_454 : vector<16xf32> to vector<1x16xf32>
        tpu.vector_store %arg10[%swap3A_455, %swap3A_456], %swap3A_459 {strides = array<i32>} : memref<128x64xf32, #tpu.memory_space<vmem>>, vector<1x16xf32>,
        %get3A_460 = arith.index_cast %add3A_450 : i32 to index
        %get3A_461 = arith.constant 16 : index
        %get3A_462 = tpu.vector_load %arg8[%get3A_460, %get3A_461] {strides = array<i32>} : memref<128x128xf32, #tpu.memory_space<vmem>>, vector<1x16xf32>,
        %get3A_463 = vector.shape_cast %get3A_462 : vector<1x16xf32> to vector<16xf32>
        %swap3A_464 = arith.index_cast %add3A_450 : i32 to index
        %swap3A_465 = arith.constant 16 : index
        %swap3A_466 = tpu.vector_load %arg10[%swap3A_464, %swap3A_465] {strides = array<i32>} : memref<128x64xf32, #tpu.memory_space<vmem>>, vector<1x16xf32>,
        %swap3A_467 = vector.shape_cast %swap3A_466 : vector<1x16xf32> to vector<16xf32>
        %swap3A_468 = vector.shape_cast %get3A_463 : vector<16xf32> to vector<1x16xf32>
        tpu.vector_store %arg10[%swap3A_464, %swap3A_465], %swap3A_468 {strides = array<i32>} : memref<128x64xf32, #tpu.memory_space<vmem>>, vector<1x16xf32>,
        %get3A_469 = arith.index_cast %add3A_450 : i32 to index
        %get3A_470 = arith.constant 32 : index
        %get3A_471 = tpu.vector_load %arg8[%get3A_469, %get3A_470] {strides = array<i32>} : memref<128x128xf32, #tpu.memory_space<vmem>>, vector<1x16xf32>,
        %get3A_472 = vector.shape_cast %get3A_471 : vector<1x16xf32> to vector<16xf32>
        %swap3A_473 = arith.index_cast %add3A_450 : i32 to index
        %swap3A_474 = arith.constant 32 : index
        %swap3A_475 = tpu.vector_load %arg10[%swap3A_473, %swap3A_474] {strides = array<i32>} : memref<128x64xf32, #tpu.memory_space<vmem>>, vector<1x16xf32>,
        %swap3A_476 = vector.shape_cast %swap3A_475 : vector<1x16xf32> to vector<16xf32>
        %swap3A_477 = vector.shape_cast %get3A_472 : vector<16xf32> to vector<1x16xf32>
        tpu.vector_store %arg10[%swap3A_473, %swap3A_474], %swap3A_477 {strides = array<i32>} : memref<128x64xf32, #tpu.memory_space<vmem>>, vector<1x16xf32>,
        %get3A_478 = arith.index_cast %add3A_450 : i32 to index
        %get3A_479 = arith.constant 48 : index
        %get3A_480 = tpu.vector_load %arg8[%get3A_478, %get3A_479] {strides = array<i32>} : memref<128x128xf32, #tpu.memory_space<vmem>>, vector<1x16xf32>,
        %get3A_481 = vector.shape_cast %get3A_480 : vector<1x16xf32> to vector<16xf32>
        %swap3A_482 = arith.index_cast %add3A_450 : i32 to index
        %swap3A_483 = arith.constant 48 : index
        %swap3A_484 = tpu.vector_load %arg10[%swap3A_482, %swap3A_483] {strides = array<i32>} : memref<128x64xf32, #tpu.memory_space<vmem>>, vector<1x16xf32>,
        %swap3A_485 = vector.shape_cast %swap3A_484 : vector<1x16xf32> to vector<16xf32>
        %swap3A_486 = vector.shape_cast %get3A_481 : vector<16xf32> to vector<1x16xf32>
        tpu.vector_store %arg10[%swap3A_482, %swap3A_483], %swap3A_486 {strides = array<i32>} : memref<128x64xf32, #tpu.memory_space<vmem>>, vector<1x16xf32>,
      }
      %scan3A_275 = arith.constant 32 : i32
      %mul3A_276 = arith.constant 8 : i32
      %mul3A_277 = arith.muli %mul3A_276, %add3A_42 : i32
      %add3A_278 = arith.constant 6 : i32
      %add3A_279 = arith.addi %mul3A_277, %add3A_278 : i32
      %mul3A_280 = arith.constant 128 : i32
      %mul3A_281 = arith.muli %add3A_279, %mul3A_280 : i32
      %add3A_282 = arith.addi %mul3A_2, %mul3A_281 : i32
      %multiple_of3A_283 = tpu.assume_multiple %add3A_282, 128 : i32
      %dma_start3A_284 = arith.constant 0 : i32
      %dma_start3A_285 = tpu.memref_slice %arg4[%multiple_of3A_283, %dma_start3A_284] : memref<819200x64xf32, #tpu.memory_space<hbm>> -> memref<128x64xf32, #tpu.memory_space<hbm>>
      %dma_start3A_286 = arith.constant 0 : i32
      %dma_start3A_287 = tpu.memref_slice %arg4[%multiple_of3A_283, %dma_start3A_286] : memref<819200x64xf32, #tpu.memory_space<hbm>> -> memref<128x64xf32, #tpu.memory_space<hbm>>
      tpu.enqueue_dma source(%arg10 : memref<128x64xf32, #tpu.memory_space<vmem>>) target(%dma_start3A_287 : memref<128x64xf32, #tpu.memory_space<hbm>>) target_semaphore(%arg16 : memref<!tpu.dma_semaphore, #tpu.memory_space<semaphore_mem>>)
      %add3A_288 = arith.constant 1 : i32
      %add3A_289 = arith.addi %add3A_42, %add3A_288 : i32
      %lt3A_290 = arith.constant 25 : i32
      %lt3A_291 = arith.cmpi slt, %add3A_289, %lt3A_290 : i32
      %convert_element_type3A_292 = arith.extui %lt3A_291 : i1 to i32
      %cond3A_293 = arith.constant 0 : i32
      %cond3A_294 = arith.cmpi ne, %convert_element_type3A_292, %cond3A_293 : i32
      scf.if %cond3A_294 {
        %add3A_324 = arith.constant 1 : i32
        %add3A_325 = arith.addi %add3A_42, %add3A_324 : i32
        %dma_start3A_326 = arith.constant 1 : i32
        %dma_start3A_327 = arith.constant 0 : i32
        %dma_start3A_328 = tpu.memref_slice %arg5[%add3A_325, %dma_start3A_326, %dma_start3A_327] : memref<25x8x128xi32, #tpu.memory_space<vmem>> -> memref<1x1x128xi32, #tpu.memory_space<vmem>>
        %dma_start3A_329 = tpu.memref_squeeze %dma_start3A_328 : memref<1x1x128xi32, #tpu.memory_space<vmem>> -> memref<128xi32, #tpu.memory_space<vmem>>
        %dma_start3A_330 = arith.constant 0 : i32
        %dma_start3A_331 = arith.constant 0 : i32
        %dma_start3A_332 = tpu.memref_slice %arg3[%dma_start3A_330, %dma_start3A_331] : memref<1000001x128xf32, #tpu.memory_space<hbm>> -> memref<1000001x128xf32, #tpu.memory_space<hbm>>
        tpu.enqueue_indirect_dma source(%dma_start3A_332 : memref<1000001x128xf32, #tpu.memory_space<hbm>>) target(%arg7 : memref<128x128xf32, #tpu.memory_space<vmem>>) offsets(%dma_start3A_329 : memref<128xi32, #tpu.memory_space<vmem>>) semaphore(%arg13 : memref<!tpu.dma_semaphore, #tpu.memory_space<semaphore_mem>>)
      } else {
      }
      %dma_wait3A_295 = arith.constant 0 : i32
      %dma_wait3A_296 = arith.constant 0 : i32
      %dma_wait3A_297 = tpu.memref_slice %arg3[%dma_wait3A_295, %dma_wait3A_296] : memref<1000001x128xf32, #tpu.memory_space<hbm>> -> memref<128x128xf32, #tpu.memory_space<hbm>>
      %dma_wait3A_298 = arith.constant 0 : i32
      %dma_wait3A_299 = arith.constant 0 : i32
      %dma_wait3A_300 = tpu.memref_slice %arg3[%dma_wait3A_298, %dma_wait3A_299] : memref<1000001x128xf32, #tpu.memory_space<hbm>> -> memref<128x128xf32, #tpu.memory_space<hbm>>
      tpu.wait_dma2 semaphore(%arg15 : memref<!tpu.dma_semaphore, #tpu.memory_space<semaphore_mem>>) src(%dma_wait3A_300 : memref<128x128xf32, #tpu.memory_space<hbm>>) dst(%arg9 : memref<128x128xf32, #tpu.memory_space<vmem>>)
      %dma_wait3A_301 = arith.constant 0 : i32
      %dma_wait3A_302 = arith.constant 0 : i32
      %dma_wait3A_303 = tpu.memref_slice %arg4[%dma_wait3A_301, %dma_wait3A_302] : memref<819200x64xf32, #tpu.memory_space<hbm>> -> memref<128x64xf32, #tpu.memory_space<hbm>>
      %dma_wait3A_304 = arith.constant 0 : i32
      %dma_wait3A_305 = arith.constant 0 : i32
      %dma_wait3A_306 = tpu.memref_slice %arg4[%dma_wait3A_304, %dma_wait3A_305] : memref<819200x64xf32, #tpu.memory_space<hbm>> -> memref<128x64xf32, #tpu.memory_space<hbm>>
      tpu.wait_dma2 semaphore(%arg17 : memref<!tpu.dma_semaphore, #tpu.memory_space<semaphore_mem>>) src(%arg11 : memref<128x64xf32, #tpu.memory_space<vmem>>) dst(%dma_wait3A_306 : memref<128x64xf32, #tpu.memory_space<hbm>>)
      %scan3A_307 = arith.constant 0 : i32
      %scan3A_308 = arith.constant 32 : i32
      %scan3A_309 = arith.addi %scan3A_307, %scan3A_308 : i32
      %scan3A_310 = arith.constant 1 : i32
      scf.for %scan3A_324 = %scan3A_307 to %scan3A_309 step %scan3A_310  : i32 {
        %mul3A_325 = arith.constant 1 : i32
        %mul3A_326 = arith.muli %scan3A_324, %mul3A_325 : i32
        %add3A_327 = arith.constant 0 : i32
        %add3A_328 = arith.addi %add3A_327, %mul3A_326 : i32
        %mul3A_329 = arith.constant 4 : i32
        %mul3A_330 = arith.muli %add3A_328, %mul3A_329 : i32
        %add3A_331 = arith.constant 0 : i32
        %add3A_332 = arith.addi %mul3A_330, %add3A_331 : i32
        %get3A = arith.index_cast %add3A_332 : i32 to index
        %get3A_333 = arith.constant 0 : index
        %get3A_334 = tpu.vector_load %arg9[%get3A, %get3A_333] {strides = array<i32>} : memref<128x128xf32, #tpu.memory_space<vmem>>, vector<1x16xf32>,
        %get3A_335 = vector.shape_cast %get3A_334 : vector<1x16xf32> to vector<16xf32>
        %swap3A = arith.index_cast %add3A_332 : i32 to index
        %swap3A_336 = arith.constant 0 : index
        %swap3A_337 = tpu.vector_load %arg11[%swap3A, %swap3A_336] {strides = array<i32>} : memref<128x64xf32, #tpu.memory_space<vmem>>, vector<1x16xf32>,
        %swap3A_338 = vector.shape_cast %swap3A_337 : vector<1x16xf32> to vector<16xf32>
        %swap3A_339 = vector.shape_cast %get3A_335 : vector<16xf32> to vector<1x16xf32>
        tpu.vector_store %arg11[%swap3A, %swap3A_336], %swap3A_339 {strides = array<i32>} : memref<128x64xf32, #tpu.memory_space<vmem>>, vector<1x16xf32>,
        %get3A_340 = arith.index_cast %add3A_332 : i32 to index
        %get3A_341 = arith.constant 16 : index
        %get3A_342 = tpu.vector_load %arg9[%get3A_340, %get3A_341] {strides = array<i32>} : memref<128x128xf32, #tpu.memory_space<vmem>>, vector<1x16xf32>,
        %get3A_343 = vector.shape_cast %get3A_342 : vector<1x16xf32> to vector<16xf32>
        %swap3A_344 = arith.index_cast %add3A_332 : i32 to index
        %swap3A_345 = arith.constant 16 : index
        %swap3A_346 = tpu.vector_load %arg11[%swap3A_344, %swap3A_345] {strides = array<i32>} : memref<128x64xf32, #tpu.memory_space<vmem>>, vector<1x16xf32>,
        %swap3A_347 = vector.shape_cast %swap3A_346 : vector<1x16xf32> to vector<16xf32>
        %swap3A_348 = vector.shape_cast %get3A_343 : vector<16xf32> to vector<1x16xf32>
        tpu.vector_store %arg11[%swap3A_344, %swap3A_345], %swap3A_348 {strides = array<i32>} : memref<128x64xf32, #tpu.memory_space<vmem>>, vector<1x16xf32>,
        %get3A_349 = arith.index_cast %add3A_332 : i32 to index
        %get3A_350 = arith.constant 32 : index
        %get3A_351 = tpu.vector_load %arg9[%get3A_349, %get3A_350] {strides = array<i32>} : memref<128x128xf32, #tpu.memory_space<vmem>>, vector<1x16xf32>,
        %get3A_352 = vector.shape_cast %get3A_351 : vector<1x16xf32> to vector<16xf32>
        %swap3A_353 = arith.index_cast %add3A_332 : i32 to index
        %swap3A_354 = arith.constant 32 : index
        %swap3A_355 = tpu.vector_load %arg11[%swap3A_353, %swap3A_354] {strides = array<i32>} : memref<128x64xf32, #tpu.memory_space<vmem>>, vector<1x16xf32>,
        %swap3A_356 = vector.shape_cast %swap3A_355 : vector<1x16xf32> to vector<16xf32>
        %swap3A_357 = vector.shape_cast %get3A_352 : vector<16xf32> to vector<1x16xf32>
        tpu.vector_store %arg11[%swap3A_353, %swap3A_354], %swap3A_357 {strides = array<i32>} : memref<128x64xf32, #tpu.memory_space<vmem>>, vector<1x16xf32>,
        %get3A_358 = arith.index_cast %add3A_332 : i32 to index
        %get3A_359 = arith.constant 48 : index
        %get3A_360 = tpu.vector_load %arg9[%get3A_358, %get3A_359] {strides = array<i32>} : memref<128x128xf32, #tpu.memory_space<vmem>>, vector<1x16xf32>,
        %get3A_361 = vector.shape_cast %get3A_360 : vector<1x16xf32> to vector<16xf32>
        %swap3A_362 = arith.index_cast %add3A_332 : i32 to index
        %swap3A_363 = arith.constant 48 : index
        %swap3A_364 = tpu.vector_load %arg11[%swap3A_362, %swap3A_363] {strides = array<i32>} : memref<128x64xf32, #tpu.memory_space<vmem>>, vector<1x16xf32>,
        %swap3A_365 = vector.shape_cast %swap3A_364 : vector<1x16xf32> to vector<16xf32>
        %swap3A_366 = vector.shape_cast %get3A_361 : vector<16xf32> to vector<1x16xf32>
        tpu.vector_store %arg11[%swap3A_362, %swap3A_363], %swap3A_366 {strides = array<i32>} : memref<128x64xf32, #tpu.memory_space<vmem>>, vector<1x16xf32>,
        %mul3A_367 = arith.constant 4 : i32
        %mul3A_368 = arith.muli %add3A_328, %mul3A_367 : i32
        %add3A_369 = arith.constant 1 : i32
        %add3A_370 = arith.addi %mul3A_368, %add3A_369 : i32
        %get3A_371 = arith.index_cast %add3A_370 : i32 to index
        %get3A_372 = arith.constant 0 : index
        %get3A_373 = tpu.vector_load %arg9[%get3A_371, %get3A_372] {strides = array<i32>} : memref<128x128xf32, #tpu.memory_space<vmem>>, vector<1x16xf32>,
        %get3A_374 = vector.shape_cast %get3A_373 : vector<1x16xf32> to vector<16xf32>
        %swap3A_375 = arith.index_cast %add3A_370 : i32 to index
        %swap3A_376 = arith.constant 0 : index
        %swap3A_377 = tpu.vector_load %arg11[%swap3A_375, %swap3A_376] {strides = array<i32>} : memref<128x64xf32, #tpu.memory_space<vmem>>, vector<1x16xf32>,
        %swap3A_378 = vector.shape_cast %swap3A_377 : vector<1x16xf32> to vector<16xf32>
        %swap3A_379 = vector.shape_cast %get3A_374 : vector<16xf32> to vector<1x16xf32>
        tpu.vector_store %arg11[%swap3A_375, %swap3A_376], %swap3A_379 {strides = array<i32>} : memref<128x64xf32, #tpu.memory_space<vmem>>, vector<1x16xf32>,
        %get3A_380 = arith.index_cast %add3A_370 : i32 to index
        %get3A_381 = arith.constant 16 : index
        %get3A_382 = tpu.vector_load %arg9[%get3A_380, %get3A_381] {strides = array<i32>} : memref<128x128xf32, #tpu.memory_space<vmem>>, vector<1x16xf32>,
        %get3A_383 = vector.shape_cast %get3A_382 : vector<1x16xf32> to vector<16xf32>
        %swap3A_384 = arith.index_cast %add3A_370 : i32 to index
        %swap3A_385 = arith.constant 16 : index
        %swap3A_386 = tpu.vector_load %arg11[%swap3A_384, %swap3A_385] {strides = array<i32>} : memref<128x64xf32, #tpu.memory_space<vmem>>, vector<1x16xf32>,
        %swap3A_387 = vector.shape_cast %swap3A_386 : vector<1x16xf32> to vector<16xf32>
        %swap3A_388 = vector.shape_cast %get3A_383 : vector<16xf32> to vector<1x16xf32>
        tpu.vector_store %arg11[%swap3A_384, %swap3A_385], %swap3A_388 {strides = array<i32>} : memref<128x64xf32, #tpu.memory_space<vmem>>, vector<1x16xf32>,
        %get3A_389 = arith.index_cast %add3A_370 : i32 to index
        %get3A_390 = arith.constant 32 : index
        %get3A_391 = tpu.vector_load %arg9[%get3A_389, %get3A_390] {strides = array<i32>} : memref<128x128xf32, #tpu.memory_space<vmem>>, vector<1x16xf32>,
        %get3A_392 = vector.shape_cast %get3A_391 : vector<1x16xf32> to vector<16xf32>
        %swap3A_393 = arith.index_cast %add3A_370 : i32 to index
        %swap3A_394 = arith.constant 32 : index
        %swap3A_395 = tpu.vector_load %arg11[%swap3A_393, %swap3A_394] {strides = array<i32>} : memref<128x64xf32, #tpu.memory_space<vmem>>, vector<1x16xf32>,
        %swap3A_396 = vector.shape_cast %swap3A_395 : vector<1x16xf32> to vector<16xf32>
        %swap3A_397 = vector.shape_cast %get3A_392 : vector<16xf32> to vector<1x16xf32>
        tpu.vector_store %arg11[%swap3A_393, %swap3A_394], %swap3A_397 {strides = array<i32>} : memref<128x64xf32, #tpu.memory_space<vmem>>, vector<1x16xf32>,
        %get3A_398 = arith.index_cast %add3A_370 : i32 to index
        %get3A_399 = arith.constant 48 : index
        %get3A_400 = tpu.vector_load %arg9[%get3A_398, %get3A_399] {strides = array<i32>} : memref<128x128xf32, #tpu.memory_space<vmem>>, vector<1x16xf32>,
        %get3A_401 = vector.shape_cast %get3A_400 : vector<1x16xf32> to vector<16xf32>
        %swap3A_402 = arith.index_cast %add3A_370 : i32 to index
        %swap3A_403 = arith.constant 48 : index
        %swap3A_404 = tpu.vector_load %arg11[%swap3A_402, %swap3A_403] {strides = array<i32>} : memref<128x64xf32, #tpu.memory_space<vmem>>, vector<1x16xf32>,
        %swap3A_405 = vector.shape_cast %swap3A_404 : vector<1x16xf32> to vector<16xf32>
        %swap3A_406 = vector.shape_cast %get3A_401 : vector<16xf32> to vector<1x16xf32>
        tpu.vector_store %arg11[%swap3A_402, %swap3A_403], %swap3A_406 {strides = array<i32>} : memref<128x64xf32, #tpu.memory_space<vmem>>, vector<1x16xf32>,
        %mul3A_407 = arith.constant 4 : i32
        %mul3A_408 = arith.muli %add3A_328, %mul3A_407 : i32
        %add3A_409 = arith.constant 2 : i32
        %add3A_410 = arith.addi %mul3A_408, %add3A_409 : i32
        %get3A_411 = arith.index_cast %add3A_410 : i32 to index
        %get3A_412 = arith.constant 0 : index
        %get3A_413 = tpu.vector_load %arg9[%get3A_411, %get3A_412] {strides = array<i32>} : memref<128x128xf32, #tpu.memory_space<vmem>>, vector<1x16xf32>,
        %get3A_414 = vector.shape_cast %get3A_413 : vector<1x16xf32> to vector<16xf32>
        %swap3A_415 = arith.index_cast %add3A_410 : i32 to index
        %swap3A_416 = arith.constant 0 : index
        %swap3A_417 = tpu.vector_load %arg11[%swap3A_415, %swap3A_416] {strides = array<i32>} : memref<128x64xf32, #tpu.memory_space<vmem>>, vector<1x16xf32>,
        %swap3A_418 = vector.shape_cast %swap3A_417 : vector<1x16xf32> to vector<16xf32>
        %swap3A_419 = vector.shape_cast %get3A_414 : vector<16xf32> to vector<1x16xf32>
        tpu.vector_store %arg11[%swap3A_415, %swap3A_416], %swap3A_419 {strides = array<i32>} : memref<128x64xf32, #tpu.memory_space<vmem>>, vector<1x16xf32>,
        %get3A_420 = arith.index_cast %add3A_410 : i32 to index
        %get3A_421 = arith.constant 16 : index
        %get3A_422 = tpu.vector_load %arg9[%get3A_420, %get3A_421] {strides = array<i32>} : memref<128x128xf32, #tpu.memory_space<vmem>>, vector<1x16xf32>,
        %get3A_423 = vector.shape_cast %get3A_422 : vector<1x16xf32> to vector<16xf32>
        %swap3A_424 = arith.index_cast %add3A_410 : i32 to index
        %swap3A_425 = arith.constant 16 : index
        %swap3A_426 = tpu.vector_load %arg11[%swap3A_424, %swap3A_425] {strides = array<i32>} : memref<128x64xf32, #tpu.memory_space<vmem>>, vector<1x16xf32>,
        %swap3A_427 = vector.shape_cast %swap3A_426 : vector<1x16xf32> to vector<16xf32>
        %swap3A_428 = vector.shape_cast %get3A_423 : vector<16xf32> to vector<1x16xf32>
        tpu.vector_store %arg11[%swap3A_424, %swap3A_425], %swap3A_428 {strides = array<i32>} : memref<128x64xf32, #tpu.memory_space<vmem>>, vector<1x16xf32>,
        %get3A_429 = arith.index_cast %add3A_410 : i32 to index
        %get3A_430 = arith.constant 32 : index
        %get3A_431 = tpu.vector_load %arg9[%get3A_429, %get3A_430] {strides = array<i32>} : memref<128x128xf32, #tpu.memory_space<vmem>>, vector<1x16xf32>,
        %get3A_432 = vector.shape_cast %get3A_431 : vector<1x16xf32> to vector<16xf32>
        %swap3A_433 = arith.index_cast %add3A_410 : i32 to index
        %swap3A_434 = arith.constant 32 : index
        %swap3A_435 = tpu.vector_load %arg11[%swap3A_433, %swap3A_434] {strides = array<i32>} : memref<128x64xf32, #tpu.memory_space<vmem>>, vector<1x16xf32>,
        %swap3A_436 = vector.shape_cast %swap3A_435 : vector<1x16xf32> to vector<16xf32>
        %swap3A_437 = vector.shape_cast %get3A_432 : vector<16xf32> to vector<1x16xf32>
        tpu.vector_store %arg11[%swap3A_433, %swap3A_434], %swap3A_437 {strides = array<i32>} : memref<128x64xf32, #tpu.memory_space<vmem>>, vector<1x16xf32>,
        %get3A_438 = arith.index_cast %add3A_410 : i32 to index
        %get3A_439 = arith.constant 48 : index
        %get3A_440 = tpu.vector_load %arg9[%get3A_438, %get3A_439] {strides = array<i32>} : memref<128x128xf32, #tpu.memory_space<vmem>>, vector<1x16xf32>,
        %get3A_441 = vector.shape_cast %get3A_440 : vector<1x16xf32> to vector<16xf32>
        %swap3A_442 = arith.index_cast %add3A_410 : i32 to index
        %swap3A_443 = arith.constant 48 : index
        %swap3A_444 = tpu.vector_load %arg11[%swap3A_442, %swap3A_443] {strides = array<i32>} : memref<128x64xf32, #tpu.memory_space<vmem>>, vector<1x16xf32>,
        %swap3A_445 = vector.shape_cast %swap3A_444 : vector<1x16xf32> to vector<16xf32>
        %swap3A_446 = vector.shape_cast %get3A_441 : vector<16xf32> to vector<1x16xf32>
        tpu.vector_store %arg11[%swap3A_442, %swap3A_443], %swap3A_446 {strides = array<i32>} : memref<128x64xf32, #tpu.memory_space<vmem>>, vector<1x16xf32>,
        %mul3A_447 = arith.constant 4 : i32
        %mul3A_448 = arith.muli %add3A_328, %mul3A_447 : i32
        %add3A_449 = arith.constant 3 : i32
        %add3A_450 = arith.addi %mul3A_448, %add3A_449 : i32
        %get3A_451 = arith.index_cast %add3A_450 : i32 to index
        %get3A_452 = arith.constant 0 : index
        %get3A_453 = tpu.vector_load %arg9[%get3A_451, %get3A_452] {strides = array<i32>} : memref<128x128xf32, #tpu.memory_space<vmem>>, vector<1x16xf32>,
        %get3A_454 = vector.shape_cast %get3A_453 : vector<1x16xf32> to vector<16xf32>
        %swap3A_455 = arith.index_cast %add3A_450 : i32 to index
        %swap3A_456 = arith.constant 0 : index
        %swap3A_457 = tpu.vector_load %arg11[%swap3A_455, %swap3A_456] {strides = array<i32>} : memref<128x64xf32, #tpu.memory_space<vmem>>, vector<1x16xf32>,
        %swap3A_458 = vector.shape_cast %swap3A_457 : vector<1x16xf32> to vector<16xf32>
        %swap3A_459 = vector.shape_cast %get3A_454 : vector<16xf32> to vector<1x16xf32>
        tpu.vector_store %arg11[%swap3A_455, %swap3A_456], %swap3A_459 {strides = array<i32>} : memref<128x64xf32, #tpu.memory_space<vmem>>, vector<1x16xf32>,
        %get3A_460 = arith.index_cast %add3A_450 : i32 to index
        %get3A_461 = arith.constant 16 : index
        %get3A_462 = tpu.vector_load %arg9[%get3A_460, %get3A_461] {strides = array<i32>} : memref<128x128xf32, #tpu.memory_space<vmem>>, vector<1x16xf32>,
        %get3A_463 = vector.shape_cast %get3A_462 : vector<1x16xf32> to vector<16xf32>
        %swap3A_464 = arith.index_cast %add3A_450 : i32 to index
        %swap3A_465 = arith.constant 16 : index
        %swap3A_466 = tpu.vector_load %arg11[%swap3A_464, %swap3A_465] {strides = array<i32>} : memref<128x64xf32, #tpu.memory_space<vmem>>, vector<1x16xf32>,
        %swap3A_467 = vector.shape_cast %swap3A_466 : vector<1x16xf32> to vector<16xf32>
        %swap3A_468 = vector.shape_cast %get3A_463 : vector<16xf32> to vector<1x16xf32>
        tpu.vector_store %arg11[%swap3A_464, %swap3A_465], %swap3A_468 {strides = array<i32>} : memref<128x64xf32, #tpu.memory_space<vmem>>, vector<1x16xf32>,
        %get3A_469 = arith.index_cast %add3A_450 : i32 to index
        %get3A_470 = arith.constant 32 : index
        %get3A_471 = tpu.vector_load %arg9[%get3A_469, %get3A_470] {strides = array<i32>} : memref<128x128xf32, #tpu.memory_space<vmem>>, vector<1x16xf32>,
        %get3A_472 = vector.shape_cast %get3A_471 : vector<1x16xf32> to vector<16xf32>
        %swap3A_473 = arith.index_cast %add3A_450 : i32 to index
        %swap3A_474 = arith.constant 32 : index
        %swap3A_475 = tpu.vector_load %arg11[%swap3A_473, %swap3A_474] {strides = array<i32>} : memref<128x64xf32, #tpu.memory_space<vmem>>, vector<1x16xf32>,
        %swap3A_476 = vector.shape_cast %swap3A_475 : vector<1x16xf32> to vector<16xf32>
        %swap3A_477 = vector.shape_cast %get3A_472 : vector<16xf32> to vector<1x16xf32>
        tpu.vector_store %arg11[%swap3A_473, %swap3A_474], %swap3A_477 {strides = array<i32>} : memref<128x64xf32, #tpu.memory_space<vmem>>, vector<1x16xf32>,
        %get3A_478 = arith.index_cast %add3A_450 : i32 to index
        %get3A_479 = arith.constant 48 : index
        %get3A_480 = tpu.vector_load %arg9[%get3A_478, %get3A_479] {strides = array<i32>} : memref<128x128xf32, #tpu.memory_space<vmem>>, vector<1x16xf32>,
        %get3A_481 = vector.shape_cast %get3A_480 : vector<1x16xf32> to vector<16xf32>
        %swap3A_482 = arith.index_cast %add3A_450 : i32 to index
        %swap3A_483 = arith.constant 48 : index
        %swap3A_484 = tpu.vector_load %arg11[%swap3A_482, %swap3A_483] {strides = array<i32>} : memref<128x64xf32, #tpu.memory_space<vmem>>, vector<1x16xf32>,
        %swap3A_485 = vector.shape_cast %swap3A_484 : vector<1x16xf32> to vector<16xf32>
        %swap3A_486 = vector.shape_cast %get3A_481 : vector<16xf32> to vector<1x16xf32>
        tpu.vector_store %arg11[%swap3A_482, %swap3A_483], %swap3A_486 {strides = array<i32>} : memref<128x64xf32, #tpu.memory_space<vmem>>, vector<1x16xf32>,
      }
      %scan3A_311 = arith.constant 32 : i32
      %mul3A_312 = arith.constant 8 : i32
      %mul3A_313 = arith.muli %mul3A_312, %add3A_42 : i32
      %add3A_314 = arith.constant 7 : i32
      %add3A_315 = arith.addi %mul3A_313, %add3A_314 : i32
      %mul3A_316 = arith.constant 128 : i32
      %mul3A_317 = arith.muli %add3A_315, %mul3A_316 : i32
      %add3A_318 = arith.addi %mul3A_2, %mul3A_317 : i32
      %multiple_of3A_319 = tpu.assume_multiple %add3A_318, 128 : i32
      %dma_start3A_320 = arith.constant 0 : i32
      %dma_start3A_321 = tpu.memref_slice %arg4[%multiple_of3A_319, %dma_start3A_320] : memref<819200x64xf32, #tpu.memory_space<hbm>> -> memref<128x64xf32, #tpu.memory_space<hbm>>
      %dma_start3A_322 = arith.constant 0 : i32
      %dma_start3A_323 = tpu.memref_slice %arg4[%multiple_of3A_319, %dma_start3A_322] : memref<819200x64xf32, #tpu.memory_space<hbm>> -> memref<128x64xf32, #tpu.memory_space<hbm>>
      tpu.enqueue_dma source(%arg11 : memref<128x64xf32, #tpu.memory_space<vmem>>) target(%dma_start3A_323 : memref<128x64xf32, #tpu.memory_space<hbm>>) target_semaphore(%arg17 : memref<!tpu.dma_semaphore, #tpu.memory_space<semaphore_mem>>)
    }
    %scan3A_26 = arith.constant 25 : i32
    %dma_wait3A = arith.constant 0 : i32
    %dma_wait3A_27 = arith.constant 0 : i32
    %dma_wait3A_28 = tpu.memref_slice %arg4[%dma_wait3A, %dma_wait3A_27] : memref<819200x64xf32, #tpu.memory_space<hbm>> -> memref<128x64xf32, #tpu.memory_space<hbm>>
    %dma_wait3A_29 = arith.constant 0 : i32
    %dma_wait3A_30 = arith.constant 0 : i32
    %dma_wait3A_31 = tpu.memref_slice %arg4[%dma_wait3A_29, %dma_wait3A_30] : memref<819200x64xf32, #tpu.memory_space<hbm>> -> memref<128x64xf32, #tpu.memory_space<hbm>>
    tpu.wait_dma2 semaphore(%arg16 : memref<!tpu.dma_semaphore, #tpu.memory_space<semaphore_mem>>) src(%arg10 : memref<128x64xf32, #tpu.memory_space<vmem>>) dst(%dma_wait3A_31 : memref<128x64xf32, #tpu.memory_space<hbm>>)
    %dma_wait3A_32 = arith.constant 0 : i32
    %dma_wait3A_33 = arith.constant 0 : i32
    %dma_wait3A_34 = tpu.memref_slice %arg4[%dma_wait3A_32, %dma_wait3A_33] : memref<819200x64xf32, #tpu.memory_space<hbm>> -> memref<128x64xf32, #tpu.memory_space<hbm>>
    %dma_wait3A_35 = arith.constant 0 : i32
    %dma_wait3A_36 = arith.constant 0 : i32
    %dma_wait3A_37 = tpu.memref_slice %arg4[%dma_wait3A_35, %dma_wait3A_36] : memref<819200x64xf32, #tpu.memory_space<hbm>> -> memref<128x64xf32, #tpu.memory_space<hbm>>
    tpu.wait_dma2 semaphore(%arg17 : memref<!tpu.dma_semaphore, #tpu.memory_space<semaphore_mem>>) src(%arg11 : memref<128x64xf32, #tpu.memory_space<vmem>>) dst(%dma_wait3A_37 : memref<128x64xf32, #tpu.memory_space<hbm>>)
    return
  }
}

</mosaic_0001>

<sc_bundles>
// kernel: kernel.3.cloned.1.call-start
scs
__scs_entry_jumppad:
0x0: {  	(pc) =	sbr.rel $0x88, $3  }
0x1: {  	(tag) =	ssettag $0x0;
	lr =	simm.s32 $0x1  }
0x2: {  	[smem:$0x3F9F] =	sst lr;
	_ =	strace $0xD0000000  }
0x3: {  	_ = 	snop  }
0x4: {  	_ = 	snop  }
0x5: {  	_ = 	snop  }
0x6: {  	_ = 	snop  }
0x7: {  	_ = 	snop  }
__scs_overlays_trampoline_lowered:
0x8: {  	[smem:$0x3FAE] =	sst s0  }
0x9: {  	[smem:$0x3FAF] =	sst s1  }
0xa: {  	[smem:$0x3FB0] =	sst s2  }
0xb: {  	[smem:$0x3FB1] =	sst s3  }
0xc: {  	[smem:$0x3FB2] =	sst s4  }
0xd: {  	[smem:$0x3FB3] =	sst s5  }
0xe: {  	[smem:$0x3FB4] =	sst s6  }
0xf: {  	[smem:$0x3FB5] =	sst s7  }
0x10: {  	[smem:$0x3FB6] =	sst s8  }
0x11: {  	[smem:$0x3FB7] =	sst s9;
	s0 =	simm.s32 @!p0 $0x0  }
0x12: {  	s1 =	sld [smem:$0x3F9D];
	s0 =	simm.s32 @p0 $0x1  }
0x13: {  	[smem:$0x3FB8] =	sst s0;
	s0 =	simm.s32 @!p1 $0x0  }
0x14: {  	s2 =	sld [smem:$0x3F9C];
	s0 =	simm.s32 @p1 $0x1  }
0x15: {  	[smem:$0x3FB9] =	sst s0;
	s0 =	simm.s32 @!p2 $0x0  }
0x16: {  	s3 =	sld [smem:$0x3FDB];
	s0 =	simm.s32 @p2 $0x1  }
0x17: {  	s4 =	simm.s32 $0x1BF5;
	[smem:$0x3FBB] =	sst s0  }
0x18: {  	s0 =	sld [smem:$0x3F9E];
	_ =	swait.ge [sflag:s4], $0x0  }
0x19: {  	s7 =	sld [smem:$0x3F9F]  }
0x1a: {  	s8 =	sadd.s32 $0xFFFFE003, lr  }
0x1b: {  	s9 =	sadd.s32 $0xFFFFFEF7, lr;
	s5 =	simm.s32 $0xFFFFFFFF;
	p2 =	slt.u32 s8, $0xFFFFF086  }
0x1c: {  	p1 =	slt.u32 s9, $0xF7A;
	s5 =	simm.s32 @!p2 $0x0  }
0x1d: {  	s5 =	simm.s32 @p1 $0x1;
	p0 =	seq.s32 s7, s2  }
0x1e: {  	s7 =	smul.u32 @!p0 $0xF7A, s2;
	p2 =	seq.s32 @!p0 s5, $0x0  }
0x1f: {  	s9 =	smul.u32 $0xF7A, s1;
	s8 =	simm.s32 @!p0 $0x1BF5;
	p2 =	por !p2, p0  }
0x20: {  	[sflag:s8] =	ssyncset.s32 @!p0 $0xFFFFF086;
	s6 =	sadd.s32 @!p0 s3, s7;
	s7 =	simm.s32 @!p0 $0x108  }
0x21: {  	s3 =	sadd.s32 s3, s9;
	s6 =	sadd.s32 @!p0 $0x88, s6;
	s7 =	simm.s32 @p2 $0x1082  }
0x22: {  	[simem:s7], [sflag:s8] =	dma.local @!p0 [hbm:s6], $0xF7A  }
0x23: {  	s9 =	sor.u32 $0xD0000000, s2;
	s6 =	simm.s32 $0x108;
	_ =	swait.ge @!p0 [sflag:s8], $0x0  }
0x24: {  	s3 =	sadd.s32 $0x88, s3;
	s6 =	simm.s32 @!p1 $0x1082;
	[sflag:s4] =	ssyncset.s32 $0xFFFFF086  }
0x25: {  	[simem:s6], [sflag:s4] =	dma.local [hbm:s3], $0xF7A  }
0x26: {  	[smem:$0x3F9F] =	sst s1;
	(tag) =	ssettag s2;
	_ =	strace s9  }
0x27: {  	s1 =	sld [smem:$0x3FAF]  }
0x28: {  	s2 =	sld [smem:$0x3FB0]  }
0x29: {  	s4 =	sld [smem:$0x3FB2]  }
0x2a: {  	p0 =	seq.s32 s5, $0x0;
	s5 =	sld [smem:$0x3FB3]  }
0x2b: {  	s6 =	sld [smem:$0x3FB4]  }
0x2c: {  	s7 =	sld [smem:$0x3FB5]  }
0x2d: {  	s3 =	simm.s32 $0x108;
	s8 =	sld [smem:$0x3FB6]  }
0x2e: {  	s3 =	simm.s32 @!p0 $0x1082;
	s9 =	sld [smem:$0x3FB7]  }
0x2f: {  	lr =	sadd.s32 s0, s3;
	s0 =	sld [smem:$0x3FAE]  }
0x30: {  	s3 =	sld [smem:$0x3FB1]  }
0x31: {  	[smem:$0x3FBA] =	sst s10  }
0x32: {  	s10 =	sld [smem:$0x3FB8];
	_ =	sdelay $0x3  }
0x33: {  	p0 =	seq.s32 s10, $0x1;
	s10 =	sld [smem:$0x3FBA];
	_ =	sdelay $0x3  }
0x34: {  	[smem:$0x3FBA] =	sst s10  }
0x35: {  	s10 =	sld [smem:$0x3FB9];
	_ =	sdelay $0x3  }
0x36: {  	p1 =	seq.s32 s10, $0x1;
	s10 =	sld [smem:$0x3FBA];
	_ =	sdelay $0x3  }
0x37: {  	[smem:$0x3FBA] =	sst s10  }
0x38: {  	s10 =	sld [smem:$0x3FBB]  }
0x39: {  	_ = 	snop;
	(pc) =	sbr.ind lr, $3  }
0x3a: {  	_ = 	snop  }
0x3b: {  	_ = 	snop  }
0x3c: {  	p2 =	seq.s32 s10, $0x1;
	s10 =	sld [smem:$0x3FBA]  }
0x3d: {  	_ =	shalt  }
0x3e: {  	_ =	shalt  }
0x3f: {  	_ =	shalt  }
0x40: {  	_ =	shalt  }
0x41: {  	_ =	shalt  }
0x42: {  	_ =	shalt  }
0x43: {  	_ =	shalt  }
0x44: {  	_ =	shalt  }
0x45: {  	_ =	shalt  }
0x46: {  	_ =	shalt  }
0x47: {  	_ =	shalt  }
0x48: {  	_ =	shalt  }
0x49: {  	_ =	shalt  }
0x4a: {  	_ =	shalt  }
0x4b: {  	_ =	shalt  }
0x4c: {  	_ =	shalt  }
0x4d: {  	_ =	shalt  }
0x4e: {  	_ =	shalt  }
0x4f: {  	_ =	shalt  }
0x50: {  	_ =	shalt  }
0x51: {  	_ =	shalt  }
0x52: {  	_ =	shalt  }
0x53: {  	_ =	shalt  }
0x54: {  	_ =	shalt  }
0x55: {  	_ =	shalt  }
0x56: {  	_ =	shalt  }
0x57: {  	_ =	shalt  }
0x58: {  	_ =	shalt  }
0x59: {  	_ =	shalt  }
0x5a: {  	_ =	shalt  }
0x5b: {  	_ =	shalt  }
0x5c: {  	_ =	shalt  }
0x5d: {  	_ =	shalt  }
0x5e: {  	_ =	shalt  }
0x5f: {  	_ =	shalt  }
0x60: {  	_ =	shalt  }
0x61: {  	_ =	shalt  }
0x62: {  	_ =	shalt  }
0x63: {  	_ =	shalt  }
0x64: {  	_ =	shalt  }
0x65: {  	_ =	shalt  }
0x66: {  	_ =	shalt  }
0x67: {  	_ =	shalt  }
0x68: {  	_ =	shalt  }
0x69: {  	_ =	shalt  }
0x6a: {  	_ =	shalt  }
0x6b: {  	_ =	shalt  }
0x6c: {  	_ =	shalt  }
0x6d: {  	_ =	shalt  }
0x6e: {  	_ =	shalt  }
0x6f: {  	_ =	shalt  }
0x70: {  	_ =	shalt  }
0x71: {  	_ =	shalt  }
0x72: {  	_ =	shalt  }
0x73: {  	_ =	shalt  }
0x74: {  	_ =	shalt  }
0x75: {  	_ =	shalt  }
0x76: {  	_ =	shalt  }
0x77: {  	_ =	shalt  }
0x78: {  	_ =	shalt  }
0x79: {  	_ =	shalt  }
0x7a: {  	_ =	shalt  }
0x7b: {  	_ =	shalt  }
0x7c: {  	_ =	shalt  }
0x7d: {  	_ =	shalt  }
0x7e: {  	_ =	shalt  }
0x7f: {  	_ =	shalt  }
0x80: {  	_ =	shalt  }
0x81: {  	_ =	shalt  }
0x82: {  	_ =	shalt  }
0x83: {  	_ =	shalt  }
0x84: {  	_ =	shalt  }
0x85: {  	_ =	shalt  }
0x86: {  	_ =	shalt  }
0x87: {  	_ =	shalt  }
.Lfunc_end0:
.L_simem_size_0:
called_computation.1_lowered:
.L_overlay_start_0:
0x88: {  	s2 =	sld [smem:$0x3FD9]  }
0x89: {  	s3 =	sld [smem:$0x3FFE];
	_ =	sdelay $0x1  }
0x8a: {  	s1 =	srdreg.scid  }
0x8b: {  	s0 =	sand.u32 $0x1, s1  }
0x8c: {  	s17 =	sshll.u32 s0, $0xA;
	s2 =	sadd.s32 s3, s2  }
0x8d: {  	s2 =	sadd.s32 s2, s17  }
0x8e: {  	[smem:$0x3FC6] =	sst s2  }
0x8f: {  	_ = 	snop  }
0x90: {  	s2 =	sld [smem:$0x3FD0];
	(tm) =	ssettm $0x1  }
0x91: {  	s18 =	sld [smem:$0x3FFB];
	_ =	sdelay $0x3  }
0x92: {  	_ =	strace s18  }
0x93: {  	s3 =	sld [smem:$0x3FFC];
	_ =	sdelay $0x3  }
0x94: {  	_ =	strace s3  }
0x95: {  	s3 =	sld [smem:$0x3FFD];
	_ =	sdelay $0x3  }
0x96: {  	_ =	strace s3  }
0x97: {  	_ =	strace $0x8FFFFFFF  }
0x98: {  	s19 =	sld [smem:$0x3FDB];
	_ =	sdelay $0x1  }
0x99: {  	s4 =	simm.s32 $_scs_section_size  }
0x9a: {  	s5 =	simm.s32 $_size__tile_overlayer_lowered;
	s6 =	simm.s32 $_tile_overlayer_lowered  }
0x9b: {  	s22 =	simm.s32 $0x1BFF;
	s21 =	sshll.u32 s6, $0x1;
	s3 =	sadd.s32 s4, s19  }
0x9c: {  	s7 =	simm.s32 $0x0;
	s20 =	sshll.u32 s5, $0x1;
	s5 =	sadd.s32 s21, s3  }
0x9d: {  	[timem:s7], [sflag:s22] =	dma.local [hbm:s5], s20  }
0x9e: {  	_ =	swait.ge [sflag:s22], s20  }
0x9f: {  	s4 =	ssub.s32 $0x0, s20;
	[sflag:s22] =	ssyncset.done $0x0  }
0xa0: {  	[sflag:s22] =	ssyncadd.s32 s4;
	_ =	sdelay $0x1  }
0xa1: {  	s23 =	simm.s32 $0x1B8B  }
0xa2: {  	_ =	swait.ge [sflag:s23], $0x1  }
0xa3: {  	[sflag:s23] =	ssyncset.done $0x0  }
0xa4: {  	s25 =	simm.s32 $0x1B8E;
	s24 =	sld [smem:$0x3FFE];
	[sflag:s23] =	ssyncadd.s32 $0xFFFFFFFF  }
0xa5: {  	s26 =	simm.s32 $execute0_lowered;
	[smem:$0x3FD2] =	sst s25  }
0xa6: {  	s5 =	sshll.u32 s26, $0x1;
	_ =	strace $0x80000046;
	[dreg:$0x1] =	wrdreg $0xFFFFFFFF  }
0xa7: {  	s28 =	simm.s32 $_size_execute0_lowered;
	s3 =	sadd.s32 s3, s5;
	[dreg:$0x0] =	wrdreg $0x0  }
0xa8: {  	s5 =	sshll.u32 s28, $0x1;
	[dreg:$0x2] =	wrdreg s3  }
0xa9: {  	[dreg:$0x3] =	wrdreg s5  }
0xaa: {  	[dreg:$0x4] =	wrdreg $0xC0  }
0xab: {  	_ =	task [dreg:s7], $0x5FFFF  }
0xac: {  	[dreg:$0x1] =	wrdreg $0xFFFFFFFF  }
0xad: {  	[dreg:$0x0] =	wrdreg $0x60  }
0xae: {  	[dreg:$0x2] =	wrdreg s2  }
0xaf: {  	[dreg:$0x3] =	wrdreg s24  }
0xb0: {  	[dreg:$0x4] =	wrdreg $0x9  }
0xb1: {  	_ =	task.clear_ibuf [dreg:s7], $0x5FFFF;
	_ =	strace $0x90000046  }
0xb2: {  	s29 =	simm.s32 $0x9;
	_ =	strace $0x80000048  }
0xb3: {  	_ =	swait.ge [sflag:s29], $0x1  }
0xb4: {  	[sflag:s29] =	ssyncadd.s32 $0xFFFFFFFF  }
0xb5: {  	_ =	strace $0x90000048  }
0xb6: {  	_ =	sfence  }
0xb7: {  	s30 =	sld [smem:$0x0];
	_ =	sdelay $0x2  }
0xb8: {  	s31 =	sshll.u32 s1, $0xD;
	s1 =	sshrl.u32 s1, $0x2  }
0xb9: {  	s3 =	sand.u32 $0x4000, s31;
	s1 =	sadd.s32 s1, s30  }
0xba: {  	s0 =	sor.u32 s3, s0;
	s1 =	sshll.u32 s1, $0x11  }
0xbb: {  	s0 =	sor.u32 s1, s0  }
0xbc: {  	s0 =	sadd.s32 $0x8F2B, s0  }
0xbd: {  	[sflag:s0] =	ssyncadd.remote.s32 $0x1  }
0xbe: {  	_ =	sfence.sel $0xFFFF  }
0xbf: {  	[dreg:$0x0] =	wrdreg $0xFFFFFFFF;
	(pc) =	sbr.abs _section_cstart, $3  }
0xc0: {  	[dreg:$0x1] =	wrdreg $0xFFFFFFFF  }
0xc1: {  	_ =	task.clear_ibuf [dreg:s7], $0x2FFFF;
	_ =	strace $0x9FFFFFFF  }
0xc2: {  	(tm) =	ssettm $0x7FFFFFFF  }
0xc3: {  	_ =	shalt  }
tec
execute0_lowered:
.L_overlay_start_1:
0x0: {  	(tag) =	ssettag $0x1  }
0x1: {  	s0 =	rddreg [dreg:$0x0]  }
0x2: {  	s1 =	srdreg.scid;
	s2 =	stileid.u32  }
0x3: {  	s5 =	rddreg [dreg:$0x1];
	s16 =	simm.s32 $0x80;
	s17 =	simm.s32 $0x6400  }
0x4: {  	s18 =	simm.s32 $0xA400;
	s19 =	simm.s32 $0xE400;
	s20 =	simm.s32 $0x1  }
0x5: {  	s21 =	simm.s32 $0x16400;
	s22 =	simm.s32 $0x12400;
	s23 =	simm.s32 $0x2  }
0x6: {  	s24 =	simm.s32 $0x1A400;
	s25 =	simm.s32 $0x3;
	s28 =	simm.s32 $0x4  }
0x7: {  	s29 =	simm.s32 $0x6;
	s1 =	sand.u32 $0x1, s1;
	s3 =	sshll.u32 s2, $0x1  }
0x8: {  	s30 =	simm.s32 $0x0;
	s2 =	simm.s32 $0x0;
	s3 =	sor.u32 s1, s3  }
0x9: {  	s4 =	sadd.s32 $0xF43000, s5;
	s1 =	ssub.s32 $0x2, s1;
	s3 =	smul.u32 $0x6400, s3  }
0xa: {  	s5 =	sadd.s32 $0xA00, s5;
	[smem:$0x7FF] =	sst s2;
	s6 =	sshrl.u32 s1, $0x1  }
0xb: {  	_ =	strace $0x80000047;
	s1 =	ssub.s32 s1, s6;
	s26 =	sshrl.u32 s3, $0x3  }
0xc: {  	s7 =	sor.u32 $0x80, s3;
	s8 =	sor.u32 $0x100, s3;
	s9 =	sor.u32 $0x180, s3  }
0xd: {  	s10 =	sor.u32 $0x200, s3;
	s11 =	sor.u32 $0x280, s3;
	s31 =	smax.u32 s1, $0x1  }
0xe: {  	s12 =	sor.u32 $0x300, s3;
	s0 =	sadd.s32 s0, s26;
	[dreg:$0x4] =	wrdreg s31  }
0xf: {  	s13 =	sor.u32 $0x380, s3;
	s26 =	simm.s32 $0x5;
	[dreg:$0x3] =	wrdreg s0  }
.LBB2_1:
0x10: {  	s0 =	rddreg [dreg:$0x3];
	s31 =	simm.s32 $0x7  }
0x11: {  	[tilespmem:s2], [sflag:$0x7] =	stream.linear.gather [hbm4b:s0+s2], $0x6400, $0x38;
	[tilespmem:$0x1E400] =	vst v63  }
0x12: {  	_ =	swait.ge [sflag:s31], $0x6400  }
0x13: {  	[sflag:s31] =	ssyncset.done $0x0  }
0x14: {  	s1 =	simm.s32 $0x0;
	[sflag:s31] =	ssyncadd.s32 $0xFFFF9C00  }
0x15: {  	v0 =	vld [tilespmem:s1+$0x0]  }
0x16: {  	v1 =	vld [tilespmem:s1+$0x10]  }
0x17: {  	v2 =	vld [tilespmem:s1+$0x20]  }
0x18: {  	v3 =	vld [tilespmem:s1+$0x30]  }
0x19: {  	v4 =	vld [tilespmem:s1+$0x40]  }
0x1a: {  	v5 =	vld [tilespmem:s1+$0x50];
	v0 =	vadd.s32 $0x1, v0  }
0x1b: {  	[tilespmem:s1+$0x0] =	vst v0;
	v0 =	vadd.s32 $0x1, v1;
	v1 =	vld [tilespmem:s1+$0x60]  }
0x1c: {  	[tilespmem:s1+$0x10] =	vst v0;
	v0 =	vadd.s32 $0x1, v2;
	v2 =	vld [tilespmem:s1+$0x70]  }
0x1d: {  	[tilespmem:s1+$0x20] =	vst v0;
	v0 =	vadd.s32 $0x1, v3;
	v3 =	vld [tilespmem:s1+$0x80]  }
0x1e: {  	[tilespmem:s1+$0x30] =	vst v0;
	v0 =	vadd.s32 $0x1, v4;
	v4 =	vld [tilespmem:s1+$0x90]  }
0x1f: {  	[tilespmem:s1+$0x40] =	vst v0;
	v0 =	vadd.s32 $0x1, v5;
	v5 =	vld [tilespmem:s1+$0xA0]  }
0x20: {  	[tilespmem:s1+$0x50] =	vst v0;
	v0 =	vadd.s32 $0x1, v1;
	v1 =	vld [tilespmem:s1+$0xB0]  }
0x21: {  	[tilespmem:s1+$0x60] =	vst v0;
	v0 =	vadd.s32 $0x1, v2;
	v2 =	vld [tilespmem:s1+$0xC0]  }
0x22: {  	[tilespmem:s1+$0x70] =	vst v0;
	v0 =	vadd.s32 $0x1, v3;
	v3 =	vld [tilespmem:s1+$0xD0]  }
0x23: {  	[tilespmem:s1+$0x80] =	vst v0;
	v0 =	vadd.s32 $0x1, v4;
	v4 =	vld [tilespmem:s1+$0xE0]  }
0x24: {  	[tilespmem:s1+$0x90] =	vst v0;
	v0 =	vadd.s32 $0x1, v5;
	v5 =	vld [tilespmem:s1+$0xF0]  }
0x25: {  	[tilespmem:s1+$0xA0] =	vst v0;
	v0 =	vadd.s32 $0x1, v1;
	v1 =	vld [tilespmem:s1+$0x100]  }
0x26: {  	[tilespmem:s1+$0xB0] =	vst v0;
	v0 =	vadd.s32 $0x1, v2;
	v2 =	vld [tilespmem:s1+$0x110]  }
0x27: {  	[tilespmem:s1+$0xC0] =	vst v0;
	v0 =	vadd.s32 $0x1, v3;
	v3 =	vld [tilespmem:s1+$0x120]  }
0x28: {  	[tilespmem:s1+$0xD0] =	vst v0;
	v0 =	vadd.s32 $0x1, v4;
	v4 =	vld [tilespmem:s1+$0x130]  }
0x29: {  	[tilespmem:s1+$0xE0] =	vst v0;
	v0 =	vadd.s32 $0x1, v5;
	v5 =	vld [tilespmem:s1+$0x140]  }
0x2a: {  	[tilespmem:s1+$0xF0] =	vst v0;
	v0 =	vadd.s32 $0x1, v1;
	v1 =	vld [tilespmem:s1+$0x150]  }
0x2b: {  	[tilespmem:s1+$0x100] =	vst v0;
	v0 =	vadd.s32 $0x1, v2;
	v2 =	vld [tilespmem:s1+$0x160]  }
0x2c: {  	[tilespmem:s1+$0x110] =	vst v0;
	v0 =	vadd.s32 $0x1, v3;
	v3 =	vld [tilespmem:s1+$0x170]  }
0x2d: {  	[tilespmem:s1+$0x120] =	vst v0;
	v0 =	vadd.s32 $0x1, v4;
	v4 =	vld [tilespmem:s1+$0x180]  }
0x2e: {  	[tilespmem:s1+$0x130] =	vst v0;
	v0 =	vadd.s32 $0x1, v5;
	v5 =	vld [tilespmem:s1+$0x190]  }
0x2f: {  	[tilespmem:s1+$0x140] =	vst v0;
	v0 =	vadd.s32 $0x1, v1;
	v1 =	vld [tilespmem:s1+$0x1A0]  }
0x30: {  	[tilespmem:s1+$0x150] =	vst v0;
	v0 =	vadd.s32 $0x1, v2;
	v2 =	vld [tilespmem:s1+$0x1B0]  }
0x31: {  	[tilespmem:s1+$0x160] =	vst v0;
	v0 =	vadd.s32 $0x1, v3;
	v3 =	vld [tilespmem:s1+$0x1C0]  }
0x32: {  	[tilespmem:s1+$0x170] =	vst v0;
	v0 =	vadd.s32 $0x1, v4;
	v4 =	vld [tilespmem:s1+$0x1D0]  }
0x33: {  	[tilespmem:s1+$0x180] =	vst v0;
	v0 =	vadd.s32 $0x1, v5;
	v5 =	vld [tilespmem:s1+$0x1E0]  }
0x34: {  	[tilespmem:s1+$0x190] =	vst v0;
	v0 =	vadd.s32 $0x1, v1;
	v1 =	vld [tilespmem:s1+$0x1F0]  }
0x35: {  	[tilespmem:s1+$0x1A0] =	vst v0;
	v0 =	vadd.s32 $0x1, v2;
	v2 =	vld [tilespmem:s1+$0x200]  }
0x36: {  	[tilespmem:s1+$0x1B0] =	vst v0;
	v0 =	vadd.s32 $0x1, v3;
	v3 =	vld [tilespmem:s1+$0x210]  }
0x37: {  	[tilespmem:s1+$0x1C0] =	vst v0;
	v0 =	vadd.s32 $0x1, v4;
	v4 =	vld [tilespmem:s1+$0x220]  }
0x38: {  	[tilespmem:s1+$0x1D0] =	vst v0;
	v0 =	vadd.s32 $0x1, v5;
	v5 =	vld [tilespmem:s1+$0x230]  }
0x39: {  	[tilespmem:s1+$0x1E0] =	vst v0;
	v0 =	vadd.s32 $0x1, v1;
	v1 =	vld [tilespmem:s1+$0x240]  }
0x3a: {  	[tilespmem:s1+$0x1F0] =	vst v0;
	v0 =	vadd.s32 $0x1, v2;
	v2 =	vld [tilespmem:s1+$0x250]  }
0x3b: {  	[tilespmem:s1+$0x200] =	vst v0;
	v0 =	vadd.s32 $0x1, v3;
	v3 =	vld [tilespmem:s1+$0x260]  }
0x3c: {  	[tilespmem:s1+$0x210] =	vst v0;
	v0 =	vadd.s32 $0x1, v4;
	v4 =	vld [tilespmem:s1+$0x270]  }
0x3d: {  	[tilespmem:s1+$0x220] =	vst v0;
	v0 =	vadd.s32 $0x1, v5;
	v5 =	vld [tilespmem:s1+$0x280]  }
0x3e: {  	[tilespmem:s1+$0x230] =	vst v0;
	v0 =	vadd.s32 $0x1, v1;
	v1 =	vld [tilespmem:s1+$0x290]  }
0x3f: {  	[tilespmem:s1+$0x240] =	vst v0;
	v0 =	vadd.s32 $0x1, v2;
	v2 =	vld [tilespmem:s1+$0x2A0]  }
0x40: {  	[tilespmem:s1+$0x250] =	vst v0;
	v0 =	vadd.s32 $0x1, v3;
	v3 =	vld [tilespmem:s1+$0x2B0]  }
0x41: {  	[tilespmem:s1+$0x260] =	vst v0;
	v0 =	vadd.s32 $0x1, v4;
	v4 =	vld [tilespmem:s1+$0x2C0]  }
0x42: {  	[tilespmem:s1+$0x270] =	vst v0;
	v0 =	vadd.s32 $0x1, v5;
	v5 =	vld [tilespmem:s1+$0x2D0]  }
0x43: {  	[tilespmem:s1+$0x280] =	vst v0;
	v0 =	vadd.s32 $0x1, v1;
	v1 =	vld [tilespmem:s1+$0x2E0]  }
0x44: {  	[tilespmem:s1+$0x290] =	vst v0;
	v0 =	vadd.s32 $0x1, v2;
	v2 =	vld [tilespmem:s1+$0x2F0]  }
0x45: {  	[tilespmem:s1+$0x2A0] =	vst v0;
	v0 =	vadd.s32 $0x1, v3;
	v3 =	vld [tilespmem:s1+$0x300]  }
0x46: {  	[tilespmem:s1+$0x2B0] =	vst v0;
	v0 =	vadd.s32 $0x1, v4;
	v4 =	vld [tilespmem:s1+$0x310]  }
0x47: {  	[tilespmem:s1+$0x2C0] =	vst v0;
	v0 =	vadd.s32 $0x1, v5;
	v5 =	vld [tilespmem:s1+$0x320]  }
0x48: {  	[tilespmem:s1+$0x2D0] =	vst v0;
	v0 =	vadd.s32 $0x1, v1;
	v1 =	vld [tilespmem:s1+$0x330]  }
0x49: {  	[tilespmem:s1+$0x2E0] =	vst v0;
	v0 =	vadd.s32 $0x1, v2;
	v2 =	vld [tilespmem:s1+$0x340]  }
0x4a: {  	[tilespmem:s1+$0x2F0] =	vst v0;
	v0 =	vadd.s32 $0x1, v3;
	v3 =	vld [tilespmem:s1+$0x350]  }
0x4b: {  	[tilespmem:s1+$0x300] =	vst v0;
	v0 =	vadd.s32 $0x1, v4;
	v4 =	vld [tilespmem:s1+$0x360]  }
0x4c: {  	[tilespmem:s1+$0x310] =	vst v0;
	v0 =	vadd.s32 $0x1, v5;
	v5 =	vld [tilespmem:s1+$0x370]  }
0x4d: {  	v6 =	vld [tilespmem:s1+$0x380];
	[tilespmem:s1+$0x320] =	vst v0;
	v0 =	vadd.s32 $0x1, v1  }
0x4e: {  	v7 =	vld [tilespmem:s1+$0x390];
	[tilespmem:s1+$0x330] =	vst v0;
	v0 =	vadd.s32 $0x1, v2  }
0x4f: {  	v1 =	vld [tilespmem:s1+$0x3A0];
	[tilespmem:s1+$0x340] =	vst v0;
	v0 =	vadd.s32 $0x1, v3  }
0x50: {  	[tilespmem:s1+$0x350] =	vst v0;
	v2 =	vadd.s32 $0x1, v4;
	v0 =	vld [tilespmem:s1+$0x3B0]  }
0x51: {  	[tilespmem:s1+$0x360] =	vst v2;
	v3 =	vadd.s32 $0x1, v5;
	v2 =	vld [tilespmem:s1+$0x3C0]  }
0x52: {  	v4 =	vadd.s32 $0x1, v6;
	[tilespmem:s1+$0x370] =	vst v3;
	v3 =	vld [tilespmem:s1+$0x3D0]  }
0x53: {  	s0 =	simm.s32 $0x1000;
	[tilespmem:s1+$0x380] =	vst v4;
	v5 =	vadd.s32 $0x1, v7;
	v4 =	vld [tilespmem:s1+$0x3E0]  }
.LBB2_2:
0x54: {  	s6 =	sshra.s32 s0, $0x2;
	p0 =	sne.s32 s0, $0x18000;
	[tilespmem:s1+$0x390] =	vst v5;
	v1 =	vadd.s32 $0x1, v1;
	v5 =	vld [tilespmem:s1+$0x3F0]  }
0x55: {  	v6 =	vld [tilespmem:s6+$0x0];
	[tilespmem:s1+$0x3A0] =	vst v1;
	v0 =	vadd.s32 $0x1, v0  }
0x56: {  	v1 =	vld [tilespmem:s6+$0x10];
	[tilespmem:s1+$0x3B0] =	vst v0;
	v0 =	vadd.s32 $0x1, v2  }
0x57: {  	v2 =	vld [tilespmem:s6+$0x20];
	[tilespmem:s1+$0x3C0] =	vst v0;
	v0 =	vadd.s32 $0x1, v3  }
0x58: {  	v3 =	vld [tilespmem:s6+$0x30];
	[tilespmem:s1+$0x3D0] =	vst v0;
	v0 =	vadd.s32 $0x1, v4  }
0x59: {  	v4 =	vld [tilespmem:s6+$0x40];
	[tilespmem:s1+$0x3E0] =	vst v0;
	v0 =	vadd.s32 $0x1, v5  }
0x5a: {  	v5 =	vadd.s32 $0x1, v6;
	v6 =	vld [tilespmem:s6+$0x50];
	[tilespmem:s1+$0x3F0] =	vst v0;
	s1 =	smov.u32 s6  }
0x5b: {  	[tilespmem:s1+$0x0] =	vst v5;
	v0 =	vadd.s32 $0x1, v1;
	v1 =	vld [tilespmem:s1+$0x60]  }
0x5c: {  	[tilespmem:s1+$0x10] =	vst v0;
	v0 =	vadd.s32 $0x1, v2;
	v2 =	vld [tilespmem:s1+$0x70]  }
0x5d: {  	[tilespmem:s1+$0x20] =	vst v0;
	v0 =	vadd.s32 $0x1, v3;
	v3 =	vld [tilespmem:s1+$0x80]  }
0x5e: {  	[tilespmem:s1+$0x30] =	vst v0;
	v0 =	vadd.s32 $0x1, v4;
	v4 =	vld [tilespmem:s1+$0x90]  }
0x5f: {  	[tilespmem:s1+$0x40] =	vst v0;
	v0 =	vadd.s32 $0x1, v6;
	v5 =	vld [tilespmem:s1+$0xA0]  }
0x60: {  	[tilespmem:s1+$0x50] =	vst v0;
	v0 =	vadd.s32 $0x1, v1;
	v1 =	vld [tilespmem:s1+$0xB0]  }
0x61: {  	[tilespmem:s1+$0x60] =	vst v0;
	v0 =	vadd.s32 $0x1, v2;
	v2 =	vld [tilespmem:s1+$0xC0]  }
0x62: {  	[tilespmem:s1+$0x70] =	vst v0;
	v0 =	vadd.s32 $0x1, v3;
	v3 =	vld [tilespmem:s1+$0xD0]  }
0x63: {  	[tilespmem:s1+$0x80] =	vst v0;
	v0 =	vadd.s32 $0x1, v4;
	v4 =	vld [tilespmem:s1+$0xE0]  }
0x64: {  	[tilespmem:s1+$0x90] =	vst v0;
	v0 =	vadd.s32 $0x1, v5;
	v5 =	vld [tilespmem:s1+$0xF0]  }
0x65: {  	[tilespmem:s1+$0xA0] =	vst v0;
	v0 =	vadd.s32 $0x1, v1;
	v1 =	vld [tilespmem:s1+$0x100]  }
0x66: {  	[tilespmem:s1+$0xB0] =	vst v0;
	v0 =	vadd.s32 $0x1, v2;
	v2 =	vld [tilespmem:s1+$0x110]  }
0x67: {  	[tilespmem:s1+$0xC0] =	vst v0;
	v0 =	vadd.s32 $0x1, v3;
	v3 =	vld [tilespmem:s1+$0x120]  }
0x68: {  	[tilespmem:s1+$0xD0] =	vst v0;
	v0 =	vadd.s32 $0x1, v4;
	v4 =	vld [tilespmem:s1+$0x130]  }
0x69: {  	[tilespmem:s1+$0xE0] =	vst v0;
	v0 =	vadd.s32 $0x1, v5;
	v5 =	vld [tilespmem:s1+$0x140]  }
0x6a: {  	[tilespmem:s1+$0xF0] =	vst v0;
	v0 =	vadd.s32 $0x1, v1;
	v1 =	vld [tilespmem:s1+$0x150]  }
0x6b: {  	[tilespmem:s1+$0x100] =	vst v0;
	v0 =	vadd.s32 $0x1, v2;
	v2 =	vld [tilespmem:s1+$0x160]  }
0x6c: {  	[tilespmem:s1+$0x110] =	vst v0;
	v0 =	vadd.s32 $0x1, v3;
	v3 =	vld [tilespmem:s1+$0x170]  }
0x6d: {  	[tilespmem:s1+$0x120] =	vst v0;
	v0 =	vadd.s32 $0x1, v4;
	v4 =	vld [tilespmem:s1+$0x180]  }
0x6e: {  	[tilespmem:s1+$0x130] =	vst v0;
	v0 =	vadd.s32 $0x1, v5;
	v5 =	vld [tilespmem:s1+$0x190]  }
0x6f: {  	[tilespmem:s1+$0x140] =	vst v0;
	v0 =	vadd.s32 $0x1, v1;
	v1 =	vld [tilespmem:s1+$0x1A0]  }
0x70: {  	[tilespmem:s1+$0x150] =	vst v0;
	v0 =	vadd.s32 $0x1, v2;
	v2 =	vld [tilespmem:s1+$0x1B0]  }
0x71: {  	[tilespmem:s1+$0x160] =	vst v0;
	v0 =	vadd.s32 $0x1, v3;
	v3 =	vld [tilespmem:s1+$0x1C0]  }
0x72: {  	[tilespmem:s1+$0x170] =	vst v0;
	v0 =	vadd.s32 $0x1, v4;
	v4 =	vld [tilespmem:s1+$0x1D0]  }
0x73: {  	[tilespmem:s1+$0x180] =	vst v0;
	v0 =	vadd.s32 $0x1, v5;
	v5 =	vld [tilespmem:s1+$0x1E0]  }
0x74: {  	[tilespmem:s1+$0x190] =	vst v0;
	v0 =	vadd.s32 $0x1, v1;
	v1 =	vld [tilespmem:s1+$0x1F0]  }
0x75: {  	[tilespmem:s1+$0x1A0] =	vst v0;
	v0 =	vadd.s32 $0x1, v2;
	v2 =	vld [tilespmem:s1+$0x200]  }
0x76: {  	[tilespmem:s1+$0x1B0] =	vst v0;
	v0 =	vadd.s32 $0x1, v3;
	v3 =	vld [tilespmem:s1+$0x210]  }
0x77: {  	[tilespmem:s1+$0x1C0] =	vst v0;
	v0 =	vadd.s32 $0x1, v4;
	v4 =	vld [tilespmem:s1+$0x220]  }
0x78: {  	[tilespmem:s1+$0x1D0] =	vst v0;
	v0 =	vadd.s32 $0x1, v5;
	v5 =	vld [tilespmem:s1+$0x230]  }
0x79: {  	[tilespmem:s1+$0x1E0] =	vst v0;
	v0 =	vadd.s32 $0x1, v1;
	v1 =	vld [tilespmem:s1+$0x240]  }
0x7a: {  	[tilespmem:s1+$0x1F0] =	vst v0;
	v0 =	vadd.s32 $0x1, v2;
	v2 =	vld [tilespmem:s1+$0x250]  }
0x7b: {  	[tilespmem:s1+$0x200] =	vst v0;
	v0 =	vadd.s32 $0x1, v3;
	v3 =	vld [tilespmem:s1+$0x260]  }
0x7c: {  	[tilespmem:s1+$0x210] =	vst v0;
	v0 =	vadd.s32 $0x1, v4;
	v4 =	vld [tilespmem:s1+$0x270]  }
0x7d: {  	[tilespmem:s1+$0x220] =	vst v0;
	v0 =	vadd.s32 $0x1, v5;
	v5 =	vld [tilespmem:s1+$0x280]  }
0x7e: {  	[tilespmem:s1+$0x230] =	vst v0;
	v0 =	vadd.s32 $0x1, v1;
	v1 =	vld [tilespmem:s1+$0x290]  }
0x7f: {  	[tilespmem:s1+$0x240] =	vst v0;
	v0 =	vadd.s32 $0x1, v2;
	v2 =	vld [tilespmem:s1+$0x2A0]  }
0x80: {  	[tilespmem:s1+$0x250] =	vst v0;
	v0 =	vadd.s32 $0x1, v3;
	v3 =	vld [tilespmem:s1+$0x2B0]  }
0x81: {  	[tilespmem:s1+$0x260] =	vst v0;
	v0 =	vadd.s32 $0x1, v4;
	v4 =	vld [tilespmem:s1+$0x2C0]  }
0x82: {  	[tilespmem:s1+$0x270] =	vst v0;
	v0 =	vadd.s32 $0x1, v5;
	v5 =	vld [tilespmem:s1+$0x2D0]  }
0x83: {  	[tilespmem:s1+$0x280] =	vst v0;
	v0 =	vadd.s32 $0x1, v1;
	v1 =	vld [tilespmem:s1+$0x2E0]  }
0x84: {  	[tilespmem:s1+$0x290] =	vst v0;
	v0 =	vadd.s32 $0x1, v2;
	v2 =	vld [tilespmem:s1+$0x2F0]  }
0x85: {  	[tilespmem:s1+$0x2A0] =	vst v0;
	v0 =	vadd.s32 $0x1, v3;
	v3 =	vld [tilespmem:s1+$0x300]  }
0x86: {  	[tilespmem:s1+$0x2B0] =	vst v0;
	v0 =	vadd.s32 $0x1, v4;
	v4 =	vld [tilespmem:s1+$0x310]  }
0x87: {  	[tilespmem:s1+$0x2C0] =	vst v0;
	v0 =	vadd.s32 $0x1, v5;
	v5 =	vld [tilespmem:s1+$0x320]  }
0x88: {  	[tilespmem:s1+$0x2D0] =	vst v0;
	v0 =	vadd.s32 $0x1, v1;
	v1 =	vld [tilespmem:s1+$0x330]  }
0x89: {  	[tilespmem:s1+$0x2E0] =	vst v0;
	v0 =	vadd.s32 $0x1, v2;
	v2 =	vld [tilespmem:s1+$0x340]  }
0x8a: {  	[tilespmem:s1+$0x2F0] =	vst v0;
	v0 =	vadd.s32 $0x1, v3;
	v3 =	vld [tilespmem:s1+$0x350]  }
0x8b: {  	[tilespmem:s1+$0x300] =	vst v0;
	v0 =	vadd.s32 $0x1, v4;
	v4 =	vld [tilespmem:s1+$0x360]  }
0x8c: {  	[tilespmem:s1+$0x310] =	vst v0;
	v0 =	vadd.s32 $0x1, v5;
	v5 =	vld [tilespmem:s1+$0x370]  }
0x8d: {  	[tilespmem:s1+$0x320] =	vst v0;
	v0 =	vadd.s32 $0x1, v1;
	v6 =	vld [tilespmem:s1+$0x380]  }
0x8e: {  	[tilespmem:s1+$0x330] =	vst v0;
	v0 =	vadd.s32 $0x1, v2;
	v7 =	vld [tilespmem:s1+$0x390]  }
.Ltmp0:
0x8f: {  	[tilespmem:s1+$0x340] =	vst v0;
	v0 =	vadd.s32 $0x1, v3;
	v1 =	vld [tilespmem:s1+$0x3A0];
	(pc) =	sbr.rel @p0 .LBB2_2-.Ltmp0, $4  }
0x90: {  	[tilespmem:s1+$0x350] =	vst v0;
	v2 =	vadd.s32 $0x1, v4;
	v0 =	vld [tilespmem:s1+$0x3B0]  }
0x91: {  	[tilespmem:s1+$0x360] =	vst v2;
	v3 =	vadd.s32 $0x1, v5;
	v2 =	vld [tilespmem:s1+$0x3C0]  }
0x92: {  	[tilespmem:s1+$0x370] =	vst v3;
	v4 =	vadd.s32 $0x1, v6;
	v3 =	vld [tilespmem:s1+$0x3D0]  }
0x93: {  	s0 =	sadd.s32 $0x1000, s0;
	[tilespmem:s1+$0x380] =	vst v4;
	v5 =	vadd.s32 $0x1, v7;
	v4 =	vld [tilespmem:s1+$0x3E0]  }
0x94: {  	[tilespmem:s1+$0x390] =	vst v5;
	v1 =	vadd.s32 $0x1, v1;
	v59 =	vld [tilespmem:s1+$0x3F0]  }
0x95: {  	[tilespmem:s1+$0x3A0] =	vst v1;
	v0 =	vadd.s32 $0x1, v0  }
0x96: {  	[tilespmem:s1+$0x3B0] =	vst v0;
	v60 =	vadd.s32 $0x1, v2  }
0x97: {  	[tilespmem:s1+$0x3C0] =	vst v60;
	v61 =	vadd.s32 $0x1, v3  }
0x98: {  	[tilespmem:s1+$0x3D0] =	vst v61;
	v62 =	vadd.s32 $0x1, v4  }
0x99: {  	[tilespmem:s1+$0x3E0] =	vst v62;
	v63 =	vadd.s32 $0x1, v59  }
0x9a: {  	s0 =	simm.s32 $0x0;
	[tilespmem:s1+$0x3F0] =	vst v63  }
0x9b: {  	[tilespmem:s17], [sflag:$0x1] =	stream.indirect.gather [hbm4b:s4+s16], $0x80, s0, s16, $0xb8;
	[tilespmem:$0x1E400] =	vst v63  }
0x9c: {  	_ = 	snop  }
0x9d: {  	[tilespmem:s18], [sflag:$0x2] =	stream.indirect.gather [hbm4b:s4+s16], $0x80, s16, s16, $0xb8;
	[tilespmem:$0x1E400] =	vst v63  }
.LBB2_4:
0x9e: {  	s31 =	sshll.u32 s0, $0xA  }
0x9f: {  	s1 =	sor.u32 $0x100, s31  }
0xa0: {  	[tilespmem:s19], [sflag:$0x3] =	stream.indirect.gather [hbm4b:s4+s16], $0x80, s1, s16, $0xb8;
	[tilespmem:$0x1E400] =	vst v63  }
0xa1: {  	_ =	swait.ge [sflag:s20], $0x4000  }
0xa2: {  	p0 =	seq.s32 s0, $0x0;
	[sflag:s20] =	ssyncset.done $0x0  }
0xa3: {  	s1 =	simm.s32 @!p0 $0x5;
	[sflag:s20] =	ssyncadd.s32 $0xFFFFC000  }
0xa4: {  	_ =	swait.ge @!p0 [sflag:s1], $0x4000  }
0xa5: {  	[sflag:s1] =	ssyncset.done @!p0 $0x0  }
0xa6: {  	[sflag:s1] =	ssyncadd.s32 @!p0 $0xFFFFC000;
	s1 =	simm.s32 $0x0  }
0xa7: {  	v0 =	vld [tilespmem:s1+$0x65B0]  }
0xa8: {  	v1 =	vld [tilespmem:s1+$0x6400]  }
0xa9: {  	v2 =	vld [tilespmem:s1+$0x6410]  }
0xaa: {  	v3 =	vld [tilespmem:s1+$0x6420]  }
0xab: {  	v4 =	vld [tilespmem:s1+$0x6430]  }
0xac: {  	v5 =	vld [tilespmem:s1+$0x6480];
	[tilespmem:s1+$0x165B0] =	vst v0  }
0xad: {  	[tilespmem:s1+$0x16400] =	vst v1;
	v0 =	vld [tilespmem:s1+$0x6490]  }
0xae: {  	[tilespmem:s1+$0x16410] =	vst v2;
	v1 =	vld [tilespmem:s1+$0x64A0]  }
0xaf: {  	[tilespmem:s1+$0x16420] =	vst v3;
	v2 =	vld [tilespmem:s1+$0x64B0]  }
0xb0: {  	[tilespmem:s1+$0x16430] =	vst v4;
	v3 =	vld [tilespmem:s1+$0x6500]  }
0xb1: {  	[tilespmem:s1+$0x16480] =	vst v5;
	v4 =	vld [tilespmem:s1+$0x6510]  }
0xb2: {  	[tilespmem:s1+$0x16490] =	vst v0;
	v0 =	vld [tilespmem:s1+$0x6520]  }
0xb3: {  	[tilespmem:s1+$0x164A0] =	vst v1;
	v1 =	vld [tilespmem:s1+$0x6530]  }
0xb4: {  	[tilespmem:s1+$0x164B0] =	vst v2;
	v2 =	vld [tilespmem:s1+$0x6580]  }
0xb5: {  	[tilespmem:s1+$0x16500] =	vst v3;
	v3 =	vld [tilespmem:s1+$0x6590]  }
0xb6: {  	s6 =	simm.s32 $0x200;
	s14 =	simm.s32 $0x1000;
	[tilespmem:s1+$0x16510] =	vst v4;
	v4 =	vld [tilespmem:s1+$0x65A0]  }
.LBB2_5:
0xb7: {  	p1 =	sne.s32 s14, $0xF800;
	v5 =	vld [tilespmem:s6+$0x65B0];
	[tilespmem:s1+$0x16520] =	vst v0  }
0xb8: {  	v0 =	vld [tilespmem:s6+$0x6400];
	[tilespmem:s1+$0x16530] =	vst v1  }
0xb9: {  	v1 =	vld [tilespmem:s6+$0x6410];
	[tilespmem:s1+$0x16580] =	vst v2  }
0xba: {  	v2 =	vld [tilespmem:s6+$0x6420];
	[tilespmem:s1+$0x16590] =	vst v3  }
0xbb: {  	v3 =	vld [tilespmem:s6+$0x6430];
	[tilespmem:s1+$0x165A0] =	vst v4;
	s1 =	smov.u32 s6  }
0xbc: {  	v4 =	vld [tilespmem:s1+$0x6480];
	[tilespmem:s1+$0x165B0] =	vst v5  }
0xbd: {  	[tilespmem:s1+$0x16400] =	vst v0;
	v0 =	vld [tilespmem:s1+$0x6490]  }
0xbe: {  	[tilespmem:s1+$0x16410] =	vst v1;
	v1 =	vld [tilespmem:s1+$0x64A0]  }
0xbf: {  	[tilespmem:s1+$0x16420] =	vst v2;
	v2 =	vld [tilespmem:s1+$0x64B0]  }
0xc0: {  	[tilespmem:s1+$0x16430] =	vst v3;
	v3 =	vld [tilespmem:s1+$0x6500]  }
0xc1: {  	[tilespmem:s1+$0x16480] =	vst v4;
	v4 =	vld [tilespmem:s1+$0x6510]  }
.Ltmp1:
0xc2: {  	[tilespmem:s1+$0x16490] =	vst v0;
	v0 =	vld [tilespmem:s1+$0x6520];
	(pc) =	sbr.rel @p1 .LBB2_5-.Ltmp1, $4  }
0xc3: {  	[tilespmem:s1+$0x164A0] =	vst v1;
	v1 =	vld [tilespmem:s1+$0x6530]  }
0xc4: {  	[tilespmem:s1+$0x164B0] =	vst v2;
	v2 =	vld [tilespmem:s1+$0x6580]  }
0xc5: {  	[tilespmem:s1+$0x16500] =	vst v3;
	v3 =	vld [tilespmem:s1+$0x6590]  }
0xc6: {  	s6 =	sshra.s32 s14, $0x2;
	s14 =	sadd.s32 $0x800, s14;
	[tilespmem:s1+$0x16510] =	vst v4;
	v4 =	vld [tilespmem:s1+$0x65A0]  }
0xc7: {  	v5 =	vld [tilespmem:s6+$0x65B0];
	[tilespmem:s1+$0x16520] =	vst v0  }
0xc8: {  	v0 =	vld [tilespmem:s6+$0x6400];
	[tilespmem:s1+$0x16530] =	vst v1  }
0xc9: {  	v1 =	vld [tilespmem:s6+$0x6410];
	[tilespmem:s1+$0x16580] =	vst v2  }
0xca: {  	v2 =	vld [tilespmem:s6+$0x6420];
	[tilespmem:s1+$0x16590] =	vst v3  }
0xcb: {  	v3 =	vld [tilespmem:s6+$0x6430];
	[tilespmem:s1+$0x165A0] =	vst v4  }
0xcc: {  	v4 =	vld [tilespmem:s6+$0x6480];
	[tilespmem:s6+$0x165B0] =	vst v5  }
0xcd: {  	[tilespmem:s6+$0x16400] =	vst v0;
	v0 =	vld [tilespmem:s6+$0x6490]  }
0xce: {  	[tilespmem:s6+$0x16410] =	vst v1;
	v1 =	vld [tilespmem:s6+$0x64A0]  }
0xcf: {  	[tilespmem:s6+$0x16420] =	vst v2;
	v2 =	vld [tilespmem:s6+$0x64B0]  }
0xd0: {  	[tilespmem:s6+$0x16430] =	vst v3;
	v3 =	vld [tilespmem:s6+$0x6500]  }
0xd1: {  	[tilespmem:s6+$0x16480] =	vst v4;
	v4 =	vld [tilespmem:s6+$0x6510]  }
0xd2: {  	[tilespmem:s6+$0x16490] =	vst v0;
	v0 =	vld [tilespmem:s6+$0x6520]  }
0xd3: {  	[tilespmem:s6+$0x164A0] =	vst v1;
	v1 =	vld [tilespmem:s6+$0x6530]  }
0xd4: {  	[tilespmem:s6+$0x164B0] =	vst v2;
	v2 =	vld [tilespmem:s6+$0x6580]  }
0xd5: {  	[tilespmem:s6+$0x16500] =	vst v3;
	v3 =	vld [tilespmem:s6+$0x6590]  }
0xd6: {  	[tilespmem:s6+$0x16510] =	vst v4;
	v4 =	vld [tilespmem:s6+$0x65A0]  }
0xd7: {  	[tilespmem:s6+$0x16520] =	vst v0  }
0xd8: {  	[tilespmem:s6+$0x16530] =	vst v1  }
0xd9: {  	s14 =	sadd.s32 s3, s31;
	[tilespmem:s6+$0x16580] =	vst v2  }
0xda: {  	s1 =	sshll.u32 s14, $0x4;
	[tilespmem:s6+$0x16590] =	vst v3  }
0xdb: {  	s1 =	sadd.s32 s5, s1;
	[tilespmem:s6+$0x165A0] =	vst v4  }
0xdc: {  	[hbm4b:s1+s2] =	stream.linear.scatter [tilespmem:s21], [sflag:$0x5], $0x4000, $0x38;
	[tilespmem:$0x1E400] =	vst v63  }
0xdd: {  	s15 =	sadd.s32 $0x180, s31  }
0xde: {  	[tilespmem:s22], [sflag:$0x4] =	stream.indirect.gather [hbm4b:s4+s16], $0x80, s15, s16, $0xb8;
	[tilespmem:$0x1E400] =	vst v63  }
0xdf: {  	_ =	swait.ge [sflag:s23], $0x4000  }
0xe0: {  	[sflag:s23] =	ssyncset.done $0x0  }
0xe1: {  	s1 =	simm.s32 @!p0 $0x6;
	[sflag:s23] =	ssyncadd.s32 $0xFFFFC000  }
0xe2: {  	_ =	swait.ge @!p0 [sflag:s1], $0x4000  }
0xe3: {  	[sflag:s1] =	ssyncset.done @!p0 $0x0  }
0xe4: {  	[sflag:s1] =	ssyncadd.s32 @!p0 $0xFFFFC000;
	s1 =	simm.s32 $0x0  }
0xe5: {  	v0 =	vld [tilespmem:s1+$0xA5B0]  }
0xe6: {  	v1 =	vld [tilespmem:s1+$0xA400]  }
0xe7: {  	v2 =	vld [tilespmem:s1+$0xA410]  }
0xe8: {  	v3 =	vld [tilespmem:s1+$0xA420]  }
0xe9: {  	v4 =	vld [tilespmem:s1+$0xA430]  }
0xea: {  	v5 =	vld [tilespmem:s1+$0xA480];
	[tilespmem:s1+$0x1A5B0] =	vst v0  }
0xeb: {  	[tilespmem:s1+$0x1A400] =	vst v1;
	v0 =	vld [tilespmem:s1+$0xA490]  }
0xec: {  	[tilespmem:s1+$0x1A410] =	vst v2;
	v1 =	vld [tilespmem:s1+$0xA4A0]  }
0xed: {  	[tilespmem:s1+$0x1A420] =	vst v3;
	v2 =	vld [tilespmem:s1+$0xA4B0]  }
0xee: {  	[tilespmem:s1+$0x1A430] =	vst v4;
	v3 =	vld [tilespmem:s1+$0xA500]  }
0xef: {  	[tilespmem:s1+$0x1A480] =	vst v5;
	v4 =	vld [tilespmem:s1+$0xA510]  }
0xf0: {  	[tilespmem:s1+$0x1A490] =	vst v0;
	v0 =	vld [tilespmem:s1+$0xA520]  }
0xf1: {  	[tilespmem:s1+$0x1A4A0] =	vst v1;
	v1 =	vld [tilespmem:s1+$0xA530]  }
0xf2: {  	[tilespmem:s1+$0x1A4B0] =	vst v2;
	v2 =	vld [tilespmem:s1+$0xA580]  }
0xf3: {  	[tilespmem:s1+$0x1A500] =	vst v3;
	v3 =	vld [tilespmem:s1+$0xA590]  }
0xf4: {  	s14 =	simm.s32 $0x1000;
	s6 =	simm.s32 $0x200;
	[tilespmem:s1+$0x1A510] =	vst v4;
	v4 =	vld [tilespmem:s1+$0xA5A0]  }
.LBB2_7:
0xf5: {  	p0 =	sne.s32 s14, $0xF800;
	v5 =	vld [tilespmem:s6+$0xA5B0];
	[tilespmem:s1+$0x1A520] =	vst v0  }
0xf6: {  	v0 =	vld [tilespmem:s6+$0xA400];
	[tilespmem:s1+$0x1A530] =	vst v1  }
0xf7: {  	v1 =	vld [tilespmem:s6+$0xA410];
	[tilespmem:s1+$0x1A580] =	vst v2  }
0xf8: {  	v2 =	vld [tilespmem:s6+$0xA420];
	[tilespmem:s1+$0x1A590] =	vst v3  }
0xf9: {  	v3 =	vld [tilespmem:s6+$0xA430];
	[tilespmem:s1+$0x1A5A0] =	vst v4;
	s1 =	smov.u32 s6  }
0xfa: {  	v4 =	vld [tilespmem:s1+$0xA480];
	[tilespmem:s1+$0x1A5B0] =	vst v5  }
0xfb: {  	[tilespmem:s1+$0x1A400] =	vst v0;
	v0 =	vld [tilespmem:s1+$0xA490]  }
0xfc: {  	[tilespmem:s1+$0x1A410] =	vst v1;
	v1 =	vld [tilespmem:s1+$0xA4A0]  }
0xfd: {  	[tilespmem:s1+$0x1A420] =	vst v2;
	v2 =	vld [tilespmem:s1+$0xA4B0]  }
0xfe: {  	[tilespmem:s1+$0x1A430] =	vst v3;
	v3 =	vld [tilespmem:s1+$0xA500]  }
0xff: {  	[tilespmem:s1+$0x1A480] =	vst v4;
	v4 =	vld [tilespmem:s1+$0xA510]  }
.Ltmp2:
0x100: {  	[tilespmem:s1+$0x1A490] =	vst v0;
	v0 =	vld [tilespmem:s1+$0xA520];
	(pc) =	sbr.rel @p0 .LBB2_7-.Ltmp2, $4  }
0x101: {  	[tilespmem:s1+$0x1A4A0] =	vst v1;
	v1 =	vld [tilespmem:s1+$0xA530]  }
0x102: {  	[tilespmem:s1+$0x1A4B0] =	vst v2;
	v2 =	vld [tilespmem:s1+$0xA580]  }
0x103: {  	[tilespmem:s1+$0x1A500] =	vst v3;
	v3 =	vld [tilespmem:s1+$0xA590]  }
0x104: {  	s6 =	sshra.s32 s14, $0x2;
	s14 =	sadd.s32 $0x800, s14;
	[tilespmem:s1+$0x1A510] =	vst v4;
	v4 =	vld [tilespmem:s1+$0xA5A0]  }
0x105: {  	v5 =	vld [tilespmem:s6+$0xA5B0];
	[tilespmem:s1+$0x1A520] =	vst v0  }
0x106: {  	v0 =	vld [tilespmem:s6+$0xA400];
	[tilespmem:s1+$0x1A530] =	vst v1  }
0x107: {  	v1 =	vld [tilespmem:s6+$0xA410];
	[tilespmem:s1+$0x1A580] =	vst v2  }
0x108: {  	v2 =	vld [tilespmem:s6+$0xA420];
	[tilespmem:s1+$0x1A590] =	vst v3  }
0x109: {  	v3 =	vld [tilespmem:s6+$0xA430];
	[tilespmem:s1+$0x1A5A0] =	vst v4  }
0x10a: {  	v4 =	vld [tilespmem:s6+$0xA480];
	[tilespmem:s6+$0x1A5B0] =	vst v5  }
0x10b: {  	[tilespmem:s6+$0x1A400] =	vst v0;
	v0 =	vld [tilespmem:s6+$0xA490]  }
0x10c: {  	[tilespmem:s6+$0x1A410] =	vst v1;
	v1 =	vld [tilespmem:s6+$0xA4A0]  }
0x10d: {  	[tilespmem:s6+$0x1A420] =	vst v2;
	v2 =	vld [tilespmem:s6+$0xA4B0]  }
0x10e: {  	[tilespmem:s6+$0x1A430] =	vst v3;
	v3 =	vld [tilespmem:s6+$0xA500]  }
0x10f: {  	[tilespmem:s6+$0x1A480] =	vst v4;
	v4 =	vld [tilespmem:s6+$0xA510]  }
0x110: {  	[tilespmem:s6+$0x1A490] =	vst v0;
	v0 =	vld [tilespmem:s6+$0xA520]  }
0x111: {  	[tilespmem:s6+$0x1A4A0] =	vst v1;
	v1 =	vld [tilespmem:s6+$0xA530]  }
0x112: {  	[tilespmem:s6+$0x1A4B0] =	vst v2;
	v2 =	vld [tilespmem:s6+$0xA580]  }
0x113: {  	[tilespmem:s6+$0x1A500] =	vst v3;
	v3 =	vld [tilespmem:s6+$0xA590]  }
0x114: {  	[tilespmem:s6+$0x1A510] =	vst v4;
	v4 =	vld [tilespmem:s6+$0xA5A0]  }
0x115: {  	[tilespmem:s6+$0x1A520] =	vst v0  }
0x116: {  	[tilespmem:s6+$0x1A530] =	vst v1  }
0x117: {  	s15 =	sadd.s32 s31, s7;
	[tilespmem:s6+$0x1A580] =	vst v2  }
0x118: {  	s1 =	sshll.u32 s15, $0x4;
	[tilespmem:s6+$0x1A590] =	vst v3  }
0x119: {  	s14 =	simm.s32 $0x0;
	s1 =	sadd.s32 s5, s1;
	[tilespmem:s6+$0x1A5A0] =	vst v4  }
0x11a: {  	[hbm4b:s1+s14] =	stream.linear.scatter [tilespmem:s24], [sflag:$0x6], $0x4000, $0x38;
	[tilespmem:$0x1E400] =	vst v63  }
0x11b: {  	s15 =	sadd.s32 $0x200, s31  }
0x11c: {  	[tilespmem:s17], [sflag:$0x1] =	stream.indirect.gather [hbm4b:s4+s16], $0x80, s15, s16, $0xb8;
	[tilespmem:$0x1E400] =	vst v63  }
0x11d: {  	_ =	swait.ge [sflag:s25], $0x4000  }
0x11e: {  	[sflag:s25] =	ssyncset.done $0x0  }
0x11f: {  	[sflag:s25] =	ssyncadd.s32 $0xFFFFC000  }
0x120: {  	_ =	swait.ge [sflag:s26], $0x4000  }
0x121: {  	[sflag:s26] =	ssyncset.done $0x0  }
0x122: {  	s1 =	simm.s32 $0x0;
	[sflag:s26] =	ssyncadd.s32 $0xFFFFC000  }
0x123: {  	v0 =	vld [tilespmem:s1+$0xE5B0]  }
0x124: {  	v1 =	vld [tilespmem:s1+$0xE400]  }
0x125: {  	v2 =	vld [tilespmem:s1+$0xE410]  }
0x126: {  	v3 =	vld [tilespmem:s1+$0xE420]  }
0x127: {  	v4 =	vld [tilespmem:s1+$0xE430]  }
0x128: {  	v5 =	vld [tilespmem:s1+$0xE480];
	[tilespmem:s1+$0x165B0] =	vst v0  }
0x129: {  	[tilespmem:s1+$0x16400] =	vst v1;
	v0 =	vld [tilespmem:s1+$0xE490]  }
0x12a: {  	[tilespmem:s1+$0x16410] =	vst v2;
	v1 =	vld [tilespmem:s1+$0xE4A0]  }
0x12b: {  	[tilespmem:s1+$0x16420] =	vst v3;
	v2 =	vld [tilespmem:s1+$0xE4B0]  }
0x12c: {  	[tilespmem:s1+$0x16430] =	vst v4;
	v3 =	vld [tilespmem:s1+$0xE500]  }
0x12d: {  	[tilespmem:s1+$0x16480] =	vst v5;
	v4 =	vld [tilespmem:s1+$0xE510]  }
0x12e: {  	[tilespmem:s1+$0x16490] =	vst v0;
	v0 =	vld [tilespmem:s1+$0xE520]  }
0x12f: {  	[tilespmem:s1+$0x164A0] =	vst v1;
	v1 =	vld [tilespmem:s1+$0xE530]  }
0x130: {  	[tilespmem:s1+$0x164B0] =	vst v2;
	v2 =	vld [tilespmem:s1+$0xE580]  }
0x131: {  	[tilespmem:s1+$0x16500] =	vst v3;
	v3 =	vld [tilespmem:s1+$0xE590]  }
0x132: {  	s6 =	simm.s32 $0x200;
	s14 =	simm.s32 $0x1000;
	[tilespmem:s1+$0x16510] =	vst v4;
	v4 =	vld [tilespmem:s1+$0xE5A0]  }
.LBB2_9:
0x133: {  	p0 =	sne.s32 s14, $0xF800;
	v5 =	vld [tilespmem:s6+$0xE5B0];
	[tilespmem:s1+$0x16520] =	vst v0  }
0x134: {  	v0 =	vld [tilespmem:s6+$0xE400];
	[tilespmem:s1+$0x16530] =	vst v1  }
0x135: {  	v1 =	vld [tilespmem:s6+$0xE410];
	[tilespmem:s1+$0x16580] =	vst v2  }
0x136: {  	v2 =	vld [tilespmem:s6+$0xE420];
	[tilespmem:s1+$0x16590] =	vst v3  }
0x137: {  	v3 =	vld [tilespmem:s6+$0xE430];
	[tilespmem:s1+$0x165A0] =	vst v4;
	s1 =	smov.u32 s6  }
0x138: {  	v4 =	vld [tilespmem:s1+$0xE480];
	[tilespmem:s1+$0x165B0] =	vst v5  }
0x139: {  	[tilespmem:s1+$0x16400] =	vst v0;
	v0 =	vld [tilespmem:s1+$0xE490]  }
0x13a: {  	[tilespmem:s1+$0x16410] =	vst v1;
	v1 =	vld [tilespmem:s1+$0xE4A0]  }
0x13b: {  	[tilespmem:s1+$0x16420] =	vst v2;
	v2 =	vld [tilespmem:s1+$0xE4B0]  }
0x13c: {  	[tilespmem:s1+$0x16430] =	vst v3;
	v3 =	vld [tilespmem:s1+$0xE500]  }
0x13d: {  	[tilespmem:s1+$0x16480] =	vst v4;
	v4 =	vld [tilespmem:s1+$0xE510]  }
.Ltmp3:
0x13e: {  	[tilespmem:s1+$0x16490] =	vst v0;
	v0 =	vld [tilespmem:s1+$0xE520];
	(pc) =	sbr.rel @p0 .LBB2_9-.Ltmp3, $4  }
0x13f: {  	[tilespmem:s1+$0x164A0] =	vst v1;
	v1 =	vld [tilespmem:s1+$0xE530]  }
0x140: {  	[tilespmem:s1+$0x164B0] =	vst v2;
	v2 =	vld [tilespmem:s1+$0xE580]  }
0x141: {  	[tilespmem:s1+$0x16500] =	vst v3;
	v3 =	vld [tilespmem:s1+$0xE590]  }
0x142: {  	s6 =	sshra.s32 s14, $0x2;
	s14 =	sadd.s32 $0x800, s14;
	[tilespmem:s1+$0x16510] =	vst v4;
	v4 =	vld [tilespmem:s1+$0xE5A0]  }
0x143: {  	v5 =	vld [tilespmem:s6+$0xE5B0];
	[tilespmem:s1+$0x16520] =	vst v0  }
0x144: {  	v0 =	vld [tilespmem:s6+$0xE400];
	[tilespmem:s1+$0x16530] =	vst v1  }
0x145: {  	v1 =	vld [tilespmem:s6+$0xE410];
	[tilespmem:s1+$0x16580] =	vst v2  }
0x146: {  	v2 =	vld [tilespmem:s6+$0xE420];
	[tilespmem:s1+$0x16590] =	vst v3  }
0x147: {  	v3 =	vld [tilespmem:s6+$0xE430];
	[tilespmem:s1+$0x165A0] =	vst v4  }
0x148: {  	v4 =	vld [tilespmem:s6+$0xE480];
	[tilespmem:s6+$0x165B0] =	vst v5  }
0x149: {  	[tilespmem:s6+$0x16400] =	vst v0;
	v0 =	vld [tilespmem:s6+$0xE490]  }
0x14a: {  	[tilespmem:s6+$0x16410] =	vst v1;
	v1 =	vld [tilespmem:s6+$0xE4A0]  }
0x14b: {  	[tilespmem:s6+$0x16420] =	vst v2;
	v2 =	vld [tilespmem:s6+$0xE4B0]  }
0x14c: {  	[tilespmem:s6+$0x16430] =	vst v3;
	v3 =	vld [tilespmem:s6+$0xE500]  }
0x14d: {  	[tilespmem:s6+$0x16480] =	vst v4;
	v4 =	vld [tilespmem:s6+$0xE510]  }
0x14e: {  	[tilespmem:s6+$0x16490] =	vst v0;
	v0 =	vld [tilespmem:s6+$0xE520]  }
0x14f: {  	[tilespmem:s6+$0x164A0] =	vst v1;
	v1 =	vld [tilespmem:s6+$0xE530]  }
0x150: {  	[tilespmem:s6+$0x164B0] =	vst v2;
	v2 =	vld [tilespmem:s6+$0xE580]  }
0x151: {  	[tilespmem:s6+$0x16500] =	vst v3;
	v3 =	vld [tilespmem:s6+$0xE590]  }
0x152: {  	[tilespmem:s6+$0x16510] =	vst v4;
	v4 =	vld [tilespmem:s6+$0xE5A0]  }
0x153: {  	[tilespmem:s6+$0x16520] =	vst v0  }
0x154: {  	[tilespmem:s6+$0x16530] =	vst v1  }
0x155: {  	s15 =	sadd.s32 s31, s8;
	[tilespmem:s6+$0x16580] =	vst v2  }
0x156: {  	s1 =	sshll.u32 s15, $0x4;
	[tilespmem:s6+$0x16590] =	vst v3  }
0x157: {  	s14 =	simm.s32 $0x0;
	s1 =	sadd.s32 s5, s1;
	[tilespmem:s6+$0x165A0] =	vst v4  }
0x158: {  	[hbm4b:s1+s14] =	stream.linear.scatter [tilespmem:s21], [sflag:$0x5], $0x4000, $0x38;
	[tilespmem:$0x1E400] =	vst v63  }
0x159: {  	s15 =	sadd.s32 $0x280, s31  }
0x15a: {  	[tilespmem:s18], [sflag:$0x2] =	stream.indirect.gather [hbm4b:s4+s16], $0x80, s15, s16, $0xb8;
	[tilespmem:$0x1E400] =	vst v63  }
0x15b: {  	_ =	swait.ge [sflag:s28], $0x4000  }
0x15c: {  	[sflag:s28] =	ssyncset.done $0x0  }
0x15d: {  	[sflag:s28] =	ssyncadd.s32 $0xFFFFC000  }
0x15e: {  	_ =	swait.ge [sflag:s29], $0x4000  }
0x15f: {  	[sflag:s29] =	ssyncset.done $0x0  }
0x160: {  	s1 =	simm.s32 $0x0;
	[sflag:s29] =	ssyncadd.s32 $0xFFFFC000  }
0x161: {  	v0 =	vld [tilespmem:s1+$0x125B0]  }
0x162: {  	v1 =	vld [tilespmem:s1+$0x12400]  }
0x163: {  	v2 =	vld [tilespmem:s1+$0x12410]  }
0x164: {  	v3 =	vld [tilespmem:s1+$0x12420]  }
0x165: {  	v4 =	vld [tilespmem:s1+$0x12430]  }
0x166: {  	v5 =	vld [tilespmem:s1+$0x12480];
	[tilespmem:s1+$0x1A5B0] =	vst v0  }
0x167: {  	[tilespmem:s1+$0x1A400] =	vst v1;
	v0 =	vld [tilespmem:s1+$0x12490]  }
0x168: {  	[tilespmem:s1+$0x1A410] =	vst v2;
	v1 =	vld [tilespmem:s1+$0x124A0]  }
0x169: {  	[tilespmem:s1+$0x1A420] =	vst v3;
	v2 =	vld [tilespmem:s1+$0x124B0]  }
0x16a: {  	[tilespmem:s1+$0x1A430] =	vst v4;
	v3 =	vld [tilespmem:s1+$0x12500]  }
0x16b: {  	[tilespmem:s1+$0x1A480] =	vst v5;
	v4 =	vld [tilespmem:s1+$0x12510]  }
0x16c: {  	[tilespmem:s1+$0x1A490] =	vst v0;
	v0 =	vld [tilespmem:s1+$0x12520]  }
0x16d: {  	[tilespmem:s1+$0x1A4A0] =	vst v1;
	v1 =	vld [tilespmem:s1+$0x12530]  }
0x16e: {  	[tilespmem:s1+$0x1A4B0] =	vst v2;
	v2 =	vld [tilespmem:s1+$0x12580]  }
0x16f: {  	[tilespmem:s1+$0x1A500] =	vst v3;
	v3 =	vld [tilespmem:s1+$0x12590]  }
0x170: {  	s6 =	simm.s32 $0x200;
	s14 =	simm.s32 $0x1000;
	[tilespmem:s1+$0x1A510] =	vst v4;
	v4 =	vld [tilespmem:s1+$0x125A0]  }
.LBB2_11:
0x171: {  	p0 =	sne.s32 s14, $0xF800;
	v5 =	vld [tilespmem:s6+$0x125B0];
	[tilespmem:s1+$0x1A520] =	vst v0  }
0x172: {  	v0 =	vld [tilespmem:s6+$0x12400];
	[tilespmem:s1+$0x1A530] =	vst v1  }
0x173: {  	v1 =	vld [tilespmem:s6+$0x12410];
	[tilespmem:s1+$0x1A580] =	vst v2  }
0x174: {  	v2 =	vld [tilespmem:s6+$0x12420];
	[tilespmem:s1+$0x1A590] =	vst v3  }
0x175: {  	v3 =	vld [tilespmem:s6+$0x12430];
	[tilespmem:s1+$0x1A5A0] =	vst v4;
	s1 =	smov.u32 s6  }
0x176: {  	v4 =	vld [tilespmem:s1+$0x12480];
	[tilespmem:s1+$0x1A5B0] =	vst v5  }
0x177: {  	[tilespmem:s1+$0x1A400] =	vst v0;
	v0 =	vld [tilespmem:s1+$0x12490]  }
0x178: {  	[tilespmem:s1+$0x1A410] =	vst v1;
	v1 =	vld [tilespmem:s1+$0x124A0]  }
0x179: {  	[tilespmem:s1+$0x1A420] =	vst v2;
	v2 =	vld [tilespmem:s1+$0x124B0]  }
0x17a: {  	[tilespmem:s1+$0x1A430] =	vst v3;
	v3 =	vld [tilespmem:s1+$0x12500]  }
0x17b: {  	[tilespmem:s1+$0x1A480] =	vst v4;
	v4 =	vld [tilespmem:s1+$0x12510]  }
.Ltmp4:
0x17c: {  	[tilespmem:s1+$0x1A490] =	vst v0;
	v0 =	vld [tilespmem:s1+$0x12520];
	(pc) =	sbr.rel @p0 .LBB2_11-.Ltmp4, $4  }
0x17d: {  	[tilespmem:s1+$0x1A4A0] =	vst v1;
	v1 =	vld [tilespmem:s1+$0x12530]  }
0x17e: {  	[tilespmem:s1+$0x1A4B0] =	vst v2;
	v2 =	vld [tilespmem:s1+$0x12580]  }
0x17f: {  	[tilespmem:s1+$0x1A500] =	vst v3;
	v3 =	vld [tilespmem:s1+$0x12590]  }
0x180: {  	s6 =	sshra.s32 s14, $0x2;
	s14 =	sadd.s32 $0x800, s14;
	[tilespmem:s1+$0x1A510] =	vst v4;
	v4 =	vld [tilespmem:s1+$0x125A0]  }
0x181: {  	v5 =	vld [tilespmem:s6+$0x125B0];
	[tilespmem:s1+$0x1A520] =	vst v0  }
0x182: {  	v0 =	vld [tilespmem:s6+$0x12400];
	[tilespmem:s1+$0x1A530] =	vst v1  }
0x183: {  	v1 =	vld [tilespmem:s6+$0x12410];
	[tilespmem:s1+$0x1A580] =	vst v2  }
0x184: {  	v2 =	vld [tilespmem:s6+$0x12420];
	[tilespmem:s1+$0x1A590] =	vst v3  }
0x185: {  	v3 =	vld [tilespmem:s6+$0x12430];
	[tilespmem:s1+$0x1A5A0] =	vst v4  }
0x186: {  	v4 =	vld [tilespmem:s6+$0x12480];
	[tilespmem:s6+$0x1A5B0] =	vst v5  }
0x187: {  	[tilespmem:s6+$0x1A400] =	vst v0;
	v0 =	vld [tilespmem:s6+$0x12490]  }
0x188: {  	[tilespmem:s6+$0x1A410] =	vst v1;
	v1 =	vld [tilespmem:s6+$0x124A0]  }
0x189: {  	[tilespmem:s6+$0x1A420] =	vst v2;
	v2 =	vld [tilespmem:s6+$0x124B0]  }
0x18a: {  	[tilespmem:s6+$0x1A430] =	vst v3;
	v3 =	vld [tilespmem:s6+$0x12500]  }
0x18b: {  	[tilespmem:s6+$0x1A480] =	vst v4;
	v4 =	vld [tilespmem:s6+$0x12510]  }
0x18c: {  	[tilespmem:s6+$0x1A490] =	vst v0;
	v0 =	vld [tilespmem:s6+$0x12520]  }
0x18d: {  	[tilespmem:s6+$0x1A4A0] =	vst v1;
	v1 =	vld [tilespmem:s6+$0x12530]  }
0x18e: {  	[tilespmem:s6+$0x1A4B0] =	vst v2;
	v2 =	vld [tilespmem:s6+$0x12580]  }
0x18f: {  	[tilespmem:s6+$0x1A500] =	vst v3;
	v3 =	vld [tilespmem:s6+$0x12590]  }
0x190: {  	[tilespmem:s6+$0x1A510] =	vst v4;
	v4 =	vld [tilespmem:s6+$0x125A0]  }
0x191: {  	[tilespmem:s6+$0x1A520] =	vst v0  }
0x192: {  	[tilespmem:s6+$0x1A530] =	vst v1  }
0x193: {  	s15 =	sadd.s32 s31, s9;
	[tilespmem:s6+$0x1A580] =	vst v2  }
0x194: {  	s1 =	sshll.u32 s15, $0x4;
	[tilespmem:s6+$0x1A590] =	vst v3  }
0x195: {  	s14 =	simm.s32 $0x0;
	s1 =	sadd.s32 s5, s1;
	[tilespmem:s6+$0x1A5A0] =	vst v4  }
0x196: {  	[hbm4b:s1+s14] =	stream.linear.scatter [tilespmem:s24], [sflag:$0x6], $0x4000, $0x38;
	[tilespmem:$0x1E400] =	vst v63  }
0x197: {  	s15 =	sadd.s32 $0x300, s31  }
0x198: {  	[tilespmem:s19], [sflag:$0x3] =	stream.indirect.gather [hbm4b:s4+s16], $0x80, s15, s16, $0xb8;
	[tilespmem:$0x1E400] =	vst v63  }
0x199: {  	_ =	swait.ge [sflag:s20], $0x4000  }
0x19a: {  	[sflag:s20] =	ssyncset.done $0x0  }
0x19b: {  	[sflag:s20] =	ssyncadd.s32 $0xFFFFC000  }
0x19c: {  	_ =	swait.ge [sflag:s26], $0x4000  }
0x19d: {  	[sflag:s26] =	ssyncset.done $0x0  }
0x19e: {  	s1 =	simm.s32 $0x0;
	[sflag:s26] =	ssyncadd.s32 $0xFFFFC000  }
0x19f: {  	v0 =	vld [tilespmem:s1+$0x65B0]  }
0x1a0: {  	v1 =	vld [tilespmem:s1+$0x6400]  }
0x1a1: {  	v2 =	vld [tilespmem:s1+$0x6410]  }
0x1a2: {  	v3 =	vld [tilespmem:s1+$0x6420]  }
0x1a3: {  	v4 =	vld [tilespmem:s1+$0x6430]  }
0x1a4: {  	v5 =	vld [tilespmem:s1+$0x6480];
	[tilespmem:s1+$0x165B0] =	vst v0  }
0x1a5: {  	[tilespmem:s1+$0x16400] =	vst v1;
	v0 =	vld [tilespmem:s1+$0x6490]  }
0x1a6: {  	[tilespmem:s1+$0x16410] =	vst v2;
	v1 =	vld [tilespmem:s1+$0x64A0]  }
0x1a7: {  	[tilespmem:s1+$0x16420] =	vst v3;
	v2 =	vld [tilespmem:s1+$0x64B0]  }
0x1a8: {  	[tilespmem:s1+$0x16430] =	vst v4;
	v3 =	vld [tilespmem:s1+$0x6500]  }
0x1a9: {  	[tilespmem:s1+$0x16480] =	vst v5;
	v4 =	vld [tilespmem:s1+$0x6510]  }
0x1aa: {  	[tilespmem:s1+$0x16490] =	vst v0;
	v0 =	vld [tilespmem:s1+$0x6520]  }
0x1ab: {  	[tilespmem:s1+$0x164A0] =	vst v1;
	v1 =	vld [tilespmem:s1+$0x6530]  }
0x1ac: {  	[tilespmem:s1+$0x164B0] =	vst v2;
	v2 =	vld [tilespmem:s1+$0x6580]  }
0x1ad: {  	[tilespmem:s1+$0x16500] =	vst v3;
	v3 =	vld [tilespmem:s1+$0x6590]  }
0x1ae: {  	s6 =	simm.s32 $0x200;
	s14 =	simm.s32 $0x1000;
	[tilespmem:s1+$0x16510] =	vst v4;
	v4 =	vld [tilespmem:s1+$0x65A0]  }
.LBB2_13:
0x1af: {  	p0 =	sne.s32 s14, $0xF800;
	v5 =	vld [tilespmem:s6+$0x65B0];
	[tilespmem:s1+$0x16520] =	vst v0  }
0x1b0: {  	v0 =	vld [tilespmem:s6+$0x6400];
	[tilespmem:s1+$0x16530] =	vst v1  }
0x1b1: {  	v1 =	vld [tilespmem:s6+$0x6410];
	[tilespmem:s1+$0x16580] =	vst v2  }
0x1b2: {  	v2 =	vld [tilespmem:s6+$0x6420];
	[tilespmem:s1+$0x16590] =	vst v3  }
0x1b3: {  	v3 =	vld [tilespmem:s6+$0x6430];
	[tilespmem:s1+$0x165A0] =	vst v4;
	s1 =	smov.u32 s6  }
0x1b4: {  	v4 =	vld [tilespmem:s1+$0x6480];
	[tilespmem:s1+$0x165B0] =	vst v5  }
0x1b5: {  	[tilespmem:s1+$0x16400] =	vst v0;
	v0 =	vld [tilespmem:s1+$0x6490]  }
0x1b6: {  	[tilespmem:s1+$0x16410] =	vst v1;
	v1 =	vld [tilespmem:s1+$0x64A0]  }
0x1b7: {  	[tilespmem:s1+$0x16420] =	vst v2;
	v2 =	vld [tilespmem:s1+$0x64B0]  }
0x1b8: {  	[tilespmem:s1+$0x16430] =	vst v3;
	v3 =	vld [tilespmem:s1+$0x6500]  }
0x1b9: {  	[tilespmem:s1+$0x16480] =	vst v4;
	v4 =	vld [tilespmem:s1+$0x6510]  }
.Ltmp5:
0x1ba: {  	[tilespmem:s1+$0x16490] =	vst v0;
	v0 =	vld [tilespmem:s1+$0x6520];
	(pc) =	sbr.rel @p0 .LBB2_13-.Ltmp5, $4  }
0x1bb: {  	[tilespmem:s1+$0x164A0] =	vst v1;
	v1 =	vld [tilespmem:s1+$0x6530]  }
0x1bc: {  	[tilespmem:s1+$0x164B0] =	vst v2;
	v2 =	vld [tilespmem:s1+$0x6580]  }
0x1bd: {  	[tilespmem:s1+$0x16500] =	vst v3;
	v3 =	vld [tilespmem:s1+$0x6590]  }
0x1be: {  	s6 =	sshra.s32 s14, $0x2;
	s14 =	sadd.s32 $0x800, s14;
	[tilespmem:s1+$0x16510] =	vst v4;
	v4 =	vld [tilespmem:s1+$0x65A0]  }
0x1bf: {  	v5 =	vld [tilespmem:s6+$0x65B0];
	[tilespmem:s1+$0x16520] =	vst v0  }
0x1c0: {  	v0 =	vld [tilespmem:s6+$0x6400];
	[tilespmem:s1+$0x16530] =	vst v1  }
0x1c1: {  	v1 =	vld [tilespmem:s6+$0x6410];
	[tilespmem:s1+$0x16580] =	vst v2  }
0x1c2: {  	v2 =	vld [tilespmem:s6+$0x6420];
	[tilespmem:s1+$0x16590] =	vst v3  }
0x1c3: {  	v3 =	vld [tilespmem:s6+$0x6430];
	[tilespmem:s1+$0x165A0] =	vst v4  }
0x1c4: {  	v4 =	vld [tilespmem:s6+$0x6480];
	[tilespmem:s6+$0x165B0] =	vst v5  }
0x1c5: {  	[tilespmem:s6+$0x16400] =	vst v0;
	v0 =	vld [tilespmem:s6+$0x6490]  }
0x1c6: {  	[tilespmem:s6+$0x16410] =	vst v1;
	v1 =	vld [tilespmem:s6+$0x64A0]  }
0x1c7: {  	[tilespmem:s6+$0x16420] =	vst v2;
	v2 =	vld [tilespmem:s6+$0x64B0]  }
0x1c8: {  	[tilespmem:s6+$0x16430] =	vst v3;
	v3 =	vld [tilespmem:s6+$0x6500]  }
0x1c9: {  	[tilespmem:s6+$0x16480] =	vst v4;
	v4 =	vld [tilespmem:s6+$0x6510]  }
0x1ca: {  	[tilespmem:s6+$0x16490] =	vst v0;
	v0 =	vld [tilespmem:s6+$0x6520]  }
0x1cb: {  	[tilespmem:s6+$0x164A0] =	vst v1;
	v1 =	vld [tilespmem:s6+$0x6530]  }
0x1cc: {  	[tilespmem:s6+$0x164B0] =	vst v2;
	v2 =	vld [tilespmem:s6+$0x6580]  }
0x1cd: {  	[tilespmem:s6+$0x16500] =	vst v3;
	v3 =	vld [tilespmem:s6+$0x6590]  }
0x1ce: {  	[tilespmem:s6+$0x16510] =	vst v4;
	v4 =	vld [tilespmem:s6+$0x65A0]  }
0x1cf: {  	[tilespmem:s6+$0x16520] =	vst v0  }
0x1d0: {  	[tilespmem:s6+$0x16530] =	vst v1  }
0x1d1: {  	s15 =	sadd.s32 s31, s10;
	[tilespmem:s6+$0x16580] =	vst v2  }
0x1d2: {  	s1 =	sshll.u32 s15, $0x4;
	[tilespmem:s6+$0x16590] =	vst v3  }
0x1d3: {  	s14 =	simm.s32 $0x0;
	s1 =	sadd.s32 s5, s1;
	[tilespmem:s6+$0x165A0] =	vst v4  }
0x1d4: {  	[hbm4b:s1+s14] =	stream.linear.scatter [tilespmem:s21], [sflag:$0x5], $0x4000, $0x38;
	[tilespmem:$0x1E400] =	vst v63  }
0x1d5: {  	s15 =	sadd.s32 $0x380, s31  }
0x1d6: {  	[tilespmem:s22], [sflag:$0x4] =	stream.indirect.gather [hbm4b:s4+s16], $0x80, s15, s16, $0xb8;
	[tilespmem:$0x1E400] =	vst v63  }
0x1d7: {  	_ =	swait.ge [sflag:s23], $0x4000  }
0x1d8: {  	[sflag:s23] =	ssyncset.done $0x0  }
0x1d9: {  	[sflag:s23] =	ssyncadd.s32 $0xFFFFC000  }
0x1da: {  	_ =	swait.ge [sflag:s29], $0x4000  }
0x1db: {  	[sflag:s29] =	ssyncset.done $0x0  }
0x1dc: {  	s1 =	simm.s32 $0x0;
	[sflag:s29] =	ssyncadd.s32 $0xFFFFC000  }
0x1dd: {  	v0 =	vld [tilespmem:s1+$0xA5B0]  }
0x1de: {  	v1 =	vld [tilespmem:s1+$0xA400]  }
0x1df: {  	v2 =	vld [tilespmem:s1+$0xA410]  }
0x1e0: {  	v3 =	vld [tilespmem:s1+$0xA420]  }
0x1e1: {  	v4 =	vld [tilespmem:s1+$0xA430]  }
0x1e2: {  	v5 =	vld [tilespmem:s1+$0xA480];
	[tilespmem:s1+$0x1A5B0] =	vst v0  }
0x1e3: {  	[tilespmem:s1+$0x1A400] =	vst v1;
	v0 =	vld [tilespmem:s1+$0xA490]  }
0x1e4: {  	[tilespmem:s1+$0x1A410] =	vst v2;
	v1 =	vld [tilespmem:s1+$0xA4A0]  }
0x1e5: {  	[tilespmem:s1+$0x1A420] =	vst v3;
	v2 =	vld [tilespmem:s1+$0xA4B0]  }
0x1e6: {  	[tilespmem:s1+$0x1A430] =	vst v4;
	v3 =	vld [tilespmem:s1+$0xA500]  }
0x1e7: {  	[tilespmem:s1+$0x1A480] =	vst v5;
	v4 =	vld [tilespmem:s1+$0xA510]  }
0x1e8: {  	[tilespmem:s1+$0x1A490] =	vst v0;
	v0 =	vld [tilespmem:s1+$0xA520]  }
0x1e9: {  	[tilespmem:s1+$0x1A4A0] =	vst v1;
	v1 =	vld [tilespmem:s1+$0xA530]  }
0x1ea: {  	[tilespmem:s1+$0x1A4B0] =	vst v2;
	v2 =	vld [tilespmem:s1+$0xA580]  }
0x1eb: {  	[tilespmem:s1+$0x1A500] =	vst v3;
	v3 =	vld [tilespmem:s1+$0xA590]  }
0x1ec: {  	s6 =	simm.s32 $0x200;
	s14 =	simm.s32 $0x1000;
	[tilespmem:s1+$0x1A510] =	vst v4;
	v4 =	vld [tilespmem:s1+$0xA5A0]  }
.LBB2_15:
0x1ed: {  	p0 =	sne.s32 s14, $0xF800;
	v5 =	vld [tilespmem:s6+$0xA5B0];
	[tilespmem:s1+$0x1A520] =	vst v0  }
0x1ee: {  	v0 =	vld [tilespmem:s6+$0xA400];
	[tilespmem:s1+$0x1A530] =	vst v1  }
0x1ef: {  	v1 =	vld [tilespmem:s6+$0xA410];
	[tilespmem:s1+$0x1A580] =	vst v2  }
0x1f0: {  	v2 =	vld [tilespmem:s6+$0xA420];
	[tilespmem:s1+$0x1A590] =	vst v3  }
0x1f1: {  	v3 =	vld [tilespmem:s6+$0xA430];
	[tilespmem:s1+$0x1A5A0] =	vst v4;
	s1 =	smov.u32 s6  }
0x1f2: {  	v4 =	vld [tilespmem:s1+$0xA480];
	[tilespmem:s1+$0x1A5B0] =	vst v5  }
0x1f3: {  	[tilespmem:s1+$0x1A400] =	vst v0;
	v0 =	vld [tilespmem:s1+$0xA490]  }
0x1f4: {  	[tilespmem:s1+$0x1A410] =	vst v1;
	v1 =	vld [tilespmem:s1+$0xA4A0]  }
0x1f5: {  	[tilespmem:s1+$0x1A420] =	vst v2;
	v2 =	vld [tilespmem:s1+$0xA4B0]  }
0x1f6: {  	[tilespmem:s1+$0x1A430] =	vst v3;
	v3 =	vld [tilespmem:s1+$0xA500]  }
0x1f7: {  	[tilespmem:s1+$0x1A480] =	vst v4;
	v4 =	vld [tilespmem:s1+$0xA510]  }
.Ltmp6:
0x1f8: {  	[tilespmem:s1+$0x1A490] =	vst v0;
	v0 =	vld [tilespmem:s1+$0xA520];
	(pc) =	sbr.rel @p0 .LBB2_15-.Ltmp6, $4  }
0x1f9: {  	[tilespmem:s1+$0x1A4A0] =	vst v1;
	v1 =	vld [tilespmem:s1+$0xA530]  }
0x1fa: {  	[tilespmem:s1+$0x1A4B0] =	vst v2;
	v2 =	vld [tilespmem:s1+$0xA580]  }
0x1fb: {  	[tilespmem:s1+$0x1A500] =	vst v3;
	v3 =	vld [tilespmem:s1+$0xA590]  }
0x1fc: {  	s6 =	sshra.s32 s14, $0x2;
	s14 =	sadd.s32 $0x800, s14;
	[tilespmem:s1+$0x1A510] =	vst v4;
	v4 =	vld [tilespmem:s1+$0xA5A0]  }
0x1fd: {  	v5 =	vld [tilespmem:s6+$0xA5B0];
	[tilespmem:s1+$0x1A520] =	vst v0  }
0x1fe: {  	v0 =	vld [tilespmem:s6+$0xA400];
	[tilespmem:s1+$0x1A530] =	vst v1  }
0x1ff: {  	v1 =	vld [tilespmem:s6+$0xA410];
	[tilespmem:s1+$0x1A580] =	vst v2  }
0x200: {  	v2 =	vld [tilespmem:s6+$0xA420];
	[tilespmem:s1+$0x1A590] =	vst v3  }
0x201: {  	v3 =	vld [tilespmem:s6+$0xA430];
	[tilespmem:s1+$0x1A5A0] =	vst v4  }
0x202: {  	v4 =	vld [tilespmem:s6+$0xA480];
	[tilespmem:s6+$0x1A5B0] =	vst v5  }
0x203: {  	[tilespmem:s6+$0x1A400] =	vst v0;
	v0 =	vld [tilespmem:s6+$0xA490]  }
0x204: {  	[tilespmem:s6+$0x1A410] =	vst v1;
	v1 =	vld [tilespmem:s6+$0xA4A0]  }
0x205: {  	[tilespmem:s6+$0x1A420] =	vst v2;
	v2 =	vld [tilespmem:s6+$0xA4B0]  }
0x206: {  	[tilespmem:s6+$0x1A430] =	vst v3;
	v3 =	vld [tilespmem:s6+$0xA500]  }
0x207: {  	[tilespmem:s6+$0x1A480] =	vst v4;
	v4 =	vld [tilespmem:s6+$0xA510]  }
0x208: {  	[tilespmem:s6+$0x1A490] =	vst v0;
	v0 =	vld [tilespmem:s6+$0xA520]  }
0x209: {  	[tilespmem:s6+$0x1A4A0] =	vst v1;
	v1 =	vld [tilespmem:s6+$0xA530]  }
0x20a: {  	[tilespmem:s6+$0x1A4B0] =	vst v2;
	v2 =	vld [tilespmem:s6+$0xA580]  }
0x20b: {  	[tilespmem:s6+$0x1A500] =	vst v3;
	v3 =	vld [tilespmem:s6+$0xA590]  }
0x20c: {  	[tilespmem:s6+$0x1A510] =	vst v4;
	v4 =	vld [tilespmem:s6+$0xA5A0]  }
0x20d: {  	[tilespmem:s6+$0x1A520] =	vst v0  }
0x20e: {  	[tilespmem:s6+$0x1A530] =	vst v1  }
0x20f: {  	s15 =	sadd.s32 s31, s11;
	[tilespmem:s6+$0x1A580] =	vst v2  }
0x210: {  	s1 =	sshll.u32 s15, $0x4;
	[tilespmem:s6+$0x1A590] =	vst v3  }
0x211: {  	s1 =	sadd.s32 s5, s1;
	[tilespmem:s6+$0x1A5A0] =	vst v4  }
0x212: {  	[hbm4b:s1+s2] =	stream.linear.scatter [tilespmem:s24], [sflag:$0x6], $0x4000, $0x38;
	[tilespmem:$0x1E400] =	vst v63  }
0x213: {  	p0 =	seq.s32 s0, $0x18;
	s1 =	sadd.s32 $0x1, s0  }
0x214: {  	s0 =	sshll.u32 @!p0 s1, $0xA  }
0x215: {  	s14 =	simm.s32 @!p0 $0x6400;
	s6 =	simm.s32 @!p0 $0x80;
	s0 =	sand.u32 @!p0 $0x3FFFFC00, s0  }
0x216: {  	[tilespmem:s14], [sflag:$0x1] =	stream.indirect.gather @!p0 [hbm4b:s4+s6], $0x80, s0, s6, $0xb8;
	[tilespmem:$0x1E400] =	vst v63  }
0x217: {  	_ =	swait.ge [sflag:s25], $0x4000  }
0x218: {  	[sflag:s25] =	ssyncset.done $0x0  }
0x219: {  	[sflag:s25] =	ssyncadd.s32 $0xFFFFC000  }
0x21a: {  	_ =	swait.ge [sflag:s26], $0x4000  }
0x21b: {  	[sflag:s26] =	ssyncset.done $0x0  }
0x21c: {  	s6 =	simm.s32 $0x0;
	[sflag:s26] =	ssyncadd.s32 $0xFFFFC000  }
0x21d: {  	v0 =	vld [tilespmem:s6+$0xE5B0]  }
0x21e: {  	v1 =	vld [tilespmem:s6+$0xE400]  }
0x21f: {  	v2 =	vld [tilespmem:s6+$0xE410]  }
0x220: {  	v3 =	vld [tilespmem:s6+$0xE420]  }
0x221: {  	v4 =	vld [tilespmem:s6+$0xE430]  }
0x222: {  	v5 =	vld [tilespmem:s6+$0xE480];
	[tilespmem:s6+$0x165B0] =	vst v0  }
0x223: {  	[tilespmem:s6+$0x16400] =	vst v1;
	v0 =	vld [tilespmem:s6+$0xE490]  }
0x224: {  	[tilespmem:s6+$0x16410] =	vst v2;
	v1 =	vld [tilespmem:s6+$0xE4A0]  }
0x225: {  	[tilespmem:s6+$0x16420] =	vst v3;
	v2 =	vld [tilespmem:s6+$0xE4B0]  }
0x226: {  	[tilespmem:s6+$0x16430] =	vst v4;
	v3 =	vld [tilespmem:s6+$0xE500]  }
0x227: {  	[tilespmem:s6+$0x16480] =	vst v5;
	v4 =	vld [tilespmem:s6+$0xE510]  }
0x228: {  	[tilespmem:s6+$0x16490] =	vst v0;
	v0 =	vld [tilespmem:s6+$0xE520]  }
0x229: {  	[tilespmem:s6+$0x164A0] =	vst v1;
	v1 =	vld [tilespmem:s6+$0xE530]  }
0x22a: {  	[tilespmem:s6+$0x164B0] =	vst v2;
	v2 =	vld [tilespmem:s6+$0xE580]  }
0x22b: {  	[tilespmem:s6+$0x16500] =	vst v3;
	v3 =	vld [tilespmem:s6+$0xE590]  }
0x22c: {  	s15 =	simm.s32 $0x1000;
	s14 =	simm.s32 $0x200;
	[tilespmem:s6+$0x16510] =	vst v4;
	v4 =	vld [tilespmem:s6+$0xE5A0]  }
.LBB2_17:
0x22d: {  	p1 =	sne.s32 s15, $0xF800;
	v5 =	vld [tilespmem:s14+$0xE5B0];
	[tilespmem:s6+$0x16520] =	vst v0  }
0x22e: {  	v0 =	vld [tilespmem:s14+$0xE400];
	[tilespmem:s6+$0x16530] =	vst v1  }
0x22f: {  	v1 =	vld [tilespmem:s14+$0xE410];
	[tilespmem:s6+$0x16580] =	vst v2  }
0x230: {  	v2 =	vld [tilespmem:s14+$0xE420];
	[tilespmem:s6+$0x16590] =	vst v3  }
0x231: {  	v3 =	vld [tilespmem:s14+$0xE430];
	[tilespmem:s6+$0x165A0] =	vst v4;
	s6 =	smov.u32 s14  }
0x232: {  	v4 =	vld [tilespmem:s6+$0xE480];
	[tilespmem:s6+$0x165B0] =	vst v5  }
0x233: {  	[tilespmem:s6+$0x16400] =	vst v0;
	v0 =	vld [tilespmem:s6+$0xE490]  }
0x234: {  	[tilespmem:s6+$0x16410] =	vst v1;
	v1 =	vld [tilespmem:s6+$0xE4A0]  }
0x235: {  	[tilespmem:s6+$0x16420] =	vst v2;
	v2 =	vld [tilespmem:s6+$0xE4B0]  }
0x236: {  	[tilespmem:s6+$0x16430] =	vst v3;
	v3 =	vld [tilespmem:s6+$0xE500]  }
0x237: {  	[tilespmem:s6+$0x16480] =	vst v4;
	v4 =	vld [tilespmem:s6+$0xE510]  }
.Ltmp7:
0x238: {  	[tilespmem:s6+$0x16490] =	vst v0;
	v0 =	vld [tilespmem:s6+$0xE520];
	(pc) =	sbr.rel @p1 .LBB2_17-.Ltmp7, $4  }
0x239: {  	[tilespmem:s6+$0x164A0] =	vst v1;
	v1 =	vld [tilespmem:s6+$0xE530]  }
0x23a: {  	[tilespmem:s6+$0x164B0] =	vst v2;
	v2 =	vld [tilespmem:s6+$0xE580]  }
0x23b: {  	[tilespmem:s6+$0x16500] =	vst v3;
	v3 =	vld [tilespmem:s6+$0xE590]  }
0x23c: {  	s14 =	sshra.s32 s15, $0x2;
	s15 =	sadd.s32 $0x800, s15;
	[tilespmem:s6+$0x16510] =	vst v4;
	v4 =	vld [tilespmem:s6+$0xE5A0]  }
0x23d: {  	v5 =	vld [tilespmem:s14+$0xE5B0];
	[tilespmem:s6+$0x16520] =	vst v0  }
0x23e: {  	v0 =	vld [tilespmem:s14+$0xE400];
	[tilespmem:s6+$0x16530] =	vst v1  }
0x23f: {  	v1 =	vld [tilespmem:s14+$0xE410];
	[tilespmem:s6+$0x16580] =	vst v2  }
0x240: {  	v2 =	vld [tilespmem:s14+$0xE420];
	[tilespmem:s6+$0x16590] =	vst v3  }
0x241: {  	v3 =	vld [tilespmem:s14+$0xE430];
	[tilespmem:s6+$0x165A0] =	vst v4  }
0x242: {  	v4 =	vld [tilespmem:s14+$0xE480];
	[tilespmem:s14+$0x165B0] =	vst v5  }
0x243: {  	[tilespmem:s14+$0x16400] =	vst v0;
	v0 =	vld [tilespmem:s14+$0xE490]  }
0x244: {  	[tilespmem:s14+$0x16410] =	vst v1;
	v1 =	vld [tilespmem:s14+$0xE4A0]  }
0x245: {  	[tilespmem:s14+$0x16420] =	vst v2;
	v2 =	vld [tilespmem:s14+$0xE4B0]  }
0x246: {  	[tilespmem:s14+$0x16430] =	vst v3;
	v3 =	vld [tilespmem:s14+$0xE500]  }
0x247: {  	[tilespmem:s14+$0x16480] =	vst v4;
	v4 =	vld [tilespmem:s14+$0xE510]  }
0x248: {  	[tilespmem:s14+$0x16490] =	vst v0;
	v0 =	vld [tilespmem:s14+$0xE520]  }
0x249: {  	[tilespmem:s14+$0x164A0] =	vst v1;
	v1 =	vld [tilespmem:s14+$0xE530]  }
0x24a: {  	[tilespmem:s14+$0x164B0] =	vst v2;
	v2 =	vld [tilespmem:s14+$0xE580]  }
0x24b: {  	[tilespmem:s14+$0x16500] =	vst v3;
	v3 =	vld [tilespmem:s14+$0xE590]  }
0x24c: {  	[tilespmem:s14+$0x16510] =	vst v4;
	v4 =	vld [tilespmem:s14+$0xE5A0]  }
0x24d: {  	[tilespmem:s14+$0x16520] =	vst v0  }
0x24e: {  	[tilespmem:s14+$0x16530] =	vst v1  }
0x24f: {  	s15 =	sadd.s32 s31, s12;
	[tilespmem:s14+$0x16580] =	vst v2  }
0x250: {  	s6 =	sshll.u32 s15, $0x4;
	[tilespmem:s14+$0x16590] =	vst v3  }
0x251: {  	s6 =	sadd.s32 s5, s6;
	[tilespmem:s14+$0x165A0] =	vst v4  }
0x252: {  	[hbm4b:s6+s2] =	stream.linear.scatter [tilespmem:s21], [sflag:$0x5], $0x4000, $0x38;
	[tilespmem:$0x1E400] =	vst v63  }
0x253: {  	s0 =	sor.u32 @!p0 $0x80, s0;
	s14 =	simm.s32 @!p0 $0xA400;
	s6 =	simm.s32 @!p0 $0x80  }
0x254: {  	[tilespmem:s14], [sflag:$0x2] =	stream.indirect.gather @!p0 [hbm4b:s4+s6], $0x80, s0, s6, $0xb8;
	[tilespmem:$0x1E400] =	vst v63  }
0x255: {  	_ =	swait.ge [sflag:s28], $0x4000  }
0x256: {  	[sflag:s28] =	ssyncset.done $0x0  }
0x257: {  	[sflag:s28] =	ssyncadd.s32 $0xFFFFC000  }
0x258: {  	_ =	swait.ge [sflag:s29], $0x4000  }
0x259: {  	[sflag:s29] =	ssyncset.done $0x0  }
0x25a: {  	s0 =	simm.s32 $0x0;
	[sflag:s29] =	ssyncadd.s32 $0xFFFFC000  }
0x25b: {  	v0 =	vld [tilespmem:s0+$0x125B0]  }
0x25c: {  	v1 =	vld [tilespmem:s0+$0x12400]  }
0x25d: {  	v2 =	vld [tilespmem:s0+$0x12410]  }
0x25e: {  	v3 =	vld [tilespmem:s0+$0x12420]  }
0x25f: {  	v4 =	vld [tilespmem:s0+$0x12430]  }
0x260: {  	v5 =	vld [tilespmem:s0+$0x12480];
	[tilespmem:s0+$0x1A5B0] =	vst v0  }
0x261: {  	[tilespmem:s0+$0x1A400] =	vst v1;
	v0 =	vld [tilespmem:s0+$0x12490]  }
0x262: {  	[tilespmem:s0+$0x1A410] =	vst v2;
	v1 =	vld [tilespmem:s0+$0x124A0]  }
0x263: {  	[tilespmem:s0+$0x1A420] =	vst v3;
	v2 =	vld [tilespmem:s0+$0x124B0]  }
0x264: {  	[tilespmem:s0+$0x1A430] =	vst v4;
	v3 =	vld [tilespmem:s0+$0x12500]  }
0x265: {  	[tilespmem:s0+$0x1A480] =	vst v5;
	v4 =	vld [tilespmem:s0+$0x12510]  }
0x266: {  	[tilespmem:s0+$0x1A490] =	vst v0;
	v0 =	vld [tilespmem:s0+$0x12520]  }
0x267: {  	[tilespmem:s0+$0x1A4A0] =	vst v1;
	v1 =	vld [tilespmem:s0+$0x12530]  }
0x268: {  	[tilespmem:s0+$0x1A4B0] =	vst v2;
	v2 =	vld [tilespmem:s0+$0x12580]  }
0x269: {  	[tilespmem:s0+$0x1A500] =	vst v3;
	v3 =	vld [tilespmem:s0+$0x12590]  }
0x26a: {  	s6 =	simm.s32 $0x200;
	s14 =	simm.s32 $0x1000;
	[tilespmem:s0+$0x1A510] =	vst v4;
	v4 =	vld [tilespmem:s0+$0x125A0]  }
.LBB2_19:
0x26b: {  	p0 =	sne.s32 s14, $0xF800;
	v5 =	vld [tilespmem:s6+$0x125B0];
	[tilespmem:s0+$0x1A520] =	vst v0  }
0x26c: {  	v0 =	vld [tilespmem:s6+$0x12400];
	[tilespmem:s0+$0x1A530] =	vst v1  }
0x26d: {  	v1 =	vld [tilespmem:s6+$0x12410];
	[tilespmem:s0+$0x1A580] =	vst v2  }
0x26e: {  	v2 =	vld [tilespmem:s6+$0x12420];
	[tilespmem:s0+$0x1A590] =	vst v3  }
0x26f: {  	v3 =	vld [tilespmem:s6+$0x12430];
	[tilespmem:s0+$0x1A5A0] =	vst v4;
	s0 =	smov.u32 s6  }
0x270: {  	v4 =	vld [tilespmem:s0+$0x12480];
	[tilespmem:s0+$0x1A5B0] =	vst v5  }
0x271: {  	[tilespmem:s0+$0x1A400] =	vst v0;
	v0 =	vld [tilespmem:s0+$0x12490]  }
0x272: {  	[tilespmem:s0+$0x1A410] =	vst v1;
	v1 =	vld [tilespmem:s0+$0x124A0]  }
0x273: {  	[tilespmem:s0+$0x1A420] =	vst v2;
	v2 =	vld [tilespmem:s0+$0x124B0]  }
0x274: {  	[tilespmem:s0+$0x1A430] =	vst v3;
	v3 =	vld [tilespmem:s0+$0x12500]  }
0x275: {  	[tilespmem:s0+$0x1A480] =	vst v4;
	v4 =	vld [tilespmem:s0+$0x12510]  }
.Ltmp8:
0x276: {  	[tilespmem:s0+$0x1A490] =	vst v0;
	v0 =	vld [tilespmem:s0+$0x12520];
	(pc) =	sbr.rel @p0 .LBB2_19-.Ltmp8, $4  }
0x277: {  	[tilespmem:s0+$0x1A4A0] =	vst v1;
	v1 =	vld [tilespmem:s0+$0x12530]  }
0x278: {  	[tilespmem:s0+$0x1A4B0] =	vst v2;
	v2 =	vld [tilespmem:s0+$0x12580]  }
0x279: {  	[tilespmem:s0+$0x1A500] =	vst v3;
	v3 =	vld [tilespmem:s0+$0x12590]  }
0x27a: {  	s6 =	sshra.s32 s14, $0x2;
	s14 =	sadd.s32 $0x800, s14;
	[tilespmem:s0+$0x1A510] =	vst v4;
	v4 =	vld [tilespmem:s0+$0x125A0]  }
0x27b: {  	v5 =	vld [tilespmem:s6+$0x125B0];
	[tilespmem:s0+$0x1A520] =	vst v0  }
0x27c: {  	v0 =	vld [tilespmem:s6+$0x12400];
	[tilespmem:s0+$0x1A530] =	vst v1  }
0x27d: {  	v1 =	vld [tilespmem:s6+$0x12410];
	[tilespmem:s0+$0x1A580] =	vst v2  }
0x27e: {  	v2 =	vld [tilespmem:s6+$0x12420];
	[tilespmem:s0+$0x1A590] =	vst v3  }
0x27f: {  	v3 =	vld [tilespmem:s6+$0x12430];
	[tilespmem:s0+$0x1A5A0] =	vst v4  }
0x280: {  	v4 =	vld [tilespmem:s6+$0x12480];
	[tilespmem:s6+$0x1A5B0] =	vst v5  }
0x281: {  	v54 =	vld [tilespmem:s6+$0x12490];
	[tilespmem:s6+$0x1A400] =	vst v0  }
0x282: {  	v55 =	vld [tilespmem:s6+$0x124A0];
	[tilespmem:s6+$0x1A410] =	vst v1  }
0x283: {  	v56 =	vld [tilespmem:s6+$0x124B0];
	[tilespmem:s6+$0x1A420] =	vst v2  }
0x284: {  	v57 =	vld [tilespmem:s6+$0x12500];
	[tilespmem:s6+$0x1A430] =	vst v3  }
0x285: {  	v58 =	vld [tilespmem:s6+$0x12510];
	[tilespmem:s6+$0x1A480] =	vst v4  }
0x286: {  	v59 =	vld [tilespmem:s6+$0x12520];
	[tilespmem:s6+$0x1A490] =	vst v54  }
0x287: {  	v60 =	vld [tilespmem:s6+$0x12530];
	[tilespmem:s6+$0x1A4A0] =	vst v55  }
0x288: {  	v61 =	vld [tilespmem:s6+$0x12580];
	[tilespmem:s6+$0x1A4B0] =	vst v56  }
0x289: {  	v62 =	vld [tilespmem:s6+$0x12590];
	[tilespmem:s6+$0x1A500] =	vst v57  }
0x28a: {  	v63 =	vld [tilespmem:s6+$0x125A0];
	[tilespmem:s6+$0x1A510] =	vst v58  }
0x28b: {  	[tilespmem:s6+$0x1A520] =	vst v59  }
0x28c: {  	p0 =	sne.s32 s1, $0x19;
	[tilespmem:s6+$0x1A530] =	vst v60  }
.Ltmp9:
0x28d: {  	s31 =	sadd.s32 s31, s13;
	[tilespmem:s6+$0x1A580] =	vst v61;
	(pc) =	sbr.rel @p0 .LBB2_4-.Ltmp9, $4  }
0x28e: {  	s0 =	sshll.u32 s31, $0x4;
	[tilespmem:s6+$0x1A590] =	vst v62  }
0x28f: {  	s0 =	sadd.s32 s5, s0;
	[tilespmem:s6+$0x1A5A0] =	vst v63  }
0x290: {  	[hbm4b:s0+s2] =	stream.linear.scatter [tilespmem:s24], [sflag:$0x6], $0x4000, $0x38;
	[tilespmem:$0x1E400] =	vst v63  }
0x291: {  	s0 =	smov.u32 s1  }
0x292: {  	_ =	swait.ge [sflag:s26], $0x4000  }
0x293: {  	[sflag:s26] =	ssyncset.done $0x0  }
0x294: {  	[sflag:s26] =	ssyncadd.s32 $0xFFFFC000  }
0x295: {  	_ =	swait.ge [sflag:s29], $0x4000  }
0x296: {  	s30 =	sadd.s32 $0x1, s30;
	s0 =	rddreg [dreg:$0x4]  }
0x297: {  	p0 =	sne.s32 s30, s0  }
.Ltmp10:
0x298: {  	_ = 	snop;
	(pc) =	sbr.rel @p0 .LBB2_1-.Ltmp10, $3  }
0x299: {  	_ =	sdelay $0x1  }
0x29a: {  	[sflag:s29] =	ssyncset.done $0x0  }
0x29b: {  	[sflag:s29] =	ssyncadd.s32 $0xFFFFC000  }
0x29c: {  	_ =	sfence.sel $0x180000  }
0x29d: {  	[bflag:$0x0] =	sbarrier.arrive $0xFFFF  }
0x29e: {  	_ =	strace $0x90000047  }
0x29f: {  	s0 =	stileid.u32;
	[bflag:$0x2] =	sbarrier.arrive $0xFFFF  }
0x2a0: {  	p0 =	sne.s32 s0, $0x0;
	s0 =	rddreg [dreg:$0x2]  }
0x2a1: {  	s0 =	sadd.s32 @!p0 $0x100000, s0  }
0x2a2: {  	[sflag:s0] =	ssyncadd.tile.s32 @!p0 $0x1;
	_ =	shalt  }
.Lfunc_end2:
_tile_overlayer_lowered:
.L_overlay_start_2:
0x2a3: {  	(tag) =	ssettag $0x2  }
0x2a4: {  	s0 =	rddreg [dreg:$0x0];
	s2 =	stileid.u32  }
0x2a5: {  	s1 =	rddreg [dreg:$0x1];
	p0 =	sne.s32 s2, $0x0  }
0x2a6: {  	s3 =	rddreg [dreg:$0x2];
	[bflag:$0x3] =	sbarrier.arrive $0xFFFF;
	s2 =	simm.s32 @!p0 $0x1C07  }
0x2a7: {  	[timem:s3], [sflag:s2] =	dma.local @!p0 [hbm:s0], s1  }
0x2a8: {  	s0 =	simm.s32 @!p0 $0x7  }
0x2a9: {  	_ =	swait.ge @!p0 [sflag:s0], s1  }
0x2aa: {  	s1 =	ssub.s32 @!p0 $0x0, s1;
	[sflag:s0] =	ssyncset.done @!p0 $0x0  }
0x2ab: {  	[sflag:s0] =	ssyncadd.s32 @!p0 s1  }
0x2ac: {  	[bflag:$0x3] =	sbarrier.arrive $0xFFFF  }
0x2ad: {  	_ =	shalt  }

// kernel: sparse-core-data-format-call.cloned.1.call-start
scs
called_computation_lowered:
.L_overlay_start_0:
0x0: {  	s2 =	sld [smem:$0x3FD9]  }
0x1: {  	s3 =	sld [smem:$0x3FFE];
	_ =	sdelay $0x1  }
0x2: {  	s1 =	srdreg.scid  }
0x3: {  	s0 =	sand.u32 $0x1, s1  }
0x4: {  	s18 =	sshll.u32 s0, $0xA;
	s2 =	sadd.s32 s3, s2  }
0x5: {  	s2 =	sadd.s32 s2, s18  }
0x6: {  	[smem:$0x3FC6] =	sst s2  }
0x7: {  	_ = 	snop  }
0x8: {  	s2 =	sld [smem:$0x3FD0];
	(tm) =	ssettm $0x1  }
0x9: {  	s19 =	sld [smem:$0x3FFB];
	_ =	sdelay $0x3  }
0xa: {  	_ =	strace s19  }
0xb: {  	s3 =	sld [smem:$0x3FFC];
	_ =	sdelay $0x3  }
0xc: {  	_ =	strace s3  }
0xd: {  	s3 =	sld [smem:$0x3FFD];
	_ =	sdelay $0x3  }
0xe: {  	_ =	strace s3  }
0xf: {  	_ =	strace $0x8FFFFFFF  }
0x10: {  	s20 =	sld [smem:$0x3FDB];
	_ =	sdelay $0x1  }
0x11: {  	s4 =	simm.s32 $_scs_section_size  }
0x12: {  	s5 =	simm.s32 $_size__tile_overlayer_lowered;
	s6 =	simm.s32 $_tile_overlayer_lowered  }
0x13: {  	s23 =	simm.s32 $0x1BFF;
	s22 =	sshll.u32 s6, $0x1;
	s3 =	sadd.s32 s4, s20  }
0x14: {  	s7 =	simm.s32 $0x0;
	s21 =	sshll.u32 s5, $0x1;
	s5 =	sadd.s32 s22, s3  }
0x15: {  	[timem:s7], [sflag:s23] =	dma.local [hbm:s5], s21  }
0x16: {  	_ =	swait.ge [sflag:s23], s21  }
0x17: {  	s4 =	ssub.s32 $0x0, s21;
	[sflag:s23] =	ssyncset.done $0x0  }
0x18: {  	[sflag:s23] =	ssyncadd.s32 s4;
	_ =	sdelay $0x1  }
0x19: {  	s24 =	simm.s32 $0x1B8B  }
0x1a: {  	_ =	swait.ge [sflag:s24], $0x1  }
0x1b: {  	[sflag:s24] =	ssyncset.done $0x0  }
0x1c: {  	s26 =	simm.s32 $0x1B8E;
	s25 =	sld [smem:$0x3FFE];
	[sflag:s24] =	ssyncadd.s32 $0xFFFFFFFF  }
0x1d: {  	s27 =	simm.s32 $execute0_lowered;
	[smem:$0x3FD2] =	sst s26  }
0x1e: {  	s5 =	sshll.u32 s27, $0x1;
	_ =	strace $0x80000049;
	[dreg:$0x1] =	wrdreg $0xFFFFFFFF  }
0x1f: {  	s28 =	simm.s32 $_size_execute0_lowered;
	s3 =	sadd.s32 s3, s5;
	[dreg:$0x0] =	wrdreg $0x0  }
0x20: {  	s5 =	sshll.u32 s28, $0x1;
	[dreg:$0x2] =	wrdreg s3  }
0x21: {  	[dreg:$0x3] =	wrdreg s5  }
0x22: {  	[dreg:$0x4] =	wrdreg $0xC0  }
0x23: {  	_ =	task [dreg:s7], $0x5FFFF  }
0x24: {  	[dreg:$0x1] =	wrdreg $0xFFFFFFFF  }
0x25: {  	[dreg:$0x0] =	wrdreg $0x60  }
0x26: {  	[dreg:$0x2] =	wrdreg s25  }
0x27: {  	[dreg:$0x3] =	wrdreg s2  }
0x28: {  	[dreg:$0x4] =	wrdreg $0x9  }
0x29: {  	_ =	task.clear_ibuf [dreg:s7], $0x5FFFF;
	_ =	strace $0x90000049  }
0x2a: {  	s29 =	simm.s32 $0x9;
	_ =	strace $0x8000004B  }
0x2b: {  	_ =	swait.ge [sflag:s29], $0x1  }
0x2c: {  	[sflag:s29] =	ssyncadd.s32 $0xFFFFFFFF  }
0x2d: {  	_ =	strace $0x9000004B  }
0x2e: {  	_ =	sfence  }
0x2f: {  	s30 =	sld [smem:$0x0];
	_ =	sdelay $0x2  }
0x30: {  	s31 =	sshll.u32 s1, $0xD;
	s1 =	sshrl.u32 s1, $0x2  }
0x31: {  	s3 =	sand.u32 $0x4000, s31;
	s1 =	sadd.s32 s1, s30  }
0x32: {  	s0 =	sor.u32 s3, s0;
	s1 =	sshll.u32 s1, $0x11  }
0x33: {  	s0 =	sor.u32 s1, s0  }
0x34: {  	s0 =	sadd.s32 $0x8F2B, s0  }
0x35: {  	[sflag:s0] =	ssyncadd.remote.s32 $0x1  }
0x36: {  	_ =	sfence.sel $0xFFFF  }
0x37: {  	[dreg:$0x0] =	wrdreg $0xFFFFFFFF;
	(pc) =	sbr.abs _section_cstart, $3  }
0x38: {  	[dreg:$0x1] =	wrdreg $0xFFFFFFFF  }
0x39: {  	_ =	task.clear_ibuf [dreg:s7], $0x2FFFF;
	_ =	strace $0x9FFFFFFF  }
0x3a: {  	(tm) =	ssettm $0x7FFFFFFF  }
0x3b: {  	_ =	shalt  }
tec
execute0_lowered:
.L_overlay_start_1:
0x0: {  	(tag) =	ssettag $0x1  }
0x1: {  	s0 =	srdreg.scid  }
0x2: {  	s1 =	sshll.u32 s0, $0x4  }
0x3: {  	s0 =	stileid.u32;
	s1 =	sand.u32 $0x10, s1  }
0x4: {  	s1 =	sor.u32 s0, s1  }
0x5: {  	s6 =	rddreg [dreg:$0x0];
	s4 =	simm.s32 $0x1;
	s2 =	sshll.u32 s1, $0x7  }
0x6: {  	s7 =	simm.s32 $0x2;
	s12 =	simm.s32 $0x0;
	s1 =	ssub.s32 $0x1000, s2  }
0x7: {  	s8 =	simm.s32 $0x8000;
	s13 =	simm.s32 $0x0;
	s3 =	sand.u32 $0xF80, s1  }
0x8: {  	s9 =	simm.s32 $0x0;
	s5 =	sshrl.u32 s1, $0xC;
	p0 =	sne.s32 s3, $0x0  }
.Ltmp0:
0x9: {  	s1 =	rddreg [dreg:$0x2];
	s4 =	simm.s32 @!p0 $0x0;
	(pc) =	sbr.rel .LBB1_1-.Ltmp0, $4  }
0xa: {  	s11 =	simm.s32 $0x0;
	s3 =	rddreg [dreg:$0x1];
	s5 =	sadd.s32 s4, s5  }
0xb: {  	_ =	strace $0x8000004A;
	s4 =	simm.s32 $0x1;
	s5 =	smul.u32 $0xC8, s5  }
0xc: {  	s6 =	sadd.s32 $0xA00, s6;
	s10 =	smov.u32 s2;
	[sflag:s4] =	ssyncpa.u1 $0x0  }
0xd: {  	p0 =	por $0x0, $0x0;
	[sflag:s7] =	ssyncpa.u1 $0x0;
	s7 =	sor.u32 $0x1, s5  }
.LBB1_4:
0xe: {  	s16 =	sshll.u32 s13, $0x3;
	s17 =	sand.u32 $0x78, s13  }
0xf: {  	s30 =	sand.u32 $0x7E00, s13;
	s12 =	sshll.u32 s12, $0xF;
	s16 =	sand.u32 $0xC00, s16  }
0x10: {  	[tilespmem:s15+$0x810 ss:$0x81] =	vst.msk $0xffff, v2;
	s31 =	sand.u32 $0x7, s13;
	s16 =	sor.u32 s17, s16;
	s17 =	sadd.s32 s3, s30  }
0x11: {  	[tilespmem:s15+$0x1020 ss:$0x81] =	vst.msk $0xffff, v0;
	s13 =	sshll.u32 s31, $0x12;
	s12 =	sadd.s32 s12, s17;
	s16 =	sshrl.u32 s16, $0x3  }
0x12: {  	[tilespmem:s15+$0x0 ss:$0x81] =	vst.msk $0xffff, v1;
	s13 =	sor.u32 $0x400, s13;
	s12 =	sadd.s32 s16, s12  }
0x13: {  	[hbm4b:s12+s13] =	stream.strided.scatter [tilespmem:s14], [sflag:$0x2], $0x2000, s8, s13, $0x20;
	[tilespmem:$0x8080] =	vst v63  }
.LBB1_5:
0x14: {  	s14 =	sadd.s32 $0x1, s9  }
0x15: {  	s12 =	sadd.s32 $0x1000, s10;
	s16 =	smov.u32 s10;
	p2 =	sgt.s32 s14, $0xC7  }
0x16: {  	s16 =	smov.u32 @p2 s12  }
0x17: {  	s14 =	simm.s32 @p2 $0x0;
	p2 =	sgt.s32 s16, $0xFFF  }
0x18: {  	s16 =	smov.u32 @p2 s2;
	p2 =	sne.s32 s11, s7  }
.Ltmp1:
0x19: {  	p1 =	slt.u32 s11, $0x2;
	(pc) =	sbr.rel @!p2 .LBB1_6-.Ltmp1, $4  }
0x1a: {  	s15 =	simm.s32 @!p1 $0x2  }
0x1b: {  	s13 =	smov.u32 s10;
	p0 =	por !p0, !p0;
	_ =	swait.ge @!p1 [sflag:s15], $0x2000  }
0x1c: {  	s12 =	smov.u32 s9;
	[sflag:s15] =	ssyncset.done @!p1 $0x0;
	s9 =	smov.u32 s14  }
0x1d: {  	s11 =	sadd.s32 $0x1, s11;
	[sflag:s15] =	ssyncadd.s32 @!p1 $0xFFFFE000;
	s10 =	smov.u32 s16  }
.LBB1_1:
0x1e: {  	p1 =	sge.u32 s11, s5  }
0x1f: {  	s14 =	sand.u32 @!p1 $0x1FFFFFF, s9  }
0x20: {  	s15 =	smulhi.u32 @!p1 $0x147AE15, s14;
	_ =	sdelay $0x1  }
0x21: {  	s15 =	smul.u32 @!p1 $0xC8, s15  }
0x22: {  	s16 =	sxor.u32 @!p1 $0xFFFFFFFF, s11;
	s17 =	smul.u32 @!p1 $0xC80, s10  }
0x23: {  	s31 =	sadd.s32 $0xFFFFFFFF, s11;
	s16 =	sshll.u32 @!p1 s16, $0xD;
	s14 =	ssub.s32 @!p1 s14, s15  }
0x24: {  	s15 =	sand.u32 @!p1 $0x2000, s16;
	s16 =	sadd.s32 @!p1 s6, s17;
	s14 =	sshll.u32 @!p1 s14, $0x4  }
0x25: {  	s17 =	simm.s32 @!p1 $0x6400;
	s14 =	sadd.s32 @!p1 s14, s16;
	s16 =	simm.s32 @!p1 $0x40  }
0x26: {  	[tilespmem:s15], [sflag:$0x1] =	stream.strided.gather @!p1 [hbm4b:s14+s16], $0x2000, s17, s16, $0x38;
	[tilespmem:$0x8080] =	vst v63  }
0x27: {  	p1 =	sge.u32 s31, s5  }
.Ltmp2:
0x28: {  	_ = 	snop;
	(pc) =	sbr.rel @p1 .LBB1_5-.Ltmp2, $1  }
0x29: {  	_ =	sdelay $0x3  }
0x2a: {  	s14 =	simm.s32 $0x1  }
0x2b: {  	_ =	swait.ge [sflag:s4], $0x2000;
	s14 =	simm.s32 @!p0 $0x0  }
0x2c: {  	[sflag:s4] =	ssyncset.done $0x0;
	s15 =	sshll.u32 s14, $0xD  }
0x2d: {  	[sflag:s4] =	ssyncadd.s32 $0xFFFFE000;
	s18 =	sor.u32 $0x20, s15  }
0x2e: {  	s14 =	smul.u32 $0x8100, s14;
	v3 =	vld [tilespmem:s18+$0x10]  }
0x2f: {  	s30 =	sand.u32 $0x1, s11;
	v2 =	vld [tilespmem:s18+$0xFFFFFFF0]  }
0x30: {  	s15 =	smul.u32 $0x8100, s30;
	s14 =	sshrl.u32 s14, $0x2;
	v0 =	vld [tilespmem:s18+$0x0]  }
0x31: {  	v1 =	vld [tilespmem:s18+$0xFFFFFFE0];
	s16 =	sor.u32 $0x4000, s14  }
0x32: {  	s31 =	sshrl.u32 s15, $0x2;
	s15 =	sadd.s32 $0x0, s16  }
0x33: {  	s17 =	simm.s32 $0x4;
	s18 =	sadd.s32 $0x40, s18;
	s14 =	sor.u32 $0x4000, s31;
	[tilespmem:s15+$0x1830 ss:$0x81] =	vst.msk $0xffff, v3  }
.LBB1_3:
0x34: {  	v3 =	vld [tilespmem:s18+$0x10];
	p1 =	sne.s32 s17, $0x1FC;
	[tilespmem:s15+$0x810 ss:$0x81] =	vst.msk $0xffff, v2;
	s19 =	smov.u32 s17;
	s17 =	sadd.s32 $0x4, s17  }
.Ltmp3:
0x35: {  	v2 =	vld [tilespmem:s18+$0xFFFFFFF0];
	[tilespmem:s15+$0x1020 ss:$0x81] =	vst.msk $0xffff, v0;
	(pc) =	sbr.rel @p1 .LBB1_3-.Ltmp3, $4  }
0x36: {  	v0 =	vld [tilespmem:s18+$0x0];
	[tilespmem:s15+$0x0 ss:$0x81] =	vst.msk $0xffff, v1  }
0x37: {  	s15 =	sshra.s32 s19, $0x2;
	v1 =	vld [tilespmem:s18+$0xFFFFFFE0]  }
0x38: {  	s15 =	sadd.s32 s15, s16  }
0x39: {  	s18 =	sadd.s32 $0x40, s18;
	[tilespmem:s15+$0x1830 ss:$0x81] =	vst.msk $0xffff, v3  }
.Ltmp4:
0x3a: {  	_ = 	snop;
	(pc) =	sbr.rel .LBB1_4-.Ltmp4, $1  }
0x3b: {  	_ =	sdelay $0x3  }
.LBB1_6:
0x3c: {  	_ =	sfence.sel $0x180000  }
0x3d: {  	s2 =	simm.s32 $0x1;
	[bflag:$0x0] =	sbarrier.arrive $0xFFFF  }
0x3e: {  	s31 =	simm.s32 $0x2;
	[sflag:s2] =	ssyncpa.u1 $0x1  }
0x3f: {  	[sflag:s31] =	ssyncpa.u1 $0x1  }
0x40: {  	p0 =	sne.s32 s0, $0x0;
	_ =	strace $0x9000004A  }
0x41: {  	s0 =	sadd.s32 @!p0 $0x100000, s1;
	[bflag:$0x2] =	sbarrier.arrive $0xFFFF  }
0x42: {  	[sflag:s0] =	ssyncadd.tile.s32 @!p0 $0x1;
	_ =	shalt  }
.Lfunc_end1:
_tile_overlayer_lowered:
.L_overlay_start_2:
0x43: {  	(tag) =	ssettag $0x2  }
0x44: {  	s0 =	rddreg [dreg:$0x0];
	s2 =	stileid.u32  }
0x45: {  	s1 =	rddreg [dreg:$0x1];
	p0 =	sne.s32 s2, $0x0  }
0x46: {  	s3 =	rddreg [dreg:$0x2];
	[bflag:$0x3] =	sbarrier.arrive $0xFFFF;
	s2 =	simm.s32 @!p0 $0x1C01  }
0x47: {  	[timem:s3], [sflag:s2] =	dma.local @!p0 [hbm:s0], s1  }
0x48: {  	s0 =	simm.s32 @!p0 $0x1  }
0x49: {  	_ =	swait.ge @!p0 [sflag:s0], s1  }
0x4a: {  	s1 =	ssub.s32 @!p0 $0x0, s1;
	[sflag:s0] =	ssyncset.done @!p0 $0x0  }
0x4b: {  	[sflag:s0] =	ssyncadd.s32 @!p0 s1  }
0x4c: {  	[bflag:$0x3] =	sbarrier.arrive $0xFFFF  }
0x4d: {  	_ =	shalt  }

</sc_bundles>
